<compile_context>
chip_gen: v7x
topology: tpu7x:2x2x1
jax: 0.10.2.dev20260603
libtpu: 0.0.44.dev20260713+nightly
codegen_flags: <defaults>
</compile_context>

<pallas_src>
import functools

import jax
import jax.numpy as jnp
from jax import lax
from jax.experimental import pallas as pl
from jax.experimental.pallas import tpu as pltpu
from jax.experimental.pallas import tpu_sc as plsc

_EMB = 128
_MAX_POS = 512
_B = 1024
_S = 512
_EPS = 1e-12

_NC = 2
_NS = 16
_NW = _NC * _NS
_CHUNK = 128
_NSEG = _EMB // 16
_POS_PER_SUB = _MAX_POS // _NS


_GDN = lax.GatherDimensionNumbers(
    offset_dims=(), collapsed_slice_dims=(0,), start_index_map=(0,))


def _permute(v, idx):
    return lax.gather(v, idx[:, None], _GDN, slice_sizes=(1,),
                      mode=lax.GatherScatterMode.PROMISE_IN_BOUNDS)


def _hsum_splat(v, lane):
    for sh in (8, 4, 2, 1):
        v = v + _permute(v, lane ^ sh)
    return v


def _rsqrt(x):
    i = lax.bitcast_convert_type(x, jnp.int32)
    i = jnp.int32(0x5F3759DF) - lax.shift_right_arithmetic(i, jnp.int32(1))
    y = lax.bitcast_convert_type(i, jnp.float32)
    y = y * (1.5 - 0.5 * x * y * y)
    return y


def _sc_body(ids_hbm, tt_hbm, sp_hbm, wemb_hbm, pos_hbm, temb_hbm,
             semb_hbm, g_hbm, b_hbm, out_hbm,
             idx_v0, idx3_v0, tt_v0, sp_v0, rows_v0, comb_v0, out_v0,
             idx_v1, idx3_v1, tt_v1, sp_v1, rows_v1, comb_v1, out_v1,
             small_v, shared,
             sem_w0, sem_c0, sem_o0, sem_i0, sem_w1, sem_c1, sem_o1, sem_i1):
    bufs0 = dict(idx=idx_v0, idx3=idx3_v0, tt=tt_v0, sp=sp_v0,
                 rows=rows_v0, comb=comb_v0, out=out_v0,
                 sw=sem_w0, sc=sem_c0, so=sem_o0, si=sem_i0)
    bufs1 = dict(idx=idx_v1, idx3=idx3_v1, tt=tt_v1, sp=sp_v1,
                 rows=rows_v1, comb=comb_v1, out=out_v1,
                 sw=sem_w1, sc=sem_c1, so=sem_o1, si=sem_i1)
    rows_v, comb_v = rows_v0, comb_v0
    cid = lax.axis_index("c")
    sid = lax.axis_index("s")
    wid = sid * _NC + cid
    rows_per_w = _B // _NW
    chunks_per_row = _S // _CHUNK

    pltpu.sync_copy(temb_hbm, small_v.at[0:2])
    pltpu.sync_copy(semb_hbm, small_v.at[2:4])
    pltpu.sync_copy(g_hbm, small_v.at[4])
    pltpu.sync_copy(b_hbm, small_v.at[5])
    pltpu.sync_copy(pos_hbm.at[pl.ds(sid * _POS_PER_SUB, _POS_PER_SUB)],
                    comb_v.at[0:_POS_PER_SUB])

    cmb = []
    for t in range(2):
        for s in range(2):
            cmb.append([small_v[t, pl.ds(k * 16, 16)] +
                        small_v[2 + s, pl.ds(k * 16, 16)]
                        for k in range(_NSEG)])
    gam = [small_v[4, pl.ds(k * 16, 16)] for k in range(_NSEG)]
    bet = [small_v[5, pl.ds(k * 16, 16)] for k in range(_NSEG)]

    def fill_body(pp, _):
        for c in range(4):
            for k in range(_NSEG):
                sl = pl.ds(k * 16, 16)
                rows_v[pp * 4 + c, sl] = comb_v[pp, sl] + cmb[c][k]
        return 0

    lax.fori_loop(0, _POS_PER_SUB, fill_body, 0)
    pltpu.sync_copy(rows_v, shared.at[pl.ds(sid * 4 * _POS_PER_SUB,
                                            4 * _POS_PER_SUB)])
    plsc.subcore_barrier()

    lane = lax.iota(jnp.int32, 16)
    n_chunks = rows_per_w * chunks_per_row

    def bs0(g):
        return wid * rows_per_w + g // chunks_per_row, \
               (g % chunks_per_row) * _CHUNK

    def issue_ids(g, bf):
        b, s0 = bs0(g)
        pltpu.async_copy(ids_hbm.at[b, pl.ds(s0, _CHUNK)], bf["idx"],
                         bf["si"])
        pltpu.async_copy(tt_hbm.at[b, pl.ds(s0, _CHUNK)], bf["tt"], bf["si"])
        pltpu.async_copy(sp_hbm.at[b, pl.ds(s0, _CHUNK)], bf["sp"], bf["si"])

    def wait_ids(bf):
        pltpu.make_async_copy(ids_hbm.at[0, pl.ds(0, _CHUNK)], bf["idx"],
                              bf["si"]).wait()
        pltpu.make_async_copy(tt_hbm.at[0, pl.ds(0, _CHUNK)], bf["tt"],
                              bf["si"]).wait()
        pltpu.make_async_copy(sp_hbm.at[0, pl.ds(0, _CHUNK)], bf["sp"],
                              bf["si"]).wait()

    def issue_gathers(g, bf):
        _, s0 = bs0(g)
        for k in range(_NSEG):
            sl = pl.ds(k * 16, 16)
            bf["idx3"][sl] = (4 * (s0 + k * 16) + 4 * lane
                              + 2 * bf["tt"][sl] + bf["sp"][sl])
        pltpu.async_copy(wemb_hbm.at[bf["idx"]], bf["rows"], bf["sw"])
        pltpu.async_copy(shared.at[bf["idx3"]], bf["comb"], bf["sc"])

    def wait_gathers(bf):
        pltpu.make_async_copy(wemb_hbm.at[bf["idx"]], bf["rows"],
                              bf["sw"]).wait()
        pltpu.make_async_copy(shared.at[bf["idx3"]], bf["comb"],
                              bf["sc"]).wait()

    def wait_out(bf):
        pltpu.make_async_copy(bf["out"], out_hbm.at[0, pl.ds(0, _CHUNK)],
                              bf["so"]).wait()

    def compute_chunk(g, bf):
        rows_b, comb_b, out_b = bf["rows"], bf["comb"], bf["out"]

        def tok_body(i, _):
            segs = []
            for k in range(_NSEG):
                sl = pl.ds(k * 16, 16)
                segs.append(rows_b[i, sl] + comb_b[i, sl])
            tot = segs[0]
            sq = segs[0] * segs[0]
            for k in range(1, _NSEG):
                tot = tot + segs[k]
                sq = sq + segs[k] * segs[k]
            mean_v = _hsum_splat(tot, lane) * (1.0 / _EMB)
            var_v = _hsum_splat(sq, lane) * (1.0 / _EMB) - mean_v * mean_v
            rstd = _rsqrt(var_v + _EPS)
            for k in range(_NSEG):
                sl = pl.ds(k * 16, 16)
                out_b[i, sl] = (segs[k] - mean_v) * rstd * gam[k] + bet[k]
            return 0

        lax.fori_loop(0, _CHUNK, tok_body, 0)
        b, s0 = bs0(g)
        pltpu.async_copy(out_b, out_hbm.at[b, pl.ds(s0, _CHUNK)], bf["so"])

    issue_ids(0, bufs0)
    wait_ids(bufs0)
    issue_gathers(0, bufs0)
    issue_ids(1, bufs1)

    def body(gg, _):
        for par, (bp, bq) in ((0, (bufs0, bufs1)), (1, (bufs1, bufs0))):
            g = gg * 2 + par

            @pl.when(g < n_chunks - 1)
            def _():
                wait_ids(bq)
                issue_gathers(g + 1, bq)

            wait_gathers(bp)

            @pl.when(g < n_chunks - 2)
            def _():
                issue_ids(g + 2, bp)

            @pl.when(g >= 2)
            def _():
                wait_out(bp)

            compute_chunk(g, bp)
        return 0

    lax.fori_loop(0, n_chunks // 2, body, 0)
    wait_out(bufs0)
    wait_out(bufs1)


def kernel(input_ids, token_type_ids, speaker_ids, word_emb, pos_emb,
           type_emb, spk_emb, ln_gamma, ln_beta):
    mesh = plsc.VectorSubcoreMesh(core_axis_name="c", subcore_axis_name="s")
    f = functools.partial(
        pl.kernel,
        mesh=mesh,
        out_type=jax.ShapeDtypeStruct((_B, _S, _EMB), jnp.float32),
        scratch_types=(
            [pltpu.VMEM((_CHUNK,), jnp.int32),
             pltpu.VMEM((_CHUNK,), jnp.int32),
             pltpu.VMEM((_CHUNK,), jnp.int32),
             pltpu.VMEM((_CHUNK,), jnp.int32),
             pltpu.VMEM((_CHUNK, _EMB), jnp.float32),
             pltpu.VMEM((_CHUNK, _EMB), jnp.float32),
             pltpu.VMEM((_CHUNK, _EMB), jnp.float32),
             ] * 2
            + [pltpu.VMEM((6, _EMB), jnp.float32),
               pltpu.VMEM_SHARED((4 * _MAX_POS, _EMB), jnp.float32)]
            + [pltpu.SemaphoreType.DMA] * 8
        ),
    )(_sc_body)
    return f(input_ids.astype(jnp.int32), token_type_ids.astype(jnp.int32),
             speaker_ids.astype(jnp.int32), word_emb, pos_emb, type_emb,
             spk_emb, ln_gamma, ln_beta)

# --- scband reference (transcript-rebuilt; emitter-appended) ---
"""Pipeline reference for scband-speaker-aware-electra-embeddings-7730941132831 (READ-ONLY COPY).

The authoritative reference and input builder live on the scoring server;
editing this copy changes nothing except your own understanding.
"""

import jax, jax.numpy as jnp
import numpy as np

VOCAB = 100000
EMB = 128
MAX_POS = 512
TYPE_VOCAB = 2
NUM_SPEAKERS = 2
B = 1024
S = 512
EPS = 1e-12


def setup_inputs(seed: int = 0) -> dict:
    key = jax.random.key(seed)
    ks = jax.random.split(key, 8)
    input_ids = jax.random.randint(ks[0], (B, S), 0, VOCAB, dtype=jnp.int64 if jax.config.read('jax_enable_x64') else jnp.int32)
    token_type_ids = jax.random.randint(ks[1], (B, S), 0, TYPE_VOCAB, dtype=input_ids.dtype)
    speaker_ids = jax.random.randint(ks[2], (B, S), 0, NUM_SPEAKERS, dtype=input_ids.dtype)
    word_emb = jax.random.normal(ks[3], (VOCAB, EMB), dtype=jnp.float32) * 0.02
    word_emb = word_emb.at[0].set(0.0)  # padding_idx=0
    pos_emb = jax.random.normal(ks[4], (MAX_POS, EMB), dtype=jnp.float32) * 0.02
    type_emb = jax.random.normal(ks[5], (TYPE_VOCAB, EMB), dtype=jnp.float32) * 0.02
    spk_emb = jax.random.normal(ks[6], (NUM_SPEAKERS, EMB), dtype=jnp.float32) * 0.02
    ln_gamma = jnp.ones((EMB,), dtype=jnp.float32)
    ln_beta = jnp.zeros((EMB,), dtype=jnp.float32)
    return {
        'input_ids': input_ids,
        'token_type_ids': token_type_ids,
        'speaker_ids': speaker_ids,
        'word_emb': word_emb,
        'pos_emb': pos_emb,
        'type_emb': type_emb,
        'spk_emb': spk_emb,
        'ln_gamma': ln_gamma,
        'ln_beta': ln_beta,
    }


def _layer_norm(x, gamma, beta, eps=EPS):
    mean = jnp.mean(x, axis=-1, keepdims=True)
    var = jnp.mean(jnp.square(x - mean), axis=-1, keepdims=True)
    return (x - mean) / jnp.sqrt(var + eps) * gamma + beta


def reference(input_ids, token_type_ids, speaker_ids, word_emb, pos_emb, type_emb, spk_emb, ln_gamma, ln_beta):
    seq_length = input_ids.shape[1]
    position_ids = jnp.arange(seq_length)[None, :]  # past_key_values_length = 0
    inputs_embeds = jnp.take(word_emb, input_ids, axis=0)
    token_type_embeddings = jnp.take(type_emb, token_type_ids, axis=0)
    speaker_embeddings = jnp.take(spk_emb, speaker_ids, axis=0)
    embeddings = inputs_embeds + token_type_embeddings + speaker_embeddings
    position_embeddings = jnp.take(pos_emb, position_ids, axis=0)
    embeddings = embeddings + position_embeddings
    embeddings = _layer_norm(embeddings, ln_gamma, ln_beta)
    # dropout is identity in eval mode
    return embeddings

if __name__ == "__main__":
    import jax
    _d = setup_inputs()
    print(jax.jit(kernel)(*tuple(_d.values())))

</pallas_src>

<mosaic_0001>
#map = affine_map<(d0, d1) -> (0, 0)>
#map1 = affine_map<(d0, d1) -> (0)>
#map2 = affine_map<(d0, d1) -> (0, 0, 0)>
module attributes {stable_mosaic.version = 14 : i64} {
  func.func @_sc_body(%arg0: i32, %arg1: i32, %arg2: memref<1024x512xi32, #tpu.memory_space<hbm>>, %arg3: memref<1024x512xi32, #tpu.memory_space<hbm>>, %arg4: memref<1024x512xi32, #tpu.memory_space<hbm>>, %arg5: memref<100000x128xf32, #tpu.memory_space<hbm>>, %arg6: memref<512x128xf32, #tpu.memory_space<hbm>>, %arg7: memref<2x128xf32, #tpu.memory_space<hbm>>, %arg8: memref<2x128xf32, #tpu.memory_space<hbm>>, %arg9: memref<128xf32, #tpu.memory_space<hbm>>, %arg10: memref<128xf32, #tpu.memory_space<hbm>>, %arg11: memref<1024x512x128xf32, #tpu.memory_space<hbm>>, %arg12: memref<128xi32, #tpu.memory_space<vmem>>, %arg13: memref<128xi32, #tpu.memory_space<vmem>>, %arg14: memref<128xi32, #tpu.memory_space<vmem>>, %arg15: memref<128xi32, #tpu.memory_space<vmem>>, %arg16: memref<128x128xf32, #tpu.memory_space<vmem>>, %arg17: memref<128x128xf32, #tpu.memory_space<vmem>>, %arg18: memref<128x128xf32, #tpu.memory_space<vmem>>, %arg19: memref<128xi32, #tpu.memory_space<vmem>>, %arg20: memref<128xi32, #tpu.memory_space<vmem>>, %arg21: memref<128xi32, #tpu.memory_space<vmem>>, %arg22: memref<128xi32, #tpu.memory_space<vmem>>, %arg23: memref<128x128xf32, #tpu.memory_space<vmem>>, %arg24: memref<128x128xf32, #tpu.memory_space<vmem>>, %arg25: memref<128x128xf32, #tpu.memory_space<vmem>>, %arg26: memref<6x128xf32, #tpu.memory_space<vmem>>, %arg27: memref<2048x128xf32, #tpu.memory_space<vmem_shared>>, %arg28: memref<!tpu.dma_semaphore, #tpu.memory_space<semaphore_mem>>, %arg29: memref<!tpu.dma_semaphore, #tpu.memory_space<semaphore_mem>>, %arg30: memref<!tpu.dma_semaphore, #tpu.memory_space<semaphore_mem>>, %arg31: memref<!tpu.dma_semaphore, #tpu.memory_space<semaphore_mem>>, %arg32: memref<!tpu.dma_semaphore, #tpu.memory_space<semaphore_mem>>, %arg33: memref<!tpu.dma_semaphore, #tpu.memory_space<semaphore_mem>>, %arg34: memref<!tpu.dma_semaphore, #tpu.memory_space<semaphore_mem>>, %arg35: memref<!tpu.dma_semaphore, #tpu.memory_space<semaphore_mem>>) attributes {dimension_semantics = [#tpu.dimension_semantics<core_parallel>, #tpu.dimension_semantics<subcore_parallel>], iteration_bounds = array<i64: 2, 16>, scalar_prefetch = 0 : i64, scratch_operands = 24 : i64, tpu.core_type = #tpu.core_type<sc_vector_subcore>, window_params = [{transform_indices = #map}, {transform_indices = #map}, {transform_indices = #map}, {transform_indices = #map}, {transform_indices = #map}, {transform_indices = #map}, {transform_indices = #map}, {transform_indices = #map1}, {transform_indices = #map1}, {transform_indices = #map2}]} {
    %mul3A = arith.constant 2 : i32
    %mul3A_0 = arith.muli %arg1, %mul3A : i32
    %add3A = arith.addi %mul3A_0, %arg0 : i32
    "tpu.region"() ({
      %run_scoped3A_710 = tpu.sem_alloc : memref<!tpu.dma_semaphore, #tpu.memory_space<semaphore_mem>>
      %dma_start3A_711 = arith.constant 0 : i32
      %dma_start3A_712 = arith.constant 0 : i32
      %dma_start3A_713 = tpu.memref_slice %arg26[%dma_start3A_711, %dma_start3A_712] : memref<6x128xf32, #tpu.memory_space<vmem>> -> memref<2x128xf32, #tpu.memory_space<vmem>>
      %dma_start3A_714 = arith.constant 0 : i32
      %dma_start3A_715 = arith.constant 0 : i32
      %dma_start3A_716 = tpu.memref_slice %arg26[%dma_start3A_714, %dma_start3A_715] : memref<6x128xf32, #tpu.memory_space<vmem>> -> memref<2x128xf32, #tpu.memory_space<vmem>>
      tpu.enqueue_dma source(%arg7 : memref<2x128xf32, #tpu.memory_space<hbm>>) target(%dma_start3A_716 : memref<2x128xf32, #tpu.memory_space<vmem>>) target_semaphore(%run_scoped3A_710 : memref<!tpu.dma_semaphore, #tpu.memory_space<semaphore_mem>>)
      %dma_wait3A_717 = arith.constant 0 : i32
      %dma_wait3A_718 = arith.constant 0 : i32
      %dma_wait3A_719 = tpu.memref_slice %arg26[%dma_wait3A_717, %dma_wait3A_718] : memref<6x128xf32, #tpu.memory_space<vmem>> -> memref<2x128xf32, #tpu.memory_space<vmem>>
      %dma_wait3A_720 = arith.constant 0 : i32
      %dma_wait3A_721 = arith.constant 0 : i32
      %dma_wait3A_722 = tpu.memref_slice %arg26[%dma_wait3A_720, %dma_wait3A_721] : memref<6x128xf32, #tpu.memory_space<vmem>> -> memref<2x128xf32, #tpu.memory_space<vmem>>
      tpu.wait_dma2 semaphore(%run_scoped3A_710 : memref<!tpu.dma_semaphore, #tpu.memory_space<semaphore_mem>>) src(%arg7 : memref<2x128xf32, #tpu.memory_space<hbm>>) dst(%dma_wait3A_722 : memref<2x128xf32, #tpu.memory_space<vmem>>)
      tpu.yield
    }) : () -> ()
    "tpu.region"() ({
      %run_scoped3A_710 = tpu.sem_alloc : memref<!tpu.dma_semaphore, #tpu.memory_space<semaphore_mem>>
      %dma_start3A_711 = arith.constant 2 : i32
      %dma_start3A_712 = arith.constant 0 : i32
      %dma_start3A_713 = tpu.memref_slice %arg26[%dma_start3A_711, %dma_start3A_712] : memref<6x128xf32, #tpu.memory_space<vmem>> -> memref<2x128xf32, #tpu.memory_space<vmem>>
      %dma_start3A_714 = arith.constant 2 : i32
      %dma_start3A_715 = arith.constant 0 : i32
      %dma_start3A_716 = tpu.memref_slice %arg26[%dma_start3A_714, %dma_start3A_715] : memref<6x128xf32, #tpu.memory_space<vmem>> -> memref<2x128xf32, #tpu.memory_space<vmem>>
      tpu.enqueue_dma source(%arg8 : memref<2x128xf32, #tpu.memory_space<hbm>>) target(%dma_start3A_716 : memref<2x128xf32, #tpu.memory_space<vmem>>) target_semaphore(%run_scoped3A_710 : memref<!tpu.dma_semaphore, #tpu.memory_space<semaphore_mem>>)
      %dma_wait3A_717 = arith.constant 2 : i32
      %dma_wait3A_718 = arith.constant 0 : i32
      %dma_wait3A_719 = tpu.memref_slice %arg26[%dma_wait3A_717, %dma_wait3A_718] : memref<6x128xf32, #tpu.memory_space<vmem>> -> memref<2x128xf32, #tpu.memory_space<vmem>>
      %dma_wait3A_720 = arith.constant 2 : i32
      %dma_wait3A_721 = arith.constant 0 : i32
      %dma_wait3A_722 = tpu.memref_slice %arg26[%dma_wait3A_720, %dma_wait3A_721] : memref<6x128xf32, #tpu.memory_space<vmem>> -> memref<2x128xf32, #tpu.memory_space<vmem>>
      tpu.wait_dma2 semaphore(%run_scoped3A_710 : memref<!tpu.dma_semaphore, #tpu.memory_space<semaphore_mem>>) src(%arg8 : memref<2x128xf32, #tpu.memory_space<hbm>>) dst(%dma_wait3A_722 : memref<2x128xf32, #tpu.memory_space<vmem>>)
      tpu.yield
    }) : () -> ()
    %run_scoped3A = arith.constant 4 : i32
    "tpu.region"() ({
      %run_scoped3A_710 = tpu.sem_alloc : memref<!tpu.dma_semaphore, #tpu.memory_space<semaphore_mem>>
      %dma_start3A_711 = arith.constant 0 : i32
      %dma_start3A_712 = tpu.memref_slice %arg26[%run_scoped3A, %dma_start3A_711] : memref<6x128xf32, #tpu.memory_space<vmem>> -> memref<1x128xf32, #tpu.memory_space<vmem>>
      %dma_start3A_713 = tpu.memref_squeeze %dma_start3A_712 : memref<1x128xf32, #tpu.memory_space<vmem>> -> memref<128xf32, #tpu.memory_space<vmem>>
      %dma_start3A_714 = arith.constant 0 : i32
      %dma_start3A_715 = tpu.memref_slice %arg26[%run_scoped3A, %dma_start3A_714] : memref<6x128xf32, #tpu.memory_space<vmem>> -> memref<1x128xf32, #tpu.memory_space<vmem>>
      %dma_start3A_716 = tpu.memref_squeeze %dma_start3A_715 : memref<1x128xf32, #tpu.memory_space<vmem>> -> memref<128xf32, #tpu.memory_space<vmem>>
      tpu.enqueue_dma source(%arg9 : memref<128xf32, #tpu.memory_space<hbm>>) target(%dma_start3A_716 : memref<128xf32, #tpu.memory_space<vmem>>) target_semaphore(%run_scoped3A_710 : memref<!tpu.dma_semaphore, #tpu.memory_space<semaphore_mem>>)
      %dma_wait3A_717 = arith.constant 0 : i32
      %dma_wait3A_718 = tpu.memref_slice %arg26[%run_scoped3A, %dma_wait3A_717] : memref<6x128xf32, #tpu.memory_space<vmem>> -> memref<1x128xf32, #tpu.memory_space<vmem>>
      %dma_wait3A_719 = tpu.memref_squeeze %dma_wait3A_718 : memref<1x128xf32, #tpu.memory_space<vmem>> -> memref<128xf32, #tpu.memory_space<vmem>>
      %dma_wait3A_720 = arith.constant 0 : i32
      %dma_wait3A_721 = tpu.memref_slice %arg26[%run_scoped3A, %dma_wait3A_720] : memref<6x128xf32, #tpu.memory_space<vmem>> -> memref<1x128xf32, #tpu.memory_space<vmem>>
      %dma_wait3A_722 = tpu.memref_squeeze %dma_wait3A_721 : memref<1x128xf32, #tpu.memory_space<vmem>> -> memref<128xf32, #tpu.memory_space<vmem>>
      tpu.wait_dma2 semaphore(%run_scoped3A_710 : memref<!tpu.dma_semaphore, #tpu.memory_space<semaphore_mem>>) src(%arg9 : memref<128xf32, #tpu.memory_space<hbm>>) dst(%dma_wait3A_722 : memref<128xf32, #tpu.memory_space<vmem>>)
      tpu.yield
    }) : () -> ()
    %run_scoped3A_1 = arith.constant 5 : i32
    "tpu.region"() ({
      %run_scoped3A_710 = tpu.sem_alloc : memref<!tpu.dma_semaphore, #tpu.memory_space<semaphore_mem>>
      %dma_start3A_711 = arith.constant 0 : i32
      %dma_start3A_712 = tpu.memref_slice %arg26[%run_scoped3A_1, %dma_start3A_711] : memref<6x128xf32, #tpu.memory_space<vmem>> -> memref<1x128xf32, #tpu.memory_space<vmem>>
      %dma_start3A_713 = tpu.memref_squeeze %dma_start3A_712 : memref<1x128xf32, #tpu.memory_space<vmem>> -> memref<128xf32, #tpu.memory_space<vmem>>
      %dma_start3A_714 = arith.constant 0 : i32
      %dma_start3A_715 = tpu.memref_slice %arg26[%run_scoped3A_1, %dma_start3A_714] : memref<6x128xf32, #tpu.memory_space<vmem>> -> memref<1x128xf32, #tpu.memory_space<vmem>>
      %dma_start3A_716 = tpu.memref_squeeze %dma_start3A_715 : memref<1x128xf32, #tpu.memory_space<vmem>> -> memref<128xf32, #tpu.memory_space<vmem>>
      tpu.enqueue_dma source(%arg10 : memref<128xf32, #tpu.memory_space<hbm>>) target(%dma_start3A_716 : memref<128xf32, #tpu.memory_space<vmem>>) target_semaphore(%run_scoped3A_710 : memref<!tpu.dma_semaphore, #tpu.memory_space<semaphore_mem>>)
      %dma_wait3A_717 = arith.constant 0 : i32
      %dma_wait3A_718 = tpu.memref_slice %arg26[%run_scoped3A_1, %dma_wait3A_717] : memref<6x128xf32, #tpu.memory_space<vmem>> -> memref<1x128xf32, #tpu.memory_space<vmem>>
      %dma_wait3A_719 = tpu.memref_squeeze %dma_wait3A_718 : memref<1x128xf32, #tpu.memory_space<vmem>> -> memref<128xf32, #tpu.memory_space<vmem>>
      %dma_wait3A_720 = arith.constant 0 : i32
      %dma_wait3A_721 = tpu.memref_slice %arg26[%run_scoped3A_1, %dma_wait3A_720] : memref<6x128xf32, #tpu.memory_space<vmem>> -> memref<1x128xf32, #tpu.memory_space<vmem>>
      %dma_wait3A_722 = tpu.memref_squeeze %dma_wait3A_721 : memref<1x128xf32, #tpu.memory_space<vmem>> -> memref<128xf32, #tpu.memory_space<vmem>>
      tpu.wait_dma2 semaphore(%run_scoped3A_710 : memref<!tpu.dma_semaphore, #tpu.memory_space<semaphore_mem>>) src(%arg10 : memref<128xf32, #tpu.memory_space<hbm>>) dst(%dma_wait3A_722 : memref<128xf32, #tpu.memory_space<vmem>>)
      tpu.yield
    }) : () -> ()
    %mul3A_2 = arith.constant 32 : i32
    %mul3A_3 = arith.muli %arg1, %mul3A_2 : i32
    "tpu.region"() ({
      %run_scoped3A_710 = tpu.sem_alloc : memref<!tpu.dma_semaphore, #tpu.memory_space<semaphore_mem>>
      %dma_start3A_711 = arith.constant 0 : i32
      %dma_start3A_712 = arith.constant 0 : i32
      %dma_start3A_713 = tpu.memref_slice %arg17[%dma_start3A_711, %dma_start3A_712] : memref<128x128xf32, #tpu.memory_space<vmem>> -> memref<32x128xf32, #tpu.memory_space<vmem>>
      %dma_start3A_714 = arith.constant 0 : i32
      %dma_start3A_715 = tpu.memref_slice %arg6[%mul3A_3, %dma_start3A_714] : memref<512x128xf32, #tpu.memory_space<hbm>> -> memref<32x128xf32, #tpu.memory_space<hbm>>
      %dma_start3A_716 = arith.constant 0 : i32
      %dma_start3A_717 = arith.constant 0 : i32
      %dma_start3A_718 = tpu.memref_slice %arg17[%dma_start3A_716, %dma_start3A_717] : memref<128x128xf32, #tpu.memory_space<vmem>> -> memref<32x128xf32, #tpu.memory_space<vmem>>
      %dma_start3A_719 = arith.constant 0 : i32
      %dma_start3A_720 = tpu.memref_slice %arg6[%mul3A_3, %dma_start3A_719] : memref<512x128xf32, #tpu.memory_space<hbm>> -> memref<32x128xf32, #tpu.memory_space<hbm>>
      tpu.enqueue_dma source(%dma_start3A_720 : memref<32x128xf32, #tpu.memory_space<hbm>>) target(%dma_start3A_718 : memref<32x128xf32, #tpu.memory_space<vmem>>) target_semaphore(%run_scoped3A_710 : memref<!tpu.dma_semaphore, #tpu.memory_space<semaphore_mem>>)
      %dma_wait3A_721 = arith.constant 0 : i32
      %dma_wait3A_722 = arith.constant 0 : i32
      %dma_wait3A_723 = tpu.memref_slice %arg17[%dma_wait3A_721, %dma_wait3A_722] : memref<128x128xf32, #tpu.memory_space<vmem>> -> memref<32x128xf32, #tpu.memory_space<vmem>>
      %dma_wait3A_724 = arith.constant 0 : i32
      %dma_wait3A_725 = tpu.memref_slice %arg6[%mul3A_3, %dma_wait3A_724] : memref<512x128xf32, #tpu.memory_space<hbm>> -> memref<32x128xf32, #tpu.memory_space<hbm>>
      %dma_wait3A_726 = arith.constant 0 : i32
      %dma_wait3A_727 = arith.constant 0 : i32
      %dma_wait3A_728 = tpu.memref_slice %arg17[%dma_wait3A_726, %dma_wait3A_727] : memref<128x128xf32, #tpu.memory_space<vmem>> -> memref<32x128xf32, #tpu.memory_space<vmem>>
      %dma_wait3A_729 = arith.constant 0 : i32
      %dma_wait3A_730 = tpu.memref_slice %arg6[%mul3A_3, %dma_wait3A_729] : memref<512x128xf32, #tpu.memory_space<hbm>> -> memref<32x128xf32, #tpu.memory_space<hbm>>
      tpu.wait_dma2 semaphore(%run_scoped3A_710 : memref<!tpu.dma_semaphore, #tpu.memory_space<semaphore_mem>>) src(%dma_wait3A_730 : memref<32x128xf32, #tpu.memory_space<hbm>>) dst(%dma_wait3A_728 : memref<32x128xf32, #tpu.memory_space<vmem>>)
      tpu.yield
    }) : () -> ()
    %get3A = arith.constant 0 : i32
    %get3A_4 = arith.index_cast %get3A : i32 to index
    %get3A_5 = arith.constant 0 : index
    %get3A_6 = tpu.vector_load %arg26[%get3A_4, %get3A_5] {strides = array<i32>} : memref<6x128xf32, #tpu.memory_space<vmem>>, vector<1x16xf32>,
    %get3A_7 = vector.shape_cast %get3A_6 : vector<1x16xf32> to vector<16xf32>
    %get3A_8 = arith.constant 2 : i32
    %get3A_9 = arith.index_cast %get3A_8 : i32 to index
    %get3A_10 = arith.constant 0 : index
    %get3A_11 = tpu.vector_load %arg26[%get3A_9, %get3A_10] {strides = array<i32>} : memref<6x128xf32, #tpu.memory_space<vmem>>, vector<1x16xf32>,
    %get3A_12 = vector.shape_cast %get3A_11 : vector<1x16xf32> to vector<16xf32>
    %add3A_13 = arith.addf %get3A_7, %get3A_12 : vector<16xf32>
    %get3A_14 = arith.constant 0 : i32
    %get3A_15 = arith.index_cast %get3A_14 : i32 to index
    %get3A_16 = arith.constant 16 : index
    %get3A_17 = tpu.vector_load %arg26[%get3A_15, %get3A_16] {strides = array<i32>} : memref<6x128xf32, #tpu.memory_space<vmem>>, vector<1x16xf32>,
    %get3A_18 = vector.shape_cast %get3A_17 : vector<1x16xf32> to vector<16xf32>
    %get3A_19 = arith.constant 2 : i32
    %get3A_20 = arith.index_cast %get3A_19 : i32 to index
    %get3A_21 = arith.constant 16 : index
    %get3A_22 = tpu.vector_load %arg26[%get3A_20, %get3A_21] {strides = array<i32>} : memref<6x128xf32, #tpu.memory_space<vmem>>, vector<1x16xf32>,
    %get3A_23 = vector.shape_cast %get3A_22 : vector<1x16xf32> to vector<16xf32>
    %add3A_24 = arith.addf %get3A_18, %get3A_23 : vector<16xf32>
    %get3A_25 = arith.constant 0 : i32
    %get3A_26 = arith.index_cast %get3A_25 : i32 to index
    %get3A_27 = arith.constant 32 : index
    %get3A_28 = tpu.vector_load %arg26[%get3A_26, %get3A_27] {strides = array<i32>} : memref<6x128xf32, #tpu.memory_space<vmem>>, vector<1x16xf32>,
    %get3A_29 = vector.shape_cast %get3A_28 : vector<1x16xf32> to vector<16xf32>
    %get3A_30 = arith.constant 2 : i32
    %get3A_31 = arith.index_cast %get3A_30 : i32 to index
    %get3A_32 = arith.constant 32 : index
    %get3A_33 = tpu.vector_load %arg26[%get3A_31, %get3A_32] {strides = array<i32>} : memref<6x128xf32, #tpu.memory_space<vmem>>, vector<1x16xf32>,
    %get3A_34 = vector.shape_cast %get3A_33 : vector<1x16xf32> to vector<16xf32>
    %add3A_35 = arith.addf %get3A_29, %get3A_34 : vector<16xf32>
    %get3A_36 = arith.constant 0 : i32
    %get3A_37 = arith.index_cast %get3A_36 : i32 to index
    %get3A_38 = arith.constant 48 : index
    %get3A_39 = tpu.vector_load %arg26[%get3A_37, %get3A_38] {strides = array<i32>} : memref<6x128xf32, #tpu.memory_space<vmem>>, vector<1x16xf32>,
    %get3A_40 = vector.shape_cast %get3A_39 : vector<1x16xf32> to vector<16xf32>
    %get3A_41 = arith.constant 2 : i32
    %get3A_42 = arith.index_cast %get3A_41 : i32 to index
    %get3A_43 = arith.constant 48 : index
    %get3A_44 = tpu.vector_load %arg26[%get3A_42, %get3A_43] {strides = array<i32>} : memref<6x128xf32, #tpu.memory_space<vmem>>, vector<1x16xf32>,
    %get3A_45 = vector.shape_cast %get3A_44 : vector<1x16xf32> to vector<16xf32>
    %add3A_46 = arith.addf %get3A_40, %get3A_45 : vector<16xf32>
    %get3A_47 = arith.constant 0 : i32
    %get3A_48 = arith.index_cast %get3A_47 : i32 to index
    %get3A_49 = arith.constant 64 : index
    %get3A_50 = tpu.vector_load %arg26[%get3A_48, %get3A_49] {strides = array<i32>} : memref<6x128xf32, #tpu.memory_space<vmem>>, vector<1x16xf32>,
    %get3A_51 = vector.shape_cast %get3A_50 : vector<1x16xf32> to vector<16xf32>
    %get3A_52 = arith.constant 2 : i32
    %get3A_53 = arith.index_cast %get3A_52 : i32 to index
    %get3A_54 = arith.constant 64 : index
    %get3A_55 = tpu.vector_load %arg26[%get3A_53, %get3A_54] {strides = array<i32>} : memref<6x128xf32, #tpu.memory_space<vmem>>, vector<1x16xf32>,
    %get3A_56 = vector.shape_cast %get3A_55 : vector<1x16xf32> to vector<16xf32>
    %add3A_57 = arith.addf %get3A_51, %get3A_56 : vector<16xf32>
    %get3A_58 = arith.constant 0 : i32
    %get3A_59 = arith.index_cast %get3A_58 : i32 to index
    %get3A_60 = arith.constant 80 : index
    %get3A_61 = tpu.vector_load %arg26[%get3A_59, %get3A_60] {strides = array<i32>} : memref<6x128xf32, #tpu.memory_space<vmem>>, vector<1x16xf32>,
    %get3A_62 = vector.shape_cast %get3A_61 : vector<1x16xf32> to vector<16xf32>
    %get3A_63 = arith.constant 2 : i32
    %get3A_64 = arith.index_cast %get3A_63 : i32 to index
    %get3A_65 = arith.constant 80 : index
    %get3A_66 = tpu.vector_load %arg26[%get3A_64, %get3A_65] {strides = array<i32>} : memref<6x128xf32, #tpu.memory_space<vmem>>, vector<1x16xf32>,
    %get3A_67 = vector.shape_cast %get3A_66 : vector<1x16xf32> to vector<16xf32>
    %add3A_68 = arith.addf %get3A_62, %get3A_67 : vector<16xf32>
    %get3A_69 = arith.constant 0 : i32
    %get3A_70 = arith.index_cast %get3A_69 : i32 to index
    %get3A_71 = arith.constant 96 : index
    %get3A_72 = tpu.vector_load %arg26[%get3A_70, %get3A_71] {strides = array<i32>} : memref<6x128xf32, #tpu.memory_space<vmem>>, vector<1x16xf32>,
    %get3A_73 = vector.shape_cast %get3A_72 : vector<1x16xf32> to vector<16xf32>
    %get3A_74 = arith.constant 2 : i32
    %get3A_75 = arith.index_cast %get3A_74 : i32 to index
    %get3A_76 = arith.constant 96 : index
    %get3A_77 = tpu.vector_load %arg26[%get3A_75, %get3A_76] {strides = array<i32>} : memref<6x128xf32, #tpu.memory_space<vmem>>, vector<1x16xf32>,
    %get3A_78 = vector.shape_cast %get3A_77 : vector<1x16xf32> to vector<16xf32>
    %add3A_79 = arith.addf %get3A_73, %get3A_78 : vector<16xf32>
    %get3A_80 = arith.constant 0 : i32
    %get3A_81 = arith.index_cast %get3A_80 : i32 to index
    %get3A_82 = arith.constant 112 : index
    %get3A_83 = tpu.vector_load %arg26[%get3A_81, %get3A_82] {strides = array<i32>} : memref<6x128xf32, #tpu.memory_space<vmem>>, vector<1x16xf32>,
    %get3A_84 = vector.shape_cast %get3A_83 : vector<1x16xf32> to vector<16xf32>
    %get3A_85 = arith.constant 2 : i32
    %get3A_86 = arith.index_cast %get3A_85 : i32 to index
    %get3A_87 = arith.constant 112 : index
    %get3A_88 = tpu.vector_load %arg26[%get3A_86, %get3A_87] {strides = array<i32>} : memref<6x128xf32, #tpu.memory_space<vmem>>, vector<1x16xf32>,
    %get3A_89 = vector.shape_cast %get3A_88 : vector<1x16xf32> to vector<16xf32>
    %add3A_90 = arith.addf %get3A_84, %get3A_89 : vector<16xf32>
    %get3A_91 = arith.constant 0 : i32
    %get3A_92 = arith.index_cast %get3A_91 : i32 to index
    %get3A_93 = arith.constant 0 : index
    %get3A_94 = tpu.vector_load %arg26[%get3A_92, %get3A_93] {strides = array<i32>} : memref<6x128xf32, #tpu.memory_space<vmem>>, vector<1x16xf32>,
    %get3A_95 = vector.shape_cast %get3A_94 : vector<1x16xf32> to vector<16xf32>
    %get3A_96 = arith.constant 3 : i32
    %get3A_97 = arith.index_cast %get3A_96 : i32 to index
    %get3A_98 = arith.constant 0 : index
    %get3A_99 = tpu.vector_load %arg26[%get3A_97, %get3A_98] {strides = array<i32>} : memref<6x128xf32, #tpu.memory_space<vmem>>, vector<1x16xf32>,
    %get3A_100 = vector.shape_cast %get3A_99 : vector<1x16xf32> to vector<16xf32>
    %add3A_101 = arith.addf %get3A_95, %get3A_100 : vector<16xf32>
    %get3A_102 = arith.constant 0 : i32
    %get3A_103 = arith.index_cast %get3A_102 : i32 to index
    %get3A_104 = arith.constant 16 : index
    %get3A_105 = tpu.vector_load %arg26[%get3A_103, %get3A_104] {strides = array<i32>} : memref<6x128xf32, #tpu.memory_space<vmem>>, vector<1x16xf32>,
    %get3A_106 = vector.shape_cast %get3A_105 : vector<1x16xf32> to vector<16xf32>
    %get3A_107 = arith.constant 3 : i32
    %get3A_108 = arith.index_cast %get3A_107 : i32 to index
    %get3A_109 = arith.constant 16 : index
    %get3A_110 = tpu.vector_load %arg26[%get3A_108, %get3A_109] {strides = array<i32>} : memref<6x128xf32, #tpu.memory_space<vmem>>, vector<1x16xf32>,
    %get3A_111 = vector.shape_cast %get3A_110 : vector<1x16xf32> to vector<16xf32>
    %add3A_112 = arith.addf %get3A_106, %get3A_111 : vector<16xf32>
    %get3A_113 = arith.constant 0 : i32
    %get3A_114 = arith.index_cast %get3A_113 : i32 to index
    %get3A_115 = arith.constant 32 : index
    %get3A_116 = tpu.vector_load %arg26[%get3A_114, %get3A_115] {strides = array<i32>} : memref<6x128xf32, #tpu.memory_space<vmem>>, vector<1x16xf32>,
    %get3A_117 = vector.shape_cast %get3A_116 : vector<1x16xf32> to vector<16xf32>
    %get3A_118 = arith.constant 3 : i32
    %get3A_119 = arith.index_cast %get3A_118 : i32 to index
    %get3A_120 = arith.constant 32 : index
    %get3A_121 = tpu.vector_load %arg26[%get3A_119, %get3A_120] {strides = array<i32>} : memref<6x128xf32, #tpu.memory_space<vmem>>, vector<1x16xf32>,
    %get3A_122 = vector.shape_cast %get3A_121 : vector<1x16xf32> to vector<16xf32>
    %add3A_123 = arith.addf %get3A_117, %get3A_122 : vector<16xf32>
    %get3A_124 = arith.constant 0 : i32
    %get3A_125 = arith.index_cast %get3A_124 : i32 to index
    %get3A_126 = arith.constant 48 : index
    %get3A_127 = tpu.vector_load %arg26[%get3A_125, %get3A_126] {strides = array<i32>} : memref<6x128xf32, #tpu.memory_space<vmem>>, vector<1x16xf32>,
    %get3A_128 = vector.shape_cast %get3A_127 : vector<1x16xf32> to vector<16xf32>
    %get3A_129 = arith.constant 3 : i32
    %get3A_130 = arith.index_cast %get3A_129 : i32 to index
    %get3A_131 = arith.constant 48 : index
    %get3A_132 = tpu.vector_load %arg26[%get3A_130, %get3A_131] {strides = array<i32>} : memref<6x128xf32, #tpu.memory_space<vmem>>, vector<1x16xf32>,
    %get3A_133 = vector.shape_cast %get3A_132 : vector<1x16xf32> to vector<16xf32>
    %add3A_134 = arith.addf %get3A_128, %get3A_133 : vector<16xf32>
    %get3A_135 = arith.constant 0 : i32
    %get3A_136 = arith.index_cast %get3A_135 : i32 to index
    %get3A_137 = arith.constant 64 : index
    %get3A_138 = tpu.vector_load %arg26[%get3A_136, %get3A_137] {strides = array<i32>} : memref<6x128xf32, #tpu.memory_space<vmem>>, vector<1x16xf32>,
    %get3A_139 = vector.shape_cast %get3A_138 : vector<1x16xf32> to vector<16xf32>
    %get3A_140 = arith.constant 3 : i32
    %get3A_141 = arith.index_cast %get3A_140 : i32 to index
    %get3A_142 = arith.constant 64 : index
    %get3A_143 = tpu.vector_load %arg26[%get3A_141, %get3A_142] {strides = array<i32>} : memref<6x128xf32, #tpu.memory_space<vmem>>, vector<1x16xf32>,
    %get3A_144 = vector.shape_cast %get3A_143 : vector<1x16xf32> to vector<16xf32>
    %add3A_145 = arith.addf %get3A_139, %get3A_144 : vector<16xf32>
    %get3A_146 = arith.constant 0 : i32
    %get3A_147 = arith.index_cast %get3A_146 : i32 to index
    %get3A_148 = arith.constant 80 : index
    %get3A_149 = tpu.vector_load %arg26[%get3A_147, %get3A_148] {strides = array<i32>} : memref<6x128xf32, #tpu.memory_space<vmem>>, vector<1x16xf32>,
    %get3A_150 = vector.shape_cast %get3A_149 : vector<1x16xf32> to vector<16xf32>
    %get3A_151 = arith.constant 3 : i32
    %get3A_152 = arith.index_cast %get3A_151 : i32 to index
    %get3A_153 = arith.constant 80 : index
    %get3A_154 = tpu.vector_load %arg26[%get3A_152, %get3A_153] {strides = array<i32>} : memref<6x128xf32, #tpu.memory_space<vmem>>, vector<1x16xf32>,
    %get3A_155 = vector.shape_cast %get3A_154 : vector<1x16xf32> to vector<16xf32>
    %add3A_156 = arith.addf %get3A_150, %get3A_155 : vector<16xf32>
    %get3A_157 = arith.constant 0 : i32
    %get3A_158 = arith.index_cast %get3A_157 : i32 to index
    %get3A_159 = arith.constant 96 : index
    %get3A_160 = tpu.vector_load %arg26[%get3A_158, %get3A_159] {strides = array<i32>} : memref<6x128xf32, #tpu.memory_space<vmem>>, vector<1x16xf32>,
    %get3A_161 = vector.shape_cast %get3A_160 : vector<1x16xf32> to vector<16xf32>
    %get3A_162 = arith.constant 3 : i32
    %get3A_163 = arith.index_cast %get3A_162 : i32 to index
    %get3A_164 = arith.constant 96 : index
    %get3A_165 = tpu.vector_load %arg26[%get3A_163, %get3A_164] {strides = array<i32>} : memref<6x128xf32, #tpu.memory_space<vmem>>, vector<1x16xf32>,
    %get3A_166 = vector.shape_cast %get3A_165 : vector<1x16xf32> to vector<16xf32>
    %add3A_167 = arith.addf %get3A_161, %get3A_166 : vector<16xf32>
    %get3A_168 = arith.constant 0 : i32
    %get3A_169 = arith.index_cast %get3A_168 : i32 to index
    %get3A_170 = arith.constant 112 : index
    %get3A_171 = tpu.vector_load %arg26[%get3A_169, %get3A_170] {strides = array<i32>} : memref<6x128xf32, #tpu.memory_space<vmem>>, vector<1x16xf32>,
    %get3A_172 = vector.shape_cast %get3A_171 : vector<1x16xf32> to vector<16xf32>
    %get3A_173 = arith.constant 3 : i32
    %get3A_174 = arith.index_cast %get3A_173 : i32 to index
    %get3A_175 = arith.constant 112 : index
    %get3A_176 = tpu.vector_load %arg26[%get3A_174, %get3A_175] {strides = array<i32>} : memref<6x128xf32, #tpu.memory_space<vmem>>, vector<1x16xf32>,
    %get3A_177 = vector.shape_cast %get3A_176 : vector<1x16xf32> to vector<16xf32>
    %add3A_178 = arith.addf %get3A_172, %get3A_177 : vector<16xf32>
    %get3A_179 = arith.constant 1 : i32
    %get3A_180 = arith.index_cast %get3A_179 : i32 to index
    %get3A_181 = arith.constant 0 : index
    %get3A_182 = tpu.vector_load %arg26[%get3A_180, %get3A_181] {strides = array<i32>} : memref<6x128xf32, #tpu.memory_space<vmem>>, vector<1x16xf32>,
    %get3A_183 = vector.shape_cast %get3A_182 : vector<1x16xf32> to vector<16xf32>
    %get3A_184 = arith.constant 2 : i32
    %get3A_185 = arith.index_cast %get3A_184 : i32 to index
    %get3A_186 = arith.constant 0 : index
    %get3A_187 = tpu.vector_load %arg26[%get3A_185, %get3A_186] {strides = array<i32>} : memref<6x128xf32, #tpu.memory_space<vmem>>, vector<1x16xf32>,
    %get3A_188 = vector.shape_cast %get3A_187 : vector<1x16xf32> to vector<16xf32>
    %add3A_189 = arith.addf %get3A_183, %get3A_188 : vector<16xf32>
    %get3A_190 = arith.constant 1 : i32
    %get3A_191 = arith.index_cast %get3A_190 : i32 to index
    %get3A_192 = arith.constant 16 : index
    %get3A_193 = tpu.vector_load %arg26[%get3A_191, %get3A_192] {strides = array<i32>} : memref<6x128xf32, #tpu.memory_space<vmem>>, vector<1x16xf32>,
    %get3A_194 = vector.shape_cast %get3A_193 : vector<1x16xf32> to vector<16xf32>
    %get3A_195 = arith.constant 2 : i32
    %get3A_196 = arith.index_cast %get3A_195 : i32 to index
    %get3A_197 = arith.constant 16 : index
    %get3A_198 = tpu.vector_load %arg26[%get3A_196, %get3A_197] {strides = array<i32>} : memref<6x128xf32, #tpu.memory_space<vmem>>, vector<1x16xf32>,
    %get3A_199 = vector.shape_cast %get3A_198 : vector<1x16xf32> to vector<16xf32>
    %add3A_200 = arith.addf %get3A_194, %get3A_199 : vector<16xf32>
    %get3A_201 = arith.constant 1 : i32
    %get3A_202 = arith.index_cast %get3A_201 : i32 to index
    %get3A_203 = arith.constant 32 : index
    %get3A_204 = tpu.vector_load %arg26[%get3A_202, %get3A_203] {strides = array<i32>} : memref<6x128xf32, #tpu.memory_space<vmem>>, vector<1x16xf32>,
    %get3A_205 = vector.shape_cast %get3A_204 : vector<1x16xf32> to vector<16xf32>
    %get3A_206 = arith.constant 2 : i32
    %get3A_207 = arith.index_cast %get3A_206 : i32 to index
    %get3A_208 = arith.constant 32 : index
    %get3A_209 = tpu.vector_load %arg26[%get3A_207, %get3A_208] {strides = array<i32>} : memref<6x128xf32, #tpu.memory_space<vmem>>, vector<1x16xf32>,
    %get3A_210 = vector.shape_cast %get3A_209 : vector<1x16xf32> to vector<16xf32>
    %add3A_211 = arith.addf %get3A_205, %get3A_210 : vector<16xf32>
    %get3A_212 = arith.constant 1 : i32
    %get3A_213 = arith.index_cast %get3A_212 : i32 to index
    %get3A_214 = arith.constant 48 : index
    %get3A_215 = tpu.vector_load %arg26[%get3A_213, %get3A_214] {strides = array<i32>} : memref<6x128xf32, #tpu.memory_space<vmem>>, vector<1x16xf32>,
    %get3A_216 = vector.shape_cast %get3A_215 : vector<1x16xf32> to vector<16xf32>
    %get3A_217 = arith.constant 2 : i32
    %get3A_218 = arith.index_cast %get3A_217 : i32 to index
    %get3A_219 = arith.constant 48 : index
    %get3A_220 = tpu.vector_load %arg26[%get3A_218, %get3A_219] {strides = array<i32>} : memref<6x128xf32, #tpu.memory_space<vmem>>, vector<1x16xf32>,
    %get3A_221 = vector.shape_cast %get3A_220 : vector<1x16xf32> to vector<16xf32>
    %add3A_222 = arith.addf %get3A_216, %get3A_221 : vector<16xf32>
    %get3A_223 = arith.constant 1 : i32
    %get3A_224 = arith.index_cast %get3A_223 : i32 to index
    %get3A_225 = arith.constant 64 : index
    %get3A_226 = tpu.vector_load %arg26[%get3A_224, %get3A_225] {strides = array<i32>} : memref<6x128xf32, #tpu.memory_space<vmem>>, vector<1x16xf32>,
    %get3A_227 = vector.shape_cast %get3A_226 : vector<1x16xf32> to vector<16xf32>
    %get3A_228 = arith.constant 2 : i32
    %get3A_229 = arith.index_cast %get3A_228 : i32 to index
    %get3A_230 = arith.constant 64 : index
    %get3A_231 = tpu.vector_load %arg26[%get3A_229, %get3A_230] {strides = array<i32>} : memref<6x128xf32, #tpu.memory_space<vmem>>, vector<1x16xf32>,
    %get3A_232 = vector.shape_cast %get3A_231 : vector<1x16xf32> to vector<16xf32>
    %add3A_233 = arith.addf %get3A_227, %get3A_232 : vector<16xf32>
    %get3A_234 = arith.constant 1 : i32
    %get3A_235 = arith.index_cast %get3A_234 : i32 to index
    %get3A_236 = arith.constant 80 : index
    %get3A_237 = tpu.vector_load %arg26[%get3A_235, %get3A_236] {strides = array<i32>} : memref<6x128xf32, #tpu.memory_space<vmem>>, vector<1x16xf32>,
    %get3A_238 = vector.shape_cast %get3A_237 : vector<1x16xf32> to vector<16xf32>
    %get3A_239 = arith.constant 2 : i32
    %get3A_240 = arith.index_cast %get3A_239 : i32 to index
    %get3A_241 = arith.constant 80 : index
    %get3A_242 = tpu.vector_load %arg26[%get3A_240, %get3A_241] {strides = array<i32>} : memref<6x128xf32, #tpu.memory_space<vmem>>, vector<1x16xf32>,
    %get3A_243 = vector.shape_cast %get3A_242 : vector<1x16xf32> to vector<16xf32>
    %add3A_244 = arith.addf %get3A_238, %get3A_243 : vector<16xf32>
    %get3A_245 = arith.constant 1 : i32
    %get3A_246 = arith.index_cast %get3A_245 : i32 to index
    %get3A_247 = arith.constant 96 : index
    %get3A_248 = tpu.vector_load %arg26[%get3A_246, %get3A_247] {strides = array<i32>} : memref<6x128xf32, #tpu.memory_space<vmem>>, vector<1x16xf32>,
    %get3A_249 = vector.shape_cast %get3A_248 : vector<1x16xf32> to vector<16xf32>
    %get3A_250 = arith.constant 2 : i32
    %get3A_251 = arith.index_cast %get3A_250 : i32 to index
    %get3A_252 = arith.constant 96 : index
    %get3A_253 = tpu.vector_load %arg26[%get3A_251, %get3A_252] {strides = array<i32>} : memref<6x128xf32, #tpu.memory_space<vmem>>, vector<1x16xf32>,
    %get3A_254 = vector.shape_cast %get3A_253 : vector<1x16xf32> to vector<16xf32>
    %add3A_255 = arith.addf %get3A_249, %get3A_254 : vector<16xf32>
    %get3A_256 = arith.constant 1 : i32
    %get3A_257 = arith.index_cast %get3A_256 : i32 to index
    %get3A_258 = arith.constant 112 : index
    %get3A_259 = tpu.vector_load %arg26[%get3A_257, %get3A_258] {strides = array<i32>} : memref<6x128xf32, #tpu.memory_space<vmem>>, vector<1x16xf32>,
    %get3A_260 = vector.shape_cast %get3A_259 : vector<1x16xf32> to vector<16xf32>
    %get3A_261 = arith.constant 2 : i32
    %get3A_262 = arith.index_cast %get3A_261 : i32 to index
    %get3A_263 = arith.constant 112 : index
    %get3A_264 = tpu.vector_load %arg26[%get3A_262, %get3A_263] {strides = array<i32>} : memref<6x128xf32, #tpu.memory_space<vmem>>, vector<1x16xf32>,
    %get3A_265 = vector.shape_cast %get3A_264 : vector<1x16xf32> to vector<16xf32>
    %add3A_266 = arith.addf %get3A_260, %get3A_265 : vector<16xf32>
    %get3A_267 = arith.constant 1 : i32
    %get3A_268 = arith.index_cast %get3A_267 : i32 to index
    %get3A_269 = arith.constant 0 : index
    %get3A_270 = tpu.vector_load %arg26[%get3A_268, %get3A_269] {strides = array<i32>} : memref<6x128xf32, #tpu.memory_space<vmem>>, vector<1x16xf32>,
    %get3A_271 = vector.shape_cast %get3A_270 : vector<1x16xf32> to vector<16xf32>
    %get3A_272 = arith.constant 3 : i32
    %get3A_273 = arith.index_cast %get3A_272 : i32 to index
    %get3A_274 = arith.constant 0 : index
    %get3A_275 = tpu.vector_load %arg26[%get3A_273, %get3A_274] {strides = array<i32>} : memref<6x128xf32, #tpu.memory_space<vmem>>, vector<1x16xf32>,
    %get3A_276 = vector.shape_cast %get3A_275 : vector<1x16xf32> to vector<16xf32>
    %add3A_277 = arith.addf %get3A_271, %get3A_276 : vector<16xf32>
    %get3A_278 = arith.constant 1 : i32
    %get3A_279 = arith.index_cast %get3A_278 : i32 to index
    %get3A_280 = arith.constant 16 : index
    %get3A_281 = tpu.vector_load %arg26[%get3A_279, %get3A_280] {strides = array<i32>} : memref<6x128xf32, #tpu.memory_space<vmem>>, vector<1x16xf32>,
    %get3A_282 = vector.shape_cast %get3A_281 : vector<1x16xf32> to vector<16xf32>
    %get3A_283 = arith.constant 3 : i32
    %get3A_284 = arith.index_cast %get3A_283 : i32 to index
    %get3A_285 = arith.constant 16 : index
    %get3A_286 = tpu.vector_load %arg26[%get3A_284, %get3A_285] {strides = array<i32>} : memref<6x128xf32, #tpu.memory_space<vmem>>, vector<1x16xf32>,
    %get3A_287 = vector.shape_cast %get3A_286 : vector<1x16xf32> to vector<16xf32>
    %add3A_288 = arith.addf %get3A_282, %get3A_287 : vector<16xf32>
    %get3A_289 = arith.constant 1 : i32
    %get3A_290 = arith.index_cast %get3A_289 : i32 to index
    %get3A_291 = arith.constant 32 : index
    %get3A_292 = tpu.vector_load %arg26[%get3A_290, %get3A_291] {strides = array<i32>} : memref<6x128xf32, #tpu.memory_space<vmem>>, vector<1x16xf32>,
    %get3A_293 = vector.shape_cast %get3A_292 : vector<1x16xf32> to vector<16xf32>
    %get3A_294 = arith.constant 3 : i32
    %get3A_295 = arith.index_cast %get3A_294 : i32 to index
    %get3A_296 = arith.constant 32 : index
    %get3A_297 = tpu.vector_load %arg26[%get3A_295, %get3A_296] {strides = array<i32>} : memref<6x128xf32, #tpu.memory_space<vmem>>, vector<1x16xf32>,
    %get3A_298 = vector.shape_cast %get3A_297 : vector<1x16xf32> to vector<16xf32>
    %add3A_299 = arith.addf %get3A_293, %get3A_298 : vector<16xf32>
    %get3A_300 = arith.constant 1 : i32
    %get3A_301 = arith.index_cast %get3A_300 : i32 to index
    %get3A_302 = arith.constant 48 : index
    %get3A_303 = tpu.vector_load %arg26[%get3A_301, %get3A_302] {strides = array<i32>} : memref<6x128xf32, #tpu.memory_space<vmem>>, vector<1x16xf32>,
    %get3A_304 = vector.shape_cast %get3A_303 : vector<1x16xf32> to vector<16xf32>
    %get3A_305 = arith.constant 3 : i32
    %get3A_306 = arith.index_cast %get3A_305 : i32 to index
    %get3A_307 = arith.constant 48 : index
    %get3A_308 = tpu.vector_load %arg26[%get3A_306, %get3A_307] {strides = array<i32>} : memref<6x128xf32, #tpu.memory_space<vmem>>, vector<1x16xf32>,
    %get3A_309 = vector.shape_cast %get3A_308 : vector<1x16xf32> to vector<16xf32>
    %add3A_310 = arith.addf %get3A_304, %get3A_309 : vector<16xf32>
    %get3A_311 = arith.constant 1 : i32
    %get3A_312 = arith.index_cast %get3A_311 : i32 to index
    %get3A_313 = arith.constant 64 : index
    %get3A_314 = tpu.vector_load %arg26[%get3A_312, %get3A_313] {strides = array<i32>} : memref<6x128xf32, #tpu.memory_space<vmem>>, vector<1x16xf32>,
    %get3A_315 = vector.shape_cast %get3A_314 : vector<1x16xf32> to vector<16xf32>
    %get3A_316 = arith.constant 3 : i32
    %get3A_317 = arith.index_cast %get3A_316 : i32 to index
    %get3A_318 = arith.constant 64 : index
    %get3A_319 = tpu.vector_load %arg26[%get3A_317, %get3A_318] {strides = array<i32>} : memref<6x128xf32, #tpu.memory_space<vmem>>, vector<1x16xf32>,
    %get3A_320 = vector.shape_cast %get3A_319 : vector<1x16xf32> to vector<16xf32>
    %add3A_321 = arith.addf %get3A_315, %get3A_320 : vector<16xf32>
    %get3A_322 = arith.constant 1 : i32
    %get3A_323 = arith.index_cast %get3A_322 : i32 to index
    %get3A_324 = arith.constant 80 : index
    %get3A_325 = tpu.vector_load %arg26[%get3A_323, %get3A_324] {strides = array<i32>} : memref<6x128xf32, #tpu.memory_space<vmem>>, vector<1x16xf32>,
    %get3A_326 = vector.shape_cast %get3A_325 : vector<1x16xf32> to vector<16xf32>
    %get3A_327 = arith.constant 3 : i32
    %get3A_328 = arith.index_cast %get3A_327 : i32 to index
    %get3A_329 = arith.constant 80 : index
    %get3A_330 = tpu.vector_load %arg26[%get3A_328, %get3A_329] {strides = array<i32>} : memref<6x128xf32, #tpu.memory_space<vmem>>, vector<1x16xf32>,
    %get3A_331 = vector.shape_cast %get3A_330 : vector<1x16xf32> to vector<16xf32>
    %add3A_332 = arith.addf %get3A_326, %get3A_331 : vector<16xf32>
    %get3A_333 = arith.constant 1 : i32
    %get3A_334 = arith.index_cast %get3A_333 : i32 to index
    %get3A_335 = arith.constant 96 : index
    %get3A_336 = tpu.vector_load %arg26[%get3A_334, %get3A_335] {strides = array<i32>} : memref<6x128xf32, #tpu.memory_space<vmem>>, vector<1x16xf32>,
    %get3A_337 = vector.shape_cast %get3A_336 : vector<1x16xf32> to vector<16xf32>
    %get3A_338 = arith.constant 3 : i32
    %get3A_339 = arith.index_cast %get3A_338 : i32 to index
    %get3A_340 = arith.constant 96 : index
    %get3A_341 = tpu.vector_load %arg26[%get3A_339, %get3A_340] {strides = array<i32>} : memref<6x128xf32, #tpu.memory_space<vmem>>, vector<1x16xf32>,
    %get3A_342 = vector.shape_cast %get3A_341 : vector<1x16xf32> to vector<16xf32>
    %add3A_343 = arith.addf %get3A_337, %get3A_342 : vector<16xf32>
    %get3A_344 = arith.constant 1 : i32
    %get3A_345 = arith.index_cast %get3A_344 : i32 to index
    %get3A_346 = arith.constant 112 : index
    %get3A_347 = tpu.vector_load %arg26[%get3A_345, %get3A_346] {strides = array<i32>} : memref<6x128xf32, #tpu.memory_space<vmem>>, vector<1x16xf32>,
    %get3A_348 = vector.shape_cast %get3A_347 : vector<1x16xf32> to vector<16xf32>
    %get3A_349 = arith.constant 3 : i32
    %get3A_350 = arith.index_cast %get3A_349 : i32 to index
    %get3A_351 = arith.constant 112 : index
    %get3A_352 = tpu.vector_load %arg26[%get3A_350, %get3A_351] {strides = array<i32>} : memref<6x128xf32, #tpu.memory_space<vmem>>, vector<1x16xf32>,
    %get3A_353 = vector.shape_cast %get3A_352 : vector<1x16xf32> to vector<16xf32>
    %add3A_354 = arith.addf %get3A_348, %get3A_353 : vector<16xf32>
    %get3A_355 = arith.constant 4 : i32
    %get3A_356 = arith.index_cast %get3A_355 : i32 to index
    %get3A_357 = arith.constant 0 : index
    %get3A_358 = tpu.vector_load %arg26[%get3A_356, %get3A_357] {strides = array<i32>} : memref<6x128xf32, #tpu.memory_space<vmem>>, vector<1x16xf32>,
    %get3A_359 = vector.shape_cast %get3A_358 : vector<1x16xf32> to vector<16xf32>
    %get3A_360 = arith.constant 4 : i32
    %get3A_361 = arith.index_cast %get3A_360 : i32 to index
    %get3A_362 = arith.constant 16 : index
    %get3A_363 = tpu.vector_load %arg26[%get3A_361, %get3A_362] {strides = array<i32>} : memref<6x128xf32, #tpu.memory_space<vmem>>, vector<1x16xf32>,
    %get3A_364 = vector.shape_cast %get3A_363 : vector<1x16xf32> to vector<16xf32>
    %get3A_365 = arith.constant 4 : i32
    %get3A_366 = arith.index_cast %get3A_365 : i32 to index
    %get3A_367 = arith.constant 32 : index
    %get3A_368 = tpu.vector_load %arg26[%get3A_366, %get3A_367] {strides = array<i32>} : memref<6x128xf32, #tpu.memory_space<vmem>>, vector<1x16xf32>,
    %get3A_369 = vector.shape_cast %get3A_368 : vector<1x16xf32> to vector<16xf32>
    %get3A_370 = arith.constant 4 : i32
    %get3A_371 = arith.index_cast %get3A_370 : i32 to index
    %get3A_372 = arith.constant 48 : index
    %get3A_373 = tpu.vector_load %arg26[%get3A_371, %get3A_372] {strides = array<i32>} : memref<6x128xf32, #tpu.memory_space<vmem>>, vector<1x16xf32>,
    %get3A_374 = vector.shape_cast %get3A_373 : vector<1x16xf32> to vector<16xf32>
    %get3A_375 = arith.constant 4 : i32
    %get3A_376 = arith.index_cast %get3A_375 : i32 to index
    %get3A_377 = arith.constant 64 : index
    %get3A_378 = tpu.vector_load %arg26[%get3A_376, %get3A_377] {strides = array<i32>} : memref<6x128xf32, #tpu.memory_space<vmem>>, vector<1x16xf32>,
    %get3A_379 = vector.shape_cast %get3A_378 : vector<1x16xf32> to vector<16xf32>
    %get3A_380 = arith.constant 4 : i32
    %get3A_381 = arith.index_cast %get3A_380 : i32 to index
    %get3A_382 = arith.constant 80 : index
    %get3A_383 = tpu.vector_load %arg26[%get3A_381, %get3A_382] {strides = array<i32>} : memref<6x128xf32, #tpu.memory_space<vmem>>, vector<1x16xf32>,
    %get3A_384 = vector.shape_cast %get3A_383 : vector<1x16xf32> to vector<16xf32>
    %get3A_385 = arith.constant 4 : i32
    %get3A_386 = arith.index_cast %get3A_385 : i32 to index
    %get3A_387 = arith.constant 96 : index
    %get3A_388 = tpu.vector_load %arg26[%get3A_386, %get3A_387] {strides = array<i32>} : memref<6x128xf32, #tpu.memory_space<vmem>>, vector<1x16xf32>,
    %get3A_389 = vector.shape_cast %get3A_388 : vector<1x16xf32> to vector<16xf32>
    %get3A_390 = arith.constant 4 : i32
    %get3A_391 = arith.index_cast %get3A_390 : i32 to index
    %get3A_392 = arith.constant 112 : index
    %get3A_393 = tpu.vector_load %arg26[%get3A_391, %get3A_392] {strides = array<i32>} : memref<6x128xf32, #tpu.memory_space<vmem>>, vector<1x16xf32>,
    %get3A_394 = vector.shape_cast %get3A_393 : vector<1x16xf32> to vector<16xf32>
    %get3A_395 = arith.constant 5 : i32
    %get3A_396 = arith.index_cast %get3A_395 : i32 to index
    %get3A_397 = arith.constant 0 : index
    %get3A_398 = tpu.vector_load %arg26[%get3A_396, %get3A_397] {strides = array<i32>} : memref<6x128xf32, #tpu.memory_space<vmem>>, vector<1x16xf32>,
    %get3A_399 = vector.shape_cast %get3A_398 : vector<1x16xf32> to vector<16xf32>
    %get3A_400 = arith.constant 5 : i32
    %get3A_401 = arith.index_cast %get3A_400 : i32 to index
    %get3A_402 = arith.constant 16 : index
    %get3A_403 = tpu.vector_load %arg26[%get3A_401, %get3A_402] {strides = array<i32>} : memref<6x128xf32, #tpu.memory_space<vmem>>, vector<1x16xf32>,
    %get3A_404 = vector.shape_cast %get3A_403 : vector<1x16xf32> to vector<16xf32>
    %get3A_405 = arith.constant 5 : i32
    %get3A_406 = arith.index_cast %get3A_405 : i32 to index
    %get3A_407 = arith.constant 32 : index
    %get3A_408 = tpu.vector_load %arg26[%get3A_406, %get3A_407] {strides = array<i32>} : memref<6x128xf32, #tpu.memory_space<vmem>>, vector<1x16xf32>,
    %get3A_409 = vector.shape_cast %get3A_408 : vector<1x16xf32> to vector<16xf32>
    %get3A_410 = arith.constant 5 : i32
    %get3A_411 = arith.index_cast %get3A_410 : i32 to index
    %get3A_412 = arith.constant 48 : index
    %get3A_413 = tpu.vector_load %arg26[%get3A_411, %get3A_412] {strides = array<i32>} : memref<6x128xf32, #tpu.memory_space<vmem>>, vector<1x16xf32>,
    %get3A_414 = vector.shape_cast %get3A_413 : vector<1x16xf32> to vector<16xf32>
    %get3A_415 = arith.constant 5 : i32
    %get3A_416 = arith.index_cast %get3A_415 : i32 to index
    %get3A_417 = arith.constant 64 : index
    %get3A_418 = tpu.vector_load %arg26[%get3A_416, %get3A_417] {strides = array<i32>} : memref<6x128xf32, #tpu.memory_space<vmem>>, vector<1x16xf32>,
    %get3A_419 = vector.shape_cast %get3A_418 : vector<1x16xf32> to vector<16xf32>
    %get3A_420 = arith.constant 5 : i32
    %get3A_421 = arith.index_cast %get3A_420 : i32 to index
    %get3A_422 = arith.constant 80 : index
    %get3A_423 = tpu.vector_load %arg26[%get3A_421, %get3A_422] {strides = array<i32>} : memref<6x128xf32, #tpu.memory_space<vmem>>, vector<1x16xf32>,
    %get3A_424 = vector.shape_cast %get3A_423 : vector<1x16xf32> to vector<16xf32>
    %get3A_425 = arith.constant 5 : i32
    %get3A_426 = arith.index_cast %get3A_425 : i32 to index
    %get3A_427 = arith.constant 96 : index
    %get3A_428 = tpu.vector_load %arg26[%get3A_426, %get3A_427] {strides = array<i32>} : memref<6x128xf32, #tpu.memory_space<vmem>>, vector<1x16xf32>,
    %get3A_429 = vector.shape_cast %get3A_428 : vector<1x16xf32> to vector<16xf32>
    %get3A_430 = arith.constant 5 : i32
    %get3A_431 = arith.index_cast %get3A_430 : i32 to index
    %get3A_432 = arith.constant 112 : index
    %get3A_433 = tpu.vector_load %arg26[%get3A_431, %get3A_432] {strides = array<i32>} : memref<6x128xf32, #tpu.memory_space<vmem>>, vector<1x16xf32>,
    %get3A_434 = vector.shape_cast %get3A_433 : vector<1x16xf32> to vector<16xf32>
    %scan3A = arith.constant 0 : i32
    %scan3A_435 = arith.constant 0 : i32
    %scan3A_436 = arith.constant 32 : i32
    %scan3A_437 = arith.addi %scan3A_435, %scan3A_436 : i32
    %scan3A_438 = arith.constant 1 : i32
    %scan3A_439 = scf.for %scan3A_710 = %scan3A_435 to %scan3A_437 step %scan3A_438 iter_args(%scan3A_711 = %scan3A) -> (i32)  : i32 {
      %get3A_712 = arith.index_cast %scan3A_710 : i32 to index
      %get3A_713 = arith.constant 0 : index
      %get3A_714 = tpu.vector_load %arg17[%get3A_712, %get3A_713] {strides = array<i32>} : memref<128x128xf32, #tpu.memory_space<vmem>>, vector<1x16xf32>,
      %get3A_715 = vector.shape_cast %get3A_714 : vector<1x16xf32> to vector<16xf32>
      %add3A_716 = arith.addf %get3A_715, %add3A_13 : vector<16xf32>
      %mul3A_717 = arith.constant 4 : i32
      %mul3A_718 = arith.muli %scan3A_710, %mul3A_717 : i32
      %add3A_719 = arith.constant 0 : i32
      %add3A_720 = arith.addi %mul3A_718, %add3A_719 : i32
      %swap3A_721 = arith.index_cast %add3A_720 : i32 to index
      %swap3A_722 = arith.constant 0 : index
      %swap3A_723 = tpu.vector_load %arg16[%swap3A_721, %swap3A_722] {strides = array<i32>} : memref<128x128xf32, #tpu.memory_space<vmem>>, vector<1x16xf32>,
      %swap3A_724 = vector.shape_cast %swap3A_723 : vector<1x16xf32> to vector<16xf32>
      %swap3A_725 = vector.shape_cast %add3A_716 : vector<16xf32> to vector<1x16xf32>
      tpu.vector_store %arg16[%swap3A_721, %swap3A_722], %swap3A_725 {strides = array<i32>} : memref<128x128xf32, #tpu.memory_space<vmem>>, vector<1x16xf32>,
      %get3A_726 = arith.index_cast %scan3A_710 : i32 to index
      %get3A_727 = arith.constant 16 : index
      %get3A_728 = tpu.vector_load %arg17[%get3A_726, %get3A_727] {strides = array<i32>} : memref<128x128xf32, #tpu.memory_space<vmem>>, vector<1x16xf32>,
      %get3A_729 = vector.shape_cast %get3A_728 : vector<1x16xf32> to vector<16xf32>
      %add3A_730 = arith.addf %get3A_729, %add3A_24 : vector<16xf32>
      %mul3A_731 = arith.constant 4 : i32
      %mul3A_732 = arith.muli %scan3A_710, %mul3A_731 : i32
      %add3A_733 = arith.constant 0 : i32
      %add3A_734 = arith.addi %mul3A_732, %add3A_733 : i32
      %swap3A_735 = arith.index_cast %add3A_734 : i32 to index
      %swap3A_736 = arith.constant 16 : index
      %swap3A_737 = tpu.vector_load %arg16[%swap3A_735, %swap3A_736] {strides = array<i32>} : memref<128x128xf32, #tpu.memory_space<vmem>>, vector<1x16xf32>,
      %swap3A_738 = vector.shape_cast %swap3A_737 : vector<1x16xf32> to vector<16xf32>
      %swap3A_739 = vector.shape_cast %add3A_730 : vector<16xf32> to vector<1x16xf32>
      tpu.vector_store %arg16[%swap3A_735, %swap3A_736], %swap3A_739 {strides = array<i32>} : memref<128x128xf32, #tpu.memory_space<vmem>>, vector<1x16xf32>,
      %get3A_740 = arith.index_cast %scan3A_710 : i32 to index
      %get3A_741 = arith.constant 32 : index
      %get3A_742 = tpu.vector_load %arg17[%get3A_740, %get3A_741] {strides = array<i32>} : memref<128x128xf32, #tpu.memory_space<vmem>>, vector<1x16xf32>,
      %get3A_743 = vector.shape_cast %get3A_742 : vector<1x16xf32> to vector<16xf32>
      %add3A_744 = arith.addf %get3A_743, %add3A_35 : vector<16xf32>
      %mul3A_745 = arith.constant 4 : i32
      %mul3A_746 = arith.muli %scan3A_710, %mul3A_745 : i32
      %add3A_747 = arith.constant 0 : i32
      %add3A_748 = arith.addi %mul3A_746, %add3A_747 : i32
      %swap3A_749 = arith.index_cast %add3A_748 : i32 to index
      %swap3A_750 = arith.constant 32 : index
      %swap3A_751 = tpu.vector_load %arg16[%swap3A_749, %swap3A_750] {strides = array<i32>} : memref<128x128xf32, #tpu.memory_space<vmem>>, vector<1x16xf32>,
      %swap3A_752 = vector.shape_cast %swap3A_751 : vector<1x16xf32> to vector<16xf32>
      %swap3A_753 = vector.shape_cast %add3A_744 : vector<16xf32> to vector<1x16xf32>
      tpu.vector_store %arg16[%swap3A_749, %swap3A_750], %swap3A_753 {strides = array<i32>} : memref<128x128xf32, #tpu.memory_space<vmem>>, vector<1x16xf32>,
      %get3A_754 = arith.index_cast %scan3A_710 : i32 to index
      %get3A_755 = arith.constant 48 : index
      %get3A_756 = tpu.vector_load %arg17[%get3A_754, %get3A_755] {strides = array<i32>} : memref<128x128xf32, #tpu.memory_space<vmem>>, vector<1x16xf32>,
      %get3A_757 = vector.shape_cast %get3A_756 : vector<1x16xf32> to vector<16xf32>
      %add3A_758 = arith.addf %get3A_757, %add3A_46 : vector<16xf32>
      %mul3A_759 = arith.constant 4 : i32
      %mul3A_760 = arith.muli %scan3A_710, %mul3A_759 : i32
      %add3A_761 = arith.constant 0 : i32
      %add3A_762 = arith.addi %mul3A_760, %add3A_761 : i32
      %swap3A_763 = arith.index_cast %add3A_762 : i32 to index
      %swap3A_764 = arith.constant 48 : index
      %swap3A_765 = tpu.vector_load %arg16[%swap3A_763, %swap3A_764] {strides = array<i32>} : memref<128x128xf32, #tpu.memory_space<vmem>>, vector<1x16xf32>,
      %swap3A_766 = vector.shape_cast %swap3A_765 : vector<1x16xf32> to vector<16xf32>
      %swap3A_767 = vector.shape_cast %add3A_758 : vector<16xf32> to vector<1x16xf32>
      tpu.vector_store %arg16[%swap3A_763, %swap3A_764], %swap3A_767 {strides = array<i32>} : memref<128x128xf32, #tpu.memory_space<vmem>>, vector<1x16xf32>,
      %get3A_768 = arith.index_cast %scan3A_710 : i32 to index
      %get3A_769 = arith.constant 64 : index
      %get3A_770 = tpu.vector_load %arg17[%get3A_768, %get3A_769] {strides = array<i32>} : memref<128x128xf32, #tpu.memory_space<vmem>>, vector<1x16xf32>,
      %get3A_771 = vector.shape_cast %get3A_770 : vector<1x16xf32> to vector<16xf32>
      %add3A_772 = arith.addf %get3A_771, %add3A_57 : vector<16xf32>
      %mul3A_773 = arith.constant 4 : i32
      %mul3A_774 = arith.muli %scan3A_710, %mul3A_773 : i32
      %add3A_775 = arith.constant 0 : i32
      %add3A_776 = arith.addi %mul3A_774, %add3A_775 : i32
      %swap3A_777 = arith.index_cast %add3A_776 : i32 to index
      %swap3A_778 = arith.constant 64 : index
      %swap3A_779 = tpu.vector_load %arg16[%swap3A_777, %swap3A_778] {strides = array<i32>} : memref<128x128xf32, #tpu.memory_space<vmem>>, vector<1x16xf32>,
      %swap3A_780 = vector.shape_cast %swap3A_779 : vector<1x16xf32> to vector<16xf32>
      %swap3A_781 = vector.shape_cast %add3A_772 : vector<16xf32> to vector<1x16xf32>
      tpu.vector_store %arg16[%swap3A_777, %swap3A_778], %swap3A_781 {strides = array<i32>} : memref<128x128xf32, #tpu.memory_space<vmem>>, vector<1x16xf32>,
      %get3A_782 = arith.index_cast %scan3A_710 : i32 to index
      %get3A_783 = arith.constant 80 : index
      %get3A_784 = tpu.vector_load %arg17[%get3A_782, %get3A_783] {strides = array<i32>} : memref<128x128xf32, #tpu.memory_space<vmem>>, vector<1x16xf32>,
      %get3A_785 = vector.shape_cast %get3A_784 : vector<1x16xf32> to vector<16xf32>
      %add3A_786 = arith.addf %get3A_785, %add3A_68 : vector<16xf32>
      %mul3A_787 = arith.constant 4 : i32
      %mul3A_788 = arith.muli %scan3A_710, %mul3A_787 : i32
      %add3A_789 = arith.constant 0 : i32
      %add3A_790 = arith.addi %mul3A_788, %add3A_789 : i32
      %swap3A_791 = arith.index_cast %add3A_790 : i32 to index
      %swap3A_792 = arith.constant 80 : index
      %swap3A_793 = tpu.vector_load %arg16[%swap3A_791, %swap3A_792] {strides = array<i32>} : memref<128x128xf32, #tpu.memory_space<vmem>>, vector<1x16xf32>,
      %swap3A_794 = vector.shape_cast %swap3A_793 : vector<1x16xf32> to vector<16xf32>
      %swap3A_795 = vector.shape_cast %add3A_786 : vector<16xf32> to vector<1x16xf32>
      tpu.vector_store %arg16[%swap3A_791, %swap3A_792], %swap3A_795 {strides = array<i32>} : memref<128x128xf32, #tpu.memory_space<vmem>>, vector<1x16xf32>,
      %get3A_796 = arith.index_cast %scan3A_710 : i32 to index
      %get3A_797 = arith.constant 96 : index
      %get3A_798 = tpu.vector_load %arg17[%get3A_796, %get3A_797] {strides = array<i32>} : memref<128x128xf32, #tpu.memory_space<vmem>>, vector<1x16xf32>,
      %get3A_799 = vector.shape_cast %get3A_798 : vector<1x16xf32> to vector<16xf32>
      %add3A_800 = arith.addf %get3A_799, %add3A_79 : vector<16xf32>
      %mul3A_801 = arith.constant 4 : i32
      %mul3A_802 = arith.muli %scan3A_710, %mul3A_801 : i32
      %add3A_803 = arith.constant 0 : i32
      %add3A_804 = arith.addi %mul3A_802, %add3A_803 : i32
      %swap3A_805 = arith.index_cast %add3A_804 : i32 to index
      %swap3A_806 = arith.constant 96 : index
      %swap3A_807 = tpu.vector_load %arg16[%swap3A_805, %swap3A_806] {strides = array<i32>} : memref<128x128xf32, #tpu.memory_space<vmem>>, vector<1x16xf32>,
      %swap3A_808 = vector.shape_cast %swap3A_807 : vector<1x16xf32> to vector<16xf32>
      %swap3A_809 = vector.shape_cast %add3A_800 : vector<16xf32> to vector<1x16xf32>
      tpu.vector_store %arg16[%swap3A_805, %swap3A_806], %swap3A_809 {strides = array<i32>} : memref<128x128xf32, #tpu.memory_space<vmem>>, vector<1x16xf32>,
      %get3A_810 = arith.index_cast %scan3A_710 : i32 to index
      %get3A_811 = arith.constant 112 : index
      %get3A_812 = tpu.vector_load %arg17[%get3A_810, %get3A_811] {strides = array<i32>} : memref<128x128xf32, #tpu.memory_space<vmem>>, vector<1x16xf32>,
      %get3A_813 = vector.shape_cast %get3A_812 : vector<1x16xf32> to vector<16xf32>
      %add3A_814 = arith.addf %get3A_813, %add3A_90 : vector<16xf32>
      %mul3A_815 = arith.constant 4 : i32
      %mul3A_816 = arith.muli %scan3A_710, %mul3A_815 : i32
      %add3A_817 = arith.constant 0 : i32
      %add3A_818 = arith.addi %mul3A_816, %add3A_817 : i32
      %swap3A_819 = arith.index_cast %add3A_818 : i32 to index
      %swap3A_820 = arith.constant 112 : index
      %swap3A_821 = tpu.vector_load %arg16[%swap3A_819, %swap3A_820] {strides = array<i32>} : memref<128x128xf32, #tpu.memory_space<vmem>>, vector<1x16xf32>,
      %swap3A_822 = vector.shape_cast %swap3A_821 : vector<1x16xf32> to vector<16xf32>
      %swap3A_823 = vector.shape_cast %add3A_814 : vector<16xf32> to vector<1x16xf32>
      tpu.vector_store %arg16[%swap3A_819, %swap3A_820], %swap3A_823 {strides = array<i32>} : memref<128x128xf32, #tpu.memory_space<vmem>>, vector<1x16xf32>,
      %get3A_824 = arith.index_cast %scan3A_710 : i32 to index
      %get3A_825 = arith.constant 0 : index
      %get3A_826 = tpu.vector_load %arg17[%get3A_824, %get3A_825] {strides = array<i32>} : memref<128x128xf32, #tpu.memory_space<vmem>>, vector<1x16xf32>,
      %get3A_827 = vector.shape_cast %get3A_826 : vector<1x16xf32> to vector<16xf32>
      %add3A_828 = arith.addf %get3A_827, %add3A_101 : vector<16xf32>
      %mul3A_829 = arith.constant 4 : i32
      %mul3A_830 = arith.muli %scan3A_710, %mul3A_829 : i32
      %add3A_831 = arith.constant 1 : i32
      %add3A_832 = arith.addi %mul3A_830, %add3A_831 : i32
      %swap3A_833 = arith.index_cast %add3A_832 : i32 to index
      %swap3A_834 = arith.constant 0 : index
      %swap3A_835 = tpu.vector_load %arg16[%swap3A_833, %swap3A_834] {strides = array<i32>} : memref<128x128xf32, #tpu.memory_space<vmem>>, vector<1x16xf32>,
      %swap3A_836 = vector.shape_cast %swap3A_835 : vector<1x16xf32> to vector<16xf32>
      %swap3A_837 = vector.shape_cast %add3A_828 : vector<16xf32> to vector<1x16xf32>
      tpu.vector_store %arg16[%swap3A_833, %swap3A_834], %swap3A_837 {strides = array<i32>} : memref<128x128xf32, #tpu.memory_space<vmem>>, vector<1x16xf32>,
      %get3A_838 = arith.index_cast %scan3A_710 : i32 to index
      %get3A_839 = arith.constant 16 : index
      %get3A_840 = tpu.vector_load %arg17[%get3A_838, %get3A_839] {strides = array<i32>} : memref<128x128xf32, #tpu.memory_space<vmem>>, vector<1x16xf32>,
      %get3A_841 = vector.shape_cast %get3A_840 : vector<1x16xf32> to vector<16xf32>
      %add3A_842 = arith.addf %get3A_841, %add3A_112 : vector<16xf32>
      %mul3A_843 = arith.constant 4 : i32
      %mul3A_844 = arith.muli %scan3A_710, %mul3A_843 : i32
      %add3A_845 = arith.constant 1 : i32
      %add3A_846 = arith.addi %mul3A_844, %add3A_845 : i32
      %swap3A_847 = arith.index_cast %add3A_846 : i32 to index
      %swap3A_848 = arith.constant 16 : index
      %swap3A_849 = tpu.vector_load %arg16[%swap3A_847, %swap3A_848] {strides = array<i32>} : memref<128x128xf32, #tpu.memory_space<vmem>>, vector<1x16xf32>,
      %swap3A_850 = vector.shape_cast %swap3A_849 : vector<1x16xf32> to vector<16xf32>
      %swap3A_851 = vector.shape_cast %add3A_842 : vector<16xf32> to vector<1x16xf32>
      tpu.vector_store %arg16[%swap3A_847, %swap3A_848], %swap3A_851 {strides = array<i32>} : memref<128x128xf32, #tpu.memory_space<vmem>>, vector<1x16xf32>,
      %get3A_852 = arith.index_cast %scan3A_710 : i32 to index
      %get3A_853 = arith.constant 32 : index
      %get3A_854 = tpu.vector_load %arg17[%get3A_852, %get3A_853] {strides = array<i32>} : memref<128x128xf32, #tpu.memory_space<vmem>>, vector<1x16xf32>,
      %get3A_855 = vector.shape_cast %get3A_854 : vector<1x16xf32> to vector<16xf32>
      %add3A_856 = arith.addf %get3A_855, %add3A_123 : vector<16xf32>
      %mul3A_857 = arith.constant 4 : i32
      %mul3A_858 = arith.muli %scan3A_710, %mul3A_857 : i32
      %add3A_859 = arith.constant 1 : i32
      %add3A_860 = arith.addi %mul3A_858, %add3A_859 : i32
      %swap3A_861 = arith.index_cast %add3A_860 : i32 to index
      %swap3A_862 = arith.constant 32 : index
      %swap3A_863 = tpu.vector_load %arg16[%swap3A_861, %swap3A_862] {strides = array<i32>} : memref<128x128xf32, #tpu.memory_space<vmem>>, vector<1x16xf32>,
      %swap3A_864 = vector.shape_cast %swap3A_863 : vector<1x16xf32> to vector<16xf32>
      %swap3A_865 = vector.shape_cast %add3A_856 : vector<16xf32> to vector<1x16xf32>
      tpu.vector_store %arg16[%swap3A_861, %swap3A_862], %swap3A_865 {strides = array<i32>} : memref<128x128xf32, #tpu.memory_space<vmem>>, vector<1x16xf32>,
      %get3A_866 = arith.index_cast %scan3A_710 : i32 to index
      %get3A_867 = arith.constant 48 : index
      %get3A_868 = tpu.vector_load %arg17[%get3A_866, %get3A_867] {strides = array<i32>} : memref<128x128xf32, #tpu.memory_space<vmem>>, vector<1x16xf32>,
      %get3A_869 = vector.shape_cast %get3A_868 : vector<1x16xf32> to vector<16xf32>
      %add3A_870 = arith.addf %get3A_869, %add3A_134 : vector<16xf32>
      %mul3A_871 = arith.constant 4 : i32
      %mul3A_872 = arith.muli %scan3A_710, %mul3A_871 : i32
      %add3A_873 = arith.constant 1 : i32
      %add3A_874 = arith.addi %mul3A_872, %add3A_873 : i32
      %swap3A_875 = arith.index_cast %add3A_874 : i32 to index
      %swap3A_876 = arith.constant 48 : index
      %swap3A_877 = tpu.vector_load %arg16[%swap3A_875, %swap3A_876] {strides = array<i32>} : memref<128x128xf32, #tpu.memory_space<vmem>>, vector<1x16xf32>,
      %swap3A_878 = vector.shape_cast %swap3A_877 : vector<1x16xf32> to vector<16xf32>
      %swap3A_879 = vector.shape_cast %add3A_870 : vector<16xf32> to vector<1x16xf32>
      tpu.vector_store %arg16[%swap3A_875, %swap3A_876], %swap3A_879 {strides = array<i32>} : memref<128x128xf32, #tpu.memory_space<vmem>>, vector<1x16xf32>,
      %get3A_880 = arith.index_cast %scan3A_710 : i32 to index
      %get3A_881 = arith.constant 64 : index
      %get3A_882 = tpu.vector_load %arg17[%get3A_880, %get3A_881] {strides = array<i32>} : memref<128x128xf32, #tpu.memory_space<vmem>>, vector<1x16xf32>,
      %get3A_883 = vector.shape_cast %get3A_882 : vector<1x16xf32> to vector<16xf32>
      %add3A_884 = arith.addf %get3A_883, %add3A_145 : vector<16xf32>
      %mul3A_885 = arith.constant 4 : i32
      %mul3A_886 = arith.muli %scan3A_710, %mul3A_885 : i32
      %add3A_887 = arith.constant 1 : i32
      %add3A_888 = arith.addi %mul3A_886, %add3A_887 : i32
      %swap3A_889 = arith.index_cast %add3A_888 : i32 to index
      %swap3A_890 = arith.constant 64 : index
      %swap3A_891 = tpu.vector_load %arg16[%swap3A_889, %swap3A_890] {strides = array<i32>} : memref<128x128xf32, #tpu.memory_space<vmem>>, vector<1x16xf32>,
      %swap3A_892 = vector.shape_cast %swap3A_891 : vector<1x16xf32> to vector<16xf32>
      %swap3A_893 = vector.shape_cast %add3A_884 : vector<16xf32> to vector<1x16xf32>
      tpu.vector_store %arg16[%swap3A_889, %swap3A_890], %swap3A_893 {strides = array<i32>} : memref<128x128xf32, #tpu.memory_space<vmem>>, vector<1x16xf32>,
      %get3A_894 = arith.index_cast %scan3A_710 : i32 to index
      %get3A_895 = arith.constant 80 : index
      %get3A_896 = tpu.vector_load %arg17[%get3A_894, %get3A_895] {strides = array<i32>} : memref<128x128xf32, #tpu.memory_space<vmem>>, vector<1x16xf32>,
      %get3A_897 = vector.shape_cast %get3A_896 : vector<1x16xf32> to vector<16xf32>
      %add3A_898 = arith.addf %get3A_897, %add3A_156 : vector<16xf32>
      %mul3A_899 = arith.constant 4 : i32
      %mul3A_900 = arith.muli %scan3A_710, %mul3A_899 : i32
      %add3A_901 = arith.constant 1 : i32
      %add3A_902 = arith.addi %mul3A_900, %add3A_901 : i32
      %swap3A_903 = arith.index_cast %add3A_902 : i32 to index
      %swap3A_904 = arith.constant 80 : index
      %swap3A_905 = tpu.vector_load %arg16[%swap3A_903, %swap3A_904] {strides = array<i32>} : memref<128x128xf32, #tpu.memory_space<vmem>>, vector<1x16xf32>,
      %swap3A_906 = vector.shape_cast %swap3A_905 : vector<1x16xf32> to vector<16xf32>
      %swap3A_907 = vector.shape_cast %add3A_898 : vector<16xf32> to vector<1x16xf32>
      tpu.vector_store %arg16[%swap3A_903, %swap3A_904], %swap3A_907 {strides = array<i32>} : memref<128x128xf32, #tpu.memory_space<vmem>>, vector<1x16xf32>,
      %get3A_908 = arith.index_cast %scan3A_710 : i32 to index
      %get3A_909 = arith.constant 96 : index
      %get3A_910 = tpu.vector_load %arg17[%get3A_908, %get3A_909] {strides = array<i32>} : memref<128x128xf32, #tpu.memory_space<vmem>>, vector<1x16xf32>,
      %get3A_911 = vector.shape_cast %get3A_910 : vector<1x16xf32> to vector<16xf32>
      %add3A_912 = arith.addf %get3A_911, %add3A_167 : vector<16xf32>
      %mul3A_913 = arith.constant 4 : i32
      %mul3A_914 = arith.muli %scan3A_710, %mul3A_913 : i32
      %add3A_915 = arith.constant 1 : i32
      %add3A_916 = arith.addi %mul3A_914, %add3A_915 : i32
      %swap3A_917 = arith.index_cast %add3A_916 : i32 to index
      %swap3A_918 = arith.constant 96 : index
      %swap3A_919 = tpu.vector_load %arg16[%swap3A_917, %swap3A_918] {strides = array<i32>} : memref<128x128xf32, #tpu.memory_space<vmem>>, vector<1x16xf32>,
      %swap3A_920 = vector.shape_cast %swap3A_919 : vector<1x16xf32> to vector<16xf32>
      %swap3A_921 = vector.shape_cast %add3A_912 : vector<16xf32> to vector<1x16xf32>
      tpu.vector_store %arg16[%swap3A_917, %swap3A_918], %swap3A_921 {strides = array<i32>} : memref<128x128xf32, #tpu.memory_space<vmem>>, vector<1x16xf32>,
      %get3A_922 = arith.index_cast %scan3A_710 : i32 to index
      %get3A_923 = arith.constant 112 : index
      %get3A_924 = tpu.vector_load %arg17[%get3A_922, %get3A_923] {strides = array<i32>} : memref<128x128xf32, #tpu.memory_space<vmem>>, vector<1x16xf32>,
      %get3A_925 = vector.shape_cast %get3A_924 : vector<1x16xf32> to vector<16xf32>
      %add3A_926 = arith.addf %get3A_925, %add3A_178 : vector<16xf32>
      %mul3A_927 = arith.constant 4 : i32
      %mul3A_928 = arith.muli %scan3A_710, %mul3A_927 : i32
      %add3A_929 = arith.constant 1 : i32
      %add3A_930 = arith.addi %mul3A_928, %add3A_929 : i32
      %swap3A_931 = arith.index_cast %add3A_930 : i32 to index
      %swap3A_932 = arith.constant 112 : index
      %swap3A_933 = tpu.vector_load %arg16[%swap3A_931, %swap3A_932] {strides = array<i32>} : memref<128x128xf32, #tpu.memory_space<vmem>>, vector<1x16xf32>,
      %swap3A_934 = vector.shape_cast %swap3A_933 : vector<1x16xf32> to vector<16xf32>
      %swap3A_935 = vector.shape_cast %add3A_926 : vector<16xf32> to vector<1x16xf32>
      tpu.vector_store %arg16[%swap3A_931, %swap3A_932], %swap3A_935 {strides = array<i32>} : memref<128x128xf32, #tpu.memory_space<vmem>>, vector<1x16xf32>,
      %get3A_936 = arith.index_cast %scan3A_710 : i32 to index
      %get3A_937 = arith.constant 0 : index
      %get3A_938 = tpu.vector_load %arg17[%get3A_936, %get3A_937] {strides = array<i32>} : memref<128x128xf32, #tpu.memory_space<vmem>>, vector<1x16xf32>,
      %get3A_939 = vector.shape_cast %get3A_938 : vector<1x16xf32> to vector<16xf32>
      %add3A_940 = arith.addf %get3A_939, %add3A_189 : vector<16xf32>
      %mul3A_941 = arith.constant 4 : i32
      %mul3A_942 = arith.muli %scan3A_710, %mul3A_941 : i32
      %add3A_943 = arith.constant 2 : i32
      %add3A_944 = arith.addi %mul3A_942, %add3A_943 : i32
      %swap3A_945 = arith.index_cast %add3A_944 : i32 to index
      %swap3A_946 = arith.constant 0 : index
      %swap3A_947 = tpu.vector_load %arg16[%swap3A_945, %swap3A_946] {strides = array<i32>} : memref<128x128xf32, #tpu.memory_space<vmem>>, vector<1x16xf32>,
      %swap3A_948 = vector.shape_cast %swap3A_947 : vector<1x16xf32> to vector<16xf32>
      %swap3A_949 = vector.shape_cast %add3A_940 : vector<16xf32> to vector<1x16xf32>
      tpu.vector_store %arg16[%swap3A_945, %swap3A_946], %swap3A_949 {strides = array<i32>} : memref<128x128xf32, #tpu.memory_space<vmem>>, vector<1x16xf32>,
      %get3A_950 = arith.index_cast %scan3A_710 : i32 to index
      %get3A_951 = arith.constant 16 : index
      %get3A_952 = tpu.vector_load %arg17[%get3A_950, %get3A_951] {strides = array<i32>} : memref<128x128xf32, #tpu.memory_space<vmem>>, vector<1x16xf32>,
      %get3A_953 = vector.shape_cast %get3A_952 : vector<1x16xf32> to vector<16xf32>
      %add3A_954 = arith.addf %get3A_953, %add3A_200 : vector<16xf32>
      %mul3A_955 = arith.constant 4 : i32
      %mul3A_956 = arith.muli %scan3A_710, %mul3A_955 : i32
      %add3A_957 = arith.constant 2 : i32
      %add3A_958 = arith.addi %mul3A_956, %add3A_957 : i32
      %swap3A_959 = arith.index_cast %add3A_958 : i32 to index
      %swap3A_960 = arith.constant 16 : index
      %swap3A_961 = tpu.vector_load %arg16[%swap3A_959, %swap3A_960] {strides = array<i32>} : memref<128x128xf32, #tpu.memory_space<vmem>>, vector<1x16xf32>,
      %swap3A_962 = vector.shape_cast %swap3A_961 : vector<1x16xf32> to vector<16xf32>
      %swap3A_963 = vector.shape_cast %add3A_954 : vector<16xf32> to vector<1x16xf32>
      tpu.vector_store %arg16[%swap3A_959, %swap3A_960], %swap3A_963 {strides = array<i32>} : memref<128x128xf32, #tpu.memory_space<vmem>>, vector<1x16xf32>,
      %get3A_964 = arith.index_cast %scan3A_710 : i32 to index
      %get3A_965 = arith.constant 32 : index
      %get3A_966 = tpu.vector_load %arg17[%get3A_964, %get3A_965] {strides = array<i32>} : memref<128x128xf32, #tpu.memory_space<vmem>>, vector<1x16xf32>,
      %get3A_967 = vector.shape_cast %get3A_966 : vector<1x16xf32> to vector<16xf32>
      %add3A_968 = arith.addf %get3A_967, %add3A_211 : vector<16xf32>
      %mul3A_969 = arith.constant 4 : i32
      %mul3A_970 = arith.muli %scan3A_710, %mul3A_969 : i32
      %add3A_971 = arith.constant 2 : i32
      %add3A_972 = arith.addi %mul3A_970, %add3A_971 : i32
      %swap3A_973 = arith.index_cast %add3A_972 : i32 to index
      %swap3A_974 = arith.constant 32 : index
      %swap3A_975 = tpu.vector_load %arg16[%swap3A_973, %swap3A_974] {strides = array<i32>} : memref<128x128xf32, #tpu.memory_space<vmem>>, vector<1x16xf32>,
      %swap3A_976 = vector.shape_cast %swap3A_975 : vector<1x16xf32> to vector<16xf32>
      %swap3A_977 = vector.shape_cast %add3A_968 : vector<16xf32> to vector<1x16xf32>
      tpu.vector_store %arg16[%swap3A_973, %swap3A_974], %swap3A_977 {strides = array<i32>} : memref<128x128xf32, #tpu.memory_space<vmem>>, vector<1x16xf32>,
      %get3A_978 = arith.index_cast %scan3A_710 : i32 to index
      %get3A_979 = arith.constant 48 : index
      %get3A_980 = tpu.vector_load %arg17[%get3A_978, %get3A_979] {strides = array<i32>} : memref<128x128xf32, #tpu.memory_space<vmem>>, vector<1x16xf32>,
      %get3A_981 = vector.shape_cast %get3A_980 : vector<1x16xf32> to vector<16xf32>
      %add3A_982 = arith.addf %get3A_981, %add3A_222 : vector<16xf32>
      %mul3A_983 = arith.constant 4 : i32
      %mul3A_984 = arith.muli %scan3A_710, %mul3A_983 : i32
      %add3A_985 = arith.constant 2 : i32
      %add3A_986 = arith.addi %mul3A_984, %add3A_985 : i32
      %swap3A_987 = arith.index_cast %add3A_986 : i32 to index
      %swap3A_988 = arith.constant 48 : index
      %swap3A_989 = tpu.vector_load %arg16[%swap3A_987, %swap3A_988] {strides = array<i32>} : memref<128x128xf32, #tpu.memory_space<vmem>>, vector<1x16xf32>,
      %swap3A_990 = vector.shape_cast %swap3A_989 : vector<1x16xf32> to vector<16xf32>
      %swap3A_991 = vector.shape_cast %add3A_982 : vector<16xf32> to vector<1x16xf32>
      tpu.vector_store %arg16[%swap3A_987, %swap3A_988], %swap3A_991 {strides = array<i32>} : memref<128x128xf32, #tpu.memory_space<vmem>>, vector<1x16xf32>,
      %get3A_992 = arith.index_cast %scan3A_710 : i32 to index
      %get3A_993 = arith.constant 64 : index
      %get3A_994 = tpu.vector_load %arg17[%get3A_992, %get3A_993] {strides = array<i32>} : memref<128x128xf32, #tpu.memory_space<vmem>>, vector<1x16xf32>,
      %get3A_995 = vector.shape_cast %get3A_994 : vector<1x16xf32> to vector<16xf32>
      %add3A_996 = arith.addf %get3A_995, %add3A_233 : vector<16xf32>
      %mul3A_997 = arith.constant 4 : i32
      %mul3A_998 = arith.muli %scan3A_710, %mul3A_997 : i32
      %add3A_999 = arith.constant 2 : i32
      %add3A_1000 = arith.addi %mul3A_998, %add3A_999 : i32
      %swap3A_1001 = arith.index_cast %add3A_1000 : i32 to index
      %swap3A_1002 = arith.constant 64 : index
      %swap3A_1003 = tpu.vector_load %arg16[%swap3A_1001, %swap3A_1002] {strides = array<i32>} : memref<128x128xf32, #tpu.memory_space<vmem>>, vector<1x16xf32>,
      %swap3A_1004 = vector.shape_cast %swap3A_1003 : vector<1x16xf32> to vector<16xf32>
      %swap3A_1005 = vector.shape_cast %add3A_996 : vector<16xf32> to vector<1x16xf32>
      tpu.vector_store %arg16[%swap3A_1001, %swap3A_1002], %swap3A_1005 {strides = array<i32>} : memref<128x128xf32, #tpu.memory_space<vmem>>, vector<1x16xf32>,
      %get3A_1006 = arith.index_cast %scan3A_710 : i32 to index
      %get3A_1007 = arith.constant 80 : index
      %get3A_1008 = tpu.vector_load %arg17[%get3A_1006, %get3A_1007] {strides = array<i32>} : memref<128x128xf32, #tpu.memory_space<vmem>>, vector<1x16xf32>,
      %get3A_1009 = vector.shape_cast %get3A_1008 : vector<1x16xf32> to vector<16xf32>
      %add3A_1010 = arith.addf %get3A_1009, %add3A_244 : vector<16xf32>
      %mul3A_1011 = arith.constant 4 : i32
      %mul3A_1012 = arith.muli %scan3A_710, %mul3A_1011 : i32
      %add3A_1013 = arith.constant 2 : i32
      %add3A_1014 = arith.addi %mul3A_1012, %add3A_1013 : i32
      %swap3A_1015 = arith.index_cast %add3A_1014 : i32 to index
      %swap3A_1016 = arith.constant 80 : index
      %swap3A_1017 = tpu.vector_load %arg16[%swap3A_1015, %swap3A_1016] {strides = array<i32>} : memref<128x128xf32, #tpu.memory_space<vmem>>, vector<1x16xf32>,
      %swap3A_1018 = vector.shape_cast %swap3A_1017 : vector<1x16xf32> to vector<16xf32>
      %swap3A_1019 = vector.shape_cast %add3A_1010 : vector<16xf32> to vector<1x16xf32>
      tpu.vector_store %arg16[%swap3A_1015, %swap3A_1016], %swap3A_1019 {strides = array<i32>} : memref<128x128xf32, #tpu.memory_space<vmem>>, vector<1x16xf32>,
      %get3A_1020 = arith.index_cast %scan3A_710 : i32 to index
      %get3A_1021 = arith.constant 96 : index
      %get3A_1022 = tpu.vector_load %arg17[%get3A_1020, %get3A_1021] {strides = array<i32>} : memref<128x128xf32, #tpu.memory_space<vmem>>, vector<1x16xf32>,
      %get3A_1023 = vector.shape_cast %get3A_1022 : vector<1x16xf32> to vector<16xf32>
      %add3A_1024 = arith.addf %get3A_1023, %add3A_255 : vector<16xf32>
      %mul3A_1025 = arith.constant 4 : i32
      %mul3A_1026 = arith.muli %scan3A_710, %mul3A_1025 : i32
      %add3A_1027 = arith.constant 2 : i32
      %add3A_1028 = arith.addi %mul3A_1026, %add3A_1027 : i32
      %swap3A_1029 = arith.index_cast %add3A_1028 : i32 to index
      %swap3A_1030 = arith.constant 96 : index
      %swap3A_1031 = tpu.vector_load %arg16[%swap3A_1029, %swap3A_1030] {strides = array<i32>} : memref<128x128xf32, #tpu.memory_space<vmem>>, vector<1x16xf32>,
      %swap3A_1032 = vector.shape_cast %swap3A_1031 : vector<1x16xf32> to vector<16xf32>
      %swap3A_1033 = vector.shape_cast %add3A_1024 : vector<16xf32> to vector<1x16xf32>
      tpu.vector_store %arg16[%swap3A_1029, %swap3A_1030], %swap3A_1033 {strides = array<i32>} : memref<128x128xf32, #tpu.memory_space<vmem>>, vector<1x16xf32>,
      %get3A_1034 = arith.index_cast %scan3A_710 : i32 to index
      %get3A_1035 = arith.constant 112 : index
      %get3A_1036 = tpu.vector_load %arg17[%get3A_1034, %get3A_1035] {strides = array<i32>} : memref<128x128xf32, #tpu.memory_space<vmem>>, vector<1x16xf32>,
      %get3A_1037 = vector.shape_cast %get3A_1036 : vector<1x16xf32> to vector<16xf32>
      %add3A_1038 = arith.addf %get3A_1037, %add3A_266 : vector<16xf32>
      %mul3A_1039 = arith.constant 4 : i32
      %mul3A_1040 = arith.muli %scan3A_710, %mul3A_1039 : i32
      %add3A_1041 = arith.constant 2 : i32
      %add3A_1042 = arith.addi %mul3A_1040, %add3A_1041 : i32
      %swap3A_1043 = arith.index_cast %add3A_1042 : i32 to index
      %swap3A_1044 = arith.constant 112 : index
      %swap3A_1045 = tpu.vector_load %arg16[%swap3A_1043, %swap3A_1044] {strides = array<i32>} : memref<128x128xf32, #tpu.memory_space<vmem>>, vector<1x16xf32>,
      %swap3A_1046 = vector.shape_cast %swap3A_1045 : vector<1x16xf32> to vector<16xf32>
      %swap3A_1047 = vector.shape_cast %add3A_1038 : vector<16xf32> to vector<1x16xf32>
      tpu.vector_store %arg16[%swap3A_1043, %swap3A_1044], %swap3A_1047 {strides = array<i32>} : memref<128x128xf32, #tpu.memory_space<vmem>>, vector<1x16xf32>,
      %get3A_1048 = arith.index_cast %scan3A_710 : i32 to index
      %get3A_1049 = arith.constant 0 : index
      %get3A_1050 = tpu.vector_load %arg17[%get3A_1048, %get3A_1049] {strides = array<i32>} : memref<128x128xf32, #tpu.memory_space<vmem>>, vector<1x16xf32>,
      %get3A_1051 = vector.shape_cast %get3A_1050 : vector<1x16xf32> to vector<16xf32>
      %add3A_1052 = arith.addf %get3A_1051, %add3A_277 : vector<16xf32>
      %mul3A_1053 = arith.constant 4 : i32
      %mul3A_1054 = arith.muli %scan3A_710, %mul3A_1053 : i32
      %add3A_1055 = arith.constant 3 : i32
      %add3A_1056 = arith.addi %mul3A_1054, %add3A_1055 : i32
      %swap3A_1057 = arith.index_cast %add3A_1056 : i32 to index
      %swap3A_1058 = arith.constant 0 : index
      %swap3A_1059 = tpu.vector_load %arg16[%swap3A_1057, %swap3A_1058] {strides = array<i32>} : memref<128x128xf32, #tpu.memory_space<vmem>>, vector<1x16xf32>,
      %swap3A_1060 = vector.shape_cast %swap3A_1059 : vector<1x16xf32> to vector<16xf32>
      %swap3A_1061 = vector.shape_cast %add3A_1052 : vector<16xf32> to vector<1x16xf32>
      tpu.vector_store %arg16[%swap3A_1057, %swap3A_1058], %swap3A_1061 {strides = array<i32>} : memref<128x128xf32, #tpu.memory_space<vmem>>, vector<1x16xf32>,
      %get3A_1062 = arith.index_cast %scan3A_710 : i32 to index
      %get3A_1063 = arith.constant 16 : index
      %get3A_1064 = tpu.vector_load %arg17[%get3A_1062, %get3A_1063] {strides = array<i32>} : memref<128x128xf32, #tpu.memory_space<vmem>>, vector<1x16xf32>,
      %get3A_1065 = vector.shape_cast %get3A_1064 : vector<1x16xf32> to vector<16xf32>
      %add3A_1066 = arith.addf %get3A_1065, %add3A_288 : vector<16xf32>
      %mul3A_1067 = arith.constant 4 : i32
      %mul3A_1068 = arith.muli %scan3A_710, %mul3A_1067 : i32
      %add3A_1069 = arith.constant 3 : i32
      %add3A_1070 = arith.addi %mul3A_1068, %add3A_1069 : i32
      %swap3A_1071 = arith.index_cast %add3A_1070 : i32 to index
      %swap3A_1072 = arith.constant 16 : index
      %swap3A_1073 = tpu.vector_load %arg16[%swap3A_1071, %swap3A_1072] {strides = array<i32>} : memref<128x128xf32, #tpu.memory_space<vmem>>, vector<1x16xf32>,
      %swap3A_1074 = vector.shape_cast %swap3A_1073 : vector<1x16xf32> to vector<16xf32>
      %swap3A_1075 = vector.shape_cast %add3A_1066 : vector<16xf32> to vector<1x16xf32>
      tpu.vector_store %arg16[%swap3A_1071, %swap3A_1072], %swap3A_1075 {strides = array<i32>} : memref<128x128xf32, #tpu.memory_space<vmem>>, vector<1x16xf32>,
      %get3A_1076 = arith.index_cast %scan3A_710 : i32 to index
      %get3A_1077 = arith.constant 32 : index
      %get3A_1078 = tpu.vector_load %arg17[%get3A_1076, %get3A_1077] {strides = array<i32>} : memref<128x128xf32, #tpu.memory_space<vmem>>, vector<1x16xf32>,
      %get3A_1079 = vector.shape_cast %get3A_1078 : vector<1x16xf32> to vector<16xf32>
      %add3A_1080 = arith.addf %get3A_1079, %add3A_299 : vector<16xf32>
      %mul3A_1081 = arith.constant 4 : i32
      %mul3A_1082 = arith.muli %scan3A_710, %mul3A_1081 : i32
      %add3A_1083 = arith.constant 3 : i32
      %add3A_1084 = arith.addi %mul3A_1082, %add3A_1083 : i32
      %swap3A_1085 = arith.index_cast %add3A_1084 : i32 to index
      %swap3A_1086 = arith.constant 32 : index
      %swap3A_1087 = tpu.vector_load %arg16[%swap3A_1085, %swap3A_1086] {strides = array<i32>} : memref<128x128xf32, #tpu.memory_space<vmem>>, vector<1x16xf32>,
      %swap3A_1088 = vector.shape_cast %swap3A_1087 : vector<1x16xf32> to vector<16xf32>
      %swap3A_1089 = vector.shape_cast %add3A_1080 : vector<16xf32> to vector<1x16xf32>
      tpu.vector_store %arg16[%swap3A_1085, %swap3A_1086], %swap3A_1089 {strides = array<i32>} : memref<128x128xf32, #tpu.memory_space<vmem>>, vector<1x16xf32>,
      %get3A_1090 = arith.index_cast %scan3A_710 : i32 to index
      %get3A_1091 = arith.constant 48 : index
      %get3A_1092 = tpu.vector_load %arg17[%get3A_1090, %get3A_1091] {strides = array<i32>} : memref<128x128xf32, #tpu.memory_space<vmem>>, vector<1x16xf32>,
      %get3A_1093 = vector.shape_cast %get3A_1092 : vector<1x16xf32> to vector<16xf32>
      %add3A_1094 = arith.addf %get3A_1093, %add3A_310 : vector<16xf32>
      %mul3A_1095 = arith.constant 4 : i32
      %mul3A_1096 = arith.muli %scan3A_710, %mul3A_1095 : i32
      %add3A_1097 = arith.constant 3 : i32
      %add3A_1098 = arith.addi %mul3A_1096, %add3A_1097 : i32
      %swap3A_1099 = arith.index_cast %add3A_1098 : i32 to index
      %swap3A_1100 = arith.constant 48 : index
      %swap3A_1101 = tpu.vector_load %arg16[%swap3A_1099, %swap3A_1100] {strides = array<i32>} : memref<128x128xf32, #tpu.memory_space<vmem>>, vector<1x16xf32>,
      %swap3A_1102 = vector.shape_cast %swap3A_1101 : vector<1x16xf32> to vector<16xf32>
      %swap3A_1103 = vector.shape_cast %add3A_1094 : vector<16xf32> to vector<1x16xf32>
      tpu.vector_store %arg16[%swap3A_1099, %swap3A_1100], %swap3A_1103 {strides = array<i32>} : memref<128x128xf32, #tpu.memory_space<vmem>>, vector<1x16xf32>,
      %get3A_1104 = arith.index_cast %scan3A_710 : i32 to index
      %get3A_1105 = arith.constant 64 : index
      %get3A_1106 = tpu.vector_load %arg17[%get3A_1104, %get3A_1105] {strides = array<i32>} : memref<128x128xf32, #tpu.memory_space<vmem>>, vector<1x16xf32>,
      %get3A_1107 = vector.shape_cast %get3A_1106 : vector<1x16xf32> to vector<16xf32>
      %add3A_1108 = arith.addf %get3A_1107, %add3A_321 : vector<16xf32>
      %mul3A_1109 = arith.constant 4 : i32
      %mul3A_1110 = arith.muli %scan3A_710, %mul3A_1109 : i32
      %add3A_1111 = arith.constant 3 : i32
      %add3A_1112 = arith.addi %mul3A_1110, %add3A_1111 : i32
      %swap3A_1113 = arith.index_cast %add3A_1112 : i32 to index
      %swap3A_1114 = arith.constant 64 : index
      %swap3A_1115 = tpu.vector_load %arg16[%swap3A_1113, %swap3A_1114] {strides = array<i32>} : memref<128x128xf32, #tpu.memory_space<vmem>>, vector<1x16xf32>,
      %swap3A_1116 = vector.shape_cast %swap3A_1115 : vector<1x16xf32> to vector<16xf32>
      %swap3A_1117 = vector.shape_cast %add3A_1108 : vector<16xf32> to vector<1x16xf32>
      tpu.vector_store %arg16[%swap3A_1113, %swap3A_1114], %swap3A_1117 {strides = array<i32>} : memref<128x128xf32, #tpu.memory_space<vmem>>, vector<1x16xf32>,
      %get3A_1118 = arith.index_cast %scan3A_710 : i32 to index
      %get3A_1119 = arith.constant 80 : index
      %get3A_1120 = tpu.vector_load %arg17[%get3A_1118, %get3A_1119] {strides = array<i32>} : memref<128x128xf32, #tpu.memory_space<vmem>>, vector<1x16xf32>,
      %get3A_1121 = vector.shape_cast %get3A_1120 : vector<1x16xf32> to vector<16xf32>
      %add3A_1122 = arith.addf %get3A_1121, %add3A_332 : vector<16xf32>
      %mul3A_1123 = arith.constant 4 : i32
      %mul3A_1124 = arith.muli %scan3A_710, %mul3A_1123 : i32
      %add3A_1125 = arith.constant 3 : i32
      %add3A_1126 = arith.addi %mul3A_1124, %add3A_1125 : i32
      %swap3A_1127 = arith.index_cast %add3A_1126 : i32 to index
      %swap3A_1128 = arith.constant 80 : index
      %swap3A_1129 = tpu.vector_load %arg16[%swap3A_1127, %swap3A_1128] {strides = array<i32>} : memref<128x128xf32, #tpu.memory_space<vmem>>, vector<1x16xf32>,
      %swap3A_1130 = vector.shape_cast %swap3A_1129 : vector<1x16xf32> to vector<16xf32>
      %swap3A_1131 = vector.shape_cast %add3A_1122 : vector<16xf32> to vector<1x16xf32>
      tpu.vector_store %arg16[%swap3A_1127, %swap3A_1128], %swap3A_1131 {strides = array<i32>} : memref<128x128xf32, #tpu.memory_space<vmem>>, vector<1x16xf32>,
      %get3A_1132 = arith.index_cast %scan3A_710 : i32 to index
      %get3A_1133 = arith.constant 96 : index
      %get3A_1134 = tpu.vector_load %arg17[%get3A_1132, %get3A_1133] {strides = array<i32>} : memref<128x128xf32, #tpu.memory_space<vmem>>, vector<1x16xf32>,
      %get3A_1135 = vector.shape_cast %get3A_1134 : vector<1x16xf32> to vector<16xf32>
      %add3A_1136 = arith.addf %get3A_1135, %add3A_343 : vector<16xf32>
      %mul3A_1137 = arith.constant 4 : i32
      %mul3A_1138 = arith.muli %scan3A_710, %mul3A_1137 : i32
      %add3A_1139 = arith.constant 3 : i32
      %add3A_1140 = arith.addi %mul3A_1138, %add3A_1139 : i32
      %swap3A_1141 = arith.index_cast %add3A_1140 : i32 to index
      %swap3A_1142 = arith.constant 96 : index
      %swap3A_1143 = tpu.vector_load %arg16[%swap3A_1141, %swap3A_1142] {strides = array<i32>} : memref<128x128xf32, #tpu.memory_space<vmem>>, vector<1x16xf32>,
      %swap3A_1144 = vector.shape_cast %swap3A_1143 : vector<1x16xf32> to vector<16xf32>
      %swap3A_1145 = vector.shape_cast %add3A_1136 : vector<16xf32> to vector<1x16xf32>
      tpu.vector_store %arg16[%swap3A_1141, %swap3A_1142], %swap3A_1145 {strides = array<i32>} : memref<128x128xf32, #tpu.memory_space<vmem>>, vector<1x16xf32>,
      %get3A_1146 = arith.index_cast %scan3A_710 : i32 to index
      %get3A_1147 = arith.constant 112 : index
      %get3A_1148 = tpu.vector_load %arg17[%get3A_1146, %get3A_1147] {strides = array<i32>} : memref<128x128xf32, #tpu.memory_space<vmem>>, vector<1x16xf32>,
      %get3A_1149 = vector.shape_cast %get3A_1148 : vector<1x16xf32> to vector<16xf32>
      %add3A_1150 = arith.addf %get3A_1149, %add3A_354 : vector<16xf32>
      %mul3A_1151 = arith.constant 4 : i32
      %mul3A_1152 = arith.muli %scan3A_710, %mul3A_1151 : i32
      %add3A_1153 = arith.constant 3 : i32
      %add3A_1154 = arith.addi %mul3A_1152, %add3A_1153 : i32
      %swap3A_1155 = arith.index_cast %add3A_1154 : i32 to index
      %swap3A_1156 = arith.constant 112 : index
      %swap3A_1157 = tpu.vector_load %arg16[%swap3A_1155, %swap3A_1156] {strides = array<i32>} : memref<128x128xf32, #tpu.memory_space<vmem>>, vector<1x16xf32>,
      %swap3A_1158 = vector.shape_cast %swap3A_1157 : vector<1x16xf32> to vector<16xf32>
      %swap3A_1159 = vector.shape_cast %add3A_1150 : vector<16xf32> to vector<1x16xf32>
      tpu.vector_store %arg16[%swap3A_1155, %swap3A_1156], %swap3A_1159 {strides = array<i32>} : memref<128x128xf32, #tpu.memory_space<vmem>>, vector<1x16xf32>,
      %scan3A_1160 = arith.constant 0 : i32
      scf.yield %scan3A_1160 : i32
    }
    %scan3A_440 = arith.constant 32 : i32
    %mul3A_441 = arith.constant 4 : i32
    %mul3A_442 = arith.muli %arg1, %mul3A_441 : i32
    %mul3A_443 = arith.constant 32 : i32
    %mul3A_444 = arith.muli %mul3A_442, %mul3A_443 : i32
    "tpu.region"() ({
      %run_scoped3A_710 = tpu.sem_alloc : memref<!tpu.dma_semaphore, #tpu.memory_space<semaphore_mem>>
      %dma_start3A_711 = arith.constant 0 : i32
      %dma_start3A_712 = tpu.memref_slice %arg27[%mul3A_444, %dma_start3A_711] : memref<2048x128xf32, #tpu.memory_space<vmem_shared>> -> memref<128x128xf32, #tpu.memory_space<vmem_shared>>
      %dma_start3A_713 = arith.constant 0 : i32
      %dma_start3A_714 = tpu.memref_slice %arg27[%mul3A_444, %dma_start3A_713] : memref<2048x128xf32, #tpu.memory_space<vmem_shared>> -> memref<128x128xf32, #tpu.memory_space<vmem_shared>>
      tpu.enqueue_dma source(%arg16 : memref<128x128xf32, #tpu.memory_space<vmem>>) target(%dma_start3A_714 : memref<128x128xf32, #tpu.memory_space<vmem_shared>>) target_semaphore(%run_scoped3A_710 : memref<!tpu.dma_semaphore, #tpu.memory_space<semaphore_mem>>)
      %dma_wait3A_715 = arith.constant 0 : i32
      %dma_wait3A_716 = tpu.memref_slice %arg27[%mul3A_444, %dma_wait3A_715] : memref<2048x128xf32, #tpu.memory_space<vmem_shared>> -> memref<128x128xf32, #tpu.memory_space<vmem_shared>>
      %dma_wait3A_717 = arith.constant 0 : i32
      %dma_wait3A_718 = tpu.memref_slice %arg27[%mul3A_444, %dma_wait3A_717] : memref<2048x128xf32, #tpu.memory_space<vmem_shared>> -> memref<128x128xf32, #tpu.memory_space<vmem_shared>>
      tpu.wait_dma2 semaphore(%run_scoped3A_710 : memref<!tpu.dma_semaphore, #tpu.memory_space<semaphore_mem>>) src(%arg16 : memref<128x128xf32, #tpu.memory_space<vmem>>) dst(%dma_wait3A_718 : memref<128x128xf32, #tpu.memory_space<vmem_shared>>)
      tpu.yield
    }) : () -> ()
    %barrier3A = arith.constant 0 : index
    tpu.barrier barrier_id(%barrier3A)
    %iota3A = tpu.iota {dimensions = array<i32: 0>} : vector<16xi32>
    %mul3A_445 = arith.constant 32 : i32
    %mul3A_446 = arith.muli %add3A, %mul3A_445 : i32
    %add3A_447 = arith.constant 0 : i32
    %add3A_448 = arith.addi %mul3A_446, %add3A_447 : i32
    %dma_start3A = arith.constant 0 : i32
    %dma_start3A_449 = tpu.memref_slice %arg2[%add3A_448, %dma_start3A] : memref<1024x512xi32, #tpu.memory_space<hbm>> -> memref<1x128xi32, #tpu.memory_space<hbm>>
    %dma_start3A_450 = tpu.memref_squeeze %dma_start3A_449 : memref<1x128xi32, #tpu.memory_space<hbm>> -> memref<128xi32, #tpu.memory_space<hbm>>
    %dma_start3A_451 = arith.constant 0 : i32
    %dma_start3A_452 = tpu.memref_slice %arg2[%add3A_448, %dma_start3A_451] : memref<1024x512xi32, #tpu.memory_space<hbm>> -> memref<1x128xi32, #tpu.memory_space<hbm>>
    %dma_start3A_453 = tpu.memref_squeeze %dma_start3A_452 : memref<1x128xi32, #tpu.memory_space<hbm>> -> memref<128xi32, #tpu.memory_space<hbm>>
    tpu.enqueue_dma source(%dma_start3A_453 : memref<128xi32, #tpu.memory_space<hbm>>) target(%arg12 : memref<128xi32, #tpu.memory_space<vmem>>) target_semaphore(%arg31 : memref<!tpu.dma_semaphore, #tpu.memory_space<semaphore_mem>>)
    %dma_start3A_454 = arith.constant 0 : i32
    %dma_start3A_455 = tpu.memref_slice %arg3[%add3A_448, %dma_start3A_454] : memref<1024x512xi32, #tpu.memory_space<hbm>> -> memref<1x128xi32, #tpu.memory_space<hbm>>
    %dma_start3A_456 = tpu.memref_squeeze %dma_start3A_455 : memref<1x128xi32, #tpu.memory_space<hbm>> -> memref<128xi32, #tpu.memory_space<hbm>>
    %dma_start3A_457 = arith.constant 0 : i32
    %dma_start3A_458 = tpu.memref_slice %arg3[%add3A_448, %dma_start3A_457] : memref<1024x512xi32, #tpu.memory_space<hbm>> -> memref<1x128xi32, #tpu.memory_space<hbm>>
    %dma_start3A_459 = tpu.memref_squeeze %dma_start3A_458 : memref<1x128xi32, #tpu.memory_space<hbm>> -> memref<128xi32, #tpu.memory_space<hbm>>
    tpu.enqueue_dma source(%dma_start3A_459 : memref<128xi32, #tpu.memory_space<hbm>>) target(%arg14 : memref<128xi32, #tpu.memory_space<vmem>>) target_semaphore(%arg31 : memref<!tpu.dma_semaphore, #tpu.memory_space<semaphore_mem>>)
    %dma_start3A_460 = arith.constant 0 : i32
    %dma_start3A_461 = tpu.memref_slice %arg4[%add3A_448, %dma_start3A_460] : memref<1024x512xi32, #tpu.memory_space<hbm>> -> memref<1x128xi32, #tpu.memory_space<hbm>>
    %dma_start3A_462 = tpu.memref_squeeze %dma_start3A_461 : memref<1x128xi32, #tpu.memory_space<hbm>> -> memref<128xi32, #tpu.memory_space<hbm>>
    %dma_start3A_463 = arith.constant 0 : i32
    %dma_start3A_464 = tpu.memref_slice %arg4[%add3A_448, %dma_start3A_463] : memref<1024x512xi32, #tpu.memory_space<hbm>> -> memref<1x128xi32, #tpu.memory_space<hbm>>
    %dma_start3A_465 = tpu.memref_squeeze %dma_start3A_464 : memref<1x128xi32, #tpu.memory_space<hbm>> -> memref<128xi32, #tpu.memory_space<hbm>>
    tpu.enqueue_dma source(%dma_start3A_465 : memref<128xi32, #tpu.memory_space<hbm>>) target(%arg15 : memref<128xi32, #tpu.memory_space<vmem>>) target_semaphore(%arg31 : memref<!tpu.dma_semaphore, #tpu.memory_space<semaphore_mem>>)
    %dma_wait3A = arith.constant 0 : i32
    %dma_wait3A_466 = arith.constant 0 : i32
    %dma_wait3A_467 = tpu.memref_slice %arg2[%dma_wait3A, %dma_wait3A_466] : memref<1024x512xi32, #tpu.memory_space<hbm>> -> memref<1x128xi32, #tpu.memory_space<hbm>>
    %dma_wait3A_468 = tpu.memref_squeeze %dma_wait3A_467 : memref<1x128xi32, #tpu.memory_space<hbm>> -> memref<128xi32, #tpu.memory_space<hbm>>
    %dma_wait3A_469 = arith.constant 0 : i32
    %dma_wait3A_470 = tpu.memref_slice %arg2[%dma_wait3A, %dma_wait3A_469] : memref<1024x512xi32, #tpu.memory_space<hbm>> -> memref<1x128xi32, #tpu.memory_space<hbm>>
    %dma_wait3A_471 = tpu.memref_squeeze %dma_wait3A_470 : memref<1x128xi32, #tpu.memory_space<hbm>> -> memref<128xi32, #tpu.memory_space<hbm>>
    tpu.wait_dma2 semaphore(%arg31 : memref<!tpu.dma_semaphore, #tpu.memory_space<semaphore_mem>>) src(%dma_wait3A_471 : memref<128xi32, #tpu.memory_space<hbm>>) dst(%arg12 : memref<128xi32, #tpu.memory_space<vmem>>)
    %dma_wait3A_472 = arith.constant 0 : i32
    %dma_wait3A_473 = arith.constant 0 : i32
    %dma_wait3A_474 = tpu.memref_slice %arg3[%dma_wait3A_472, %dma_wait3A_473] : memref<1024x512xi32, #tpu.memory_space<hbm>> -> memref<1x128xi32, #tpu.memory_space<hbm>>
    %dma_wait3A_475 = tpu.memref_squeeze %dma_wait3A_474 : memref<1x128xi32, #tpu.memory_space<hbm>> -> memref<128xi32, #tpu.memory_space<hbm>>
    %dma_wait3A_476 = arith.constant 0 : i32
    %dma_wait3A_477 = tpu.memref_slice %arg3[%dma_wait3A_472, %dma_wait3A_476] : memref<1024x512xi32, #tpu.memory_space<hbm>> -> memref<1x128xi32, #tpu.memory_space<hbm>>
    %dma_wait3A_478 = tpu.memref_squeeze %dma_wait3A_477 : memref<1x128xi32, #tpu.memory_space<hbm>> -> memref<128xi32, #tpu.memory_space<hbm>>
    tpu.wait_dma2 semaphore(%arg31 : memref<!tpu.dma_semaphore, #tpu.memory_space<semaphore_mem>>) src(%dma_wait3A_478 : memref<128xi32, #tpu.memory_space<hbm>>) dst(%arg14 : memref<128xi32, #tpu.memory_space<vmem>>)
    %dma_wait3A_479 = arith.constant 0 : i32
    %dma_wait3A_480 = arith.constant 0 : i32
    %dma_wait3A_481 = tpu.memref_slice %arg4[%dma_wait3A_479, %dma_wait3A_480] : memref<1024x512xi32, #tpu.memory_space<hbm>> -> memref<1x128xi32, #tpu.memory_space<hbm>>
    %dma_wait3A_482 = tpu.memref_squeeze %dma_wait3A_481 : memref<1x128xi32, #tpu.memory_space<hbm>> -> memref<128xi32, #tpu.memory_space<hbm>>
    %dma_wait3A_483 = arith.constant 0 : i32
    %dma_wait3A_484 = tpu.memref_slice %arg4[%dma_wait3A_479, %dma_wait3A_483] : memref<1024x512xi32, #tpu.memory_space<hbm>> -> memref<1x128xi32, #tpu.memory_space<hbm>>
    %dma_wait3A_485 = tpu.memref_squeeze %dma_wait3A_484 : memref<1x128xi32, #tpu.memory_space<hbm>> -> memref<128xi32, #tpu.memory_space<hbm>>
    tpu.wait_dma2 semaphore(%arg31 : memref<!tpu.dma_semaphore, #tpu.memory_space<semaphore_mem>>) src(%dma_wait3A_485 : memref<128xi32, #tpu.memory_space<hbm>>) dst(%arg15 : memref<128xi32, #tpu.memory_space<vmem>>)
    %mul3A_486 = arith.constant 32 : i32
    %mul3A_487 = arith.muli %add3A, %mul3A_486 : i32
    %add3A_488 = arith.constant 0 : i32
    %add3A_489 = arith.addi %mul3A_487, %add3A_488 : i32
    %mul3A_490 = arith.constant 4 : i32
    %mul3A_491 = vector.broadcast %mul3A_490 : i32 to vector<16xi32>
    %mul3A_492 = arith.muli %mul3A_491, %iota3A : vector<16xi32>
    %add3A_493 = arith.constant 0 : i32
    %add3A_494 = vector.broadcast %add3A_493 : i32 to vector<16xi32>
    %add3A_495 = arith.addi %add3A_494, %mul3A_492 : vector<16xi32>
    %get3A_496 = arith.constant 0 : index
    %get3A_497 = tpu.vector_load %arg14[%get3A_496] {strides = array<i32>} : memref<128xi32, #tpu.memory_space<vmem>>, vector<16xi32>,
    %get3A_498 = vector.shape_cast %get3A_497 : vector<16xi32> to vector<16xi32>
    %mul3A_499 = arith.constant 2 : i32
    %mul3A_500 = vector.broadcast %mul3A_499 : i32 to vector<16xi32>
    %mul3A_501 = arith.muli %mul3A_500, %get3A_498 : vector<16xi32>
    %add3A_502 = arith.addi %add3A_495, %mul3A_501 : vector<16xi32>
    %get3A_503 = arith.constant 0 : index
    %get3A_504 = tpu.vector_load %arg15[%get3A_503] {strides = array<i32>} : memref<128xi32, #tpu.memory_space<vmem>>, vector<16xi32>,
    %get3A_505 = vector.shape_cast %get3A_504 : vector<16xi32> to vector<16xi32>
    %add3A_506 = arith.addi %add3A_502, %get3A_505 : vector<16xi32>
    %swap3A = arith.constant 0 : index
    %swap3A_507 = tpu.vector_load %arg13[%swap3A] {strides = array<i32>} : memref<128xi32, #tpu.memory_space<vmem>>, vector<16xi32>,
    %swap3A_508 = vector.shape_cast %swap3A_507 : vector<16xi32> to vector<16xi32>
    %swap3A_509 = vector.shape_cast %add3A_506 : vector<16xi32> to vector<16xi32>
    tpu.vector_store %arg13[%swap3A], %swap3A_509 {strides = array<i32>} : memref<128xi32, #tpu.memory_space<vmem>>, vector<16xi32>,
    %mul3A_510 = arith.constant 4 : i32
    %mul3A_511 = vector.broadcast %mul3A_510 : i32 to vector<16xi32>
    %mul3A_512 = arith.muli %mul3A_511, %iota3A : vector<16xi32>
    %add3A_513 = arith.constant 64 : i32
    %add3A_514 = vector.broadcast %add3A_513 : i32 to vector<16xi32>
    %add3A_515 = arith.addi %add3A_514, %mul3A_512 : vector<16xi32>
    %get3A_516 = arith.constant 16 : index
    %get3A_517 = tpu.vector_load %arg14[%get3A_516] {strides = array<i32>} : memref<128xi32, #tpu.memory_space<vmem>>, vector<16xi32>,
    %get3A_518 = vector.shape_cast %get3A_517 : vector<16xi32> to vector<16xi32>
    %mul3A_519 = arith.constant 2 : i32
    %mul3A_520 = vector.broadcast %mul3A_519 : i32 to vector<16xi32>
    %mul3A_521 = arith.muli %mul3A_520, %get3A_518 : vector<16xi32>
    %add3A_522 = arith.addi %add3A_515, %mul3A_521 : vector<16xi32>
    %get3A_523 = arith.constant 16 : index
    %get3A_524 = tpu.vector_load %arg15[%get3A_523] {strides = array<i32>} : memref<128xi32, #tpu.memory_space<vmem>>, vector<16xi32>,
    %get3A_525 = vector.shape_cast %get3A_524 : vector<16xi32> to vector<16xi32>
    %add3A_526 = arith.addi %add3A_522, %get3A_525 : vector<16xi32>
    %swap3A_527 = arith.constant 16 : index
    %swap3A_528 = tpu.vector_load %arg13[%swap3A_527] {strides = array<i32>} : memref<128xi32, #tpu.memory_space<vmem>>, vector<16xi32>,
    %swap3A_529 = vector.shape_cast %swap3A_528 : vector<16xi32> to vector<16xi32>
    %swap3A_530 = vector.shape_cast %add3A_526 : vector<16xi32> to vector<16xi32>
    tpu.vector_store %arg13[%swap3A_527], %swap3A_530 {strides = array<i32>} : memref<128xi32, #tpu.memory_space<vmem>>, vector<16xi32>,
    %mul3A_531 = arith.constant 4 : i32
    %mul3A_532 = vector.broadcast %mul3A_531 : i32 to vector<16xi32>
    %mul3A_533 = arith.muli %mul3A_532, %iota3A : vector<16xi32>
    %add3A_534 = arith.constant 128 : i32
    %add3A_535 = vector.broadcast %add3A_534 : i32 to vector<16xi32>
    %add3A_536 = arith.addi %add3A_535, %mul3A_533 : vector<16xi32>
    %get3A_537 = arith.constant 32 : index
    %get3A_538 = tpu.vector_load %arg14[%get3A_537] {strides = array<i32>} : memref<128xi32, #tpu.memory_space<vmem>>, vector<16xi32>,
    %get3A_539 = vector.shape_cast %get3A_538 : vector<16xi32> to vector<16xi32>
    %mul3A_540 = arith.constant 2 : i32
    %mul3A_541 = vector.broadcast %mul3A_540 : i32 to vector<16xi32>
    %mul3A_542 = arith.muli %mul3A_541, %get3A_539 : vector<16xi32>
    %add3A_543 = arith.addi %add3A_536, %mul3A_542 : vector<16xi32>
    %get3A_544 = arith.constant 32 : index
    %get3A_545 = tpu.vector_load %arg15[%get3A_544] {strides = array<i32>} : memref<128xi32, #tpu.memory_space<vmem>>, vector<16xi32>,
    %get3A_546 = vector.shape_cast %get3A_545 : vector<16xi32> to vector<16xi32>
    %add3A_547 = arith.addi %add3A_543, %get3A_546 : vector<16xi32>
    %swap3A_548 = arith.constant 32 : index
    %swap3A_549 = tpu.vector_load %arg13[%swap3A_548] {strides = array<i32>} : memref<128xi32, #tpu.memory_space<vmem>>, vector<16xi32>,
    %swap3A_550 = vector.shape_cast %swap3A_549 : vector<16xi32> to vector<16xi32>
    %swap3A_551 = vector.shape_cast %add3A_547 : vector<16xi32> to vector<16xi32>
    tpu.vector_store %arg13[%swap3A_548], %swap3A_551 {strides = array<i32>} : memref<128xi32, #tpu.memory_space<vmem>>, vector<16xi32>,
    %mul3A_552 = arith.constant 4 : i32
    %mul3A_553 = vector.broadcast %mul3A_552 : i32 to vector<16xi32>
    %mul3A_554 = arith.muli %mul3A_553, %iota3A : vector<16xi32>
    %add3A_555 = arith.constant 192 : i32
    %add3A_556 = vector.broadcast %add3A_555 : i32 to vector<16xi32>
    %add3A_557 = arith.addi %add3A_556, %mul3A_554 : vector<16xi32>
    %get3A_558 = arith.constant 48 : index
    %get3A_559 = tpu.vector_load %arg14[%get3A_558] {strides = array<i32>} : memref<128xi32, #tpu.memory_space<vmem>>, vector<16xi32>,
    %get3A_560 = vector.shape_cast %get3A_559 : vector<16xi32> to vector<16xi32>
    %mul3A_561 = arith.constant 2 : i32
    %mul3A_562 = vector.broadcast %mul3A_561 : i32 to vector<16xi32>
    %mul3A_563 = arith.muli %mul3A_562, %get3A_560 : vector<16xi32>
    %add3A_564 = arith.addi %add3A_557, %mul3A_563 : vector<16xi32>
    %get3A_565 = arith.constant 48 : index
    %get3A_566 = tpu.vector_load %arg15[%get3A_565] {strides = array<i32>} : memref<128xi32, #tpu.memory_space<vmem>>, vector<16xi32>,
    %get3A_567 = vector.shape_cast %get3A_566 : vector<16xi32> to vector<16xi32>
    %add3A_568 = arith.addi %add3A_564, %get3A_567 : vector<16xi32>
    %swap3A_569 = arith.constant 48 : index
    %swap3A_570 = tpu.vector_load %arg13[%swap3A_569] {strides = array<i32>} : memref<128xi32, #tpu.memory_space<vmem>>, vector<16xi32>,
    %swap3A_571 = vector.shape_cast %swap3A_570 : vector<16xi32> to vector<16xi32>
    %swap3A_572 = vector.shape_cast %add3A_568 : vector<16xi32> to vector<16xi32>
    tpu.vector_store %arg13[%swap3A_569], %swap3A_572 {strides = array<i32>} : memref<128xi32, #tpu.memory_space<vmem>>, vector<16xi32>,
    %mul3A_573 = arith.constant 4 : i32
    %mul3A_574 = vector.broadcast %mul3A_573 : i32 to vector<16xi32>
    %mul3A_575 = arith.muli %mul3A_574, %iota3A : vector<16xi32>
    %add3A_576 = arith.constant 256 : i32
    %add3A_577 = vector.broadcast %add3A_576 : i32 to vector<16xi32>
    %add3A_578 = arith.addi %add3A_577, %mul3A_575 : vector<16xi32>
    %get3A_579 = arith.constant 64 : index
    %get3A_580 = tpu.vector_load %arg14[%get3A_579] {strides = array<i32>} : memref<128xi32, #tpu.memory_space<vmem>>, vector<16xi32>,
    %get3A_581 = vector.shape_cast %get3A_580 : vector<16xi32> to vector<16xi32>
    %mul3A_582 = arith.constant 2 : i32
    %mul3A_583 = vector.broadcast %mul3A_582 : i32 to vector<16xi32>
    %mul3A_584 = arith.muli %mul3A_583, %get3A_581 : vector<16xi32>
    %add3A_585 = arith.addi %add3A_578, %mul3A_584 : vector<16xi32>
    %get3A_586 = arith.constant 64 : index
    %get3A_587 = tpu.vector_load %arg15[%get3A_586] {strides = array<i32>} : memref<128xi32, #tpu.memory_space<vmem>>, vector<16xi32>,
    %get3A_588 = vector.shape_cast %get3A_587 : vector<16xi32> to vector<16xi32>
    %add3A_589 = arith.addi %add3A_585, %get3A_588 : vector<16xi32>
    %swap3A_590 = arith.constant 64 : index
    %swap3A_591 = tpu.vector_load %arg13[%swap3A_590] {strides = array<i32>} : memref<128xi32, #tpu.memory_space<vmem>>, vector<16xi32>,
    %swap3A_592 = vector.shape_cast %swap3A_591 : vector<16xi32> to vector<16xi32>
    %swap3A_593 = vector.shape_cast %add3A_589 : vector<16xi32> to vector<16xi32>
    tpu.vector_store %arg13[%swap3A_590], %swap3A_593 {strides = array<i32>} : memref<128xi32, #tpu.memory_space<vmem>>, vector<16xi32>,
    %mul3A_594 = arith.constant 4 : i32
    %mul3A_595 = vector.broadcast %mul3A_594 : i32 to vector<16xi32>
    %mul3A_596 = arith.muli %mul3A_595, %iota3A : vector<16xi32>
    %add3A_597 = arith.constant 320 : i32
    %add3A_598 = vector.broadcast %add3A_597 : i32 to vector<16xi32>
    %add3A_599 = arith.addi %add3A_598, %mul3A_596 : vector<16xi32>
    %get3A_600 = arith.constant 80 : index
    %get3A_601 = tpu.vector_load %arg14[%get3A_600] {strides = array<i32>} : memref<128xi32, #tpu.memory_space<vmem>>, vector<16xi32>,
    %get3A_602 = vector.shape_cast %get3A_601 : vector<16xi32> to vector<16xi32>
    %mul3A_603 = arith.constant 2 : i32
    %mul3A_604 = vector.broadcast %mul3A_603 : i32 to vector<16xi32>
    %mul3A_605 = arith.muli %mul3A_604, %get3A_602 : vector<16xi32>
    %add3A_606 = arith.addi %add3A_599, %mul3A_605 : vector<16xi32>
    %get3A_607 = arith.constant 80 : index
    %get3A_608 = tpu.vector_load %arg15[%get3A_607] {strides = array<i32>} : memref<128xi32, #tpu.memory_space<vmem>>, vector<16xi32>,
    %get3A_609 = vector.shape_cast %get3A_608 : vector<16xi32> to vector<16xi32>
    %add3A_610 = arith.addi %add3A_606, %get3A_609 : vector<16xi32>
    %swap3A_611 = arith.constant 80 : index
    %swap3A_612 = tpu.vector_load %arg13[%swap3A_611] {strides = array<i32>} : memref<128xi32, #tpu.memory_space<vmem>>, vector<16xi32>,
    %swap3A_613 = vector.shape_cast %swap3A_612 : vector<16xi32> to vector<16xi32>
    %swap3A_614 = vector.shape_cast %add3A_610 : vector<16xi32> to vector<16xi32>
    tpu.vector_store %arg13[%swap3A_611], %swap3A_614 {strides = array<i32>} : memref<128xi32, #tpu.memory_space<vmem>>, vector<16xi32>,
    %mul3A_615 = arith.constant 4 : i32
    %mul3A_616 = vector.broadcast %mul3A_615 : i32 to vector<16xi32>
    %mul3A_617 = arith.muli %mul3A_616, %iota3A : vector<16xi32>
    %add3A_618 = arith.constant 384 : i32
    %add3A_619 = vector.broadcast %add3A_618 : i32 to vector<16xi32>
    %add3A_620 = arith.addi %add3A_619, %mul3A_617 : vector<16xi32>
    %get3A_621 = arith.constant 96 : index
    %get3A_622 = tpu.vector_load %arg14[%get3A_621] {strides = array<i32>} : memref<128xi32, #tpu.memory_space<vmem>>, vector<16xi32>,
    %get3A_623 = vector.shape_cast %get3A_622 : vector<16xi32> to vector<16xi32>
    %mul3A_624 = arith.constant 2 : i32
    %mul3A_625 = vector.broadcast %mul3A_624 : i32 to vector<16xi32>
    %mul3A_626 = arith.muli %mul3A_625, %get3A_623 : vector<16xi32>
    %add3A_627 = arith.addi %add3A_620, %mul3A_626 : vector<16xi32>
    %get3A_628 = arith.constant 96 : index
    %get3A_629 = tpu.vector_load %arg15[%get3A_628] {strides = array<i32>} : memref<128xi32, #tpu.memory_space<vmem>>, vector<16xi32>,
    %get3A_630 = vector.shape_cast %get3A_629 : vector<16xi32> to vector<16xi32>
    %add3A_631 = arith.addi %add3A_627, %get3A_630 : vector<16xi32>
    %swap3A_632 = arith.constant 96 : index
    %swap3A_633 = tpu.vector_load %arg13[%swap3A_632] {strides = array<i32>} : memref<128xi32, #tpu.memory_space<vmem>>, vector<16xi32>,
    %swap3A_634 = vector.shape_cast %swap3A_633 : vector<16xi32> to vector<16xi32>
    %swap3A_635 = vector.shape_cast %add3A_631 : vector<16xi32> to vector<16xi32>
    tpu.vector_store %arg13[%swap3A_632], %swap3A_635 {strides = array<i32>} : memref<128xi32, #tpu.memory_space<vmem>>, vector<16xi32>,
    %mul3A_636 = arith.constant 4 : i32
    %mul3A_637 = vector.broadcast %mul3A_636 : i32 to vector<16xi32>
    %mul3A_638 = arith.muli %mul3A_637, %iota3A : vector<16xi32>
    %add3A_639 = arith.constant 448 : i32
    %add3A_640 = vector.broadcast %add3A_639 : i32 to vector<16xi32>
    %add3A_641 = arith.addi %add3A_640, %mul3A_638 : vector<16xi32>
    %get3A_642 = arith.constant 112 : index
    %get3A_643 = tpu.vector_load %arg14[%get3A_642] {strides = array<i32>} : memref<128xi32, #tpu.memory_space<vmem>>, vector<16xi32>,
    %get3A_644 = vector.shape_cast %get3A_643 : vector<16xi32> to vector<16xi32>
    %mul3A_645 = arith.constant 2 : i32
    %mul3A_646 = vector.broadcast %mul3A_645 : i32 to vector<16xi32>
    %mul3A_647 = arith.muli %mul3A_646, %get3A_644 : vector<16xi32>
    %add3A_648 = arith.addi %add3A_641, %mul3A_647 : vector<16xi32>
    %get3A_649 = arith.constant 112 : index
    %get3A_650 = tpu.vector_load %arg15[%get3A_649] {strides = array<i32>} : memref<128xi32, #tpu.memory_space<vmem>>, vector<16xi32>,
    %get3A_651 = vector.shape_cast %get3A_650 : vector<16xi32> to vector<16xi32>
    %add3A_652 = arith.addi %add3A_648, %get3A_651 : vector<16xi32>
    %swap3A_653 = arith.constant 112 : index
    %swap3A_654 = tpu.vector_load %arg13[%swap3A_653] {strides = array<i32>} : memref<128xi32, #tpu.memory_space<vmem>>, vector<16xi32>,
    %swap3A_655 = vector.shape_cast %swap3A_654 : vector<16xi32> to vector<16xi32>
    %swap3A_656 = vector.shape_cast %add3A_652 : vector<16xi32> to vector<16xi32>
    tpu.vector_store %arg13[%swap3A_653], %swap3A_656 {strides = array<i32>} : memref<128xi32, #tpu.memory_space<vmem>>, vector<16xi32>,
    %dma_start3A_657 = arith.constant 0 : i32
    %dma_start3A_658 = arith.constant 0 : i32
    %dma_start3A_659 = tpu.memref_slice %arg5[%dma_start3A_657, %dma_start3A_658] : memref<100000x128xf32, #tpu.memory_space<hbm>> -> memref<100000x128xf32, #tpu.memory_space<hbm>>
    tpu.enqueue_indirect_dma source(%dma_start3A_659 : memref<100000x128xf32, #tpu.memory_space<hbm>>) target(%arg16 : memref<128x128xf32, #tpu.memory_space<vmem>>) offsets(%arg12 : memref<128xi32, #tpu.memory_space<vmem>>) semaphore(%arg28 : memref<!tpu.dma_semaphore, #tpu.memory_space<semaphore_mem>>)
    %dma_start3A_660 = arith.constant 0 : i32
    %dma_start3A_661 = arith.constant 0 : i32
    %dma_start3A_662 = tpu.memref_slice %arg27[%dma_start3A_660, %dma_start3A_661] : memref<2048x128xf32, #tpu.memory_space<vmem_shared>> -> memref<2048x128xf32, #tpu.memory_space<vmem_shared>>
    tpu.enqueue_indirect_dma source(%dma_start3A_662 : memref<2048x128xf32, #tpu.memory_space<vmem_shared>>) target(%arg17 : memref<128x128xf32, #tpu.memory_space<vmem>>) offsets(%arg13 : memref<128xi32, #tpu.memory_space<vmem>>) semaphore(%arg29 : memref<!tpu.dma_semaphore, #tpu.memory_space<semaphore_mem>>)
    %mul3A_663 = arith.constant 32 : i32
    %mul3A_664 = arith.muli %add3A, %mul3A_663 : i32
    %add3A_665 = arith.constant 0 : i32
    %add3A_666 = arith.addi %mul3A_664, %add3A_665 : i32
    %dma_start3A_667 = arith.constant 128 : i32
    %dma_start3A_668 = tpu.memref_slice %arg2[%add3A_666, %dma_start3A_667] : memref<1024x512xi32, #tpu.memory_space<hbm>> -> memref<1x128xi32, #tpu.memory_space<hbm>>
    %dma_start3A_669 = tpu.memref_squeeze %dma_start3A_668 : memref<1x128xi32, #tpu.memory_space<hbm>> -> memref<128xi32, #tpu.memory_space<hbm>>
    %dma_start3A_670 = arith.constant 128 : i32
    %dma_start3A_671 = tpu.memref_slice %arg2[%add3A_666, %dma_start3A_670] : memref<1024x512xi32, #tpu.memory_space<hbm>> -> memref<1x128xi32, #tpu.memory_space<hbm>>
    %dma_start3A_672 = tpu.memref_squeeze %dma_start3A_671 : memref<1x128xi32, #tpu.memory_space<hbm>> -> memref<128xi32, #tpu.memory_space<hbm>>
    tpu.enqueue_dma source(%dma_start3A_672 : memref<128xi32, #tpu.memory_space<hbm>>) target(%arg19 : memref<128xi32, #tpu.memory_space<vmem>>) target_semaphore(%arg35 : memref<!tpu.dma_semaphore, #tpu.memory_space<semaphore_mem>>)
    %dma_start3A_673 = arith.constant 128 : i32
    %dma_start3A_674 = tpu.memref_slice %arg3[%add3A_666, %dma_start3A_673] : memref<1024x512xi32, #tpu.memory_space<hbm>> -> memref<1x128xi32, #tpu.memory_space<hbm>>
    %dma_start3A_675 = tpu.memref_squeeze %dma_start3A_674 : memref<1x128xi32, #tpu.memory_space<hbm>> -> memref<128xi32, #tpu.memory_space<hbm>>
    %dma_start3A_676 = arith.constant 128 : i32
    %dma_start3A_677 = tpu.memref_slice %arg3[%add3A_666, %dma_start3A_676] : memref<1024x512xi32, #tpu.memory_space<hbm>> -> memref<1x128xi32, #tpu.memory_space<hbm>>
    %dma_start3A_678 = tpu.memref_squeeze %dma_start3A_677 : memref<1x128xi32, #tpu.memory_space<hbm>> -> memref<128xi32, #tpu.memory_space<hbm>>
    tpu.enqueue_dma source(%dma_start3A_678 : memref<128xi32, #tpu.memory_space<hbm>>) target(%arg21 : memref<128xi32, #tpu.memory_space<vmem>>) target_semaphore(%arg35 : memref<!tpu.dma_semaphore, #tpu.memory_space<semaphore_mem>>)
    %dma_start3A_679 = arith.constant 128 : i32
    %dma_start3A_680 = tpu.memref_slice %arg4[%add3A_666, %dma_start3A_679] : memref<1024x512xi32, #tpu.memory_space<hbm>> -> memref<1x128xi32, #tpu.memory_space<hbm>>
    %dma_start3A_681 = tpu.memref_squeeze %dma_start3A_680 : memref<1x128xi32, #tpu.memory_space<hbm>> -> memref<128xi32, #tpu.memory_space<hbm>>
    %dma_start3A_682 = arith.constant 128 : i32
    %dma_start3A_683 = tpu.memref_slice %arg4[%add3A_666, %dma_start3A_682] : memref<1024x512xi32, #tpu.memory_space<hbm>> -> memref<1x128xi32, #tpu.memory_space<hbm>>
    %dma_start3A_684 = tpu.memref_squeeze %dma_start3A_683 : memref<1x128xi32, #tpu.memory_space<hbm>> -> memref<128xi32, #tpu.memory_space<hbm>>
    tpu.enqueue_dma source(%dma_start3A_684 : memref<128xi32, #tpu.memory_space<hbm>>) target(%arg22 : memref<128xi32, #tpu.memory_space<vmem>>) target_semaphore(%arg35 : memref<!tpu.dma_semaphore, #tpu.memory_space<semaphore_mem>>)
    %scan3A_685 = arith.constant 0 : i32
    %scan3A_686 = arith.constant 0 : i32
    %scan3A_687 = arith.constant 64 : i32
    %scan3A_688 = arith.addi %scan3A_686, %scan3A_687 : i32
    %scan3A_689 = arith.constant 1 : i32
    %scan3A_690 = scf.for %scan3A_710 = %scan3A_686 to %scan3A_688 step %scan3A_689 iter_args(%scan3A_711 = %scan3A_685) -> (i32)  : i32 {
      %mul3A_712 = arith.constant 2 : i32
      %mul3A_713 = arith.muli %scan3A_710, %mul3A_712 : i32
      %add3A_714 = arith.constant 0 : i32
      %add3A_715 = arith.addi %mul3A_713, %add3A_714 : i32
      %lt3A = arith.constant 127 : i32
      %lt3A_716 = arith.cmpi slt, %add3A_715, %lt3A : i32
      %convert_element_type3A = arith.extui %lt3A_716 : i1 to i32
      %cond3A = arith.constant 0 : i32
      %cond3A_717 = arith.cmpi ne, %convert_element_type3A, %cond3A : i32
      scf.if %cond3A_717 {
        %dma_wait3A_866 = arith.constant 0 : i32
        %dma_wait3A_867 = arith.constant 0 : i32
        %dma_wait3A_868 = tpu.memref_slice %arg2[%dma_wait3A_866, %dma_wait3A_867] : memref<1024x512xi32, #tpu.memory_space<hbm>> -> memref<1x128xi32, #tpu.memory_space<hbm>>
        %dma_wait3A_869 = tpu.memref_squeeze %dma_wait3A_868 : memref<1x128xi32, #tpu.memory_space<hbm>> -> memref<128xi32, #tpu.memory_space<hbm>>
        %dma_wait3A_870 = arith.constant 0 : i32
        %dma_wait3A_871 = tpu.memref_slice %arg2[%dma_wait3A_866, %dma_wait3A_870] : memref<1024x512xi32, #tpu.memory_space<hbm>> -> memref<1x128xi32, #tpu.memory_space<hbm>>
        %dma_wait3A_872 = tpu.memref_squeeze %dma_wait3A_871 : memref<1x128xi32, #tpu.memory_space<hbm>> -> memref<128xi32, #tpu.memory_space<hbm>>
        tpu.wait_dma2 semaphore(%arg35 : memref<!tpu.dma_semaphore, #tpu.memory_space<semaphore_mem>>) src(%dma_wait3A_872 : memref<128xi32, #tpu.memory_space<hbm>>) dst(%arg19 : memref<128xi32, #tpu.memory_space<vmem>>)
        %dma_wait3A_873 = arith.constant 0 : i32
        %dma_wait3A_874 = arith.constant 0 : i32
        %dma_wait3A_875 = tpu.memref_slice %arg3[%dma_wait3A_873, %dma_wait3A_874] : memref<1024x512xi32, #tpu.memory_space<hbm>> -> memref<1x128xi32, #tpu.memory_space<hbm>>
        %dma_wait3A_876 = tpu.memref_squeeze %dma_wait3A_875 : memref<1x128xi32, #tpu.memory_space<hbm>> -> memref<128xi32, #tpu.memory_space<hbm>>
        %dma_wait3A_877 = arith.constant 0 : i32
        %dma_wait3A_878 = tpu.memref_slice %arg3[%dma_wait3A_873, %dma_wait3A_877] : memref<1024x512xi32, #tpu.memory_space<hbm>> -> memref<1x128xi32, #tpu.memory_space<hbm>>
        %dma_wait3A_879 = tpu.memref_squeeze %dma_wait3A_878 : memref<1x128xi32, #tpu.memory_space<hbm>> -> memref<128xi32, #tpu.memory_space<hbm>>
        tpu.wait_dma2 semaphore(%arg35 : memref<!tpu.dma_semaphore, #tpu.memory_space<semaphore_mem>>) src(%dma_wait3A_879 : memref<128xi32, #tpu.memory_space<hbm>>) dst(%arg21 : memref<128xi32, #tpu.memory_space<vmem>>)
        %dma_wait3A_880 = arith.constant 0 : i32
        %dma_wait3A_881 = arith.constant 0 : i32
        %dma_wait3A_882 = tpu.memref_slice %arg4[%dma_wait3A_880, %dma_wait3A_881] : memref<1024x512xi32, #tpu.memory_space<hbm>> -> memref<1x128xi32, #tpu.memory_space<hbm>>
        %dma_wait3A_883 = tpu.memref_squeeze %dma_wait3A_882 : memref<1x128xi32, #tpu.memory_space<hbm>> -> memref<128xi32, #tpu.memory_space<hbm>>
        %dma_wait3A_884 = arith.constant 0 : i32
        %dma_wait3A_885 = tpu.memref_slice %arg4[%dma_wait3A_880, %dma_wait3A_884] : memref<1024x512xi32, #tpu.memory_space<hbm>> -> memref<1x128xi32, #tpu.memory_space<hbm>>
        %dma_wait3A_886 = tpu.memref_squeeze %dma_wait3A_885 : memref<1x128xi32, #tpu.memory_space<hbm>> -> memref<128xi32, #tpu.memory_space<hbm>>
        tpu.wait_dma2 semaphore(%arg35 : memref<!tpu.dma_semaphore, #tpu.memory_space<semaphore_mem>>) src(%dma_wait3A_886 : memref<128xi32, #tpu.memory_space<hbm>>) dst(%arg22 : memref<128xi32, #tpu.memory_space<vmem>>)
        %add3A_887 = arith.constant 1 : i32
        %add3A_888 = arith.addi %add3A_715, %add3A_887 : i32
        %mul3A_889 = arith.constant 32 : i32
        %mul3A_890 = arith.muli %add3A, %mul3A_889 : i32
        %jit3A_891 = arith.constant 4 : i32
        %div3A_892 = arith.divsi %add3A_888, %jit3A_891 : i32
        %sign3A_893 = arith.constant 0 : i32
        %sign3A_894 = arith.cmpi sgt, %add3A_888, %sign3A_893 : i32
        %sign3A_895 = arith.extui %sign3A_894 : i1 to i32
        %sign3A_896 = arith.constant 0 : i32
        %sign3A_897 = arith.cmpi slt, %add3A_888, %sign3A_896 : i32
        %sign3A_898 = arith.extui %sign3A_897 : i1 to i32
        %sign3A_899 = arith.subi %sign3A_895, %sign3A_898 : i32
        %sign3A_900 = arith.constant 0 : i32
        %sign3A_901 = arith.cmpi sgt, %jit3A_891, %sign3A_900 : i32
        %sign3A_902 = arith.extui %sign3A_901 : i1 to i32
        %sign3A_903 = arith.constant 0 : i32
        %sign3A_904 = arith.cmpi slt, %jit3A_891, %sign3A_903 : i32
        %sign3A_905 = arith.extui %sign3A_904 : i1 to i32
        %sign3A_906 = arith.subi %sign3A_902, %sign3A_905 : i32
        %ne3A_907 = arith.cmpi ne, %sign3A_899, %sign3A_906 : i32
        %rem3A_908 = arith.remsi %add3A_888, %jit3A_891 : i32
        %ne3A_909 = arith.constant 0 : i32
        %ne3A_910 = arith.cmpi ne, %rem3A_908, %ne3A_909 : i32
        %and3A_911 = arith.andi %ne3A_907, %ne3A_910 : i1
        %sub3A_912 = arith.constant 1 : i32
        %sub3A_913 = arith.subi %div3A_892, %sub3A_912 : i32
        %select_n3A_914 = arith.select %and3A_911, %sub3A_913, %div3A_892 : i32
        %add3A_915 = arith.addi %mul3A_890, %select_n3A_914 : i32
        %jit3A_916 = arith.constant 4 : i32
        %eq3A_917 = arith.constant 0 : i32
        %eq3A_918 = arith.cmpi eq, %jit3A_916, %eq3A_917 : i32
        %jit3A_919 = arith.constant 1 : i32
        %select_n3A_920 = arith.select %eq3A_918, %jit3A_919, %jit3A_916 : i32
        %rem3A_921 = arith.remsi %add3A_888, %select_n3A_920 : i32
        %ne3A_922 = arith.constant 0 : i32
        %ne3A_923 = arith.cmpi ne, %rem3A_921, %ne3A_922 : i32
        %lt3A_924 = arith.constant 0 : i32
        %lt3A_925 = arith.cmpi slt, %rem3A_921, %lt3A_924 : i32
        %lt3A_926 = arith.constant 0 : i32
        %lt3A_927 = arith.cmpi slt, %select_n3A_920, %lt3A_926 : i32
        %ne3A_928 = arith.xori %lt3A_925, %lt3A_927 : i1
        %and3A_929 = arith.andi %ne3A_928, %ne3A_923 : i1
        %add3A_930 = arith.addi %rem3A_921, %select_n3A_920 : i32
        %select_n3A_931 = arith.select %and3A_929, %add3A_930, %rem3A_921 : i32
        %mul3A_932 = arith.constant 128 : i32
        %mul3A_933 = arith.muli %select_n3A_931, %mul3A_932 : i32
        %add3A_934 = arith.constant 0 : i32
        %add3A_935 = arith.addi %mul3A_933, %add3A_934 : i32
        %mul3A_936 = arith.constant 4 : i32
        %mul3A_937 = arith.muli %mul3A_936, %add3A_935 : i32
        %mul3A_938 = arith.constant 4 : i32
        %mul3A_939 = vector.broadcast %mul3A_938 : i32 to vector<16xi32>
        %mul3A_940 = arith.muli %mul3A_939, %iota3A : vector<16xi32>
        %add3A_941 = vector.broadcast %mul3A_937 : i32 to vector<16xi32>
        %add3A_942 = arith.addi %add3A_941, %mul3A_940 : vector<16xi32>
        %get3A_943 = arith.constant 0 : index
        %get3A_944 = tpu.vector_load %arg21[%get3A_943] {strides = array<i32>} : memref<128xi32, #tpu.memory_space<vmem>>, vector<16xi32>,
        %get3A_945 = vector.shape_cast %get3A_944 : vector<16xi32> to vector<16xi32>
        %mul3A_946 = arith.constant 2 : i32
        %mul3A_947 = vector.broadcast %mul3A_946 : i32 to vector<16xi32>
        %mul3A_948 = arith.muli %mul3A_947, %get3A_945 : vector<16xi32>
        %add3A_949 = arith.addi %add3A_942, %mul3A_948 : vector<16xi32>
        %get3A_950 = arith.constant 0 : index
        %get3A_951 = tpu.vector_load %arg22[%get3A_950] {strides = array<i32>} : memref<128xi32, #tpu.memory_space<vmem>>, vector<16xi32>,
        %get3A_952 = vector.shape_cast %get3A_951 : vector<16xi32> to vector<16xi32>
        %add3A_953 = arith.addi %add3A_949, %get3A_952 : vector<16xi32>
        %swap3A_954 = arith.constant 0 : index
        %swap3A_955 = tpu.vector_load %arg20[%swap3A_954] {strides = array<i32>} : memref<128xi32, #tpu.memory_space<vmem>>, vector<16xi32>,
        %swap3A_956 = vector.shape_cast %swap3A_955 : vector<16xi32> to vector<16xi32>
        %swap3A_957 = vector.shape_cast %add3A_953 : vector<16xi32> to vector<16xi32>
        tpu.vector_store %arg20[%swap3A_954], %swap3A_957 {strides = array<i32>} : memref<128xi32, #tpu.memory_space<vmem>>, vector<16xi32>,
        %add3A_958 = arith.constant 16 : i32
        %add3A_959 = arith.addi %mul3A_933, %add3A_958 : i32
        %mul3A_960 = arith.constant 4 : i32
        %mul3A_961 = arith.muli %mul3A_960, %add3A_959 : i32
        %mul3A_962 = arith.constant 4 : i32
        %mul3A_963 = vector.broadcast %mul3A_962 : i32 to vector<16xi32>
        %mul3A_964 = arith.muli %mul3A_963, %iota3A : vector<16xi32>
        %add3A_965 = vector.broadcast %mul3A_961 : i32 to vector<16xi32>
        %add3A_966 = arith.addi %add3A_965, %mul3A_964 : vector<16xi32>
        %get3A_967 = arith.constant 16 : index
        %get3A_968 = tpu.vector_load %arg21[%get3A_967] {strides = array<i32>} : memref<128xi32, #tpu.memory_space<vmem>>, vector<16xi32>,
        %get3A_969 = vector.shape_cast %get3A_968 : vector<16xi32> to vector<16xi32>
        %mul3A_970 = arith.constant 2 : i32
        %mul3A_971 = vector.broadcast %mul3A_970 : i32 to vector<16xi32>
        %mul3A_972 = arith.muli %mul3A_971, %get3A_969 : vector<16xi32>
        %add3A_973 = arith.addi %add3A_966, %mul3A_972 : vector<16xi32>
        %get3A_974 = arith.constant 16 : index
        %get3A_975 = tpu.vector_load %arg22[%get3A_974] {strides = array<i32>} : memref<128xi32, #tpu.memory_space<vmem>>, vector<16xi32>,
        %get3A_976 = vector.shape_cast %get3A_975 : vector<16xi32> to vector<16xi32>
        %add3A_977 = arith.addi %add3A_973, %get3A_976 : vector<16xi32>
        %swap3A_978 = arith.constant 16 : index
        %swap3A_979 = tpu.vector_load %arg20[%swap3A_978] {strides = array<i32>} : memref<128xi32, #tpu.memory_space<vmem>>, vector<16xi32>,
        %swap3A_980 = vector.shape_cast %swap3A_979 : vector<16xi32> to vector<16xi32>
        %swap3A_981 = vector.shape_cast %add3A_977 : vector<16xi32> to vector<16xi32>
        tpu.vector_store %arg20[%swap3A_978], %swap3A_981 {strides = array<i32>} : memref<128xi32, #tpu.memory_space<vmem>>, vector<16xi32>,
        %add3A_982 = arith.constant 32 : i32
        %add3A_983 = arith.addi %mul3A_933, %add3A_982 : i32
        %mul3A_984 = arith.constant 4 : i32
        %mul3A_985 = arith.muli %mul3A_984, %add3A_983 : i32
        %mul3A_986 = arith.constant 4 : i32
        %mul3A_987 = vector.broadcast %mul3A_986 : i32 to vector<16xi32>
        %mul3A_988 = arith.muli %mul3A_987, %iota3A : vector<16xi32>
        %add3A_989 = vector.broadcast %mul3A_985 : i32 to vector<16xi32>
        %add3A_990 = arith.addi %add3A_989, %mul3A_988 : vector<16xi32>
        %get3A_991 = arith.constant 32 : index
        %get3A_992 = tpu.vector_load %arg21[%get3A_991] {strides = array<i32>} : memref<128xi32, #tpu.memory_space<vmem>>, vector<16xi32>,
        %get3A_993 = vector.shape_cast %get3A_992 : vector<16xi32> to vector<16xi32>
        %mul3A_994 = arith.constant 2 : i32
        %mul3A_995 = vector.broadcast %mul3A_994 : i32 to vector<16xi32>
        %mul3A_996 = arith.muli %mul3A_995, %get3A_993 : vector<16xi32>
        %add3A_997 = arith.addi %add3A_990, %mul3A_996 : vector<16xi32>
        %get3A_998 = arith.constant 32 : index
        %get3A_999 = tpu.vector_load %arg22[%get3A_998] {strides = array<i32>} : memref<128xi32, #tpu.memory_space<vmem>>, vector<16xi32>,
        %get3A_1000 = vector.shape_cast %get3A_999 : vector<16xi32> to vector<16xi32>
        %add3A_1001 = arith.addi %add3A_997, %get3A_1000 : vector<16xi32>
        %swap3A_1002 = arith.constant 32 : index
        %swap3A_1003 = tpu.vector_load %arg20[%swap3A_1002] {strides = array<i32>} : memref<128xi32, #tpu.memory_space<vmem>>, vector<16xi32>,
        %swap3A_1004 = vector.shape_cast %swap3A_1003 : vector<16xi32> to vector<16xi32>
        %swap3A_1005 = vector.shape_cast %add3A_1001 : vector<16xi32> to vector<16xi32>
        tpu.vector_store %arg20[%swap3A_1002], %swap3A_1005 {strides = array<i32>} : memref<128xi32, #tpu.memory_space<vmem>>, vector<16xi32>,
        %add3A_1006 = arith.constant 48 : i32
        %add3A_1007 = arith.addi %mul3A_933, %add3A_1006 : i32
        %mul3A_1008 = arith.constant 4 : i32
        %mul3A_1009 = arith.muli %mul3A_1008, %add3A_1007 : i32
        %mul3A_1010 = arith.constant 4 : i32
        %mul3A_1011 = vector.broadcast %mul3A_1010 : i32 to vector<16xi32>
        %mul3A_1012 = arith.muli %mul3A_1011, %iota3A : vector<16xi32>
        %add3A_1013 = vector.broadcast %mul3A_1009 : i32 to vector<16xi32>
        %add3A_1014 = arith.addi %add3A_1013, %mul3A_1012 : vector<16xi32>
        %get3A_1015 = arith.constant 48 : index
        %get3A_1016 = tpu.vector_load %arg21[%get3A_1015] {strides = array<i32>} : memref<128xi32, #tpu.memory_space<vmem>>, vector<16xi32>,
        %get3A_1017 = vector.shape_cast %get3A_1016 : vector<16xi32> to vector<16xi32>
        %mul3A_1018 = arith.constant 2 : i32
        %mul3A_1019 = vector.broadcast %mul3A_1018 : i32 to vector<16xi32>
        %mul3A_1020 = arith.muli %mul3A_1019, %get3A_1017 : vector<16xi32>
        %add3A_1021 = arith.addi %add3A_1014, %mul3A_1020 : vector<16xi32>
        %get3A_1022 = arith.constant 48 : index
        %get3A_1023 = tpu.vector_load %arg22[%get3A_1022] {strides = array<i32>} : memref<128xi32, #tpu.memory_space<vmem>>, vector<16xi32>,
        %get3A_1024 = vector.shape_cast %get3A_1023 : vector<16xi32> to vector<16xi32>
        %add3A_1025 = arith.addi %add3A_1021, %get3A_1024 : vector<16xi32>
        %swap3A_1026 = arith.constant 48 : index
        %swap3A_1027 = tpu.vector_load %arg20[%swap3A_1026] {strides = array<i32>} : memref<128xi32, #tpu.memory_space<vmem>>, vector<16xi32>,
        %swap3A_1028 = vector.shape_cast %swap3A_1027 : vector<16xi32> to vector<16xi32>
        %swap3A_1029 = vector.shape_cast %add3A_1025 : vector<16xi32> to vector<16xi32>
        tpu.vector_store %arg20[%swap3A_1026], %swap3A_1029 {strides = array<i32>} : memref<128xi32, #tpu.memory_space<vmem>>, vector<16xi32>,
        %add3A_1030 = arith.constant 64 : i32
        %add3A_1031 = arith.addi %mul3A_933, %add3A_1030 : i32
        %mul3A_1032 = arith.constant 4 : i32
        %mul3A_1033 = arith.muli %mul3A_1032, %add3A_1031 : i32
        %mul3A_1034 = arith.constant 4 : i32
        %mul3A_1035 = vector.broadcast %mul3A_1034 : i32 to vector<16xi32>
        %mul3A_1036 = arith.muli %mul3A_1035, %iota3A : vector<16xi32>
        %add3A_1037 = vector.broadcast %mul3A_1033 : i32 to vector<16xi32>
        %add3A_1038 = arith.addi %add3A_1037, %mul3A_1036 : vector<16xi32>
        %get3A_1039 = arith.constant 64 : index
        %get3A_1040 = tpu.vector_load %arg21[%get3A_1039] {strides = array<i32>} : memref<128xi32, #tpu.memory_space<vmem>>, vector<16xi32>,
        %get3A_1041 = vector.shape_cast %get3A_1040 : vector<16xi32> to vector<16xi32>
        %mul3A_1042 = arith.constant 2 : i32
        %mul3A_1043 = vector.broadcast %mul3A_1042 : i32 to vector<16xi32>
        %mul3A_1044 = arith.muli %mul3A_1043, %get3A_1041 : vector<16xi32>
        %add3A_1045 = arith.addi %add3A_1038, %mul3A_1044 : vector<16xi32>
        %get3A_1046 = arith.constant 64 : index
        %get3A_1047 = tpu.vector_load %arg22[%get3A_1046] {strides = array<i32>} : memref<128xi32, #tpu.memory_space<vmem>>, vector<16xi32>,
        %get3A_1048 = vector.shape_cast %get3A_1047 : vector<16xi32> to vector<16xi32>
        %add3A_1049 = arith.addi %add3A_1045, %get3A_1048 : vector<16xi32>
        %swap3A_1050 = arith.constant 64 : index
        %swap3A_1051 = tpu.vector_load %arg20[%swap3A_1050] {strides = array<i32>} : memref<128xi32, #tpu.memory_space<vmem>>, vector<16xi32>,
        %swap3A_1052 = vector.shape_cast %swap3A_1051 : vector<16xi32> to vector<16xi32>
        %swap3A_1053 = vector.shape_cast %add3A_1049 : vector<16xi32> to vector<16xi32>
        tpu.vector_store %arg20[%swap3A_1050], %swap3A_1053 {strides = array<i32>} : memref<128xi32, #tpu.memory_space<vmem>>, vector<16xi32>,
        %add3A_1054 = arith.constant 80 : i32
        %add3A_1055 = arith.addi %mul3A_933, %add3A_1054 : i32
        %mul3A_1056 = arith.constant 4 : i32
        %mul3A_1057 = arith.muli %mul3A_1056, %add3A_1055 : i32
        %mul3A_1058 = arith.constant 4 : i32
        %mul3A_1059 = vector.broadcast %mul3A_1058 : i32 to vector<16xi32>
        %mul3A_1060 = arith.muli %mul3A_1059, %iota3A : vector<16xi32>
        %add3A_1061 = vector.broadcast %mul3A_1057 : i32 to vector<16xi32>
        %add3A_1062 = arith.addi %add3A_1061, %mul3A_1060 : vector<16xi32>
        %get3A_1063 = arith.constant 80 : index
        %get3A_1064 = tpu.vector_load %arg21[%get3A_1063] {strides = array<i32>} : memref<128xi32, #tpu.memory_space<vmem>>, vector<16xi32>,
        %get3A_1065 = vector.shape_cast %get3A_1064 : vector<16xi32> to vector<16xi32>
        %mul3A_1066 = arith.constant 2 : i32
        %mul3A_1067 = vector.broadcast %mul3A_1066 : i32 to vector<16xi32>
        %mul3A_1068 = arith.muli %mul3A_1067, %get3A_1065 : vector<16xi32>
        %add3A_1069 = arith.addi %add3A_1062, %mul3A_1068 : vector<16xi32>
        %get3A_1070 = arith.constant 80 : index
        %get3A_1071 = tpu.vector_load %arg22[%get3A_1070] {strides = array<i32>} : memref<128xi32, #tpu.memory_space<vmem>>, vector<16xi32>,
        %get3A_1072 = vector.shape_cast %get3A_1071 : vector<16xi32> to vector<16xi32>
        %add3A_1073 = arith.addi %add3A_1069, %get3A_1072 : vector<16xi32>
        %swap3A_1074 = arith.constant 80 : index
        %swap3A_1075 = tpu.vector_load %arg20[%swap3A_1074] {strides = array<i32>} : memref<128xi32, #tpu.memory_space<vmem>>, vector<16xi32>,
        %swap3A_1076 = vector.shape_cast %swap3A_1075 : vector<16xi32> to vector<16xi32>
        %swap3A_1077 = vector.shape_cast %add3A_1073 : vector<16xi32> to vector<16xi32>
        tpu.vector_store %arg20[%swap3A_1074], %swap3A_1077 {strides = array<i32>} : memref<128xi32, #tpu.memory_space<vmem>>, vector<16xi32>,
        %add3A_1078 = arith.constant 96 : i32
        %add3A_1079 = arith.addi %mul3A_933, %add3A_1078 : i32
        %mul3A_1080 = arith.constant 4 : i32
        %mul3A_1081 = arith.muli %mul3A_1080, %add3A_1079 : i32
        %mul3A_1082 = arith.constant 4 : i32
        %mul3A_1083 = vector.broadcast %mul3A_1082 : i32 to vector<16xi32>
        %mul3A_1084 = arith.muli %mul3A_1083, %iota3A : vector<16xi32>
        %add3A_1085 = vector.broadcast %mul3A_1081 : i32 to vector<16xi32>
        %add3A_1086 = arith.addi %add3A_1085, %mul3A_1084 : vector<16xi32>
        %get3A_1087 = arith.constant 96 : index
        %get3A_1088 = tpu.vector_load %arg21[%get3A_1087] {strides = array<i32>} : memref<128xi32, #tpu.memory_space<vmem>>, vector<16xi32>,
        %get3A_1089 = vector.shape_cast %get3A_1088 : vector<16xi32> to vector<16xi32>
        %mul3A_1090 = arith.constant 2 : i32
        %mul3A_1091 = vector.broadcast %mul3A_1090 : i32 to vector<16xi32>
        %mul3A_1092 = arith.muli %mul3A_1091, %get3A_1089 : vector<16xi32>
        %add3A_1093 = arith.addi %add3A_1086, %mul3A_1092 : vector<16xi32>
        %get3A_1094 = arith.constant 96 : index
        %get3A_1095 = tpu.vector_load %arg22[%get3A_1094] {strides = array<i32>} : memref<128xi32, #tpu.memory_space<vmem>>, vector<16xi32>,
        %get3A_1096 = vector.shape_cast %get3A_1095 : vector<16xi32> to vector<16xi32>
        %add3A_1097 = arith.addi %add3A_1093, %get3A_1096 : vector<16xi32>
        %swap3A_1098 = arith.constant 96 : index
        %swap3A_1099 = tpu.vector_load %arg20[%swap3A_1098] {strides = array<i32>} : memref<128xi32, #tpu.memory_space<vmem>>, vector<16xi32>,
        %swap3A_1100 = vector.shape_cast %swap3A_1099 : vector<16xi32> to vector<16xi32>
        %swap3A_1101 = vector.shape_cast %add3A_1097 : vector<16xi32> to vector<16xi32>
        tpu.vector_store %arg20[%swap3A_1098], %swap3A_1101 {strides = array<i32>} : memref<128xi32, #tpu.memory_space<vmem>>, vector<16xi32>,
        %add3A_1102 = arith.constant 112 : i32
        %add3A_1103 = arith.addi %mul3A_933, %add3A_1102 : i32
        %mul3A_1104 = arith.constant 4 : i32
        %mul3A_1105 = arith.muli %mul3A_1104, %add3A_1103 : i32
        %mul3A_1106 = arith.constant 4 : i32
        %mul3A_1107 = vector.broadcast %mul3A_1106 : i32 to vector<16xi32>
        %mul3A_1108 = arith.muli %mul3A_1107, %iota3A : vector<16xi32>
        %add3A_1109 = vector.broadcast %mul3A_1105 : i32 to vector<16xi32>
        %add3A_1110 = arith.addi %add3A_1109, %mul3A_1108 : vector<16xi32>
        %get3A_1111 = arith.constant 112 : index
        %get3A_1112 = tpu.vector_load %arg21[%get3A_1111] {strides = array<i32>} : memref<128xi32, #tpu.memory_space<vmem>>, vector<16xi32>,
        %get3A_1113 = vector.shape_cast %get3A_1112 : vector<16xi32> to vector<16xi32>
        %mul3A_1114 = arith.constant 2 : i32
        %mul3A_1115 = vector.broadcast %mul3A_1114 : i32 to vector<16xi32>
        %mul3A_1116 = arith.muli %mul3A_1115, %get3A_1113 : vector<16xi32>
        %add3A_1117 = arith.addi %add3A_1110, %mul3A_1116 : vector<16xi32>
        %get3A_1118 = arith.constant 112 : index
        %get3A_1119 = tpu.vector_load %arg22[%get3A_1118] {strides = array<i32>} : memref<128xi32, #tpu.memory_space<vmem>>, vector<16xi32>,
        %get3A_1120 = vector.shape_cast %get3A_1119 : vector<16xi32> to vector<16xi32>
        %add3A_1121 = arith.addi %add3A_1117, %get3A_1120 : vector<16xi32>
        %swap3A_1122 = arith.constant 112 : index
        %swap3A_1123 = tpu.vector_load %arg20[%swap3A_1122] {strides = array<i32>} : memref<128xi32, #tpu.memory_space<vmem>>, vector<16xi32>,
        %swap3A_1124 = vector.shape_cast %swap3A_1123 : vector<16xi32> to vector<16xi32>
        %swap3A_1125 = vector.shape_cast %add3A_1121 : vector<16xi32> to vector<16xi32>
        tpu.vector_store %arg20[%swap3A_1122], %swap3A_1125 {strides = array<i32>} : memref<128xi32, #tpu.memory_space<vmem>>, vector<16xi32>,
        %dma_start3A_1126 = arith.constant 0 : i32
        %dma_start3A_1127 = arith.constant 0 : i32
        %dma_start3A_1128 = tpu.memref_slice %arg5[%dma_start3A_1126, %dma_start3A_1127] : memref<100000x128xf32, #tpu.memory_space<hbm>> -> memref<100000x128xf32, #tpu.memory_space<hbm>>
        tpu.enqueue_indirect_dma source(%dma_start3A_1128 : memref<100000x128xf32, #tpu.memory_space<hbm>>) target(%arg23 : memref<128x128xf32, #tpu.memory_space<vmem>>) offsets(%arg19 : memref<128xi32, #tpu.memory_space<vmem>>) semaphore(%arg32 : memref<!tpu.dma_semaphore, #tpu.memory_space<semaphore_mem>>)
        %dma_start3A_1129 = arith.constant 0 : i32
        %dma_start3A_1130 = arith.constant 0 : i32
        %dma_start3A_1131 = tpu.memref_slice %arg27[%dma_start3A_1129, %dma_start3A_1130] : memref<2048x128xf32, #tpu.memory_space<vmem_shared>> -> memref<2048x128xf32, #tpu.memory_space<vmem_shared>>
        tpu.enqueue_indirect_dma source(%dma_start3A_1131 : memref<2048x128xf32, #tpu.memory_space<vmem_shared>>) target(%arg24 : memref<128x128xf32, #tpu.memory_space<vmem>>) offsets(%arg20 : memref<128xi32, #tpu.memory_space<vmem>>) semaphore(%arg33 : memref<!tpu.dma_semaphore, #tpu.memory_space<semaphore_mem>>)
      } else {
      }
      %dma_wait3A_718 = arith.constant 0 : i32
      %dma_wait3A_719 = arith.constant 0 : i32
      %dma_wait3A_720 = tpu.memref_slice %arg5[%dma_wait3A_718, %dma_wait3A_719] : memref<100000x128xf32, #tpu.memory_space<hbm>> -> memref<100000x128xf32, #tpu.memory_space<hbm>>
      tpu.wait_indirect_dma semaphore(%arg28 : memref<!tpu.dma_semaphore, #tpu.memory_space<semaphore_mem>>) src(%dma_wait3A_720 : memref<100000x128xf32, #tpu.memory_space<hbm>>) dst(%arg16 : memref<128x128xf32, #tpu.memory_space<vmem>>)
      %dma_wait3A_721 = arith.constant 0 : i32
      %dma_wait3A_722 = arith.constant 0 : i32
      %dma_wait3A_723 = tpu.memref_slice %arg27[%dma_wait3A_721, %dma_wait3A_722] : memref<2048x128xf32, #tpu.memory_space<vmem_shared>> -> memref<2048x128xf32, #tpu.memory_space<vmem_shared>>
      tpu.wait_indirect_dma semaphore(%arg29 : memref<!tpu.dma_semaphore, #tpu.memory_space<semaphore_mem>>) src(%dma_wait3A_723 : memref<2048x128xf32, #tpu.memory_space<vmem_shared>>) dst(%arg17 : memref<128x128xf32, #tpu.memory_space<vmem>>)
      %lt3A_724 = arith.constant 126 : i32
      %lt3A_725 = arith.cmpi slt, %add3A_715, %lt3A_724 : i32
      %convert_element_type3A_726 = arith.extui %lt3A_725 : i1 to i32
      %cond3A_727 = arith.constant 0 : i32
      %cond3A_728 = arith.cmpi ne, %convert_element_type3A_726, %cond3A_727 : i32
      scf.if %cond3A_728 {
        %add3A_866 = arith.constant 2 : i32
        %add3A_867 = arith.addi %add3A_715, %add3A_866 : i32
        %mul3A_868 = arith.constant 32 : i32
        %mul3A_869 = arith.muli %add3A, %mul3A_868 : i32
        %jit3A_870 = arith.constant 4 : i32
        %div3A_871 = arith.divsi %add3A_867, %jit3A_870 : i32
        %sign3A_872 = arith.constant 0 : i32
        %sign3A_873 = arith.cmpi sgt, %add3A_867, %sign3A_872 : i32
        %sign3A_874 = arith.extui %sign3A_873 : i1 to i32
        %sign3A_875 = arith.constant 0 : i32
        %sign3A_876 = arith.cmpi slt, %add3A_867, %sign3A_875 : i32
        %sign3A_877 = arith.extui %sign3A_876 : i1 to i32
        %sign3A_878 = arith.subi %sign3A_874, %sign3A_877 : i32
        %sign3A_879 = arith.constant 0 : i32
        %sign3A_880 = arith.cmpi sgt, %jit3A_870, %sign3A_879 : i32
        %sign3A_881 = arith.extui %sign3A_880 : i1 to i32
        %sign3A_882 = arith.constant 0 : i32
        %sign3A_883 = arith.cmpi slt, %jit3A_870, %sign3A_882 : i32
        %sign3A_884 = arith.extui %sign3A_883 : i1 to i32
        %sign3A_885 = arith.subi %sign3A_881, %sign3A_884 : i32
        %ne3A_886 = arith.cmpi ne, %sign3A_878, %sign3A_885 : i32
        %rem3A_887 = arith.remsi %add3A_867, %jit3A_870 : i32
        %ne3A_888 = arith.constant 0 : i32
        %ne3A_889 = arith.cmpi ne, %rem3A_887, %ne3A_888 : i32
        %and3A_890 = arith.andi %ne3A_886, %ne3A_889 : i1
        %sub3A_891 = arith.constant 1 : i32
        %sub3A_892 = arith.subi %div3A_871, %sub3A_891 : i32
        %select_n3A_893 = arith.select %and3A_890, %sub3A_892, %div3A_871 : i32
        %add3A_894 = arith.addi %mul3A_869, %select_n3A_893 : i32
        %jit3A_895 = arith.constant 4 : i32
        %eq3A_896 = arith.constant 0 : i32
        %eq3A_897 = arith.cmpi eq, %jit3A_895, %eq3A_896 : i32
        %jit3A_898 = arith.constant 1 : i32
        %select_n3A_899 = arith.select %eq3A_897, %jit3A_898, %jit3A_895 : i32
        %rem3A_900 = arith.remsi %add3A_867, %select_n3A_899 : i32
        %ne3A_901 = arith.constant 0 : i32
        %ne3A_902 = arith.cmpi ne, %rem3A_900, %ne3A_901 : i32
        %lt3A_903 = arith.constant 0 : i32
        %lt3A_904 = arith.cmpi slt, %rem3A_900, %lt3A_903 : i32
        %lt3A_905 = arith.constant 0 : i32
        %lt3A_906 = arith.cmpi slt, %select_n3A_899, %lt3A_905 : i32
        %ne3A_907 = arith.xori %lt3A_904, %lt3A_906 : i1
        %and3A_908 = arith.andi %ne3A_907, %ne3A_902 : i1
        %add3A_909 = arith.addi %rem3A_900, %select_n3A_899 : i32
        %select_n3A_910 = arith.select %and3A_908, %add3A_909, %rem3A_900 : i32
        %mul3A_911 = arith.constant 128 : i32
        %mul3A_912 = arith.muli %select_n3A_910, %mul3A_911 : i32
        %dma_start3A_913 = tpu.memref_slice %arg2[%add3A_894, %mul3A_912] : memref<1024x512xi32, #tpu.memory_space<hbm>> -> memref<1x128xi32, #tpu.memory_space<hbm>>
        %dma_start3A_914 = tpu.memref_squeeze %dma_start3A_913 : memref<1x128xi32, #tpu.memory_space<hbm>> -> memref<128xi32, #tpu.memory_space<hbm>>
        %dma_start3A_915 = tpu.memref_slice %arg2[%add3A_894, %mul3A_912] : memref<1024x512xi32, #tpu.memory_space<hbm>> -> memref<1x128xi32, #tpu.memory_space<hbm>>
        %dma_start3A_916 = tpu.memref_squeeze %dma_start3A_915 : memref<1x128xi32, #tpu.memory_space<hbm>> -> memref<128xi32, #tpu.memory_space<hbm>>
        tpu.enqueue_dma source(%dma_start3A_916 : memref<128xi32, #tpu.memory_space<hbm>>) target(%arg12 : memref<128xi32, #tpu.memory_space<vmem>>) target_semaphore(%arg31 : memref<!tpu.dma_semaphore, #tpu.memory_space<semaphore_mem>>)
        %dma_start3A_917 = tpu.memref_slice %arg3[%add3A_894, %mul3A_912] : memref<1024x512xi32, #tpu.memory_space<hbm>> -> memref<1x128xi32, #tpu.memory_space<hbm>>
        %dma_start3A_918 = tpu.memref_squeeze %dma_start3A_917 : memref<1x128xi32, #tpu.memory_space<hbm>> -> memref<128xi32, #tpu.memory_space<hbm>>
        %dma_start3A_919 = tpu.memref_slice %arg3[%add3A_894, %mul3A_912] : memref<1024x512xi32, #tpu.memory_space<hbm>> -> memref<1x128xi32, #tpu.memory_space<hbm>>
        %dma_start3A_920 = tpu.memref_squeeze %dma_start3A_919 : memref<1x128xi32, #tpu.memory_space<hbm>> -> memref<128xi32, #tpu.memory_space<hbm>>
        tpu.enqueue_dma source(%dma_start3A_920 : memref<128xi32, #tpu.memory_space<hbm>>) target(%arg14 : memref<128xi32, #tpu.memory_space<vmem>>) target_semaphore(%arg31 : memref<!tpu.dma_semaphore, #tpu.memory_space<semaphore_mem>>)
        %dma_start3A_921 = tpu.memref_slice %arg4[%add3A_894, %mul3A_912] : memref<1024x512xi32, #tpu.memory_space<hbm>> -> memref<1x128xi32, #tpu.memory_space<hbm>>
        %dma_start3A_922 = tpu.memref_squeeze %dma_start3A_921 : memref<1x128xi32, #tpu.memory_space<hbm>> -> memref<128xi32, #tpu.memory_space<hbm>>
        %dma_start3A_923 = tpu.memref_slice %arg4[%add3A_894, %mul3A_912] : memref<1024x512xi32, #tpu.memory_space<hbm>> -> memref<1x128xi32, #tpu.memory_space<hbm>>
        %dma_start3A_924 = tpu.memref_squeeze %dma_start3A_923 : memref<1x128xi32, #tpu.memory_space<hbm>> -> memref<128xi32, #tpu.memory_space<hbm>>
        tpu.enqueue_dma source(%dma_start3A_924 : memref<128xi32, #tpu.memory_space<hbm>>) target(%arg15 : memref<128xi32, #tpu.memory_space<vmem>>) target_semaphore(%arg31 : memref<!tpu.dma_semaphore, #tpu.memory_space<semaphore_mem>>)
      } else {
      }
      %ge3A = arith.constant 2 : i32
      %ge3A_729 = arith.cmpi sge, %add3A_715, %ge3A : i32
      %convert_element_type3A_730 = arith.extui %ge3A_729 : i1 to i32
      %cond3A_731 = arith.constant 0 : i32
      %cond3A_732 = arith.cmpi ne, %convert_element_type3A_730, %cond3A_731 : i32
      scf.if %cond3A_732 {
        %dma_wait3A_866 = arith.constant 0 : i32
        %dma_wait3A_867 = arith.constant 0 : i32
        %dma_wait3A_868 = arith.constant 0 : i32
        %dma_wait3A_869 = tpu.memref_slice %arg11[%dma_wait3A_866, %dma_wait3A_867, %dma_wait3A_868] : memref<1024x512x128xf32, #tpu.memory_space<hbm>> -> memref<1x128x128xf32, #tpu.memory_space<hbm>>
        %dma_wait3A_870 = tpu.memref_squeeze %dma_wait3A_869 : memref<1x128x128xf32, #tpu.memory_space<hbm>> -> memref<128x128xf32, #tpu.memory_space<hbm>>
        %dma_wait3A_871 = arith.constant 0 : i32
        %dma_wait3A_872 = arith.constant 0 : i32
        %dma_wait3A_873 = tpu.memref_slice %arg11[%dma_wait3A_866, %dma_wait3A_871, %dma_wait3A_872] : memref<1024x512x128xf32, #tpu.memory_space<hbm>> -> memref<1x128x128xf32, #tpu.memory_space<hbm>>
        %dma_wait3A_874 = tpu.memref_squeeze %dma_wait3A_873 : memref<1x128x128xf32, #tpu.memory_space<hbm>> -> memref<128x128xf32, #tpu.memory_space<hbm>>
        tpu.wait_dma2 semaphore(%arg30 : memref<!tpu.dma_semaphore, #tpu.memory_space<semaphore_mem>>) src(%arg18 : memref<128x128xf32, #tpu.memory_space<vmem>>) dst(%dma_wait3A_874 : memref<128x128xf32, #tpu.memory_space<hbm>>)
      } else {
      }
      %scan3A_733 = arith.constant 0 : i32
      %scan3A_734 = arith.constant 0 : i32
      %scan3A_735 = arith.constant 128 : i32
      %scan3A_736 = arith.addi %scan3A_734, %scan3A_735 : i32
      %scan3A_737 = arith.constant 1 : i32
      %scan3A_738 = scf.for %scan3A_866 = %scan3A_734 to %scan3A_736 step %scan3A_737 iter_args(%scan3A_867 = %scan3A_733) -> (i32)  : i32 {
        %get3A_868 = arith.index_cast %scan3A_866 : i32 to index
        %get3A_869 = arith.constant 0 : index
        %get3A_870 = tpu.vector_load %arg16[%get3A_868, %get3A_869] {strides = array<i32>} : memref<128x128xf32, #tpu.memory_space<vmem>>, vector<1x16xf32>,
        %get3A_871 = vector.shape_cast %get3A_870 : vector<1x16xf32> to vector<16xf32>
        %get3A_872 = arith.index_cast %scan3A_866 : i32 to index
        %get3A_873 = arith.constant 0 : index
        %get3A_874 = tpu.vector_load %arg17[%get3A_872, %get3A_873] {strides = array<i32>} : memref<128x128xf32, #tpu.memory_space<vmem>>, vector<1x16xf32>,
        %get3A_875 = vector.shape_cast %get3A_874 : vector<1x16xf32> to vector<16xf32>
        %add3A_876 = arith.addf %get3A_871, %get3A_875 : vector<16xf32>
        %get3A_877 = arith.index_cast %scan3A_866 : i32 to index
        %get3A_878 = arith.constant 16 : index
        %get3A_879 = tpu.vector_load %arg16[%get3A_877, %get3A_878] {strides = array<i32>} : memref<128x128xf32, #tpu.memory_space<vmem>>, vector<1x16xf32>,
        %get3A_880 = vector.shape_cast %get3A_879 : vector<1x16xf32> to vector<16xf32>
        %get3A_881 = arith.index_cast %scan3A_866 : i32 to index
        %get3A_882 = arith.constant 16 : index
        %get3A_883 = tpu.vector_load %arg17[%get3A_881, %get3A_882] {strides = array<i32>} : memref<128x128xf32, #tpu.memory_space<vmem>>, vector<1x16xf32>,
        %get3A_884 = vector.shape_cast %get3A_883 : vector<1x16xf32> to vector<16xf32>
        %add3A_885 = arith.addf %get3A_880, %get3A_884 : vector<16xf32>
        %get3A_886 = arith.index_cast %scan3A_866 : i32 to index
        %get3A_887 = arith.constant 32 : index
        %get3A_888 = tpu.vector_load %arg16[%get3A_886, %get3A_887] {strides = array<i32>} : memref<128x128xf32, #tpu.memory_space<vmem>>, vector<1x16xf32>,
        %get3A_889 = vector.shape_cast %get3A_888 : vector<1x16xf32> to vector<16xf32>
        %get3A_890 = arith.index_cast %scan3A_866 : i32 to index
        %get3A_891 = arith.constant 32 : index
        %get3A_892 = tpu.vector_load %arg17[%get3A_890, %get3A_891] {strides = array<i32>} : memref<128x128xf32, #tpu.memory_space<vmem>>, vector<1x16xf32>,
        %get3A_893 = vector.shape_cast %get3A_892 : vector<1x16xf32> to vector<16xf32>
        %add3A_894 = arith.addf %get3A_889, %get3A_893 : vector<16xf32>
        %get3A_895 = arith.index_cast %scan3A_866 : i32 to index
        %get3A_896 = arith.constant 48 : index
        %get3A_897 = tpu.vector_load %arg16[%get3A_895, %get3A_896] {strides = array<i32>} : memref<128x128xf32, #tpu.memory_space<vmem>>, vector<1x16xf32>,
        %get3A_898 = vector.shape_cast %get3A_897 : vector<1x16xf32> to vector<16xf32>
        %get3A_899 = arith.index_cast %scan3A_866 : i32 to index
        %get3A_900 = arith.constant 48 : index
        %get3A_901 = tpu.vector_load %arg17[%get3A_899, %get3A_900] {strides = array<i32>} : memref<128x128xf32, #tpu.memory_space<vmem>>, vector<1x16xf32>,
        %get3A_902 = vector.shape_cast %get3A_901 : vector<1x16xf32> to vector<16xf32>
        %add3A_903 = arith.addf %get3A_898, %get3A_902 : vector<16xf32>
        %get3A_904 = arith.index_cast %scan3A_866 : i32 to index
        %get3A_905 = arith.constant 64 : index
        %get3A_906 = tpu.vector_load %arg16[%get3A_904, %get3A_905] {strides = array<i32>} : memref<128x128xf32, #tpu.memory_space<vmem>>, vector<1x16xf32>,
        %get3A_907 = vector.shape_cast %get3A_906 : vector<1x16xf32> to vector<16xf32>
        %get3A_908 = arith.index_cast %scan3A_866 : i32 to index
        %get3A_909 = arith.constant 64 : index
        %get3A_910 = tpu.vector_load %arg17[%get3A_908, %get3A_909] {strides = array<i32>} : memref<128x128xf32, #tpu.memory_space<vmem>>, vector<1x16xf32>,
        %get3A_911 = vector.shape_cast %get3A_910 : vector<1x16xf32> to vector<16xf32>
        %add3A_912 = arith.addf %get3A_907, %get3A_911 : vector<16xf32>
        %get3A_913 = arith.index_cast %scan3A_866 : i32 to index
        %get3A_914 = arith.constant 80 : index
        %get3A_915 = tpu.vector_load %arg16[%get3A_913, %get3A_914] {strides = array<i32>} : memref<128x128xf32, #tpu.memory_space<vmem>>, vector<1x16xf32>,
        %get3A_916 = vector.shape_cast %get3A_915 : vector<1x16xf32> to vector<16xf32>
        %get3A_917 = arith.index_cast %scan3A_866 : i32 to index
        %get3A_918 = arith.constant 80 : index
        %get3A_919 = tpu.vector_load %arg17[%get3A_917, %get3A_918] {strides = array<i32>} : memref<128x128xf32, #tpu.memory_space<vmem>>, vector<1x16xf32>,
        %get3A_920 = vector.shape_cast %get3A_919 : vector<1x16xf32> to vector<16xf32>
        %add3A_921 = arith.addf %get3A_916, %get3A_920 : vector<16xf32>
        %get3A_922 = arith.index_cast %scan3A_866 : i32 to index
        %get3A_923 = arith.constant 96 : index
        %get3A_924 = tpu.vector_load %arg16[%get3A_922, %get3A_923] {strides = array<i32>} : memref<128x128xf32, #tpu.memory_space<vmem>>, vector<1x16xf32>,
        %get3A_925 = vector.shape_cast %get3A_924 : vector<1x16xf32> to vector<16xf32>
        %get3A_926 = arith.index_cast %scan3A_866 : i32 to index
        %get3A_927 = arith.constant 96 : index
        %get3A_928 = tpu.vector_load %arg17[%get3A_926, %get3A_927] {strides = array<i32>} : memref<128x128xf32, #tpu.memory_space<vmem>>, vector<1x16xf32>,
        %get3A_929 = vector.shape_cast %get3A_928 : vector<1x16xf32> to vector<16xf32>
        %add3A_930 = arith.addf %get3A_925, %get3A_929 : vector<16xf32>
        %get3A_931 = arith.index_cast %scan3A_866 : i32 to index
        %get3A_932 = arith.constant 112 : index
        %get3A_933 = tpu.vector_load %arg16[%get3A_931, %get3A_932] {strides = array<i32>} : memref<128x128xf32, #tpu.memory_space<vmem>>, vector<1x16xf32>,
        %get3A_934 = vector.shape_cast %get3A_933 : vector<1x16xf32> to vector<16xf32>
        %get3A_935 = arith.index_cast %scan3A_866 : i32 to index
        %get3A_936 = arith.constant 112 : index
        %get3A_937 = tpu.vector_load %arg17[%get3A_935, %get3A_936] {strides = array<i32>} : memref<128x128xf32, #tpu.memory_space<vmem>>, vector<1x16xf32>,
        %get3A_938 = vector.shape_cast %get3A_937 : vector<1x16xf32> to vector<16xf32>
        %add3A_939 = arith.addf %get3A_934, %get3A_938 : vector<16xf32>
        %mul3A_940 = arith.mulf %add3A_876, %add3A_876 : vector<16xf32>
        %add3A_941 = arith.addf %add3A_876, %add3A_885 : vector<16xf32>
        %mul3A_942 = arith.mulf %add3A_885, %add3A_885 : vector<16xf32>
        %add3A_943 = arith.addf %mul3A_940, %mul3A_942 : vector<16xf32>
        %add3A_944 = arith.addf %add3A_941, %add3A_894 : vector<16xf32>
        %mul3A_945 = arith.mulf %add3A_894, %add3A_894 : vector<16xf32>
        %add3A_946 = arith.addf %add3A_943, %mul3A_945 : vector<16xf32>
        %add3A_947 = arith.addf %add3A_944, %add3A_903 : vector<16xf32>
        %mul3A_948 = arith.mulf %add3A_903, %add3A_903 : vector<16xf32>
        %add3A_949 = arith.addf %add3A_946, %mul3A_948 : vector<16xf32>
        %add3A_950 = arith.addf %add3A_947, %add3A_912 : vector<16xf32>
        %mul3A_951 = arith.mulf %add3A_912, %add3A_912 : vector<16xf32>
        %add3A_952 = arith.addf %add3A_949, %mul3A_951 : vector<16xf32>
        %add3A_953 = arith.addf %add3A_950, %add3A_921 : vector<16xf32>
        %mul3A_954 = arith.mulf %add3A_921, %add3A_921 : vector<16xf32>
        %add3A_955 = arith.addf %add3A_952, %mul3A_954 : vector<16xf32>
        %add3A_956 = arith.addf %add3A_953, %add3A_930 : vector<16xf32>
        %mul3A_957 = arith.mulf %add3A_930, %add3A_930 : vector<16xf32>
        %add3A_958 = arith.addf %add3A_955, %mul3A_957 : vector<16xf32>
        %add3A_959 = arith.addf %add3A_956, %add3A_939 : vector<16xf32>
        %mul3A_960 = arith.mulf %add3A_939, %add3A_939 : vector<16xf32>
        %add3A_961 = arith.addf %add3A_958, %mul3A_960 : vector<16xf32>
        %xor3A = arith.constant 8 : i32
        %xor3A_962 = vector.broadcast %xor3A : i32 to vector<16xi32>
        %xor3A_963 = arith.xori %iota3A, %xor3A_962 : vector<16xi32>
        %broadcast_in_dim3A = vector.shape_cast %xor3A_963 : vector<16xi32> to vector<16x1xi32>
        %gather3A = vector.shape_cast %broadcast_in_dim3A : vector<16x1xi32> to vector<16xi32>
        %gather3A_964 = tpu.dynamic_gather %add3A_959[%gather3A] in [0] : vector<16xf32>, vector<16xi32> -> vector<16xf32>
        %add3A_965 = arith.addf %add3A_959, %gather3A_964 : vector<16xf32>
        %xor3A_966 = arith.constant 4 : i32
        %xor3A_967 = vector.broadcast %xor3A_966 : i32 to vector<16xi32>
        %xor3A_968 = arith.xori %iota3A, %xor3A_967 : vector<16xi32>
        %broadcast_in_dim3A_969 = vector.shape_cast %xor3A_968 : vector<16xi32> to vector<16x1xi32>
        %gather3A_970 = vector.shape_cast %broadcast_in_dim3A_969 : vector<16x1xi32> to vector<16xi32>
        %gather3A_971 = tpu.dynamic_gather %add3A_965[%gather3A_970] in [0] : vector<16xf32>, vector<16xi32> -> vector<16xf32>
        %add3A_972 = arith.addf %add3A_965, %gather3A_971 : vector<16xf32>
        %xor3A_973 = arith.constant 2 : i32
        %xor3A_974 = vector.broadcast %xor3A_973 : i32 to vector<16xi32>
        %xor3A_975 = arith.xori %iota3A, %xor3A_974 : vector<16xi32>
        %broadcast_in_dim3A_976 = vector.shape_cast %xor3A_975 : vector<16xi32> to vector<16x1xi32>
        %gather3A_977 = vector.shape_cast %broadcast_in_dim3A_976 : vector<16x1xi32> to vector<16xi32>
        %gather3A_978 = tpu.dynamic_gather %add3A_972[%gather3A_977] in [0] : vector<16xf32>, vector<16xi32> -> vector<16xf32>
        %add3A_979 = arith.addf %add3A_972, %gather3A_978 : vector<16xf32>
        %xor3A_980 = arith.constant 1 : i32
        %xor3A_981 = vector.broadcast %xor3A_980 : i32 to vector<16xi32>
        %xor3A_982 = arith.xori %iota3A, %xor3A_981 : vector<16xi32>
        %broadcast_in_dim3A_983 = vector.shape_cast %xor3A_982 : vector<16xi32> to vector<16x1xi32>
        %gather3A_984 = vector.shape_cast %broadcast_in_dim3A_983 : vector<16x1xi32> to vector<16xi32>
        %gather3A_985 = tpu.dynamic_gather %add3A_979[%gather3A_984] in [0] : vector<16xf32>, vector<16xi32> -> vector<16xf32>
        %add3A_986 = arith.addf %add3A_979, %gather3A_985 : vector<16xf32>
        %mul3A_987 = arith.constant 7.812500e-03 : f32
        %mul3A_988 = vector.broadcast %mul3A_987 : f32 to vector<16xf32>
        %mul3A_989 = arith.mulf %add3A_986, %mul3A_988 : vector<16xf32>
        %xor3A_990 = arith.constant 8 : i32
        %xor3A_991 = vector.broadcast %xor3A_990 : i32 to vector<16xi32>
        %xor3A_992 = arith.xori %iota3A, %xor3A_991 : vector<16xi32>
        %broadcast_in_dim3A_993 = vector.shape_cast %xor3A_992 : vector<16xi32> to vector<16x1xi32>
        %gather3A_994 = vector.shape_cast %broadcast_in_dim3A_993 : vector<16x1xi32> to vector<16xi32>
        %gather3A_995 = tpu.dynamic_gather %add3A_961[%gather3A_994] in [0] : vector<16xf32>, vector<16xi32> -> vector<16xf32>
        %add3A_996 = arith.addf %add3A_961, %gather3A_995 : vector<16xf32>
        %xor3A_997 = arith.constant 4 : i32
        %xor3A_998 = vector.broadcast %xor3A_997 : i32 to vector<16xi32>
        %xor3A_999 = arith.xori %iota3A, %xor3A_998 : vector<16xi32>
        %broadcast_in_dim3A_1000 = vector.shape_cast %xor3A_999 : vector<16xi32> to vector<16x1xi32>
        %gather3A_1001 = vector.shape_cast %broadcast_in_dim3A_1000 : vector<16x1xi32> to vector<16xi32>
        %gather3A_1002 = tpu.dynamic_gather %add3A_996[%gather3A_1001] in [0] : vector<16xf32>, vector<16xi32> -> vector<16xf32>
        %add3A_1003 = arith.addf %add3A_996, %gather3A_1002 : vector<16xf32>
        %xor3A_1004 = arith.constant 2 : i32
        %xor3A_1005 = vector.broadcast %xor3A_1004 : i32 to vector<16xi32>
        %xor3A_1006 = arith.xori %iota3A, %xor3A_1005 : vector<16xi32>
        %broadcast_in_dim3A_1007 = vector.shape_cast %xor3A_1006 : vector<16xi32> to vector<16x1xi32>
        %gather3A_1008 = vector.shape_cast %broadcast_in_dim3A_1007 : vector<16x1xi32> to vector<16xi32>
        %gather3A_1009 = tpu.dynamic_gather %add3A_1003[%gather3A_1008] in [0] : vector<16xf32>, vector<16xi32> -> vector<16xf32>
        %add3A_1010 = arith.addf %add3A_1003, %gather3A_1009 : vector<16xf32>
        %xor3A_1011 = arith.constant 1 : i32
        %xor3A_1012 = vector.broadcast %xor3A_1011 : i32 to vector<16xi32>
        %xor3A_1013 = arith.xori %iota3A, %xor3A_1012 : vector<16xi32>
        %broadcast_in_dim3A_1014 = vector.shape_cast %xor3A_1013 : vector<16xi32> to vector<16x1xi32>
        %gather3A_1015 = vector.shape_cast %broadcast_in_dim3A_1014 : vector<16x1xi32> to vector<16xi32>
        %gather3A_1016 = tpu.dynamic_gather %add3A_1010[%gather3A_1015] in [0] : vector<16xf32>, vector<16xi32> -> vector<16xf32>
        %add3A_1017 = arith.addf %add3A_1010, %gather3A_1016 : vector<16xf32>
        %mul3A_1018 = arith.constant 7.812500e-03 : f32
        %mul3A_1019 = vector.broadcast %mul3A_1018 : f32 to vector<16xf32>
        %mul3A_1020 = arith.mulf %add3A_1017, %mul3A_1019 : vector<16xf32>
        %mul3A_1021 = arith.mulf %mul3A_989, %mul3A_989 : vector<16xf32>
        %sub3A_1022 = arith.subf %mul3A_1020, %mul3A_1021 : vector<16xf32>
        %add3A_1023 = arith.constant 9.99999996E-13 : f32
        %add3A_1024 = vector.broadcast %add3A_1023 : f32 to vector<16xf32>
        %add3A_1025 = arith.addf %sub3A_1022, %add3A_1024 : vector<16xf32>
        %bitcast_convert_type3A = tpu.bitcast %add3A_1025 : vector<16xf32> -> vector<16xi32>
        %shift_right_arithmetic3A = arith.constant 1 : i32
        %shift_right_arithmetic3A_1026 = vector.broadcast %shift_right_arithmetic3A : i32 to vector<16xi32>
        %shift_right_arithmetic3A_1027 = arith.shrsi %bitcast_convert_type3A, %shift_right_arithmetic3A_1026 : vector<16xi32>
        %sub3A_1028 = arith.constant 1597463007 : i32
        %sub3A_1029 = vector.broadcast %sub3A_1028 : i32 to vector<16xi32>
        %sub3A_1030 = arith.subi %sub3A_1029, %shift_right_arithmetic3A_1027 : vector<16xi32>
        %bitcast_convert_type3A_1031 = tpu.bitcast %sub3A_1030 : vector<16xi32> -> vector<16xf32>
        %mul3A_1032 = arith.constant 5.000000e-01 : f32
        %mul3A_1033 = vector.broadcast %mul3A_1032 : f32 to vector<16xf32>
        %mul3A_1034 = arith.mulf %mul3A_1033, %add3A_1025 : vector<16xf32>
        %mul3A_1035 = arith.mulf %mul3A_1034, %bitcast_convert_type3A_1031 : vector<16xf32>
        %mul3A_1036 = arith.mulf %mul3A_1035, %bitcast_convert_type3A_1031 : vector<16xf32>
        %sub3A_1037 = arith.constant 1.500000e+00 : f32
        %sub3A_1038 = vector.broadcast %sub3A_1037 : f32 to vector<16xf32>
        %sub3A_1039 = arith.subf %sub3A_1038, %mul3A_1036 : vector<16xf32>
        %mul3A_1040 = arith.mulf %bitcast_convert_type3A_1031, %sub3A_1039 : vector<16xf32>
        %sub3A_1041 = arith.subf %add3A_876, %mul3A_989 : vector<16xf32>
        %mul3A_1042 = arith.mulf %sub3A_1041, %mul3A_1040 : vector<16xf32>
        %mul3A_1043 = arith.mulf %mul3A_1042, %get3A_359 : vector<16xf32>
        %add3A_1044 = arith.addf %mul3A_1043, %get3A_399 : vector<16xf32>
        %swap3A_1045 = arith.index_cast %scan3A_866 : i32 to index
        %swap3A_1046 = arith.constant 0 : index
        %swap3A_1047 = tpu.vector_load %arg18[%swap3A_1045, %swap3A_1046] {strides = array<i32>} : memref<128x128xf32, #tpu.memory_space<vmem>>, vector<1x16xf32>,
        %swap3A_1048 = vector.shape_cast %swap3A_1047 : vector<1x16xf32> to vector<16xf32>
        %swap3A_1049 = vector.shape_cast %add3A_1044 : vector<16xf32> to vector<1x16xf32>
        tpu.vector_store %arg18[%swap3A_1045, %swap3A_1046], %swap3A_1049 {strides = array<i32>} : memref<128x128xf32, #tpu.memory_space<vmem>>, vector<1x16xf32>,
        %sub3A_1050 = arith.subf %add3A_885, %mul3A_989 : vector<16xf32>
        %mul3A_1051 = arith.mulf %sub3A_1050, %mul3A_1040 : vector<16xf32>
        %mul3A_1052 = arith.mulf %mul3A_1051, %get3A_364 : vector<16xf32>
        %add3A_1053 = arith.addf %mul3A_1052, %get3A_404 : vector<16xf32>
        %swap3A_1054 = arith.index_cast %scan3A_866 : i32 to index
        %swap3A_1055 = arith.constant 16 : index
        %swap3A_1056 = tpu.vector_load %arg18[%swap3A_1054, %swap3A_1055] {strides = array<i32>} : memref<128x128xf32, #tpu.memory_space<vmem>>, vector<1x16xf32>,
        %swap3A_1057 = vector.shape_cast %swap3A_1056 : vector<1x16xf32> to vector<16xf32>
        %swap3A_1058 = vector.shape_cast %add3A_1053 : vector<16xf32> to vector<1x16xf32>
        tpu.vector_store %arg18[%swap3A_1054, %swap3A_1055], %swap3A_1058 {strides = array<i32>} : memref<128x128xf32, #tpu.memory_space<vmem>>, vector<1x16xf32>,
        %sub3A_1059 = arith.subf %add3A_894, %mul3A_989 : vector<16xf32>
        %mul3A_1060 = arith.mulf %sub3A_1059, %mul3A_1040 : vector<16xf32>
        %mul3A_1061 = arith.mulf %mul3A_1060, %get3A_369 : vector<16xf32>
        %add3A_1062 = arith.addf %mul3A_1061, %get3A_409 : vector<16xf32>
        %swap3A_1063 = arith.index_cast %scan3A_866 : i32 to index
        %swap3A_1064 = arith.constant 32 : index
        %swap3A_1065 = tpu.vector_load %arg18[%swap3A_1063, %swap3A_1064] {strides = array<i32>} : memref<128x128xf32, #tpu.memory_space<vmem>>, vector<1x16xf32>,
        %swap3A_1066 = vector.shape_cast %swap3A_1065 : vector<1x16xf32> to vector<16xf32>
        %swap3A_1067 = vector.shape_cast %add3A_1062 : vector<16xf32> to vector<1x16xf32>
        tpu.vector_store %arg18[%swap3A_1063, %swap3A_1064], %swap3A_1067 {strides = array<i32>} : memref<128x128xf32, #tpu.memory_space<vmem>>, vector<1x16xf32>,
        %sub3A_1068 = arith.subf %add3A_903, %mul3A_989 : vector<16xf32>
        %mul3A_1069 = arith.mulf %sub3A_1068, %mul3A_1040 : vector<16xf32>
        %mul3A_1070 = arith.mulf %mul3A_1069, %get3A_374 : vector<16xf32>
        %add3A_1071 = arith.addf %mul3A_1070, %get3A_414 : vector<16xf32>
        %swap3A_1072 = arith.index_cast %scan3A_866 : i32 to index
        %swap3A_1073 = arith.constant 48 : index
        %swap3A_1074 = tpu.vector_load %arg18[%swap3A_1072, %swap3A_1073] {strides = array<i32>} : memref<128x128xf32, #tpu.memory_space<vmem>>, vector<1x16xf32>,
        %swap3A_1075 = vector.shape_cast %swap3A_1074 : vector<1x16xf32> to vector<16xf32>
        %swap3A_1076 = vector.shape_cast %add3A_1071 : vector<16xf32> to vector<1x16xf32>
        tpu.vector_store %arg18[%swap3A_1072, %swap3A_1073], %swap3A_1076 {strides = array<i32>} : memref<128x128xf32, #tpu.memory_space<vmem>>, vector<1x16xf32>,
        %sub3A_1077 = arith.subf %add3A_912, %mul3A_989 : vector<16xf32>
        %mul3A_1078 = arith.mulf %sub3A_1077, %mul3A_1040 : vector<16xf32>
        %mul3A_1079 = arith.mulf %mul3A_1078, %get3A_379 : vector<16xf32>
        %add3A_1080 = arith.addf %mul3A_1079, %get3A_419 : vector<16xf32>
        %swap3A_1081 = arith.index_cast %scan3A_866 : i32 to index
        %swap3A_1082 = arith.constant 64 : index
        %swap3A_1083 = tpu.vector_load %arg18[%swap3A_1081, %swap3A_1082] {strides = array<i32>} : memref<128x128xf32, #tpu.memory_space<vmem>>, vector<1x16xf32>,
        %swap3A_1084 = vector.shape_cast %swap3A_1083 : vector<1x16xf32> to vector<16xf32>
        %swap3A_1085 = vector.shape_cast %add3A_1080 : vector<16xf32> to vector<1x16xf32>
        tpu.vector_store %arg18[%swap3A_1081, %swap3A_1082], %swap3A_1085 {strides = array<i32>} : memref<128x128xf32, #tpu.memory_space<vmem>>, vector<1x16xf32>,
        %sub3A_1086 = arith.subf %add3A_921, %mul3A_989 : vector<16xf32>
        %mul3A_1087 = arith.mulf %sub3A_1086, %mul3A_1040 : vector<16xf32>
        %mul3A_1088 = arith.mulf %mul3A_1087, %get3A_384 : vector<16xf32>
        %add3A_1089 = arith.addf %mul3A_1088, %get3A_424 : vector<16xf32>
        %swap3A_1090 = arith.index_cast %scan3A_866 : i32 to index
        %swap3A_1091 = arith.constant 80 : index
        %swap3A_1092 = tpu.vector_load %arg18[%swap3A_1090, %swap3A_1091] {strides = array<i32>} : memref<128x128xf32, #tpu.memory_space<vmem>>, vector<1x16xf32>,
        %swap3A_1093 = vector.shape_cast %swap3A_1092 : vector<1x16xf32> to vector<16xf32>
        %swap3A_1094 = vector.shape_cast %add3A_1089 : vector<16xf32> to vector<1x16xf32>
        tpu.vector_store %arg18[%swap3A_1090, %swap3A_1091], %swap3A_1094 {strides = array<i32>} : memref<128x128xf32, #tpu.memory_space<vmem>>, vector<1x16xf32>,
        %sub3A_1095 = arith.subf %add3A_930, %mul3A_989 : vector<16xf32>
        %mul3A_1096 = arith.mulf %sub3A_1095, %mul3A_1040 : vector<16xf32>
        %mul3A_1097 = arith.mulf %mul3A_1096, %get3A_389 : vector<16xf32>
        %add3A_1098 = arith.addf %mul3A_1097, %get3A_429 : vector<16xf32>
        %swap3A_1099 = arith.index_cast %scan3A_866 : i32 to index
        %swap3A_1100 = arith.constant 96 : index
        %swap3A_1101 = tpu.vector_load %arg18[%swap3A_1099, %swap3A_1100] {strides = array<i32>} : memref<128x128xf32, #tpu.memory_space<vmem>>, vector<1x16xf32>,
        %swap3A_1102 = vector.shape_cast %swap3A_1101 : vector<1x16xf32> to vector<16xf32>
        %swap3A_1103 = vector.shape_cast %add3A_1098 : vector<16xf32> to vector<1x16xf32>
        tpu.vector_store %arg18[%swap3A_1099, %swap3A_1100], %swap3A_1103 {strides = array<i32>} : memref<128x128xf32, #tpu.memory_space<vmem>>, vector<1x16xf32>,
        %sub3A_1104 = arith.subf %add3A_939, %mul3A_989 : vector<16xf32>
        %mul3A_1105 = arith.mulf %sub3A_1104, %mul3A_1040 : vector<16xf32>
        %mul3A_1106 = arith.mulf %mul3A_1105, %get3A_394 : vector<16xf32>
        %add3A_1107 = arith.addf %mul3A_1106, %get3A_434 : vector<16xf32>
        %swap3A_1108 = arith.index_cast %scan3A_866 : i32 to index
        %swap3A_1109 = arith.constant 112 : index
        %swap3A_1110 = tpu.vector_load %arg18[%swap3A_1108, %swap3A_1109] {strides = array<i32>} : memref<128x128xf32, #tpu.memory_space<vmem>>, vector<1x16xf32>,
        %swap3A_1111 = vector.shape_cast %swap3A_1110 : vector<1x16xf32> to vector<16xf32>
        %swap3A_1112 = vector.shape_cast %add3A_1107 : vector<16xf32> to vector<1x16xf32>
        tpu.vector_store %arg18[%swap3A_1108, %swap3A_1109], %swap3A_1112 {strides = array<i32>} : memref<128x128xf32, #tpu.memory_space<vmem>>, vector<1x16xf32>,
        %scan3A_1113 = arith.constant 0 : i32
        scf.yield %scan3A_1113 : i32
      }
      %scan3A_739 = arith.constant 128 : i32
      %mul3A_740 = arith.constant 32 : i32
      %mul3A_741 = arith.muli %add3A, %mul3A_740 : i32
      %jit3A = arith.constant 4 : i32
      %div3A = arith.divsi %add3A_715, %jit3A : i32
      %sign3A = arith.constant 0 : i32
      %sign3A_742 = arith.cmpi sgt, %add3A_715, %sign3A : i32
      %sign3A_743 = arith.extui %sign3A_742 : i1 to i32
      %sign3A_744 = arith.constant 0 : i32
      %sign3A_745 = arith.cmpi slt, %add3A_715, %sign3A_744 : i32
      %sign3A_746 = arith.extui %sign3A_745 : i1 to i32
      %sign3A_747 = arith.subi %sign3A_743, %sign3A_746 : i32
      %sign3A_748 = arith.constant 0 : i32
      %sign3A_749 = arith.cmpi sgt, %jit3A, %sign3A_748 : i32
      %sign3A_750 = arith.extui %sign3A_749 : i1 to i32
      %sign3A_751 = arith.constant 0 : i32
      %sign3A_752 = arith.cmpi slt, %jit3A, %sign3A_751 : i32
      %sign3A_753 = arith.extui %sign3A_752 : i1 to i32
      %sign3A_754 = arith.subi %sign3A_750, %sign3A_753 : i32
      %ne3A = arith.cmpi ne, %sign3A_747, %sign3A_754 : i32
      %rem3A = arith.remsi %add3A_715, %jit3A : i32
      %ne3A_755 = arith.constant 0 : i32
      %ne3A_756 = arith.cmpi ne, %rem3A, %ne3A_755 : i32
      %and3A = arith.andi %ne3A, %ne3A_756 : i1
      %sub3A = arith.constant 1 : i32
      %sub3A_757 = arith.subi %div3A, %sub3A : i32
      %select_n3A = arith.select %and3A, %sub3A_757, %div3A : i32
      %add3A_758 = arith.addi %mul3A_741, %select_n3A : i32
      %jit3A_759 = arith.constant 4 : i32
      %eq3A = arith.constant 0 : i32
      %eq3A_760 = arith.cmpi eq, %jit3A_759, %eq3A : i32
      %jit3A_761 = arith.constant 1 : i32
      %select_n3A_762 = arith.select %eq3A_760, %jit3A_761, %jit3A_759 : i32
      %rem3A_763 = arith.remsi %add3A_715, %select_n3A_762 : i32
      %ne3A_764 = arith.constant 0 : i32
      %ne3A_765 = arith.cmpi ne, %rem3A_763, %ne3A_764 : i32
      %lt3A_766 = arith.constant 0 : i32
      %lt3A_767 = arith.cmpi slt, %rem3A_763, %lt3A_766 : i32
      %lt3A_768 = arith.constant 0 : i32
      %lt3A_769 = arith.cmpi slt, %select_n3A_762, %lt3A_768 : i32
      %ne3A_770 = arith.xori %lt3A_767, %lt3A_769 : i1
      %and3A_771 = arith.andi %ne3A_770, %ne3A_765 : i1
      %add3A_772 = arith.addi %rem3A_763, %select_n3A_762 : i32
      %select_n3A_773 = arith.select %and3A_771, %add3A_772, %rem3A_763 : i32
      %mul3A_774 = arith.constant 128 : i32
      %mul3A_775 = arith.muli %select_n3A_773, %mul3A_774 : i32
      %dma_start3A_776 = arith.constant 0 : i32
      %dma_start3A_777 = tpu.memref_slice %arg11[%add3A_758, %mul3A_775, %dma_start3A_776] : memref<1024x512x128xf32, #tpu.memory_space<hbm>> -> memref<1x128x128xf32, #tpu.memory_space<hbm>>
      %dma_start3A_778 = tpu.memref_squeeze %dma_start3A_777 : memref<1x128x128xf32, #tpu.memory_space<hbm>> -> memref<128x128xf32, #tpu.memory_space<hbm>>
      %dma_start3A_779 = arith.constant 0 : i32
      %dma_start3A_780 = tpu.memref_slice %arg11[%add3A_758, %mul3A_775, %dma_start3A_779] : memref<1024x512x128xf32, #tpu.memory_space<hbm>> -> memref<1x128x128xf32, #tpu.memory_space<hbm>>
      %dma_start3A_781 = tpu.memref_squeeze %dma_start3A_780 : memref<1x128x128xf32, #tpu.memory_space<hbm>> -> memref<128x128xf32, #tpu.memory_space<hbm>>
      tpu.enqueue_dma source(%arg18 : memref<128x128xf32, #tpu.memory_space<vmem>>) target(%dma_start3A_781 : memref<128x128xf32, #tpu.memory_space<hbm>>) target_semaphore(%arg30 : memref<!tpu.dma_semaphore, #tpu.memory_space<semaphore_mem>>)
      %mul3A_782 = arith.constant 2 : i32
      %mul3A_783 = arith.muli %scan3A_710, %mul3A_782 : i32
      %add3A_784 = arith.constant 1 : i32
      %add3A_785 = arith.addi %mul3A_783, %add3A_784 : i32
      %lt3A_786 = arith.constant 127 : i32
      %lt3A_787 = arith.cmpi slt, %add3A_785, %lt3A_786 : i32
      %convert_element_type3A_788 = arith.extui %lt3A_787 : i1 to i32
      %cond3A_789 = arith.constant 0 : i32
      %cond3A_790 = arith.cmpi ne, %convert_element_type3A_788, %cond3A_789 : i32
      scf.if %cond3A_790 {
        %dma_wait3A_866 = arith.constant 0 : i32
        %dma_wait3A_867 = arith.constant 0 : i32
        %dma_wait3A_868 = tpu.memref_slice %arg2[%dma_wait3A_866, %dma_wait3A_867] : memref<1024x512xi32, #tpu.memory_space<hbm>> -> memref<1x128xi32, #tpu.memory_space<hbm>>
        %dma_wait3A_869 = tpu.memref_squeeze %dma_wait3A_868 : memref<1x128xi32, #tpu.memory_space<hbm>> -> memref<128xi32, #tpu.memory_space<hbm>>
        %dma_wait3A_870 = arith.constant 0 : i32
        %dma_wait3A_871 = tpu.memref_slice %arg2[%dma_wait3A_866, %dma_wait3A_870] : memref<1024x512xi32, #tpu.memory_space<hbm>> -> memref<1x128xi32, #tpu.memory_space<hbm>>
        %dma_wait3A_872 = tpu.memref_squeeze %dma_wait3A_871 : memref<1x128xi32, #tpu.memory_space<hbm>> -> memref<128xi32, #tpu.memory_space<hbm>>
        tpu.wait_dma2 semaphore(%arg31 : memref<!tpu.dma_semaphore, #tpu.memory_space<semaphore_mem>>) src(%dma_wait3A_872 : memref<128xi32, #tpu.memory_space<hbm>>) dst(%arg12 : memref<128xi32, #tpu.memory_space<vmem>>)
        %dma_wait3A_873 = arith.constant 0 : i32
        %dma_wait3A_874 = arith.constant 0 : i32
        %dma_wait3A_875 = tpu.memref_slice %arg3[%dma_wait3A_873, %dma_wait3A_874] : memref<1024x512xi32, #tpu.memory_space<hbm>> -> memref<1x128xi32, #tpu.memory_space<hbm>>
        %dma_wait3A_876 = tpu.memref_squeeze %dma_wait3A_875 : memref<1x128xi32, #tpu.memory_space<hbm>> -> memref<128xi32, #tpu.memory_space<hbm>>
        %dma_wait3A_877 = arith.constant 0 : i32
        %dma_wait3A_878 = tpu.memref_slice %arg3[%dma_wait3A_873, %dma_wait3A_877] : memref<1024x512xi32, #tpu.memory_space<hbm>> -> memref<1x128xi32, #tpu.memory_space<hbm>>
        %dma_wait3A_879 = tpu.memref_squeeze %dma_wait3A_878 : memref<1x128xi32, #tpu.memory_space<hbm>> -> memref<128xi32, #tpu.memory_space<hbm>>
        tpu.wait_dma2 semaphore(%arg31 : memref<!tpu.dma_semaphore, #tpu.memory_space<semaphore_mem>>) src(%dma_wait3A_879 : memref<128xi32, #tpu.memory_space<hbm>>) dst(%arg14 : memref<128xi32, #tpu.memory_space<vmem>>)
        %dma_wait3A_880 = arith.constant 0 : i32
        %dma_wait3A_881 = arith.constant 0 : i32
        %dma_wait3A_882 = tpu.memref_slice %arg4[%dma_wait3A_880, %dma_wait3A_881] : memref<1024x512xi32, #tpu.memory_space<hbm>> -> memref<1x128xi32, #tpu.memory_space<hbm>>
        %dma_wait3A_883 = tpu.memref_squeeze %dma_wait3A_882 : memref<1x128xi32, #tpu.memory_space<hbm>> -> memref<128xi32, #tpu.memory_space<hbm>>
        %dma_wait3A_884 = arith.constant 0 : i32
        %dma_wait3A_885 = tpu.memref_slice %arg4[%dma_wait3A_880, %dma_wait3A_884] : memref<1024x512xi32, #tpu.memory_space<hbm>> -> memref<1x128xi32, #tpu.memory_space<hbm>>
        %dma_wait3A_886 = tpu.memref_squeeze %dma_wait3A_885 : memref<1x128xi32, #tpu.memory_space<hbm>> -> memref<128xi32, #tpu.memory_space<hbm>>
        tpu.wait_dma2 semaphore(%arg31 : memref<!tpu.dma_semaphore, #tpu.memory_space<semaphore_mem>>) src(%dma_wait3A_886 : memref<128xi32, #tpu.memory_space<hbm>>) dst(%arg15 : memref<128xi32, #tpu.memory_space<vmem>>)
        %add3A_887 = arith.constant 1 : i32
        %add3A_888 = arith.addi %add3A_785, %add3A_887 : i32
        %mul3A_889 = arith.constant 32 : i32
        %mul3A_890 = arith.muli %add3A, %mul3A_889 : i32
        %jit3A_891 = arith.constant 4 : i32
        %div3A_892 = arith.divsi %add3A_888, %jit3A_891 : i32
        %sign3A_893 = arith.constant 0 : i32
        %sign3A_894 = arith.cmpi sgt, %add3A_888, %sign3A_893 : i32
        %sign3A_895 = arith.extui %sign3A_894 : i1 to i32
        %sign3A_896 = arith.constant 0 : i32
        %sign3A_897 = arith.cmpi slt, %add3A_888, %sign3A_896 : i32
        %sign3A_898 = arith.extui %sign3A_897 : i1 to i32
        %sign3A_899 = arith.subi %sign3A_895, %sign3A_898 : i32
        %sign3A_900 = arith.constant 0 : i32
        %sign3A_901 = arith.cmpi sgt, %jit3A_891, %sign3A_900 : i32
        %sign3A_902 = arith.extui %sign3A_901 : i1 to i32
        %sign3A_903 = arith.constant 0 : i32
        %sign3A_904 = arith.cmpi slt, %jit3A_891, %sign3A_903 : i32
        %sign3A_905 = arith.extui %sign3A_904 : i1 to i32
        %sign3A_906 = arith.subi %sign3A_902, %sign3A_905 : i32
        %ne3A_907 = arith.cmpi ne, %sign3A_899, %sign3A_906 : i32
        %rem3A_908 = arith.remsi %add3A_888, %jit3A_891 : i32
        %ne3A_909 = arith.constant 0 : i32
        %ne3A_910 = arith.cmpi ne, %rem3A_908, %ne3A_909 : i32
        %and3A_911 = arith.andi %ne3A_907, %ne3A_910 : i1
        %sub3A_912 = arith.constant 1 : i32
        %sub3A_913 = arith.subi %div3A_892, %sub3A_912 : i32
        %select_n3A_914 = arith.select %and3A_911, %sub3A_913, %div3A_892 : i32
        %add3A_915 = arith.addi %mul3A_890, %select_n3A_914 : i32
        %jit3A_916 = arith.constant 4 : i32
        %eq3A_917 = arith.constant 0 : i32
        %eq3A_918 = arith.cmpi eq, %jit3A_916, %eq3A_917 : i32
        %jit3A_919 = arith.constant 1 : i32
        %select_n3A_920 = arith.select %eq3A_918, %jit3A_919, %jit3A_916 : i32
        %rem3A_921 = arith.remsi %add3A_888, %select_n3A_920 : i32
        %ne3A_922 = arith.constant 0 : i32
        %ne3A_923 = arith.cmpi ne, %rem3A_921, %ne3A_922 : i32
        %lt3A_924 = arith.constant 0 : i32
        %lt3A_925 = arith.cmpi slt, %rem3A_921, %lt3A_924 : i32
        %lt3A_926 = arith.constant 0 : i32
        %lt3A_927 = arith.cmpi slt, %select_n3A_920, %lt3A_926 : i32
        %ne3A_928 = arith.xori %lt3A_925, %lt3A_927 : i1
        %and3A_929 = arith.andi %ne3A_928, %ne3A_923 : i1
        %add3A_930 = arith.addi %rem3A_921, %select_n3A_920 : i32
        %select_n3A_931 = arith.select %and3A_929, %add3A_930, %rem3A_921 : i32
        %mul3A_932 = arith.constant 128 : i32
        %mul3A_933 = arith.muli %select_n3A_931, %mul3A_932 : i32
        %add3A_934 = arith.constant 0 : i32
        %add3A_935 = arith.addi %mul3A_933, %add3A_934 : i32
        %mul3A_936 = arith.constant 4 : i32
        %mul3A_937 = arith.muli %mul3A_936, %add3A_935 : i32
        %mul3A_938 = arith.constant 4 : i32
        %mul3A_939 = vector.broadcast %mul3A_938 : i32 to vector<16xi32>
        %mul3A_940 = arith.muli %mul3A_939, %iota3A : vector<16xi32>
        %add3A_941 = vector.broadcast %mul3A_937 : i32 to vector<16xi32>
        %add3A_942 = arith.addi %add3A_941, %mul3A_940 : vector<16xi32>
        %get3A_943 = arith.constant 0 : index
        %get3A_944 = tpu.vector_load %arg14[%get3A_943] {strides = array<i32>} : memref<128xi32, #tpu.memory_space<vmem>>, vector<16xi32>,
        %get3A_945 = vector.shape_cast %get3A_944 : vector<16xi32> to vector<16xi32>
        %mul3A_946 = arith.constant 2 : i32
        %mul3A_947 = vector.broadcast %mul3A_946 : i32 to vector<16xi32>
        %mul3A_948 = arith.muli %mul3A_947, %get3A_945 : vector<16xi32>
        %add3A_949 = arith.addi %add3A_942, %mul3A_948 : vector<16xi32>
        %get3A_950 = arith.constant 0 : index
        %get3A_951 = tpu.vector_load %arg15[%get3A_950] {strides = array<i32>} : memref<128xi32, #tpu.memory_space<vmem>>, vector<16xi32>,
        %get3A_952 = vector.shape_cast %get3A_951 : vector<16xi32> to vector<16xi32>
        %add3A_953 = arith.addi %add3A_949, %get3A_952 : vector<16xi32>
        %swap3A_954 = arith.constant 0 : index
        %swap3A_955 = tpu.vector_load %arg13[%swap3A_954] {strides = array<i32>} : memref<128xi32, #tpu.memory_space<vmem>>, vector<16xi32>,
        %swap3A_956 = vector.shape_cast %swap3A_955 : vector<16xi32> to vector<16xi32>
        %swap3A_957 = vector.shape_cast %add3A_953 : vector<16xi32> to vector<16xi32>
        tpu.vector_store %arg13[%swap3A_954], %swap3A_957 {strides = array<i32>} : memref<128xi32, #tpu.memory_space<vmem>>, vector<16xi32>,
        %add3A_958 = arith.constant 16 : i32
        %add3A_959 = arith.addi %mul3A_933, %add3A_958 : i32
        %mul3A_960 = arith.constant 4 : i32
        %mul3A_961 = arith.muli %mul3A_960, %add3A_959 : i32
        %mul3A_962 = arith.constant 4 : i32
        %mul3A_963 = vector.broadcast %mul3A_962 : i32 to vector<16xi32>
        %mul3A_964 = arith.muli %mul3A_963, %iota3A : vector<16xi32>
        %add3A_965 = vector.broadcast %mul3A_961 : i32 to vector<16xi32>
        %add3A_966 = arith.addi %add3A_965, %mul3A_964 : vector<16xi32>
        %get3A_967 = arith.constant 16 : index
        %get3A_968 = tpu.vector_load %arg14[%get3A_967] {strides = array<i32>} : memref<128xi32, #tpu.memory_space<vmem>>, vector<16xi32>,
        %get3A_969 = vector.shape_cast %get3A_968 : vector<16xi32> to vector<16xi32>
        %mul3A_970 = arith.constant 2 : i32
        %mul3A_971 = vector.broadcast %mul3A_970 : i32 to vector<16xi32>
        %mul3A_972 = arith.muli %mul3A_971, %get3A_969 : vector<16xi32>
        %add3A_973 = arith.addi %add3A_966, %mul3A_972 : vector<16xi32>
        %get3A_974 = arith.constant 16 : index
        %get3A_975 = tpu.vector_load %arg15[%get3A_974] {strides = array<i32>} : memref<128xi32, #tpu.memory_space<vmem>>, vector<16xi32>,
        %get3A_976 = vector.shape_cast %get3A_975 : vector<16xi32> to vector<16xi32>
        %add3A_977 = arith.addi %add3A_973, %get3A_976 : vector<16xi32>
        %swap3A_978 = arith.constant 16 : index
        %swap3A_979 = tpu.vector_load %arg13[%swap3A_978] {strides = array<i32>} : memref<128xi32, #tpu.memory_space<vmem>>, vector<16xi32>,
        %swap3A_980 = vector.shape_cast %swap3A_979 : vector<16xi32> to vector<16xi32>
        %swap3A_981 = vector.shape_cast %add3A_977 : vector<16xi32> to vector<16xi32>
        tpu.vector_store %arg13[%swap3A_978], %swap3A_981 {strides = array<i32>} : memref<128xi32, #tpu.memory_space<vmem>>, vector<16xi32>,
        %add3A_982 = arith.constant 32 : i32
        %add3A_983 = arith.addi %mul3A_933, %add3A_982 : i32
        %mul3A_984 = arith.constant 4 : i32
        %mul3A_985 = arith.muli %mul3A_984, %add3A_983 : i32
        %mul3A_986 = arith.constant 4 : i32
        %mul3A_987 = vector.broadcast %mul3A_986 : i32 to vector<16xi32>
        %mul3A_988 = arith.muli %mul3A_987, %iota3A : vector<16xi32>
        %add3A_989 = vector.broadcast %mul3A_985 : i32 to vector<16xi32>
        %add3A_990 = arith.addi %add3A_989, %mul3A_988 : vector<16xi32>
        %get3A_991 = arith.constant 32 : index
        %get3A_992 = tpu.vector_load %arg14[%get3A_991] {strides = array<i32>} : memref<128xi32, #tpu.memory_space<vmem>>, vector<16xi32>,
        %get3A_993 = vector.shape_cast %get3A_992 : vector<16xi32> to vector<16xi32>
        %mul3A_994 = arith.constant 2 : i32
        %mul3A_995 = vector.broadcast %mul3A_994 : i32 to vector<16xi32>
        %mul3A_996 = arith.muli %mul3A_995, %get3A_993 : vector<16xi32>
        %add3A_997 = arith.addi %add3A_990, %mul3A_996 : vector<16xi32>
        %get3A_998 = arith.constant 32 : index
        %get3A_999 = tpu.vector_load %arg15[%get3A_998] {strides = array<i32>} : memref<128xi32, #tpu.memory_space<vmem>>, vector<16xi32>,
        %get3A_1000 = vector.shape_cast %get3A_999 : vector<16xi32> to vector<16xi32>
        %add3A_1001 = arith.addi %add3A_997, %get3A_1000 : vector<16xi32>
        %swap3A_1002 = arith.constant 32 : index
        %swap3A_1003 = tpu.vector_load %arg13[%swap3A_1002] {strides = array<i32>} : memref<128xi32, #tpu.memory_space<vmem>>, vector<16xi32>,
        %swap3A_1004 = vector.shape_cast %swap3A_1003 : vector<16xi32> to vector<16xi32>
        %swap3A_1005 = vector.shape_cast %add3A_1001 : vector<16xi32> to vector<16xi32>
        tpu.vector_store %arg13[%swap3A_1002], %swap3A_1005 {strides = array<i32>} : memref<128xi32, #tpu.memory_space<vmem>>, vector<16xi32>,
        %add3A_1006 = arith.constant 48 : i32
        %add3A_1007 = arith.addi %mul3A_933, %add3A_1006 : i32
        %mul3A_1008 = arith.constant 4 : i32
        %mul3A_1009 = arith.muli %mul3A_1008, %add3A_1007 : i32
        %mul3A_1010 = arith.constant 4 : i32
        %mul3A_1011 = vector.broadcast %mul3A_1010 : i32 to vector<16xi32>
        %mul3A_1012 = arith.muli %mul3A_1011, %iota3A : vector<16xi32>
        %add3A_1013 = vector.broadcast %mul3A_1009 : i32 to vector<16xi32>
        %add3A_1014 = arith.addi %add3A_1013, %mul3A_1012 : vector<16xi32>
        %get3A_1015 = arith.constant 48 : index
        %get3A_1016 = tpu.vector_load %arg14[%get3A_1015] {strides = array<i32>} : memref<128xi32, #tpu.memory_space<vmem>>, vector<16xi32>,
        %get3A_1017 = vector.shape_cast %get3A_1016 : vector<16xi32> to vector<16xi32>
        %mul3A_1018 = arith.constant 2 : i32
        %mul3A_1019 = vector.broadcast %mul3A_1018 : i32 to vector<16xi32>
        %mul3A_1020 = arith.muli %mul3A_1019, %get3A_1017 : vector<16xi32>
        %add3A_1021 = arith.addi %add3A_1014, %mul3A_1020 : vector<16xi32>
        %get3A_1022 = arith.constant 48 : index
        %get3A_1023 = tpu.vector_load %arg15[%get3A_1022] {strides = array<i32>} : memref<128xi32, #tpu.memory_space<vmem>>, vector<16xi32>,
        %get3A_1024 = vector.shape_cast %get3A_1023 : vector<16xi32> to vector<16xi32>
        %add3A_1025 = arith.addi %add3A_1021, %get3A_1024 : vector<16xi32>
        %swap3A_1026 = arith.constant 48 : index
        %swap3A_1027 = tpu.vector_load %arg13[%swap3A_1026] {strides = array<i32>} : memref<128xi32, #tpu.memory_space<vmem>>, vector<16xi32>,
        %swap3A_1028 = vector.shape_cast %swap3A_1027 : vector<16xi32> to vector<16xi32>
        %swap3A_1029 = vector.shape_cast %add3A_1025 : vector<16xi32> to vector<16xi32>
        tpu.vector_store %arg13[%swap3A_1026], %swap3A_1029 {strides = array<i32>} : memref<128xi32, #tpu.memory_space<vmem>>, vector<16xi32>,
        %add3A_1030 = arith.constant 64 : i32
        %add3A_1031 = arith.addi %mul3A_933, %add3A_1030 : i32
        %mul3A_1032 = arith.constant 4 : i32
        %mul3A_1033 = arith.muli %mul3A_1032, %add3A_1031 : i32
        %mul3A_1034 = arith.constant 4 : i32
        %mul3A_1035 = vector.broadcast %mul3A_1034 : i32 to vector<16xi32>
        %mul3A_1036 = arith.muli %mul3A_1035, %iota3A : vector<16xi32>
        %add3A_1037 = vector.broadcast %mul3A_1033 : i32 to vector<16xi32>
        %add3A_1038 = arith.addi %add3A_1037, %mul3A_1036 : vector<16xi32>
        %get3A_1039 = arith.constant 64 : index
        %get3A_1040 = tpu.vector_load %arg14[%get3A_1039] {strides = array<i32>} : memref<128xi32, #tpu.memory_space<vmem>>, vector<16xi32>,
        %get3A_1041 = vector.shape_cast %get3A_1040 : vector<16xi32> to vector<16xi32>
        %mul3A_1042 = arith.constant 2 : i32
        %mul3A_1043 = vector.broadcast %mul3A_1042 : i32 to vector<16xi32>
        %mul3A_1044 = arith.muli %mul3A_1043, %get3A_1041 : vector<16xi32>
        %add3A_1045 = arith.addi %add3A_1038, %mul3A_1044 : vector<16xi32>
        %get3A_1046 = arith.constant 64 : index
        %get3A_1047 = tpu.vector_load %arg15[%get3A_1046] {strides = array<i32>} : memref<128xi32, #tpu.memory_space<vmem>>, vector<16xi32>,
        %get3A_1048 = vector.shape_cast %get3A_1047 : vector<16xi32> to vector<16xi32>
        %add3A_1049 = arith.addi %add3A_1045, %get3A_1048 : vector<16xi32>
        %swap3A_1050 = arith.constant 64 : index
        %swap3A_1051 = tpu.vector_load %arg13[%swap3A_1050] {strides = array<i32>} : memref<128xi32, #tpu.memory_space<vmem>>, vector<16xi32>,
        %swap3A_1052 = vector.shape_cast %swap3A_1051 : vector<16xi32> to vector<16xi32>
        %swap3A_1053 = vector.shape_cast %add3A_1049 : vector<16xi32> to vector<16xi32>
        tpu.vector_store %arg13[%swap3A_1050], %swap3A_1053 {strides = array<i32>} : memref<128xi32, #tpu.memory_space<vmem>>, vector<16xi32>,
        %add3A_1054 = arith.constant 80 : i32
        %add3A_1055 = arith.addi %mul3A_933, %add3A_1054 : i32
        %mul3A_1056 = arith.constant 4 : i32
        %mul3A_1057 = arith.muli %mul3A_1056, %add3A_1055 : i32
        %mul3A_1058 = arith.constant 4 : i32
        %mul3A_1059 = vector.broadcast %mul3A_1058 : i32 to vector<16xi32>
        %mul3A_1060 = arith.muli %mul3A_1059, %iota3A : vector<16xi32>
        %add3A_1061 = vector.broadcast %mul3A_1057 : i32 to vector<16xi32>
        %add3A_1062 = arith.addi %add3A_1061, %mul3A_1060 : vector<16xi32>
        %get3A_1063 = arith.constant 80 : index
        %get3A_1064 = tpu.vector_load %arg14[%get3A_1063] {strides = array<i32>} : memref<128xi32, #tpu.memory_space<vmem>>, vector<16xi32>,
        %get3A_1065 = vector.shape_cast %get3A_1064 : vector<16xi32> to vector<16xi32>
        %mul3A_1066 = arith.constant 2 : i32
        %mul3A_1067 = vector.broadcast %mul3A_1066 : i32 to vector<16xi32>
        %mul3A_1068 = arith.muli %mul3A_1067, %get3A_1065 : vector<16xi32>
        %add3A_1069 = arith.addi %add3A_1062, %mul3A_1068 : vector<16xi32>
        %get3A_1070 = arith.constant 80 : index
        %get3A_1071 = tpu.vector_load %arg15[%get3A_1070] {strides = array<i32>} : memref<128xi32, #tpu.memory_space<vmem>>, vector<16xi32>,
        %get3A_1072 = vector.shape_cast %get3A_1071 : vector<16xi32> to vector<16xi32>
        %add3A_1073 = arith.addi %add3A_1069, %get3A_1072 : vector<16xi32>
        %swap3A_1074 = arith.constant 80 : index
        %swap3A_1075 = tpu.vector_load %arg13[%swap3A_1074] {strides = array<i32>} : memref<128xi32, #tpu.memory_space<vmem>>, vector<16xi32>,
        %swap3A_1076 = vector.shape_cast %swap3A_1075 : vector<16xi32> to vector<16xi32>
        %swap3A_1077 = vector.shape_cast %add3A_1073 : vector<16xi32> to vector<16xi32>
        tpu.vector_store %arg13[%swap3A_1074], %swap3A_1077 {strides = array<i32>} : memref<128xi32, #tpu.memory_space<vmem>>, vector<16xi32>,
        %add3A_1078 = arith.constant 96 : i32
        %add3A_1079 = arith.addi %mul3A_933, %add3A_1078 : i32
        %mul3A_1080 = arith.constant 4 : i32
        %mul3A_1081 = arith.muli %mul3A_1080, %add3A_1079 : i32
        %mul3A_1082 = arith.constant 4 : i32
        %mul3A_1083 = vector.broadcast %mul3A_1082 : i32 to vector<16xi32>
        %mul3A_1084 = arith.muli %mul3A_1083, %iota3A : vector<16xi32>
        %add3A_1085 = vector.broadcast %mul3A_1081 : i32 to vector<16xi32>
        %add3A_1086 = arith.addi %add3A_1085, %mul3A_1084 : vector<16xi32>
        %get3A_1087 = arith.constant 96 : index
        %get3A_1088 = tpu.vector_load %arg14[%get3A_1087] {strides = array<i32>} : memref<128xi32, #tpu.memory_space<vmem>>, vector<16xi32>,
        %get3A_1089 = vector.shape_cast %get3A_1088 : vector<16xi32> to vector<16xi32>
        %mul3A_1090 = arith.constant 2 : i32
        %mul3A_1091 = vector.broadcast %mul3A_1090 : i32 to vector<16xi32>
        %mul3A_1092 = arith.muli %mul3A_1091, %get3A_1089 : vector<16xi32>
        %add3A_1093 = arith.addi %add3A_1086, %mul3A_1092 : vector<16xi32>
        %get3A_1094 = arith.constant 96 : index
        %get3A_1095 = tpu.vector_load %arg15[%get3A_1094] {strides = array<i32>} : memref<128xi32, #tpu.memory_space<vmem>>, vector<16xi32>,
        %get3A_1096 = vector.shape_cast %get3A_1095 : vector<16xi32> to vector<16xi32>
        %add3A_1097 = arith.addi %add3A_1093, %get3A_1096 : vector<16xi32>
        %swap3A_1098 = arith.constant 96 : index
        %swap3A_1099 = tpu.vector_load %arg13[%swap3A_1098] {strides = array<i32>} : memref<128xi32, #tpu.memory_space<vmem>>, vector<16xi32>,
        %swap3A_1100 = vector.shape_cast %swap3A_1099 : vector<16xi32> to vector<16xi32>
        %swap3A_1101 = vector.shape_cast %add3A_1097 : vector<16xi32> to vector<16xi32>
        tpu.vector_store %arg13[%swap3A_1098], %swap3A_1101 {strides = array<i32>} : memref<128xi32, #tpu.memory_space<vmem>>, vector<16xi32>,
        %add3A_1102 = arith.constant 112 : i32
        %add3A_1103 = arith.addi %mul3A_933, %add3A_1102 : i32
        %mul3A_1104 = arith.constant 4 : i32
        %mul3A_1105 = arith.muli %mul3A_1104, %add3A_1103 : i32
        %mul3A_1106 = arith.constant 4 : i32
        %mul3A_1107 = vector.broadcast %mul3A_1106 : i32 to vector<16xi32>
        %mul3A_1108 = arith.muli %mul3A_1107, %iota3A : vector<16xi32>
        %add3A_1109 = vector.broadcast %mul3A_1105 : i32 to vector<16xi32>
        %add3A_1110 = arith.addi %add3A_1109, %mul3A_1108 : vector<16xi32>
        %get3A_1111 = arith.constant 112 : index
        %get3A_1112 = tpu.vector_load %arg14[%get3A_1111] {strides = array<i32>} : memref<128xi32, #tpu.memory_space<vmem>>, vector<16xi32>,
        %get3A_1113 = vector.shape_cast %get3A_1112 : vector<16xi32> to vector<16xi32>
        %mul3A_1114 = arith.constant 2 : i32
        %mul3A_1115 = vector.broadcast %mul3A_1114 : i32 to vector<16xi32>
        %mul3A_1116 = arith.muli %mul3A_1115, %get3A_1113 : vector<16xi32>
        %add3A_1117 = arith.addi %add3A_1110, %mul3A_1116 : vector<16xi32>
        %get3A_1118 = arith.constant 112 : index
        %get3A_1119 = tpu.vector_load %arg15[%get3A_1118] {strides = array<i32>} : memref<128xi32, #tpu.memory_space<vmem>>, vector<16xi32>,
        %get3A_1120 = vector.shape_cast %get3A_1119 : vector<16xi32> to vector<16xi32>
        %add3A_1121 = arith.addi %add3A_1117, %get3A_1120 : vector<16xi32>
        %swap3A_1122 = arith.constant 112 : index
        %swap3A_1123 = tpu.vector_load %arg13[%swap3A_1122] {strides = array<i32>} : memref<128xi32, #tpu.memory_space<vmem>>, vector<16xi32>,
        %swap3A_1124 = vector.shape_cast %swap3A_1123 : vector<16xi32> to vector<16xi32>
        %swap3A_1125 = vector.shape_cast %add3A_1121 : vector<16xi32> to vector<16xi32>
        tpu.vector_store %arg13[%swap3A_1122], %swap3A_1125 {strides = array<i32>} : memref<128xi32, #tpu.memory_space<vmem>>, vector<16xi32>,
        %dma_start3A_1126 = arith.constant 0 : i32
        %dma_start3A_1127 = arith.constant 0 : i32
        %dma_start3A_1128 = tpu.memref_slice %arg5[%dma_start3A_1126, %dma_start3A_1127] : memref<100000x128xf32, #tpu.memory_space<hbm>> -> memref<100000x128xf32, #tpu.memory_space<hbm>>
        tpu.enqueue_indirect_dma source(%dma_start3A_1128 : memref<100000x128xf32, #tpu.memory_space<hbm>>) target(%arg16 : memref<128x128xf32, #tpu.memory_space<vmem>>) offsets(%arg12 : memref<128xi32, #tpu.memory_space<vmem>>) semaphore(%arg28 : memref<!tpu.dma_semaphore, #tpu.memory_space<semaphore_mem>>)
        %dma_start3A_1129 = arith.constant 0 : i32
        %dma_start3A_1130 = arith.constant 0 : i32
        %dma_start3A_1131 = tpu.memref_slice %arg27[%dma_start3A_1129, %dma_start3A_1130] : memref<2048x128xf32, #tpu.memory_space<vmem_shared>> -> memref<2048x128xf32, #tpu.memory_space<vmem_shared>>
        tpu.enqueue_indirect_dma source(%dma_start3A_1131 : memref<2048x128xf32, #tpu.memory_space<vmem_shared>>) target(%arg17 : memref<128x128xf32, #tpu.memory_space<vmem>>) offsets(%arg13 : memref<128xi32, #tpu.memory_space<vmem>>) semaphore(%arg29 : memref<!tpu.dma_semaphore, #tpu.memory_space<semaphore_mem>>)
      } else {
      }
      %dma_wait3A_791 = arith.constant 0 : i32
      %dma_wait3A_792 = arith.constant 0 : i32
      %dma_wait3A_793 = tpu.memref_slice %arg5[%dma_wait3A_791, %dma_wait3A_792] : memref<100000x128xf32, #tpu.memory_space<hbm>> -> memref<100000x128xf32, #tpu.memory_space<hbm>>
      tpu.wait_indirect_dma semaphore(%arg32 : memref<!tpu.dma_semaphore, #tpu.memory_space<semaphore_mem>>) src(%dma_wait3A_793 : memref<100000x128xf32, #tpu.memory_space<hbm>>) dst(%arg23 : memref<128x128xf32, #tpu.memory_space<vmem>>)
      %dma_wait3A_794 = arith.constant 0 : i32
      %dma_wait3A_795 = arith.constant 0 : i32
      %dma_wait3A_796 = tpu.memref_slice %arg27[%dma_wait3A_794, %dma_wait3A_795] : memref<2048x128xf32, #tpu.memory_space<vmem_shared>> -> memref<2048x128xf32, #tpu.memory_space<vmem_shared>>
      tpu.wait_indirect_dma semaphore(%arg33 : memref<!tpu.dma_semaphore, #tpu.memory_space<semaphore_mem>>) src(%dma_wait3A_796 : memref<2048x128xf32, #tpu.memory_space<vmem_shared>>) dst(%arg24 : memref<128x128xf32, #tpu.memory_space<vmem>>)
      %lt3A_797 = arith.constant 126 : i32
      %lt3A_798 = arith.cmpi slt, %add3A_785, %lt3A_797 : i32
      %convert_element_type3A_799 = arith.extui %lt3A_798 : i1 to i32
      %cond3A_800 = arith.constant 0 : i32
      %cond3A_801 = arith.cmpi ne, %convert_element_type3A_799, %cond3A_800 : i32
      scf.if %cond3A_801 {
        %add3A_866 = arith.constant 2 : i32
        %add3A_867 = arith.addi %add3A_785, %add3A_866 : i32
        %mul3A_868 = arith.constant 32 : i32
        %mul3A_869 = arith.muli %add3A, %mul3A_868 : i32
        %jit3A_870 = arith.constant 4 : i32
        %div3A_871 = arith.divsi %add3A_867, %jit3A_870 : i32
        %sign3A_872 = arith.constant 0 : i32
        %sign3A_873 = arith.cmpi sgt, %add3A_867, %sign3A_872 : i32
        %sign3A_874 = arith.extui %sign3A_873 : i1 to i32
        %sign3A_875 = arith.constant 0 : i32
        %sign3A_876 = arith.cmpi slt, %add3A_867, %sign3A_875 : i32
        %sign3A_877 = arith.extui %sign3A_876 : i1 to i32
        %sign3A_878 = arith.subi %sign3A_874, %sign3A_877 : i32
        %sign3A_879 = arith.constant 0 : i32
        %sign3A_880 = arith.cmpi sgt, %jit3A_870, %sign3A_879 : i32
        %sign3A_881 = arith.extui %sign3A_880 : i1 to i32
        %sign3A_882 = arith.constant 0 : i32
        %sign3A_883 = arith.cmpi slt, %jit3A_870, %sign3A_882 : i32
        %sign3A_884 = arith.extui %sign3A_883 : i1 to i32
        %sign3A_885 = arith.subi %sign3A_881, %sign3A_884 : i32
        %ne3A_886 = arith.cmpi ne, %sign3A_878, %sign3A_885 : i32
        %rem3A_887 = arith.remsi %add3A_867, %jit3A_870 : i32
        %ne3A_888 = arith.constant 0 : i32
        %ne3A_889 = arith.cmpi ne, %rem3A_887, %ne3A_888 : i32
        %and3A_890 = arith.andi %ne3A_886, %ne3A_889 : i1
        %sub3A_891 = arith.constant 1 : i32
        %sub3A_892 = arith.subi %div3A_871, %sub3A_891 : i32
        %select_n3A_893 = arith.select %and3A_890, %sub3A_892, %div3A_871 : i32
        %add3A_894 = arith.addi %mul3A_869, %select_n3A_893 : i32
        %jit3A_895 = arith.constant 4 : i32
        %eq3A_896 = arith.constant 0 : i32
        %eq3A_897 = arith.cmpi eq, %jit3A_895, %eq3A_896 : i32
        %jit3A_898 = arith.constant 1 : i32
        %select_n3A_899 = arith.select %eq3A_897, %jit3A_898, %jit3A_895 : i32
        %rem3A_900 = arith.remsi %add3A_867, %select_n3A_899 : i32
        %ne3A_901 = arith.constant 0 : i32
        %ne3A_902 = arith.cmpi ne, %rem3A_900, %ne3A_901 : i32
        %lt3A_903 = arith.constant 0 : i32
        %lt3A_904 = arith.cmpi slt, %rem3A_900, %lt3A_903 : i32
        %lt3A_905 = arith.constant 0 : i32
        %lt3A_906 = arith.cmpi slt, %select_n3A_899, %lt3A_905 : i32
        %ne3A_907 = arith.xori %lt3A_904, %lt3A_906 : i1
        %and3A_908 = arith.andi %ne3A_907, %ne3A_902 : i1
        %add3A_909 = arith.addi %rem3A_900, %select_n3A_899 : i32
        %select_n3A_910 = arith.select %and3A_908, %add3A_909, %rem3A_900 : i32
        %mul3A_911 = arith.constant 128 : i32
        %mul3A_912 = arith.muli %select_n3A_910, %mul3A_911 : i32
        %dma_start3A_913 = tpu.memref_slice %arg2[%add3A_894, %mul3A_912] : memref<1024x512xi32, #tpu.memory_space<hbm>> -> memref<1x128xi32, #tpu.memory_space<hbm>>
        %dma_start3A_914 = tpu.memref_squeeze %dma_start3A_913 : memref<1x128xi32, #tpu.memory_space<hbm>> -> memref<128xi32, #tpu.memory_space<hbm>>
        %dma_start3A_915 = tpu.memref_slice %arg2[%add3A_894, %mul3A_912] : memref<1024x512xi32, #tpu.memory_space<hbm>> -> memref<1x128xi32, #tpu.memory_space<hbm>>
        %dma_start3A_916 = tpu.memref_squeeze %dma_start3A_915 : memref<1x128xi32, #tpu.memory_space<hbm>> -> memref<128xi32, #tpu.memory_space<hbm>>
        tpu.enqueue_dma source(%dma_start3A_916 : memref<128xi32, #tpu.memory_space<hbm>>) target(%arg19 : memref<128xi32, #tpu.memory_space<vmem>>) target_semaphore(%arg35 : memref<!tpu.dma_semaphore, #tpu.memory_space<semaphore_mem>>)
        %dma_start3A_917 = tpu.memref_slice %arg3[%add3A_894, %mul3A_912] : memref<1024x512xi32, #tpu.memory_space<hbm>> -> memref<1x128xi32, #tpu.memory_space<hbm>>
        %dma_start3A_918 = tpu.memref_squeeze %dma_start3A_917 : memref<1x128xi32, #tpu.memory_space<hbm>> -> memref<128xi32, #tpu.memory_space<hbm>>
        %dma_start3A_919 = tpu.memref_slice %arg3[%add3A_894, %mul3A_912] : memref<1024x512xi32, #tpu.memory_space<hbm>> -> memref<1x128xi32, #tpu.memory_space<hbm>>
        %dma_start3A_920 = tpu.memref_squeeze %dma_start3A_919 : memref<1x128xi32, #tpu.memory_space<hbm>> -> memref<128xi32, #tpu.memory_space<hbm>>
        tpu.enqueue_dma source(%dma_start3A_920 : memref<128xi32, #tpu.memory_space<hbm>>) target(%arg21 : memref<128xi32, #tpu.memory_space<vmem>>) target_semaphore(%arg35 : memref<!tpu.dma_semaphore, #tpu.memory_space<semaphore_mem>>)
        %dma_start3A_921 = tpu.memref_slice %arg4[%add3A_894, %mul3A_912] : memref<1024x512xi32, #tpu.memory_space<hbm>> -> memref<1x128xi32, #tpu.memory_space<hbm>>
        %dma_start3A_922 = tpu.memref_squeeze %dma_start3A_921 : memref<1x128xi32, #tpu.memory_space<hbm>> -> memref<128xi32, #tpu.memory_space<hbm>>
        %dma_start3A_923 = tpu.memref_slice %arg4[%add3A_894, %mul3A_912] : memref<1024x512xi32, #tpu.memory_space<hbm>> -> memref<1x128xi32, #tpu.memory_space<hbm>>
        %dma_start3A_924 = tpu.memref_squeeze %dma_start3A_923 : memref<1x128xi32, #tpu.memory_space<hbm>> -> memref<128xi32, #tpu.memory_space<hbm>>
        tpu.enqueue_dma source(%dma_start3A_924 : memref<128xi32, #tpu.memory_space<hbm>>) target(%arg22 : memref<128xi32, #tpu.memory_space<vmem>>) target_semaphore(%arg35 : memref<!tpu.dma_semaphore, #tpu.memory_space<semaphore_mem>>)
      } else {
      }
      %ge3A_802 = arith.constant 2 : i32
      %ge3A_803 = arith.cmpi sge, %add3A_785, %ge3A_802 : i32
      %convert_element_type3A_804 = arith.extui %ge3A_803 : i1 to i32
      %cond3A_805 = arith.constant 0 : i32
      %cond3A_806 = arith.cmpi ne, %convert_element_type3A_804, %cond3A_805 : i32
      scf.if %cond3A_806 {
        %dma_wait3A_866 = arith.constant 0 : i32
        %dma_wait3A_867 = arith.constant 0 : i32
        %dma_wait3A_868 = arith.constant 0 : i32
        %dma_wait3A_869 = tpu.memref_slice %arg11[%dma_wait3A_866, %dma_wait3A_867, %dma_wait3A_868] : memref<1024x512x128xf32, #tpu.memory_space<hbm>> -> memref<1x128x128xf32, #tpu.memory_space<hbm>>
        %dma_wait3A_870 = tpu.memref_squeeze %dma_wait3A_869 : memref<1x128x128xf32, #tpu.memory_space<hbm>> -> memref<128x128xf32, #tpu.memory_space<hbm>>
        %dma_wait3A_871 = arith.constant 0 : i32
        %dma_wait3A_872 = arith.constant 0 : i32
        %dma_wait3A_873 = tpu.memref_slice %arg11[%dma_wait3A_866, %dma_wait3A_871, %dma_wait3A_872] : memref<1024x512x128xf32, #tpu.memory_space<hbm>> -> memref<1x128x128xf32, #tpu.memory_space<hbm>>
        %dma_wait3A_874 = tpu.memref_squeeze %dma_wait3A_873 : memref<1x128x128xf32, #tpu.memory_space<hbm>> -> memref<128x128xf32, #tpu.memory_space<hbm>>
        tpu.wait_dma2 semaphore(%arg34 : memref<!tpu.dma_semaphore, #tpu.memory_space<semaphore_mem>>) src(%arg25 : memref<128x128xf32, #tpu.memory_space<vmem>>) dst(%dma_wait3A_874 : memref<128x128xf32, #tpu.memory_space<hbm>>)
      } else {
      }
      %scan3A_807 = arith.constant 0 : i32
      %scan3A_808 = arith.constant 0 : i32
      %scan3A_809 = arith.constant 128 : i32
      %scan3A_810 = arith.addi %scan3A_808, %scan3A_809 : i32
      %scan3A_811 = arith.constant 1 : i32
      %scan3A_812 = scf.for %scan3A_866 = %scan3A_808 to %scan3A_810 step %scan3A_811 iter_args(%scan3A_867 = %scan3A_807) -> (i32)  : i32 {
        %get3A_868 = arith.index_cast %scan3A_866 : i32 to index
        %get3A_869 = arith.constant 0 : index
        %get3A_870 = tpu.vector_load %arg23[%get3A_868, %get3A_869] {strides = array<i32>} : memref<128x128xf32, #tpu.memory_space<vmem>>, vector<1x16xf32>,
        %get3A_871 = vector.shape_cast %get3A_870 : vector<1x16xf32> to vector<16xf32>
        %get3A_872 = arith.index_cast %scan3A_866 : i32 to index
        %get3A_873 = arith.constant 0 : index
        %get3A_874 = tpu.vector_load %arg24[%get3A_872, %get3A_873] {strides = array<i32>} : memref<128x128xf32, #tpu.memory_space<vmem>>, vector<1x16xf32>,
        %get3A_875 = vector.shape_cast %get3A_874 : vector<1x16xf32> to vector<16xf32>
        %add3A_876 = arith.addf %get3A_871, %get3A_875 : vector<16xf32>
        %get3A_877 = arith.index_cast %scan3A_866 : i32 to index
        %get3A_878 = arith.constant 16 : index
        %get3A_879 = tpu.vector_load %arg23[%get3A_877, %get3A_878] {strides = array<i32>} : memref<128x128xf32, #tpu.memory_space<vmem>>, vector<1x16xf32>,
        %get3A_880 = vector.shape_cast %get3A_879 : vector<1x16xf32> to vector<16xf32>
        %get3A_881 = arith.index_cast %scan3A_866 : i32 to index
        %get3A_882 = arith.constant 16 : index
        %get3A_883 = tpu.vector_load %arg24[%get3A_881, %get3A_882] {strides = array<i32>} : memref<128x128xf32, #tpu.memory_space<vmem>>, vector<1x16xf32>,
        %get3A_884 = vector.shape_cast %get3A_883 : vector<1x16xf32> to vector<16xf32>
        %add3A_885 = arith.addf %get3A_880, %get3A_884 : vector<16xf32>
        %get3A_886 = arith.index_cast %scan3A_866 : i32 to index
        %get3A_887 = arith.constant 32 : index
        %get3A_888 = tpu.vector_load %arg23[%get3A_886, %get3A_887] {strides = array<i32>} : memref<128x128xf32, #tpu.memory_space<vmem>>, vector<1x16xf32>,
        %get3A_889 = vector.shape_cast %get3A_888 : vector<1x16xf32> to vector<16xf32>
        %get3A_890 = arith.index_cast %scan3A_866 : i32 to index
        %get3A_891 = arith.constant 32 : index
        %get3A_892 = tpu.vector_load %arg24[%get3A_890, %get3A_891] {strides = array<i32>} : memref<128x128xf32, #tpu.memory_space<vmem>>, vector<1x16xf32>,
        %get3A_893 = vector.shape_cast %get3A_892 : vector<1x16xf32> to vector<16xf32>
        %add3A_894 = arith.addf %get3A_889, %get3A_893 : vector<16xf32>
        %get3A_895 = arith.index_cast %scan3A_866 : i32 to index
        %get3A_896 = arith.constant 48 : index
        %get3A_897 = tpu.vector_load %arg23[%get3A_895, %get3A_896] {strides = array<i32>} : memref<128x128xf32, #tpu.memory_space<vmem>>, vector<1x16xf32>,
        %get3A_898 = vector.shape_cast %get3A_897 : vector<1x16xf32> to vector<16xf32>
        %get3A_899 = arith.index_cast %scan3A_866 : i32 to index
        %get3A_900 = arith.constant 48 : index
        %get3A_901 = tpu.vector_load %arg24[%get3A_899, %get3A_900] {strides = array<i32>} : memref<128x128xf32, #tpu.memory_space<vmem>>, vector<1x16xf32>,
        %get3A_902 = vector.shape_cast %get3A_901 : vector<1x16xf32> to vector<16xf32>
        %add3A_903 = arith.addf %get3A_898, %get3A_902 : vector<16xf32>
        %get3A_904 = arith.index_cast %scan3A_866 : i32 to index
        %get3A_905 = arith.constant 64 : index
        %get3A_906 = tpu.vector_load %arg23[%get3A_904, %get3A_905] {strides = array<i32>} : memref<128x128xf32, #tpu.memory_space<vmem>>, vector<1x16xf32>,
        %get3A_907 = vector.shape_cast %get3A_906 : vector<1x16xf32> to vector<16xf32>
        %get3A_908 = arith.index_cast %scan3A_866 : i32 to index
        %get3A_909 = arith.constant 64 : index
        %get3A_910 = tpu.vector_load %arg24[%get3A_908, %get3A_909] {strides = array<i32>} : memref<128x128xf32, #tpu.memory_space<vmem>>, vector<1x16xf32>,
        %get3A_911 = vector.shape_cast %get3A_910 : vector<1x16xf32> to vector<16xf32>
        %add3A_912 = arith.addf %get3A_907, %get3A_911 : vector<16xf32>
        %get3A_913 = arith.index_cast %scan3A_866 : i32 to index
        %get3A_914 = arith.constant 80 : index
        %get3A_915 = tpu.vector_load %arg23[%get3A_913, %get3A_914] {strides = array<i32>} : memref<128x128xf32, #tpu.memory_space<vmem>>, vector<1x16xf32>,
        %get3A_916 = vector.shape_cast %get3A_915 : vector<1x16xf32> to vector<16xf32>
        %get3A_917 = arith.index_cast %scan3A_866 : i32 to index
        %get3A_918 = arith.constant 80 : index
        %get3A_919 = tpu.vector_load %arg24[%get3A_917, %get3A_918] {strides = array<i32>} : memref<128x128xf32, #tpu.memory_space<vmem>>, vector<1x16xf32>,
        %get3A_920 = vector.shape_cast %get3A_919 : vector<1x16xf32> to vector<16xf32>
        %add3A_921 = arith.addf %get3A_916, %get3A_920 : vector<16xf32>
        %get3A_922 = arith.index_cast %scan3A_866 : i32 to index
        %get3A_923 = arith.constant 96 : index
        %get3A_924 = tpu.vector_load %arg23[%get3A_922, %get3A_923] {strides = array<i32>} : memref<128x128xf32, #tpu.memory_space<vmem>>, vector<1x16xf32>,
        %get3A_925 = vector.shape_cast %get3A_924 : vector<1x16xf32> to vector<16xf32>
        %get3A_926 = arith.index_cast %scan3A_866 : i32 to index
        %get3A_927 = arith.constant 96 : index
        %get3A_928 = tpu.vector_load %arg24[%get3A_926, %get3A_927] {strides = array<i32>} : memref<128x128xf32, #tpu.memory_space<vmem>>, vector<1x16xf32>,
        %get3A_929 = vector.shape_cast %get3A_928 : vector<1x16xf32> to vector<16xf32>
        %add3A_930 = arith.addf %get3A_925, %get3A_929 : vector<16xf32>
        %get3A_931 = arith.index_cast %scan3A_866 : i32 to index
        %get3A_932 = arith.constant 112 : index
        %get3A_933 = tpu.vector_load %arg23[%get3A_931, %get3A_932] {strides = array<i32>} : memref<128x128xf32, #tpu.memory_space<vmem>>, vector<1x16xf32>,
        %get3A_934 = vector.shape_cast %get3A_933 : vector<1x16xf32> to vector<16xf32>
        %get3A_935 = arith.index_cast %scan3A_866 : i32 to index
        %get3A_936 = arith.constant 112 : index
        %get3A_937 = tpu.vector_load %arg24[%get3A_935, %get3A_936] {strides = array<i32>} : memref<128x128xf32, #tpu.memory_space<vmem>>, vector<1x16xf32>,
        %get3A_938 = vector.shape_cast %get3A_937 : vector<1x16xf32> to vector<16xf32>
        %add3A_939 = arith.addf %get3A_934, %get3A_938 : vector<16xf32>
        %mul3A_940 = arith.mulf %add3A_876, %add3A_876 : vector<16xf32>
        %add3A_941 = arith.addf %add3A_876, %add3A_885 : vector<16xf32>
        %mul3A_942 = arith.mulf %add3A_885, %add3A_885 : vector<16xf32>
        %add3A_943 = arith.addf %mul3A_940, %mul3A_942 : vector<16xf32>
        %add3A_944 = arith.addf %add3A_941, %add3A_894 : vector<16xf32>
        %mul3A_945 = arith.mulf %add3A_894, %add3A_894 : vector<16xf32>
        %add3A_946 = arith.addf %add3A_943, %mul3A_945 : vector<16xf32>
        %add3A_947 = arith.addf %add3A_944, %add3A_903 : vector<16xf32>
        %mul3A_948 = arith.mulf %add3A_903, %add3A_903 : vector<16xf32>
        %add3A_949 = arith.addf %add3A_946, %mul3A_948 : vector<16xf32>
        %add3A_950 = arith.addf %add3A_947, %add3A_912 : vector<16xf32>
        %mul3A_951 = arith.mulf %add3A_912, %add3A_912 : vector<16xf32>
        %add3A_952 = arith.addf %add3A_949, %mul3A_951 : vector<16xf32>
        %add3A_953 = arith.addf %add3A_950, %add3A_921 : vector<16xf32>
        %mul3A_954 = arith.mulf %add3A_921, %add3A_921 : vector<16xf32>
        %add3A_955 = arith.addf %add3A_952, %mul3A_954 : vector<16xf32>
        %add3A_956 = arith.addf %add3A_953, %add3A_930 : vector<16xf32>
        %mul3A_957 = arith.mulf %add3A_930, %add3A_930 : vector<16xf32>
        %add3A_958 = arith.addf %add3A_955, %mul3A_957 : vector<16xf32>
        %add3A_959 = arith.addf %add3A_956, %add3A_939 : vector<16xf32>
        %mul3A_960 = arith.mulf %add3A_939, %add3A_939 : vector<16xf32>
        %add3A_961 = arith.addf %add3A_958, %mul3A_960 : vector<16xf32>
        %xor3A = arith.constant 8 : i32
        %xor3A_962 = vector.broadcast %xor3A : i32 to vector<16xi32>
        %xor3A_963 = arith.xori %iota3A, %xor3A_962 : vector<16xi32>
        %broadcast_in_dim3A = vector.shape_cast %xor3A_963 : vector<16xi32> to vector<16x1xi32>
        %gather3A = vector.shape_cast %broadcast_in_dim3A : vector<16x1xi32> to vector<16xi32>
        %gather3A_964 = tpu.dynamic_gather %add3A_959[%gather3A] in [0] : vector<16xf32>, vector<16xi32> -> vector<16xf32>
        %add3A_965 = arith.addf %add3A_959, %gather3A_964 : vector<16xf32>
        %xor3A_966 = arith.constant 4 : i32
        %xor3A_967 = vector.broadcast %xor3A_966 : i32 to vector<16xi32>
        %xor3A_968 = arith.xori %iota3A, %xor3A_967 : vector<16xi32>
        %broadcast_in_dim3A_969 = vector.shape_cast %xor3A_968 : vector<16xi32> to vector<16x1xi32>
        %gather3A_970 = vector.shape_cast %broadcast_in_dim3A_969 : vector<16x1xi32> to vector<16xi32>
        %gather3A_971 = tpu.dynamic_gather %add3A_965[%gather3A_970] in [0] : vector<16xf32>, vector<16xi32> -> vector<16xf32>
        %add3A_972 = arith.addf %add3A_965, %gather3A_971 : vector<16xf32>
        %xor3A_973 = arith.constant 2 : i32
        %xor3A_974 = vector.broadcast %xor3A_973 : i32 to vector<16xi32>
        %xor3A_975 = arith.xori %iota3A, %xor3A_974 : vector<16xi32>
        %broadcast_in_dim3A_976 = vector.shape_cast %xor3A_975 : vector<16xi32> to vector<16x1xi32>
        %gather3A_977 = vector.shape_cast %broadcast_in_dim3A_976 : vector<16x1xi32> to vector<16xi32>
        %gather3A_978 = tpu.dynamic_gather %add3A_972[%gather3A_977] in [0] : vector<16xf32>, vector<16xi32> -> vector<16xf32>
        %add3A_979 = arith.addf %add3A_972, %gather3A_978 : vector<16xf32>
        %xor3A_980 = arith.constant 1 : i32
        %xor3A_981 = vector.broadcast %xor3A_980 : i32 to vector<16xi32>
        %xor3A_982 = arith.xori %iota3A, %xor3A_981 : vector<16xi32>
        %broadcast_in_dim3A_983 = vector.shape_cast %xor3A_982 : vector<16xi32> to vector<16x1xi32>
        %gather3A_984 = vector.shape_cast %broadcast_in_dim3A_983 : vector<16x1xi32> to vector<16xi32>
        %gather3A_985 = tpu.dynamic_gather %add3A_979[%gather3A_984] in [0] : vector<16xf32>, vector<16xi32> -> vector<16xf32>
        %add3A_986 = arith.addf %add3A_979, %gather3A_985 : vector<16xf32>
        %mul3A_987 = arith.constant 7.812500e-03 : f32
        %mul3A_988 = vector.broadcast %mul3A_987 : f32 to vector<16xf32>
        %mul3A_989 = arith.mulf %add3A_986, %mul3A_988 : vector<16xf32>
        %xor3A_990 = arith.constant 8 : i32
        %xor3A_991 = vector.broadcast %xor3A_990 : i32 to vector<16xi32>
        %xor3A_992 = arith.xori %iota3A, %xor3A_991 : vector<16xi32>
        %broadcast_in_dim3A_993 = vector.shape_cast %xor3A_992 : vector<16xi32> to vector<16x1xi32>
        %gather3A_994 = vector.shape_cast %broadcast_in_dim3A_993 : vector<16x1xi32> to vector<16xi32>
        %gather3A_995 = tpu.dynamic_gather %add3A_961[%gather3A_994] in [0] : vector<16xf32>, vector<16xi32> -> vector<16xf32>
        %add3A_996 = arith.addf %add3A_961, %gather3A_995 : vector<16xf32>
        %xor3A_997 = arith.constant 4 : i32
        %xor3A_998 = vector.broadcast %xor3A_997 : i32 to vector<16xi32>
        %xor3A_999 = arith.xori %iota3A, %xor3A_998 : vector<16xi32>
        %broadcast_in_dim3A_1000 = vector.shape_cast %xor3A_999 : vector<16xi32> to vector<16x1xi32>
        %gather3A_1001 = vector.shape_cast %broadcast_in_dim3A_1000 : vector<16x1xi32> to vector<16xi32>
        %gather3A_1002 = tpu.dynamic_gather %add3A_996[%gather3A_1001] in [0] : vector<16xf32>, vector<16xi32> -> vector<16xf32>
        %add3A_1003 = arith.addf %add3A_996, %gather3A_1002 : vector<16xf32>
        %xor3A_1004 = arith.constant 2 : i32
        %xor3A_1005 = vector.broadcast %xor3A_1004 : i32 to vector<16xi32>
        %xor3A_1006 = arith.xori %iota3A, %xor3A_1005 : vector<16xi32>
        %broadcast_in_dim3A_1007 = vector.shape_cast %xor3A_1006 : vector<16xi32> to vector<16x1xi32>
        %gather3A_1008 = vector.shape_cast %broadcast_in_dim3A_1007 : vector<16x1xi32> to vector<16xi32>
        %gather3A_1009 = tpu.dynamic_gather %add3A_1003[%gather3A_1008] in [0] : vector<16xf32>, vector<16xi32> -> vector<16xf32>
        %add3A_1010 = arith.addf %add3A_1003, %gather3A_1009 : vector<16xf32>
        %xor3A_1011 = arith.constant 1 : i32
        %xor3A_1012 = vector.broadcast %xor3A_1011 : i32 to vector<16xi32>
        %xor3A_1013 = arith.xori %iota3A, %xor3A_1012 : vector<16xi32>
        %broadcast_in_dim3A_1014 = vector.shape_cast %xor3A_1013 : vector<16xi32> to vector<16x1xi32>
        %gather3A_1015 = vector.shape_cast %broadcast_in_dim3A_1014 : vector<16x1xi32> to vector<16xi32>
        %gather3A_1016 = tpu.dynamic_gather %add3A_1010[%gather3A_1015] in [0] : vector<16xf32>, vector<16xi32> -> vector<16xf32>
        %add3A_1017 = arith.addf %add3A_1010, %gather3A_1016 : vector<16xf32>
        %mul3A_1018 = arith.constant 7.812500e-03 : f32
        %mul3A_1019 = vector.broadcast %mul3A_1018 : f32 to vector<16xf32>
        %mul3A_1020 = arith.mulf %add3A_1017, %mul3A_1019 : vector<16xf32>
        %mul3A_1021 = arith.mulf %mul3A_989, %mul3A_989 : vector<16xf32>
        %sub3A_1022 = arith.subf %mul3A_1020, %mul3A_1021 : vector<16xf32>
        %add3A_1023 = arith.constant 9.99999996E-13 : f32
        %add3A_1024 = vector.broadcast %add3A_1023 : f32 to vector<16xf32>
        %add3A_1025 = arith.addf %sub3A_1022, %add3A_1024 : vector<16xf32>
        %bitcast_convert_type3A = tpu.bitcast %add3A_1025 : vector<16xf32> -> vector<16xi32>
        %shift_right_arithmetic3A = arith.constant 1 : i32
        %shift_right_arithmetic3A_1026 = vector.broadcast %shift_right_arithmetic3A : i32 to vector<16xi32>
        %shift_right_arithmetic3A_1027 = arith.shrsi %bitcast_convert_type3A, %shift_right_arithmetic3A_1026 : vector<16xi32>
        %sub3A_1028 = arith.constant 1597463007 : i32
        %sub3A_1029 = vector.broadcast %sub3A_1028 : i32 to vector<16xi32>
        %sub3A_1030 = arith.subi %sub3A_1029, %shift_right_arithmetic3A_1027 : vector<16xi32>
        %bitcast_convert_type3A_1031 = tpu.bitcast %sub3A_1030 : vector<16xi32> -> vector<16xf32>
        %mul3A_1032 = arith.constant 5.000000e-01 : f32
        %mul3A_1033 = vector.broadcast %mul3A_1032 : f32 to vector<16xf32>
        %mul3A_1034 = arith.mulf %mul3A_1033, %add3A_1025 : vector<16xf32>
        %mul3A_1035 = arith.mulf %mul3A_1034, %bitcast_convert_type3A_1031 : vector<16xf32>
        %mul3A_1036 = arith.mulf %mul3A_1035, %bitcast_convert_type3A_1031 : vector<16xf32>
        %sub3A_1037 = arith.constant 1.500000e+00 : f32
        %sub3A_1038 = vector.broadcast %sub3A_1037 : f32 to vector<16xf32>
        %sub3A_1039 = arith.subf %sub3A_1038, %mul3A_1036 : vector<16xf32>
        %mul3A_1040 = arith.mulf %bitcast_convert_type3A_1031, %sub3A_1039 : vector<16xf32>
        %sub3A_1041 = arith.subf %add3A_876, %mul3A_989 : vector<16xf32>
        %mul3A_1042 = arith.mulf %sub3A_1041, %mul3A_1040 : vector<16xf32>
        %mul3A_1043 = arith.mulf %mul3A_1042, %get3A_359 : vector<16xf32>
        %add3A_1044 = arith.addf %mul3A_1043, %get3A_399 : vector<16xf32>
        %swap3A_1045 = arith.index_cast %scan3A_866 : i32 to index
        %swap3A_1046 = arith.constant 0 : index
        %swap3A_1047 = tpu.vector_load %arg25[%swap3A_1045, %swap3A_1046] {strides = array<i32>} : memref<128x128xf32, #tpu.memory_space<vmem>>, vector<1x16xf32>,
        %swap3A_1048 = vector.shape_cast %swap3A_1047 : vector<1x16xf32> to vector<16xf32>
        %swap3A_1049 = vector.shape_cast %add3A_1044 : vector<16xf32> to vector<1x16xf32>
        tpu.vector_store %arg25[%swap3A_1045, %swap3A_1046], %swap3A_1049 {strides = array<i32>} : memref<128x128xf32, #tpu.memory_space<vmem>>, vector<1x16xf32>,
        %sub3A_1050 = arith.subf %add3A_885, %mul3A_989 : vector<16xf32>
        %mul3A_1051 = arith.mulf %sub3A_1050, %mul3A_1040 : vector<16xf32>
        %mul3A_1052 = arith.mulf %mul3A_1051, %get3A_364 : vector<16xf32>
        %add3A_1053 = arith.addf %mul3A_1052, %get3A_404 : vector<16xf32>
        %swap3A_1054 = arith.index_cast %scan3A_866 : i32 to index
        %swap3A_1055 = arith.constant 16 : index
        %swap3A_1056 = tpu.vector_load %arg25[%swap3A_1054, %swap3A_1055] {strides = array<i32>} : memref<128x128xf32, #tpu.memory_space<vmem>>, vector<1x16xf32>,
        %swap3A_1057 = vector.shape_cast %swap3A_1056 : vector<1x16xf32> to vector<16xf32>
        %swap3A_1058 = vector.shape_cast %add3A_1053 : vector<16xf32> to vector<1x16xf32>
        tpu.vector_store %arg25[%swap3A_1054, %swap3A_1055], %swap3A_1058 {strides = array<i32>} : memref<128x128xf32, #tpu.memory_space<vmem>>, vector<1x16xf32>,
        %sub3A_1059 = arith.subf %add3A_894, %mul3A_989 : vector<16xf32>
        %mul3A_1060 = arith.mulf %sub3A_1059, %mul3A_1040 : vector<16xf32>
        %mul3A_1061 = arith.mulf %mul3A_1060, %get3A_369 : vector<16xf32>
        %add3A_1062 = arith.addf %mul3A_1061, %get3A_409 : vector<16xf32>
        %swap3A_1063 = arith.index_cast %scan3A_866 : i32 to index
        %swap3A_1064 = arith.constant 32 : index
        %swap3A_1065 = tpu.vector_load %arg25[%swap3A_1063, %swap3A_1064] {strides = array<i32>} : memref<128x128xf32, #tpu.memory_space<vmem>>, vector<1x16xf32>,
        %swap3A_1066 = vector.shape_cast %swap3A_1065 : vector<1x16xf32> to vector<16xf32>
        %swap3A_1067 = vector.shape_cast %add3A_1062 : vector<16xf32> to vector<1x16xf32>
        tpu.vector_store %arg25[%swap3A_1063, %swap3A_1064], %swap3A_1067 {strides = array<i32>} : memref<128x128xf32, #tpu.memory_space<vmem>>, vector<1x16xf32>,
        %sub3A_1068 = arith.subf %add3A_903, %mul3A_989 : vector<16xf32>
        %mul3A_1069 = arith.mulf %sub3A_1068, %mul3A_1040 : vector<16xf32>
        %mul3A_1070 = arith.mulf %mul3A_1069, %get3A_374 : vector<16xf32>
        %add3A_1071 = arith.addf %mul3A_1070, %get3A_414 : vector<16xf32>
        %swap3A_1072 = arith.index_cast %scan3A_866 : i32 to index
        %swap3A_1073 = arith.constant 48 : index
        %swap3A_1074 = tpu.vector_load %arg25[%swap3A_1072, %swap3A_1073] {strides = array<i32>} : memref<128x128xf32, #tpu.memory_space<vmem>>, vector<1x16xf32>,
        %swap3A_1075 = vector.shape_cast %swap3A_1074 : vector<1x16xf32> to vector<16xf32>
        %swap3A_1076 = vector.shape_cast %add3A_1071 : vector<16xf32> to vector<1x16xf32>
        tpu.vector_store %arg25[%swap3A_1072, %swap3A_1073], %swap3A_1076 {strides = array<i32>} : memref<128x128xf32, #tpu.memory_space<vmem>>, vector<1x16xf32>,
        %sub3A_1077 = arith.subf %add3A_912, %mul3A_989 : vector<16xf32>
        %mul3A_1078 = arith.mulf %sub3A_1077, %mul3A_1040 : vector<16xf32>
        %mul3A_1079 = arith.mulf %mul3A_1078, %get3A_379 : vector<16xf32>
        %add3A_1080 = arith.addf %mul3A_1079, %get3A_419 : vector<16xf32>
        %swap3A_1081 = arith.index_cast %scan3A_866 : i32 to index
        %swap3A_1082 = arith.constant 64 : index
        %swap3A_1083 = tpu.vector_load %arg25[%swap3A_1081, %swap3A_1082] {strides = array<i32>} : memref<128x128xf32, #tpu.memory_space<vmem>>, vector<1x16xf32>,
        %swap3A_1084 = vector.shape_cast %swap3A_1083 : vector<1x16xf32> to vector<16xf32>
        %swap3A_1085 = vector.shape_cast %add3A_1080 : vector<16xf32> to vector<1x16xf32>
        tpu.vector_store %arg25[%swap3A_1081, %swap3A_1082], %swap3A_1085 {strides = array<i32>} : memref<128x128xf32, #tpu.memory_space<vmem>>, vector<1x16xf32>,
        %sub3A_1086 = arith.subf %add3A_921, %mul3A_989 : vector<16xf32>
        %mul3A_1087 = arith.mulf %sub3A_1086, %mul3A_1040 : vector<16xf32>
        %mul3A_1088 = arith.mulf %mul3A_1087, %get3A_384 : vector<16xf32>
        %add3A_1089 = arith.addf %mul3A_1088, %get3A_424 : vector<16xf32>
        %swap3A_1090 = arith.index_cast %scan3A_866 : i32 to index
        %swap3A_1091 = arith.constant 80 : index
        %swap3A_1092 = tpu.vector_load %arg25[%swap3A_1090, %swap3A_1091] {strides = array<i32>} : memref<128x128xf32, #tpu.memory_space<vmem>>, vector<1x16xf32>,
        %swap3A_1093 = vector.shape_cast %swap3A_1092 : vector<1x16xf32> to vector<16xf32>
        %swap3A_1094 = vector.shape_cast %add3A_1089 : vector<16xf32> to vector<1x16xf32>
        tpu.vector_store %arg25[%swap3A_1090, %swap3A_1091], %swap3A_1094 {strides = array<i32>} : memref<128x128xf32, #tpu.memory_space<vmem>>, vector<1x16xf32>,
        %sub3A_1095 = arith.subf %add3A_930, %mul3A_989 : vector<16xf32>
        %mul3A_1096 = arith.mulf %sub3A_1095, %mul3A_1040 : vector<16xf32>
        %mul3A_1097 = arith.mulf %mul3A_1096, %get3A_389 : vector<16xf32>
        %add3A_1098 = arith.addf %mul3A_1097, %get3A_429 : vector<16xf32>
        %swap3A_1099 = arith.index_cast %scan3A_866 : i32 to index
        %swap3A_1100 = arith.constant 96 : index
        %swap3A_1101 = tpu.vector_load %arg25[%swap3A_1099, %swap3A_1100] {strides = array<i32>} : memref<128x128xf32, #tpu.memory_space<vmem>>, vector<1x16xf32>,
        %swap3A_1102 = vector.shape_cast %swap3A_1101 : vector<1x16xf32> to vector<16xf32>
        %swap3A_1103 = vector.shape_cast %add3A_1098 : vector<16xf32> to vector<1x16xf32>
        tpu.vector_store %arg25[%swap3A_1099, %swap3A_1100], %swap3A_1103 {strides = array<i32>} : memref<128x128xf32, #tpu.memory_space<vmem>>, vector<1x16xf32>,
        %sub3A_1104 = arith.subf %add3A_939, %mul3A_989 : vector<16xf32>
        %mul3A_1105 = arith.mulf %sub3A_1104, %mul3A_1040 : vector<16xf32>
        %mul3A_1106 = arith.mulf %mul3A_1105, %get3A_394 : vector<16xf32>
        %add3A_1107 = arith.addf %mul3A_1106, %get3A_434 : vector<16xf32>
        %swap3A_1108 = arith.index_cast %scan3A_866 : i32 to index
        %swap3A_1109 = arith.constant 112 : index
        %swap3A_1110 = tpu.vector_load %arg25[%swap3A_1108, %swap3A_1109] {strides = array<i32>} : memref<128x128xf32, #tpu.memory_space<vmem>>, vector<1x16xf32>,
        %swap3A_1111 = vector.shape_cast %swap3A_1110 : vector<1x16xf32> to vector<16xf32>
        %swap3A_1112 = vector.shape_cast %add3A_1107 : vector<16xf32> to vector<1x16xf32>
        tpu.vector_store %arg25[%swap3A_1108, %swap3A_1109], %swap3A_1112 {strides = array<i32>} : memref<128x128xf32, #tpu.memory_space<vmem>>, vector<1x16xf32>,
        %scan3A_1113 = arith.constant 0 : i32
        scf.yield %scan3A_1113 : i32
      }
      %scan3A_813 = arith.constant 128 : i32
      %mul3A_814 = arith.constant 32 : i32
      %mul3A_815 = arith.muli %add3A, %mul3A_814 : i32
      %jit3A_816 = arith.constant 4 : i32
      %div3A_817 = arith.divsi %add3A_785, %jit3A_816 : i32
      %sign3A_818 = arith.constant 0 : i32
      %sign3A_819 = arith.cmpi sgt, %add3A_785, %sign3A_818 : i32
      %sign3A_820 = arith.extui %sign3A_819 : i1 to i32
      %sign3A_821 = arith.constant 0 : i32
      %sign3A_822 = arith.cmpi slt, %add3A_785, %sign3A_821 : i32
      %sign3A_823 = arith.extui %sign3A_822 : i1 to i32
      %sign3A_824 = arith.subi %sign3A_820, %sign3A_823 : i32
      %sign3A_825 = arith.constant 0 : i32
      %sign3A_826 = arith.cmpi sgt, %jit3A_816, %sign3A_825 : i32
      %sign3A_827 = arith.extui %sign3A_826 : i1 to i32
      %sign3A_828 = arith.constant 0 : i32
      %sign3A_829 = arith.cmpi slt, %jit3A_816, %sign3A_828 : i32
      %sign3A_830 = arith.extui %sign3A_829 : i1 to i32
      %sign3A_831 = arith.subi %sign3A_827, %sign3A_830 : i32
      %ne3A_832 = arith.cmpi ne, %sign3A_824, %sign3A_831 : i32
      %rem3A_833 = arith.remsi %add3A_785, %jit3A_816 : i32
      %ne3A_834 = arith.constant 0 : i32
      %ne3A_835 = arith.cmpi ne, %rem3A_833, %ne3A_834 : i32
      %and3A_836 = arith.andi %ne3A_832, %ne3A_835 : i1
      %sub3A_837 = arith.constant 1 : i32
      %sub3A_838 = arith.subi %div3A_817, %sub3A_837 : i32
      %select_n3A_839 = arith.select %and3A_836, %sub3A_838, %div3A_817 : i32
      %add3A_840 = arith.addi %mul3A_815, %select_n3A_839 : i32
      %jit3A_841 = arith.constant 4 : i32
      %eq3A_842 = arith.constant 0 : i32
      %eq3A_843 = arith.cmpi eq, %jit3A_841, %eq3A_842 : i32
      %jit3A_844 = arith.constant 1 : i32
      %select_n3A_845 = arith.select %eq3A_843, %jit3A_844, %jit3A_841 : i32
      %rem3A_846 = arith.remsi %add3A_785, %select_n3A_845 : i32
      %ne3A_847 = arith.constant 0 : i32
      %ne3A_848 = arith.cmpi ne, %rem3A_846, %ne3A_847 : i32
      %lt3A_849 = arith.constant 0 : i32
      %lt3A_850 = arith.cmpi slt, %rem3A_846, %lt3A_849 : i32
      %lt3A_851 = arith.constant 0 : i32
      %lt3A_852 = arith.cmpi slt, %select_n3A_845, %lt3A_851 : i32
      %ne3A_853 = arith.xori %lt3A_850, %lt3A_852 : i1
      %and3A_854 = arith.andi %ne3A_853, %ne3A_848 : i1
      %add3A_855 = arith.addi %rem3A_846, %select_n3A_845 : i32
      %select_n3A_856 = arith.select %and3A_854, %add3A_855, %rem3A_846 : i32
      %mul3A_857 = arith.constant 128 : i32
      %mul3A_858 = arith.muli %select_n3A_856, %mul3A_857 : i32
      %dma_start3A_859 = arith.constant 0 : i32
      %dma_start3A_860 = tpu.memref_slice %arg11[%add3A_840, %mul3A_858, %dma_start3A_859] : memref<1024x512x128xf32, #tpu.memory_space<hbm>> -> memref<1x128x128xf32, #tpu.memory_space<hbm>>
      %dma_start3A_861 = tpu.memref_squeeze %dma_start3A_860 : memref<1x128x128xf32, #tpu.memory_space<hbm>> -> memref<128x128xf32, #tpu.memory_space<hbm>>
      %dma_start3A_862 = arith.constant 0 : i32
      %dma_start3A_863 = tpu.memref_slice %arg11[%add3A_840, %mul3A_858, %dma_start3A_862] : memref<1024x512x128xf32, #tpu.memory_space<hbm>> -> memref<1x128x128xf32, #tpu.memory_space<hbm>>
      %dma_start3A_864 = tpu.memref_squeeze %dma_start3A_863 : memref<1x128x128xf32, #tpu.memory_space<hbm>> -> memref<128x128xf32, #tpu.memory_space<hbm>>
      tpu.enqueue_dma source(%arg25 : memref<128x128xf32, #tpu.memory_space<vmem>>) target(%dma_start3A_864 : memref<128x128xf32, #tpu.memory_space<hbm>>) target_semaphore(%arg34 : memref<!tpu.dma_semaphore, #tpu.memory_space<semaphore_mem>>)
      %scan3A_865 = arith.constant 0 : i32
      scf.yield %scan3A_865 : i32
    }
    %scan3A_691 = arith.constant 64 : i32
    %dma_wait3A_692 = arith.constant 0 : i32
    %dma_wait3A_693 = arith.constant 0 : i32
    %dma_wait3A_694 = arith.constant 0 : i32
    %dma_wait3A_695 = tpu.memref_slice %arg11[%dma_wait3A_692, %dma_wait3A_693, %dma_wait3A_694] : memref<1024x512x128xf32, #tpu.memory_space<hbm>> -> memref<1x128x128xf32, #tpu.memory_space<hbm>>
    %dma_wait3A_696 = tpu.memref_squeeze %dma_wait3A_695 : memref<1x128x128xf32, #tpu.memory_space<hbm>> -> memref<128x128xf32, #tpu.memory_space<hbm>>
    %dma_wait3A_697 = arith.constant 0 : i32
    %dma_wait3A_698 = arith.constant 0 : i32
    %dma_wait3A_699 = tpu.memref_slice %arg11[%dma_wait3A_692, %dma_wait3A_697, %dma_wait3A_698] : memref<1024x512x128xf32, #tpu.memory_space<hbm>> -> memref<1x128x128xf32, #tpu.memory_space<hbm>>
    %dma_wait3A_700 = tpu.memref_squeeze %dma_wait3A_699 : memref<1x128x128xf32, #tpu.memory_space<hbm>> -> memref<128x128xf32, #tpu.memory_space<hbm>>
    tpu.wait_dma2 semaphore(%arg30 : memref<!tpu.dma_semaphore, #tpu.memory_space<semaphore_mem>>) src(%arg18 : memref<128x128xf32, #tpu.memory_space<vmem>>) dst(%dma_wait3A_700 : memref<128x128xf32, #tpu.memory_space<hbm>>)
    %dma_wait3A_701 = arith.constant 0 : i32
    %dma_wait3A_702 = arith.constant 0 : i32
    %dma_wait3A_703 = arith.constant 0 : i32
    %dma_wait3A_704 = tpu.memref_slice %arg11[%dma_wait3A_701, %dma_wait3A_702, %dma_wait3A_703] : memref<1024x512x128xf32, #tpu.memory_space<hbm>> -> memref<1x128x128xf32, #tpu.memory_space<hbm>>
    %dma_wait3A_705 = tpu.memref_squeeze %dma_wait3A_704 : memref<1x128x128xf32, #tpu.memory_space<hbm>> -> memref<128x128xf32, #tpu.memory_space<hbm>>
    %dma_wait3A_706 = arith.constant 0 : i32
    %dma_wait3A_707 = arith.constant 0 : i32
    %dma_wait3A_708 = tpu.memref_slice %arg11[%dma_wait3A_701, %dma_wait3A_706, %dma_wait3A_707] : memref<1024x512x128xf32, #tpu.memory_space<hbm>> -> memref<1x128x128xf32, #tpu.memory_space<hbm>>
    %dma_wait3A_709 = tpu.memref_squeeze %dma_wait3A_708 : memref<1x128x128xf32, #tpu.memory_space<hbm>> -> memref<128x128xf32, #tpu.memory_space<hbm>>
    tpu.wait_dma2 semaphore(%arg34 : memref<!tpu.dma_semaphore, #tpu.memory_space<semaphore_mem>>) src(%arg25 : memref<128x128xf32, #tpu.memory_space<vmem>>) dst(%dma_wait3A_709 : memref<128x128xf32, #tpu.memory_space<hbm>>)
    return
  }
}

</mosaic_0001>

<sc_bundles>
// kernel: kernel.3.cloned.1.call-start
scs
__scs_entry_jumppad:
0x0: {  	(pc) =	sbr.rel $0x88, $3  }
0x1: {  	(tag) =	ssettag $0x0;
	lr =	simm.s32 $0x1  }
0x2: {  	[smem:$0x3F98] =	sst lr;
	_ =	strace $0xD0000000  }
0x3: {  	_ = 	snop  }
0x4: {  	_ = 	snop  }
0x5: {  	_ = 	snop  }
0x6: {  	_ = 	snop  }
0x7: {  	_ = 	snop  }
__scs_overlays_trampoline_lowered:
0x8: {  	[smem:$0x3FA7] =	sst s0  }
0x9: {  	[smem:$0x3FA8] =	sst s1  }
0xa: {  	[smem:$0x3FA9] =	sst s2  }
0xb: {  	[smem:$0x3FAA] =	sst s3  }
0xc: {  	[smem:$0x3FAB] =	sst s4  }
0xd: {  	[smem:$0x3FAC] =	sst s5  }
0xe: {  	[smem:$0x3FAD] =	sst s6  }
0xf: {  	[smem:$0x3FAE] =	sst s7  }
0x10: {  	[smem:$0x3FAF] =	sst s8  }
0x11: {  	[smem:$0x3FB0] =	sst s9;
	s0 =	simm.s32 @!p0 $0x0  }
0x12: {  	s1 =	sld [smem:$0x3F96];
	s0 =	simm.s32 @p0 $0x1  }
0x13: {  	[smem:$0x3FB1] =	sst s0;
	s0 =	simm.s32 @!p1 $0x0  }
0x14: {  	s2 =	sld [smem:$0x3F95];
	s0 =	simm.s32 @p1 $0x1  }
0x15: {  	[smem:$0x3FB2] =	sst s0;
	s0 =	simm.s32 @!p2 $0x0  }
0x16: {  	s3 =	sld [smem:$0x3FDB];
	s0 =	simm.s32 @p2 $0x1  }
0x17: {  	s4 =	simm.s32 $0x1BF5;
	[smem:$0x3FB4] =	sst s0  }
0x18: {  	s0 =	sld [smem:$0x3F97];
	_ =	swait.ge [sflag:s4], $0x0  }
0x19: {  	s7 =	sld [smem:$0x3F98]  }
0x1a: {  	s8 =	sadd.s32 $0xFFFFE003, lr  }
0x1b: {  	s9 =	sadd.s32 $0xFFFFFEF7, lr;
	s5 =	simm.s32 $0xFFFFFFFF;
	p2 =	slt.u32 s8, $0xFFFFF086  }
0x1c: {  	p1 =	slt.u32 s9, $0xF7A;
	s5 =	simm.s32 @!p2 $0x0  }
0x1d: {  	s5 =	simm.s32 @p1 $0x1;
	p0 =	seq.s32 s7, s2  }
0x1e: {  	s7 =	smul.u32 @!p0 $0xF7A, s2;
	p2 =	seq.s32 @!p0 s5, $0x0  }
0x1f: {  	s9 =	smul.u32 $0xF7A, s1;
	s8 =	simm.s32 @!p0 $0x1BF5;
	p2 =	por !p2, p0  }
0x20: {  	[sflag:s8] =	ssyncset.s32 @!p0 $0xFFFFF086;
	s6 =	sadd.s32 @!p0 s3, s7;
	s7 =	simm.s32 @!p0 $0x108  }
0x21: {  	s3 =	sadd.s32 s3, s9;
	s6 =	sadd.s32 @!p0 $0x88, s6;
	s7 =	simm.s32 @p2 $0x1082  }
0x22: {  	[simem:s7], [sflag:s8] =	dma.local @!p0 [hbm:s6], $0xF7A  }
0x23: {  	s9 =	sor.u32 $0xD0000000, s2;
	s6 =	simm.s32 $0x108;
	_ =	swait.ge @!p0 [sflag:s8], $0x0  }
0x24: {  	s3 =	sadd.s32 $0x88, s3;
	s6 =	simm.s32 @!p1 $0x1082;
	[sflag:s4] =	ssyncset.s32 $0xFFFFF086  }
0x25: {  	[simem:s6], [sflag:s4] =	dma.local [hbm:s3], $0xF7A  }
0x26: {  	[smem:$0x3F98] =	sst s1;
	(tag) =	ssettag s2;
	_ =	strace s9  }
0x27: {  	s1 =	sld [smem:$0x3FA8]  }
0x28: {  	s2 =	sld [smem:$0x3FA9]  }
0x29: {  	s4 =	sld [smem:$0x3FAB]  }
0x2a: {  	p0 =	seq.s32 s5, $0x0;
	s5 =	sld [smem:$0x3FAC]  }
0x2b: {  	s6 =	sld [smem:$0x3FAD]  }
0x2c: {  	s7 =	sld [smem:$0x3FAE]  }
0x2d: {  	s3 =	simm.s32 $0x108;
	s8 =	sld [smem:$0x3FAF]  }
0x2e: {  	s3 =	simm.s32 @!p0 $0x1082;
	s9 =	sld [smem:$0x3FB0]  }
0x2f: {  	lr =	sadd.s32 s0, s3;
	s0 =	sld [smem:$0x3FA7]  }
0x30: {  	s3 =	sld [smem:$0x3FAA]  }
0x31: {  	[smem:$0x3FB3] =	sst s10  }
0x32: {  	s10 =	sld [smem:$0x3FB1];
	_ =	sdelay $0x3  }
0x33: {  	p0 =	seq.s32 s10, $0x1;
	s10 =	sld [smem:$0x3FB3];
	_ =	sdelay $0x3  }
0x34: {  	[smem:$0x3FB3] =	sst s10  }
0x35: {  	s10 =	sld [smem:$0x3FB2];
	_ =	sdelay $0x3  }
0x36: {  	p1 =	seq.s32 s10, $0x1;
	s10 =	sld [smem:$0x3FB3];
	_ =	sdelay $0x3  }
0x37: {  	[smem:$0x3FB3] =	sst s10  }
0x38: {  	s10 =	sld [smem:$0x3FB4]  }
0x39: {  	_ = 	snop;
	(pc) =	sbr.ind lr, $3  }
0x3a: {  	_ = 	snop  }
0x3b: {  	_ = 	snop  }
0x3c: {  	p2 =	seq.s32 s10, $0x1;
	s10 =	sld [smem:$0x3FB3]  }
0x3d: {  	_ =	shalt  }
0x3e: {  	_ =	shalt  }
0x3f: {  	_ =	shalt  }
0x40: {  	_ =	shalt  }
0x41: {  	_ =	shalt  }
0x42: {  	_ =	shalt  }
0x43: {  	_ =	shalt  }
0x44: {  	_ =	shalt  }
0x45: {  	_ =	shalt  }
0x46: {  	_ =	shalt  }
0x47: {  	_ =	shalt  }
0x48: {  	_ =	shalt  }
0x49: {  	_ =	shalt  }
0x4a: {  	_ =	shalt  }
0x4b: {  	_ =	shalt  }
0x4c: {  	_ =	shalt  }
0x4d: {  	_ =	shalt  }
0x4e: {  	_ =	shalt  }
0x4f: {  	_ =	shalt  }
0x50: {  	_ =	shalt  }
0x51: {  	_ =	shalt  }
0x52: {  	_ =	shalt  }
0x53: {  	_ =	shalt  }
0x54: {  	_ =	shalt  }
0x55: {  	_ =	shalt  }
0x56: {  	_ =	shalt  }
0x57: {  	_ =	shalt  }
0x58: {  	_ =	shalt  }
0x59: {  	_ =	shalt  }
0x5a: {  	_ =	shalt  }
0x5b: {  	_ =	shalt  }
0x5c: {  	_ =	shalt  }
0x5d: {  	_ =	shalt  }
0x5e: {  	_ =	shalt  }
0x5f: {  	_ =	shalt  }
0x60: {  	_ =	shalt  }
0x61: {  	_ =	shalt  }
0x62: {  	_ =	shalt  }
0x63: {  	_ =	shalt  }
0x64: {  	_ =	shalt  }
0x65: {  	_ =	shalt  }
0x66: {  	_ =	shalt  }
0x67: {  	_ =	shalt  }
0x68: {  	_ =	shalt  }
0x69: {  	_ =	shalt  }
0x6a: {  	_ =	shalt  }
0x6b: {  	_ =	shalt  }
0x6c: {  	_ =	shalt  }
0x6d: {  	_ =	shalt  }
0x6e: {  	_ =	shalt  }
0x6f: {  	_ =	shalt  }
0x70: {  	_ =	shalt  }
0x71: {  	_ =	shalt  }
0x72: {  	_ =	shalt  }
0x73: {  	_ =	shalt  }
0x74: {  	_ =	shalt  }
0x75: {  	_ =	shalt  }
0x76: {  	_ =	shalt  }
0x77: {  	_ =	shalt  }
0x78: {  	_ =	shalt  }
0x79: {  	_ =	shalt  }
0x7a: {  	_ =	shalt  }
0x7b: {  	_ =	shalt  }
0x7c: {  	_ =	shalt  }
0x7d: {  	_ =	shalt  }
0x7e: {  	_ =	shalt  }
0x7f: {  	_ =	shalt  }
0x80: {  	_ =	shalt  }
0x81: {  	_ =	shalt  }
0x82: {  	_ =	shalt  }
0x83: {  	_ =	shalt  }
0x84: {  	_ =	shalt  }
0x85: {  	_ =	shalt  }
0x86: {  	_ =	shalt  }
0x87: {  	_ =	shalt  }
.Lfunc_end0:
.L_simem_size_0:
called_computation_lowered:
.L_overlay_start_0:
0x88: {  	s2 =	sld [smem:$0x3FD9]  }
0x89: {  	s3 =	sld [smem:$0x3FFE];
	_ =	sdelay $0x1  }
0x8a: {  	s1 =	srdreg.scid  }
0x8b: {  	s0 =	sand.u32 $0x1, s1  }
0x8c: {  	s18 =	sshll.u32 s0, $0xA;
	s2 =	sadd.s32 s3, s2  }
0x8d: {  	s2 =	sadd.s32 s2, s18  }
0x8e: {  	[smem:$0x3FBF] =	sst s2  }
0x8f: {  	_ = 	snop  }
0x90: {  	s2 =	sld [smem:$0x3FC9]  }
0x91: {  	s19 =	sld [smem:$0x3FC8]  }
0x92: {  	s4 =	sld [smem:$0x3FC7]  }
0x93: {  	s5 =	sld [smem:$0x3FC6]  }
0x94: {  	s6 =	sld [smem:$0x3FC5]  }
0x95: {  	s7 =	sld [smem:$0x3FC4]  }
0x96: {  	s8 =	sld [smem:$0x3FC3]  }
0x97: {  	s9 =	sld [smem:$0x3FC2]  }
0x98: {  	s10 =	sld [smem:$0x3FC1]  }
0x99: {  	s11 =	sld [smem:$0x3FD0];
	(tm) =	ssettm $0x1  }
0x9a: {  	s12 =	sld [smem:$0x3FFB];
	_ =	sdelay $0x3  }
0x9b: {  	_ =	strace s12  }
0x9c: {  	s12 =	sld [smem:$0x3FFC];
	_ =	sdelay $0x3  }
0x9d: {  	_ =	strace s12  }
0x9e: {  	s12 =	sld [smem:$0x3FFD];
	_ =	sdelay $0x3  }
0x9f: {  	_ =	strace s12  }
0xa0: {  	_ =	strace $0x8FFFFFFF  }
0xa1: {  	s20 =	sld [smem:$0x3FDB];
	_ =	sdelay $0x1  }
0xa2: {  	s13 =	simm.s32 $_scs_section_size  }
0xa3: {  	s14 =	simm.s32 $_size__tile_overlayer_lowered;
	s15 =	simm.s32 $_tile_overlayer_lowered  }
0xa4: {  	s23 =	simm.s32 $0x1BFF;
	s22 =	sshll.u32 s15, $0x1;
	s12 =	sadd.s32 s13, s20  }
0xa5: {  	s16 =	simm.s32 $0x0;
	s21 =	sshll.u32 s14, $0x1;
	s14 =	sadd.s32 s22, s12  }
0xa6: {  	[timem:s16], [sflag:s23] =	dma.local [hbm:s14], s21  }
0xa7: {  	_ =	swait.ge [sflag:s23], s21  }
0xa8: {  	s13 =	ssub.s32 $0x0, s21;
	[sflag:s23] =	ssyncset.done $0x0  }
0xa9: {  	[sflag:s23] =	ssyncadd.s32 s13;
	_ =	sdelay $0x1  }
0xaa: {  	s24 =	simm.s32 $0x1B8B  }
0xab: {  	_ =	swait.ge [sflag:s24], $0x1  }
0xac: {  	[sflag:s24] =	ssyncset.done $0x0  }
0xad: {  	s25 =	simm.s32 $0x1B8E;
	[sflag:s24] =	ssyncadd.s32 $0xFFFFFFFF  }
0xae: {  	s26 =	simm.s32 $execute0_lowered;
	[smem:$0x3FD2] =	sst s25  }
0xaf: {  	s13 =	sshll.u32 s26, $0x1;
	_ =	strace $0x80000046;
	[dreg:$0x1] =	wrdreg $0xFFFFFFFF  }
0xb0: {  	s28 =	simm.s32 $_size_execute0_lowered;
	s12 =	sadd.s32 s12, s13;
	[dreg:$0x0] =	wrdreg $0x0  }
0xb1: {  	s13 =	sshll.u32 s28, $0x1;
	[dreg:$0x2] =	wrdreg s12  }
0xb2: {  	[dreg:$0x3] =	wrdreg s13  }
0xb3: {  	[dreg:$0x4] =	wrdreg $0xC0  }
0xb4: {  	_ =	task [dreg:s16], $0x5FFFF  }
0xb5: {  	[dreg:$0x1] =	wrdreg $0xFFFFFFFF  }
0xb6: {  	[dreg:$0x0] =	wrdreg $0x60  }
0xb7: {  	[dreg:$0x2] =	wrdreg s2  }
0xb8: {  	[dreg:$0x3] =	wrdreg s19  }
0xb9: {  	[dreg:$0x4] =	wrdreg s4  }
0xba: {  	[dreg:$0x5] =	wrdreg s5  }
0xbb: {  	[dreg:$0x6] =	wrdreg s6  }
0xbc: {  	[dreg:$0x7] =	wrdreg s7  }
0xbd: {  	[dreg:$0x8] =	wrdreg s8  }
0xbe: {  	[dreg:$0x9] =	wrdreg s9  }
0xbf: {  	[dreg:$0xa] =	wrdreg s10  }
0xc0: {  	[dreg:$0xb] =	wrdreg s11  }
0xc1: {  	[dreg:$0xc] =	wrdreg $0x188000  }
0xc2: {  	[dreg:$0xd] =	wrdreg $0x9  }
0xc3: {  	_ =	task.clear_ibuf [dreg:s16], $0xEFFFF;
	_ =	strace $0x90000046  }
0xc4: {  	s29 =	simm.s32 $0x9;
	_ =	strace $0x80000048  }
0xc5: {  	_ =	swait.ge [sflag:s29], $0x1  }
0xc6: {  	[sflag:s29] =	ssyncadd.s32 $0xFFFFFFFF  }
0xc7: {  	_ =	strace $0x90000048  }
0xc8: {  	_ =	sfence  }
0xc9: {  	s30 =	sld [smem:$0x0];
	_ =	sdelay $0x2  }
0xca: {  	s31 =	sshll.u32 s1, $0xD;
	s1 =	sshrl.u32 s1, $0x2  }
0xcb: {  	s3 =	sand.u32 $0x4000, s31;
	s1 =	sadd.s32 s1, s30  }
0xcc: {  	s0 =	sor.u32 s3, s0;
	s1 =	sshll.u32 s1, $0x11  }
0xcd: {  	s0 =	sor.u32 s1, s0  }
0xce: {  	s0 =	sadd.s32 $0x8F2B, s0  }
0xcf: {  	[sflag:s0] =	ssyncadd.remote.s32 $0x1  }
0xd0: {  	_ =	sfence.sel $0xFFFF  }
0xd1: {  	[dreg:$0x0] =	wrdreg $0xFFFFFFFF;
	(pc) =	sbr.abs _section_cstart, $3  }
0xd2: {  	[dreg:$0x1] =	wrdreg $0xFFFFFFFF  }
0xd3: {  	_ =	task.clear_ibuf [dreg:s16], $0x2FFFF;
	_ =	strace $0x9FFFFFFF  }
0xd4: {  	(tm) =	ssettm $0x7FFFFFFF  }
0xd5: {  	_ =	shalt  }
tec
execute0_lowered:
.L_overlay_start_1:
0x0: {  	(tag) =	ssettag $0x1  }
0x1: {  	s0 =	rddreg [dreg:$0x0]  }
0x2: {  	s1 =	rddreg [dreg:$0x1]  }
0x3: {  	s2 =	rddreg [dreg:$0x2]  }
0x4: {  	s3 =	rddreg [dreg:$0x3]  }
0x5: {  	s4 =	rddreg [dreg:$0x4]  }
0x6: {  	s9 =	rddreg [dreg:$0x9]  }
0x7: {  	s10 =	rddreg [dreg:$0xa]  }
0x8: {  	s11 =	simm.s32 $0x0;
	s5 =	srdreg.scid;
	s12 =	stileid.u32  }
0x9: {  	s20 =	simm.s32 $0x8;
	s28 =	simm.s32 $0x10400;
	s31 =	simm.s32 $0x1  }
0xa: {  	s14 =	simm.s32 $0x6;
	s15 =	simm.s32 $0x14400;
	s16 =	simm.s32 $0x3  }
0xb: {  	s17 =	simm.s32 $0x7;
	s19 =	simm.s32 $0x0;
	[smem:$0x7FF] =	sst s11  }
0xc: {  	v0 =	vimm.s32 $0x76543210;
	s5 =	sand.u32 $0x1, s5;
	s8 =	sshll.u32 s12, $0x6;
	s21 =	sshll.u32 s12, $0x9  }
0xd: {  	v1 =	vimm.s32 $0xFEDCBA98;
	s22 =	sshll.u32 s12, $0xE;
	s12 =	simm.s32 $0x4;
	_ =	strace $0x80000047  }
0xe: {  	v2 =	vimm.s32 $0xBA98FEDC;
	v3 =	vimm.s32 $0x32107654;
	v4 =	vimm.s32 $0xDCFE98BA;
	s6 =	ssub.s32 $0x2, s5;
	s5 =	sshll.u32 s5, $0x5;
	s4 =	sadd.s32 s4, s21  }
0xf: {  	v5 =	vimm.s32 $0x54761032;
	v6 =	vimm.s32 $0xEFCDAB89;
	v7 =	vimm.s32 $0x67452301;
	s7 =	sshrl.u32 s6, $0x1;
	s13 =	sor.u32 s5, s8;
	[dreg:$0xc] =	wrdreg s4  }
0x10: {  	v0 =	vunpack.c.l.s4.s8 v0;
	v1 =	vunpack.c.l.s4.s8 v1;
	v2 =	vunpack.c.l.s4.s8 v2;
	s4 =	sadd.s32 s22, s10;
	s22 =	simm.s32 $0xC400;
	s5 =	sshll.u32 s13, $0x6  }
0x11: {  	v3 =	vunpack.c.l.s4.s8 v3;
	v4 =	vunpack.c.l.s4.s8 v4;
	v5 =	vunpack.c.l.s4.s8 v5;
	s8 =	simm.s32 $0x5;
	[dreg:$0xd] =	wrdreg s4;
	s23 =	sadd.s32 s0, s5  }
0x12: {  	v6 =	vunpack.c.l.s4.s8 v6;
	v7 =	vunpack.c.l.s4.s8 v7;
	v2 =	vunpack.c.0.s8.s32 v2;
	s6 =	ssub.s32 s6, s7;
	s25 =	sadd.s32 s1, s5;
	[dreg:$0xe] =	wrdreg s23  }
0x13: {  	v3 =	vunpack.c.0.s8.s32 v3;
	v4 =	vunpack.c.0.s8.s32 v4;
	v5 =	vunpack.c.0.s8.s32 v5;
	s24 =	sor.u32 $0x80, s5;
	s5 =	sadd.s32 s2, s5;
	[dreg:$0xf] =	wrdreg s25  }
0x14: {  	v1 =	vunpack.c.0.s8.s32 v1;
	v6 =	vunpack.c.0.s8.s32 v6;
	v7 =	vunpack.c.0.s8.s32 v7;
	s7 =	simm.s32 $0x8200;
	s30 =	smax.u32 s6, $0x1;
	[dreg:$0x10] =	wrdreg s5  }
0x15: {  	s6 =	simm.s32 $0xC200;
	v2 =	vcombine.low v3, v2;
	v3 =	vcombine.low v5, v4;
	v4 =	vunpack.c.0.s8.s32 v0;
	s26 =	sadd.s32 s0, s24;
	[dreg:$0x14] =	wrdreg s30  }
0x16: {  	v5 =	vcombine.low v7, v6;
	v0 =	vlaneseq.u32;
	v1 =	vand.u32 $0xF, v1;
	s23 =	simm.s32 $0x9;
	s29 =	sadd.s32 s1, s24;
	[dreg:$0x11] =	wrdreg s26  }
0x17: {  	s4 =	sadd.s32 s2, s24;
	s5 =	simm.s32 $0x80;
	v0 =	vmul.u32 $0x4, v0;
	[dreg:$0x12] =	wrdreg s29;
	v1 =	vcombine.low v1, v4  }
0x18: {  	[dreg:$0x13] =	wrdreg s4;
	s26 =	simm.s32 $0xC280;
	s4 =	simm.s32 $0x2;
	v2 =	vand.u32 $0xF, v2;
	v3 =	vand.u32 $0xF, v3;
	v4 =	vand.u32 $0xF, v5  }
.LBB2_1:
0x19: {  	[dreg:$0x15] =	wrdreg s19  }
0x1a: {  	s18 =	rddreg [dreg:$0x5];
	s21 =	simm.s32 $0x18400  }
0x1b: {  	[tilespmem:s21], [sflag:$0x9] =	stream.linear.gather [hbm4b:s18+s11], $0x100, $0x38;
	[tilespmem:$0x1C800] =	vst v63  }
0x1c: {  	_ =	swait.ge [sflag:s23], $0x100  }
0x1d: {  	[sflag:s23] =	ssyncset.done $0x0  }
0x1e: {  	[sflag:s23] =	ssyncadd.s32 $0xFFFFFF00  }
0x1f: {  	s25 =	simm.s32 $0x18500;
	s24 =	rddreg [dreg:$0x6]  }
0x20: {  	[tilespmem:s25], [sflag:$0x9] =	stream.linear.gather [hbm4b:s24+s11], $0x100, $0x38;
	[tilespmem:$0x1C800] =	vst v63  }
0x21: {  	_ =	swait.ge [sflag:s23], $0x100  }
0x22: {  	[sflag:s23] =	ssyncset.done $0x0  }
0x23: {  	[sflag:s23] =	ssyncadd.s32 $0xFFFFFF00  }
0x24: {  	s30 =	simm.s32 $0x18600;
	s29 =	rddreg [dreg:$0x7]  }
0x25: {  	[tilespmem:s30], [sflag:$0x9] =	stream.linear.gather [hbm4b:s29+s11], $0x80, $0x38;
	[tilespmem:$0x1C800] =	vst v63  }
0x26: {  	_ =	swait.ge [sflag:s23], $0x80  }
0x27: {  	[sflag:s23] =	ssyncset.done $0x0  }
0x28: {  	[sflag:s23] =	ssyncadd.s32 $0xFFFFFF80  }
0x29: {  	s24 =	simm.s32 $0x18680;
	s21 =	rddreg [dreg:$0x8]  }
0x2a: {  	[tilespmem:s24], [sflag:$0x9] =	stream.linear.gather [hbm4b:s21+s11], $0x80, $0x38;
	[tilespmem:$0x1C800] =	vst v63  }
0x2b: {  	_ =	swait.ge [sflag:s23], $0x80  }
0x2c: {  	[sflag:s23] =	ssyncset.done $0x0  }
0x2d: {  	s29 =	simm.s32 $0x4200;
	s25 =	rddreg [dreg:$0xc];
	[sflag:s23] =	ssyncadd.s32 $0xFFFFFF80  }
0x2e: {  	[tilespmem:s29], [sflag:$0x9] =	stream.linear.gather [hbm4b:s25+s11], $0x1000, $0x38;
	[tilespmem:$0x1C800] =	vst v63  }
0x2f: {  	_ =	swait.ge [sflag:s23], $0x1000  }
0x30: {  	[sflag:s23] =	ssyncset.done $0x0  }
0x31: {  	[sflag:s23] =	ssyncadd.s32 $0xFFFFF000  }
0x32: {  	v29 =	vld [tilespmem:$0x18400]  }
0x33: {  	v37 =	vld [tilespmem:$0x18500]  }
0x34: {  	v30 =	vld [tilespmem:$0x18410]  }
0x35: {  	v38 =	vld [tilespmem:$0x18510]  }
0x36: {  	v31 =	vld [tilespmem:$0x18420]  }
0x37: {  	v39 =	vld [tilespmem:$0x18520]  }
0x38: {  	v32 =	vld [tilespmem:$0x18430]  }
0x39: {  	v40 =	vld [tilespmem:$0x18530]  }
0x3a: {  	v33 =	vld [tilespmem:$0x18440]  }
0x3b: {  	v41 =	vld [tilespmem:$0x18540]  }
0x3c: {  	v34 =	vld [tilespmem:$0x18450]  }
0x3d: {  	v42 =	vld [tilespmem:$0x18550]  }
0x3e: {  	v35 =	vld [tilespmem:$0x18460]  }
0x3f: {  	v43 =	vld [tilespmem:$0x18560]  }
0x40: {  	v36 =	vld [tilespmem:$0x18470]  }
0x41: {  	v44 =	vld [tilespmem:$0x18570]  }
0x42: {  	v45 =	vld [tilespmem:$0x18580]  }
0x43: {  	v46 =	vld [tilespmem:$0x18590]  }
0x44: {  	v47 =	vld [tilespmem:$0x185A0]  }
0x45: {  	v48 =	vld [tilespmem:$0x185B0]  }
0x46: {  	v49 =	vld [tilespmem:$0x185C0]  }
0x47: {  	v50 =	vld [tilespmem:$0x185D0]  }
0x48: {  	v51 =	vld [tilespmem:$0x185E0]  }
0x49: {  	v52 =	vld [tilespmem:$0x185F0]  }
0x4a: {  	v59 =	vld [tilespmem:$0x18480]  }
0x4b: {  	v60 =	vld [tilespmem:$0x18490]  }
0x4c: {  	v58 =	vld [tilespmem:$0x184A0]  }
0x4d: {  	v57 =	vld [tilespmem:$0x184B0]  }
0x4e: {  	v56 =	vld [tilespmem:$0x184C0]  }
0x4f: {  	v55 =	vld [tilespmem:$0x184D0]  }
0x50: {  	v54 =	vld [tilespmem:$0x184E0]  }
0x51: {  	v53 =	vld [tilespmem:$0x184F0]  }
0x52: {  	v5 =	vld [tilespmem:$0x18600]  }
0x53: {  	v6 =	vld [tilespmem:$0x18610]  }
0x54: {  	v7 =	vld [tilespmem:$0x18620]  }
0x55: {  	v8 =	vld [tilespmem:$0x18630]  }
0x56: {  	v9 =	vld [tilespmem:$0x18640]  }
0x57: {  	v10 =	vld [tilespmem:$0x18650]  }
0x58: {  	v11 =	vld [tilespmem:$0x18660]  }
0x59: {  	v12 =	vld [tilespmem:$0x18670]  }
0x5a: {  	s30 =	simm.s32 $0x0;
	v13 =	vld [tilespmem:$0x18680]  }
0x5b: {  	v20 =	vld [tilespmem:s30+$0x4200]  }
0x5c: {  	v14 =	vld [tilespmem:$0x18690]  }
0x5d: {  	v15 =	vld [tilespmem:$0x186A0]  }
0x5e: {  	v16 =	vld [tilespmem:$0x186B0];
	v21 =	vadd.f32 v37, v29  }
0x5f: {  	v17 =	vld [tilespmem:$0x186C0]  }
0x60: {  	v18 =	vld [tilespmem:$0x186D0];
	v22 =	vadd.f32 v20, v21  }
0x61: {  	s18 =	simm.s32 $0x300;
	v19 =	vld [tilespmem:$0x186E0]  }
0x62: {  	v20 =	vld [tilespmem:$0x186F0];
	[tilespmem:s18+$0xFFFFFF00] =	vst v22  }
0x63: {  	v23 =	vld [tilespmem:s30+$0x4210];
	_ =	sdelay $0x2  }
0x64: {  	v22 =	vadd.f32 v38, v30;
	_ =	sdelay $0x1  }
0x65: {  	v23 =	vadd.f32 v23, v22;
	_ =	sdelay $0x1  }
0x66: {  	[tilespmem:s18+$0xFFFFFF10] =	vst v23  }
0x67: {  	v24 =	vld [tilespmem:s30+$0x4220];
	_ =	sdelay $0x2  }
0x68: {  	v23 =	vadd.f32 v39, v31;
	_ =	sdelay $0x1  }
0x69: {  	v24 =	vadd.f32 v24, v23;
	_ =	sdelay $0x1  }
0x6a: {  	[tilespmem:s18+$0xFFFFFF20] =	vst v24  }
0x6b: {  	v25 =	vld [tilespmem:s30+$0x4230];
	_ =	sdelay $0x2  }
0x6c: {  	v24 =	vadd.f32 v40, v32;
	_ =	sdelay $0x1  }
0x6d: {  	v25 =	vadd.f32 v25, v24;
	_ =	sdelay $0x1  }
0x6e: {  	[tilespmem:s18+$0xFFFFFF30] =	vst v25  }
0x6f: {  	v26 =	vld [tilespmem:s30+$0x4240];
	_ =	sdelay $0x2  }
0x70: {  	v25 =	vadd.f32 v41, v33;
	_ =	sdelay $0x1  }
0x71: {  	v26 =	vadd.f32 v26, v25;
	_ =	sdelay $0x1  }
0x72: {  	[tilespmem:s18+$0xFFFFFF40] =	vst v26  }
0x73: {  	v27 =	vld [tilespmem:s30+$0x4250];
	_ =	sdelay $0x2  }
0x74: {  	v26 =	vadd.f32 v42, v34;
	_ =	sdelay $0x1  }
0x75: {  	v27 =	vadd.f32 v27, v26;
	_ =	sdelay $0x1  }
0x76: {  	[tilespmem:s18+$0xFFFFFF50] =	vst v27  }
0x77: {  	v28 =	vld [tilespmem:s30+$0x4260];
	_ =	sdelay $0x2  }
0x78: {  	v27 =	vadd.f32 v43, v35;
	_ =	sdelay $0x1  }
0x79: {  	v28 =	vadd.f32 v28, v27;
	_ =	sdelay $0x1  }
0x7a: {  	[tilespmem:s18+$0xFFFFFF60] =	vst v28  }
0x7b: {  	v61 =	vld [tilespmem:s30+$0x4270];
	_ =	sdelay $0x2  }
0x7c: {  	v28 =	vadd.f32 v44, v36;
	_ =	sdelay $0x1  }
0x7d: {  	v61 =	vadd.f32 v61, v28;
	_ =	sdelay $0x1  }
0x7e: {  	[tilespmem:s18+$0xFFFFFF70] =	vst v61  }
0x7f: {  	v61 =	vld [tilespmem:s30+$0x4200];
	_ =	sdelay $0x2  }
0x80: {  	v29 =	vadd.f32 v45, v29;
	_ =	sdelay $0x1  }
0x81: {  	v61 =	vadd.f32 v61, v29;
	_ =	sdelay $0x1  }
0x82: {  	[tilespmem:s18+$0xFFFFFF80] =	vst v61  }
0x83: {  	v61 =	vld [tilespmem:s30+$0x4210];
	_ =	sdelay $0x2  }
0x84: {  	v30 =	vadd.f32 v46, v30;
	_ =	sdelay $0x1  }
0x85: {  	v61 =	vadd.f32 v61, v30;
	_ =	sdelay $0x1  }
0x86: {  	[tilespmem:s18+$0xFFFFFF90] =	vst v61  }
0x87: {  	v61 =	vld [tilespmem:s30+$0x4220];
	_ =	sdelay $0x2  }
0x88: {  	v31 =	vadd.f32 v47, v31;
	_ =	sdelay $0x1  }
0x89: {  	v61 =	vadd.f32 v61, v31;
	_ =	sdelay $0x1  }
0x8a: {  	[tilespmem:s18+$0xFFFFFFA0] =	vst v61  }
0x8b: {  	v61 =	vld [tilespmem:s30+$0x4230];
	_ =	sdelay $0x2  }
0x8c: {  	v32 =	vadd.f32 v48, v32;
	_ =	sdelay $0x1  }
0x8d: {  	v61 =	vadd.f32 v61, v32;
	_ =	sdelay $0x1  }
0x8e: {  	[tilespmem:s18+$0xFFFFFFB0] =	vst v61  }
0x8f: {  	v61 =	vld [tilespmem:s30+$0x4240];
	_ =	sdelay $0x2  }
0x90: {  	v33 =	vadd.f32 v49, v33;
	_ =	sdelay $0x1  }
0x91: {  	v61 =	vadd.f32 v61, v33;
	_ =	sdelay $0x1  }
0x92: {  	[tilespmem:s18+$0xFFFFFFC0] =	vst v61  }
0x93: {  	v61 =	vld [tilespmem:s30+$0x4250];
	_ =	sdelay $0x2  }
0x94: {  	v34 =	vadd.f32 v50, v34;
	_ =	sdelay $0x1  }
0x95: {  	v61 =	vadd.f32 v61, v34;
	_ =	sdelay $0x1  }
0x96: {  	[tilespmem:s18+$0xFFFFFFD0] =	vst v61  }
0x97: {  	v61 =	vld [tilespmem:s30+$0x4260];
	_ =	sdelay $0x2  }
0x98: {  	v35 =	vadd.f32 v51, v35;
	_ =	sdelay $0x1  }
0x99: {  	v61 =	vadd.f32 v61, v35;
	_ =	sdelay $0x1  }
0x9a: {  	[tilespmem:s18+$0xFFFFFFE0] =	vst v61  }
0x9b: {  	v61 =	vld [tilespmem:s30+$0x4270];
	_ =	sdelay $0x2  }
0x9c: {  	v36 =	vadd.f32 v52, v36;
	_ =	sdelay $0x1  }
0x9d: {  	v61 =	vadd.f32 v61, v36;
	_ =	sdelay $0x1  }
0x9e: {  	[tilespmem:s18+$0xFFFFFFF0] =	vst v61  }
0x9f: {  	v61 =	vld [tilespmem:s30+$0x4200];
	_ =	sdelay $0x2  }
0xa0: {  	v37 =	vadd.f32 v59, v37;
	_ =	sdelay $0x1  }
0xa1: {  	v61 =	vadd.f32 v61, v37;
	_ =	sdelay $0x1  }
0xa2: {  	[tilespmem:s18+$0x0] =	vst v61  }
0xa3: {  	v61 =	vld [tilespmem:s30+$0x4210];
	_ =	sdelay $0x2  }
0xa4: {  	v38 =	vadd.f32 v60, v38;
	_ =	sdelay $0x1  }
0xa5: {  	v61 =	vadd.f32 v61, v38;
	_ =	sdelay $0x1  }
0xa6: {  	[tilespmem:s18+$0x10] =	vst v61  }
0xa7: {  	v61 =	vld [tilespmem:s30+$0x4220];
	_ =	sdelay $0x2  }
0xa8: {  	v39 =	vadd.f32 v58, v39;
	_ =	sdelay $0x1  }
0xa9: {  	v61 =	vadd.f32 v61, v39;
	_ =	sdelay $0x1  }
0xaa: {  	[tilespmem:s18+$0x20] =	vst v61  }
0xab: {  	v61 =	vld [tilespmem:s30+$0x4230];
	_ =	sdelay $0x2  }
0xac: {  	v40 =	vadd.f32 v57, v40;
	_ =	sdelay $0x1  }
0xad: {  	v61 =	vadd.f32 v61, v40;
	_ =	sdelay $0x1  }
0xae: {  	[tilespmem:s18+$0x30] =	vst v61  }
0xaf: {  	v61 =	vld [tilespmem:s30+$0x4240];
	_ =	sdelay $0x2  }
0xb0: {  	v41 =	vadd.f32 v56, v41;
	_ =	sdelay $0x1  }
0xb1: {  	v61 =	vadd.f32 v61, v41;
	_ =	sdelay $0x1  }
0xb2: {  	[tilespmem:s18+$0x40] =	vst v61  }
0xb3: {  	v61 =	vld [tilespmem:s30+$0x4250];
	_ =	sdelay $0x2  }
0xb4: {  	v42 =	vadd.f32 v55, v42;
	_ =	sdelay $0x1  }
0xb5: {  	v61 =	vadd.f32 v61, v42;
	_ =	sdelay $0x1  }
0xb6: {  	[tilespmem:s18+$0x50] =	vst v61  }
0xb7: {  	v61 =	vld [tilespmem:s30+$0x4260];
	_ =	sdelay $0x2  }
0xb8: {  	v43 =	vadd.f32 v54, v43;
	_ =	sdelay $0x1  }
0xb9: {  	v61 =	vadd.f32 v61, v43;
	_ =	sdelay $0x1  }
0xba: {  	[tilespmem:s18+$0x60] =	vst v61  }
0xbb: {  	v61 =	vld [tilespmem:s30+$0x4270];
	_ =	sdelay $0x2  }
0xbc: {  	v44 =	vadd.f32 v53, v44;
	_ =	sdelay $0x1  }
0xbd: {  	v61 =	vadd.f32 v61, v44;
	_ =	sdelay $0x1  }
0xbe: {  	[tilespmem:s18+$0x70] =	vst v61  }
0xbf: {  	v61 =	vld [tilespmem:s30+$0x4200];
	_ =	sdelay $0x2  }
0xc0: {  	v45 =	vadd.f32 v59, v45;
	_ =	sdelay $0x1  }
0xc1: {  	v59 =	vadd.f32 v61, v45;
	_ =	sdelay $0x1  }
0xc2: {  	[tilespmem:s18+$0x80] =	vst v59  }
0xc3: {  	v59 =	vld [tilespmem:s30+$0x4210];
	_ =	sdelay $0x2  }
0xc4: {  	v46 =	vadd.f32 v60, v46;
	_ =	sdelay $0x1  }
0xc5: {  	v59 =	vadd.f32 v59, v46;
	_ =	sdelay $0x1  }
0xc6: {  	[tilespmem:s18+$0x90] =	vst v59  }
0xc7: {  	v59 =	vld [tilespmem:s30+$0x4220];
	_ =	sdelay $0x2  }
0xc8: {  	v47 =	vadd.f32 v58, v47;
	_ =	sdelay $0x1  }
0xc9: {  	v58 =	vadd.f32 v59, v47;
	_ =	sdelay $0x1  }
0xca: {  	[tilespmem:s18+$0xA0] =	vst v58  }
0xcb: {  	v58 =	vld [tilespmem:s30+$0x4230];
	_ =	sdelay $0x2  }
0xcc: {  	v48 =	vadd.f32 v57, v48;
	_ =	sdelay $0x1  }
0xcd: {  	v57 =	vadd.f32 v58, v48;
	_ =	sdelay $0x1  }
0xce: {  	[tilespmem:s18+$0xB0] =	vst v57  }
0xcf: {  	v57 =	vld [tilespmem:s30+$0x4240];
	_ =	sdelay $0x2  }
0xd0: {  	v49 =	vadd.f32 v56, v49;
	_ =	sdelay $0x1  }
0xd1: {  	v56 =	vadd.f32 v57, v49;
	_ =	sdelay $0x1  }
0xd2: {  	[tilespmem:s18+$0xC0] =	vst v56  }
0xd3: {  	v56 =	vld [tilespmem:s30+$0x4250];
	_ =	sdelay $0x2  }
0xd4: {  	v50 =	vadd.f32 v55, v50;
	_ =	sdelay $0x1  }
0xd5: {  	v55 =	vadd.f32 v56, v50;
	_ =	sdelay $0x1  }
0xd6: {  	[tilespmem:s18+$0xD0] =	vst v55  }
0xd7: {  	v55 =	vld [tilespmem:s30+$0x4260];
	_ =	sdelay $0x2  }
0xd8: {  	v51 =	vadd.f32 v54, v51;
	_ =	sdelay $0x1  }
0xd9: {  	v54 =	vadd.f32 v55, v51;
	_ =	sdelay $0x1  }
0xda: {  	[tilespmem:s18+$0xE0] =	vst v54  }
0xdb: {  	v54 =	vld [tilespmem:s30+$0x4270];
	_ =	sdelay $0x2  }
0xdc: {  	v52 =	vadd.f32 v53, v52;
	_ =	sdelay $0x1  }
0xdd: {  	v53 =	vadd.f32 v54, v52;
	_ =	sdelay $0x1  }
0xde: {  	s19 =	simm.s32 $0x80;
	s21 =	simm.s32 $0x400;
	[tilespmem:s18+$0xF0] =	vst v53  }
.LBB2_2:
0xdf: {  	p0 =	sne.s32 s21, $0x3E00;
	v53 =	vld [tilespmem:s19+$0x4200];
	_ =	sdelay $0x4  }
0xe0: {  	v53 =	vadd.f32 v53, v21  }
0xe1: {  	s18 =	sadd.s32 $0x200, s18  }
0xe2: {  	[tilespmem:s18+$0xFFFFFF00] =	vst v53  }
0xe3: {  	v53 =	vld [tilespmem:s19+$0x4210];
	_ =	sdelay $0x4  }
0xe4: {  	v53 =	vadd.f32 v53, v22;
	_ =	sdelay $0x1  }
0xe5: {  	[tilespmem:s18+$0xFFFFFF10] =	vst v53  }
0xe6: {  	v53 =	vld [tilespmem:s19+$0x4220];
	_ =	sdelay $0x4  }
0xe7: {  	v53 =	vadd.f32 v53, v23;
	_ =	sdelay $0x1  }
0xe8: {  	[tilespmem:s18+$0xFFFFFF20] =	vst v53  }
0xe9: {  	v53 =	vld [tilespmem:s19+$0x4230];
	_ =	sdelay $0x4  }
0xea: {  	v53 =	vadd.f32 v53, v24;
	_ =	sdelay $0x1  }
0xeb: {  	[tilespmem:s18+$0xFFFFFF30] =	vst v53  }
0xec: {  	v53 =	vld [tilespmem:s19+$0x4240];
	_ =	sdelay $0x4  }
0xed: {  	v53 =	vadd.f32 v53, v25;
	_ =	sdelay $0x1  }
0xee: {  	[tilespmem:s18+$0xFFFFFF40] =	vst v53  }
0xef: {  	v53 =	vld [tilespmem:s19+$0x4250];
	_ =	sdelay $0x4  }
0xf0: {  	v53 =	vadd.f32 v53, v26;
	_ =	sdelay $0x1  }
0xf1: {  	[tilespmem:s18+$0xFFFFFF50] =	vst v53  }
0xf2: {  	v53 =	vld [tilespmem:s19+$0x4260];
	_ =	sdelay $0x4  }
0xf3: {  	v53 =	vadd.f32 v53, v27;
	_ =	sdelay $0x1  }
0xf4: {  	[tilespmem:s18+$0xFFFFFF60] =	vst v53  }
0xf5: {  	v53 =	vld [tilespmem:s19+$0x4270];
	_ =	sdelay $0x4  }
0xf6: {  	v53 =	vadd.f32 v53, v28;
	_ =	sdelay $0x1  }
0xf7: {  	[tilespmem:s18+$0xFFFFFF70] =	vst v53  }
0xf8: {  	v53 =	vld [tilespmem:s19+$0x4200];
	_ =	sdelay $0x4  }
0xf9: {  	v53 =	vadd.f32 v53, v29;
	_ =	sdelay $0x1  }
0xfa: {  	[tilespmem:s18+$0xFFFFFF80] =	vst v53  }
0xfb: {  	v53 =	vld [tilespmem:s19+$0x4210];
	_ =	sdelay $0x4  }
0xfc: {  	v53 =	vadd.f32 v53, v30;
	_ =	sdelay $0x1  }
0xfd: {  	[tilespmem:s18+$0xFFFFFF90] =	vst v53  }
0xfe: {  	v53 =	vld [tilespmem:s19+$0x4220];
	_ =	sdelay $0x4  }
0xff: {  	v53 =	vadd.f32 v53, v31;
	_ =	sdelay $0x1  }
0x100: {  	[tilespmem:s18+$0xFFFFFFA0] =	vst v53  }
0x101: {  	v53 =	vld [tilespmem:s19+$0x4230];
	_ =	sdelay $0x4  }
0x102: {  	v53 =	vadd.f32 v53, v32;
	_ =	sdelay $0x1  }
0x103: {  	[tilespmem:s18+$0xFFFFFFB0] =	vst v53  }
0x104: {  	v53 =	vld [tilespmem:s19+$0x4240];
	_ =	sdelay $0x4  }
0x105: {  	v53 =	vadd.f32 v53, v33;
	_ =	sdelay $0x1  }
0x106: {  	[tilespmem:s18+$0xFFFFFFC0] =	vst v53  }
0x107: {  	v53 =	vld [tilespmem:s19+$0x4250];
	_ =	sdelay $0x4  }
0x108: {  	v53 =	vadd.f32 v53, v34;
	_ =	sdelay $0x1  }
0x109: {  	[tilespmem:s18+$0xFFFFFFD0] =	vst v53  }
0x10a: {  	v53 =	vld [tilespmem:s19+$0x4260];
	_ =	sdelay $0x4  }
0x10b: {  	v53 =	vadd.f32 v53, v35;
	_ =	sdelay $0x1  }
0x10c: {  	[tilespmem:s18+$0xFFFFFFE0] =	vst v53  }
0x10d: {  	v53 =	vld [tilespmem:s19+$0x4270];
	_ =	sdelay $0x4  }
0x10e: {  	v53 =	vadd.f32 v53, v36;
	_ =	sdelay $0x1  }
0x10f: {  	[tilespmem:s18+$0xFFFFFFF0] =	vst v53  }
0x110: {  	v53 =	vld [tilespmem:s19+$0x4200];
	_ =	sdelay $0x4  }
0x111: {  	v53 =	vadd.f32 v53, v37;
	_ =	sdelay $0x1  }
0x112: {  	[tilespmem:s18+$0x0] =	vst v53  }
0x113: {  	v53 =	vld [tilespmem:s19+$0x4210];
	_ =	sdelay $0x4  }
0x114: {  	v53 =	vadd.f32 v53, v38;
	_ =	sdelay $0x1  }
0x115: {  	[tilespmem:s18+$0x10] =	vst v53  }
0x116: {  	v53 =	vld [tilespmem:s19+$0x4220];
	_ =	sdelay $0x4  }
0x117: {  	v53 =	vadd.f32 v53, v39;
	_ =	sdelay $0x1  }
0x118: {  	[tilespmem:s18+$0x20] =	vst v53  }
0x119: {  	v53 =	vld [tilespmem:s19+$0x4230];
	_ =	sdelay $0x4  }
0x11a: {  	v53 =	vadd.f32 v53, v40;
	_ =	sdelay $0x1  }
0x11b: {  	[tilespmem:s18+$0x30] =	vst v53  }
0x11c: {  	v53 =	vld [tilespmem:s19+$0x4240];
	_ =	sdelay $0x4  }
0x11d: {  	v53 =	vadd.f32 v53, v41;
	_ =	sdelay $0x1  }
0x11e: {  	[tilespmem:s18+$0x40] =	vst v53  }
0x11f: {  	v53 =	vld [tilespmem:s19+$0x4250];
	_ =	sdelay $0x4  }
0x120: {  	v53 =	vadd.f32 v53, v42;
	_ =	sdelay $0x1  }
0x121: {  	[tilespmem:s18+$0x50] =	vst v53  }
0x122: {  	v53 =	vld [tilespmem:s19+$0x4260];
	_ =	sdelay $0x4  }
0x123: {  	v53 =	vadd.f32 v53, v43;
	_ =	sdelay $0x1  }
0x124: {  	[tilespmem:s18+$0x60] =	vst v53  }
0x125: {  	v53 =	vld [tilespmem:s19+$0x4270];
	_ =	sdelay $0x4  }
0x126: {  	v53 =	vadd.f32 v53, v44;
	_ =	sdelay $0x1  }
0x127: {  	[tilespmem:s18+$0x70] =	vst v53  }
0x128: {  	v53 =	vld [tilespmem:s19+$0x4200];
	_ =	sdelay $0x4  }
0x129: {  	v53 =	vadd.f32 v53, v45;
	_ =	sdelay $0x1  }
0x12a: {  	[tilespmem:s18+$0x80] =	vst v53  }
0x12b: {  	v53 =	vld [tilespmem:s19+$0x4210];
	_ =	sdelay $0x4  }
0x12c: {  	v53 =	vadd.f32 v53, v46;
	_ =	sdelay $0x1  }
0x12d: {  	[tilespmem:s18+$0x90] =	vst v53  }
0x12e: {  	v53 =	vld [tilespmem:s19+$0x4220];
	_ =	sdelay $0x4  }
0x12f: {  	v53 =	vadd.f32 v53, v47;
	_ =	sdelay $0x1  }
0x130: {  	[tilespmem:s18+$0xA0] =	vst v53  }
0x131: {  	v53 =	vld [tilespmem:s19+$0x4230];
	_ =	sdelay $0x4  }
0x132: {  	v53 =	vadd.f32 v53, v48;
	_ =	sdelay $0x1  }
0x133: {  	[tilespmem:s18+$0xB0] =	vst v53  }
0x134: {  	v53 =	vld [tilespmem:s19+$0x4240];
	_ =	sdelay $0x4  }
0x135: {  	v53 =	vadd.f32 v53, v49;
	_ =	sdelay $0x1  }
0x136: {  	[tilespmem:s18+$0xC0] =	vst v53  }
0x137: {  	v53 =	vld [tilespmem:s19+$0x4250];
	_ =	sdelay $0x4  }
0x138: {  	v53 =	vadd.f32 v53, v50;
	_ =	sdelay $0x1  }
0x139: {  	[tilespmem:s18+$0xD0] =	vst v53  }
0x13a: {  	v53 =	vld [tilespmem:s19+$0x4260];
	_ =	sdelay $0x4  }
0x13b: {  	v53 =	vadd.f32 v53, v51;
	_ =	sdelay $0x1  }
0x13c: {  	[tilespmem:s18+$0xE0] =	vst v53  }
0x13d: {  	v53 =	vld [tilespmem:s19+$0x4270];
	_ =	sdelay $0x2  }
.Ltmp0:
0x13e: {  	(pc) =	sbr.rel @p0 .LBB2_2-.Ltmp0, $3  }
0x13f: {  	_ = 	snop  }
0x140: {  	v53 =	vadd.f32 v53, v52;
	_ =	sdelay $0x1  }
0x141: {  	s19 =	sshra.s32 s21, $0x2;
	s21 =	sadd.s32 $0x200, s21;
	[tilespmem:s18+$0xF0] =	vst v53  }
0x142: {  	v53 =	vld [tilespmem:s19+$0x4200];
	_ =	sdelay $0x4  }
0x143: {  	v21 =	vadd.f32 v53, v21  }
0x144: {  	s18 =	sadd.s32 $0x200, s18  }
0x145: {  	[tilespmem:s18+$0xFFFFFF00] =	vst v21  }
0x146: {  	v21 =	vld [tilespmem:s19+$0x4210];
	_ =	sdelay $0x4  }
0x147: {  	v21 =	vadd.f32 v21, v22;
	_ =	sdelay $0x1  }
0x148: {  	[tilespmem:s18+$0xFFFFFF10] =	vst v21  }
0x149: {  	v21 =	vld [tilespmem:s19+$0x4220];
	_ =	sdelay $0x4  }
0x14a: {  	v21 =	vadd.f32 v21, v23;
	_ =	sdelay $0x1  }
0x14b: {  	[tilespmem:s18+$0xFFFFFF20] =	vst v21  }
0x14c: {  	v21 =	vld [tilespmem:s19+$0x4230];
	_ =	sdelay $0x4  }
0x14d: {  	v21 =	vadd.f32 v21, v24;
	_ =	sdelay $0x1  }
0x14e: {  	[tilespmem:s18+$0xFFFFFF30] =	vst v21  }
0x14f: {  	v21 =	vld [tilespmem:s19+$0x4240];
	_ =	sdelay $0x4  }
0x150: {  	v21 =	vadd.f32 v21, v25;
	_ =	sdelay $0x1  }
0x151: {  	[tilespmem:s18+$0xFFFFFF40] =	vst v21  }
0x152: {  	v21 =	vld [tilespmem:s19+$0x4250];
	_ =	sdelay $0x4  }
0x153: {  	v21 =	vadd.f32 v21, v26;
	_ =	sdelay $0x1  }
0x154: {  	[tilespmem:s18+$0xFFFFFF50] =	vst v21  }
0x155: {  	v21 =	vld [tilespmem:s19+$0x4260];
	_ =	sdelay $0x4  }
0x156: {  	v21 =	vadd.f32 v21, v27;
	_ =	sdelay $0x1  }
0x157: {  	[tilespmem:s18+$0xFFFFFF60] =	vst v21  }
0x158: {  	v21 =	vld [tilespmem:s19+$0x4270];
	_ =	sdelay $0x4  }
0x159: {  	v21 =	vadd.f32 v21, v28;
	_ =	sdelay $0x1  }
0x15a: {  	[tilespmem:s18+$0xFFFFFF70] =	vst v21  }
0x15b: {  	v21 =	vld [tilespmem:s19+$0x4200];
	_ =	sdelay $0x4  }
0x15c: {  	v21 =	vadd.f32 v21, v29;
	_ =	sdelay $0x1  }
0x15d: {  	[tilespmem:s18+$0xFFFFFF80] =	vst v21  }
0x15e: {  	v21 =	vld [tilespmem:s19+$0x4210];
	_ =	sdelay $0x4  }
0x15f: {  	v21 =	vadd.f32 v21, v30;
	_ =	sdelay $0x1  }
0x160: {  	[tilespmem:s18+$0xFFFFFF90] =	vst v21  }
0x161: {  	v21 =	vld [tilespmem:s19+$0x4220];
	_ =	sdelay $0x4  }
0x162: {  	v21 =	vadd.f32 v21, v31;
	_ =	sdelay $0x1  }
0x163: {  	[tilespmem:s18+$0xFFFFFFA0] =	vst v21  }
0x164: {  	v21 =	vld [tilespmem:s19+$0x4230];
	_ =	sdelay $0x4  }
0x165: {  	v21 =	vadd.f32 v21, v32;
	_ =	sdelay $0x1  }
0x166: {  	[tilespmem:s18+$0xFFFFFFB0] =	vst v21  }
0x167: {  	v21 =	vld [tilespmem:s19+$0x4240];
	_ =	sdelay $0x4  }
0x168: {  	v21 =	vadd.f32 v21, v33;
	_ =	sdelay $0x1  }
0x169: {  	[tilespmem:s18+$0xFFFFFFC0] =	vst v21  }
0x16a: {  	v21 =	vld [tilespmem:s19+$0x4250];
	_ =	sdelay $0x4  }
0x16b: {  	v21 =	vadd.f32 v21, v34;
	_ =	sdelay $0x1  }
0x16c: {  	[tilespmem:s18+$0xFFFFFFD0] =	vst v21  }
0x16d: {  	v21 =	vld [tilespmem:s19+$0x4260];
	_ =	sdelay $0x4  }
0x16e: {  	v21 =	vadd.f32 v21, v35;
	_ =	sdelay $0x1  }
0x16f: {  	[tilespmem:s18+$0xFFFFFFE0] =	vst v21  }
0x170: {  	v21 =	vld [tilespmem:s19+$0x4270];
	_ =	sdelay $0x4  }
0x171: {  	v21 =	vadd.f32 v21, v36;
	_ =	sdelay $0x1  }
0x172: {  	[tilespmem:s18+$0xFFFFFFF0] =	vst v21  }
0x173: {  	v21 =	vld [tilespmem:s19+$0x4200];
	_ =	sdelay $0x4  }
0x174: {  	v21 =	vadd.f32 v21, v37;
	_ =	sdelay $0x1  }
0x175: {  	[tilespmem:s18+$0x0] =	vst v21  }
0x176: {  	v21 =	vld [tilespmem:s19+$0x4210];
	_ =	sdelay $0x4  }
0x177: {  	v21 =	vadd.f32 v21, v38;
	_ =	sdelay $0x1  }
0x178: {  	[tilespmem:s18+$0x10] =	vst v21  }
0x179: {  	v21 =	vld [tilespmem:s19+$0x4220];
	_ =	sdelay $0x4  }
0x17a: {  	v21 =	vadd.f32 v21, v39;
	_ =	sdelay $0x1  }
0x17b: {  	[tilespmem:s18+$0x20] =	vst v21  }
0x17c: {  	v21 =	vld [tilespmem:s19+$0x4230];
	_ =	sdelay $0x4  }
0x17d: {  	v21 =	vadd.f32 v21, v40;
	_ =	sdelay $0x1  }
0x17e: {  	[tilespmem:s18+$0x30] =	vst v21  }
0x17f: {  	v21 =	vld [tilespmem:s19+$0x4240];
	_ =	sdelay $0x4  }
0x180: {  	v21 =	vadd.f32 v21, v41;
	_ =	sdelay $0x1  }
0x181: {  	[tilespmem:s18+$0x40] =	vst v21  }
0x182: {  	v21 =	vld [tilespmem:s19+$0x4250];
	_ =	sdelay $0x4  }
0x183: {  	v21 =	vadd.f32 v21, v42;
	_ =	sdelay $0x1  }
0x184: {  	[tilespmem:s18+$0x50] =	vst v21  }
0x185: {  	v21 =	vld [tilespmem:s19+$0x4260];
	_ =	sdelay $0x4  }
0x186: {  	v21 =	vadd.f32 v21, v43;
	_ =	sdelay $0x1  }
0x187: {  	[tilespmem:s18+$0x60] =	vst v21  }
0x188: {  	v21 =	vld [tilespmem:s19+$0x4270];
	_ =	sdelay $0x4  }
0x189: {  	v21 =	vadd.f32 v21, v44;
	_ =	sdelay $0x1  }
0x18a: {  	[tilespmem:s18+$0x70] =	vst v21  }
0x18b: {  	v21 =	vld [tilespmem:s19+$0x4200];
	_ =	sdelay $0x4  }
0x18c: {  	v21 =	vadd.f32 v21, v45;
	_ =	sdelay $0x1  }
0x18d: {  	[tilespmem:s18+$0x80] =	vst v21  }
0x18e: {  	v21 =	vld [tilespmem:s19+$0x4210];
	_ =	sdelay $0x4  }
0x18f: {  	v21 =	vadd.f32 v21, v46;
	_ =	sdelay $0x1  }
0x190: {  	[tilespmem:s18+$0x90] =	vst v21  }
0x191: {  	v21 =	vld [tilespmem:s19+$0x4220];
	_ =	sdelay $0x4  }
0x192: {  	v21 =	vadd.f32 v21, v47;
	_ =	sdelay $0x1  }
0x193: {  	[tilespmem:s18+$0xA0] =	vst v21  }
0x194: {  	v21 =	vld [tilespmem:s19+$0x4230];
	_ =	sdelay $0x4  }
0x195: {  	v21 =	vadd.f32 v21, v48;
	_ =	sdelay $0x1  }
0x196: {  	[tilespmem:s18+$0xB0] =	vst v21  }
0x197: {  	v21 =	vld [tilespmem:s19+$0x4240];
	_ =	sdelay $0x4  }
0x198: {  	v21 =	vadd.f32 v21, v49;
	_ =	sdelay $0x1  }
0x199: {  	[tilespmem:s18+$0xC0] =	vst v21  }
0x19a: {  	v21 =	vld [tilespmem:s19+$0x4250];
	_ =	sdelay $0x4  }
0x19b: {  	v21 =	vadd.f32 v21, v50;
	_ =	sdelay $0x1  }
0x19c: {  	[tilespmem:s18+$0xD0] =	vst v21  }
0x19d: {  	v21 =	vld [tilespmem:s19+$0x4260];
	_ =	sdelay $0x4  }
0x19e: {  	v21 =	vadd.f32 v21, v51;
	_ =	sdelay $0x1  }
0x19f: {  	[tilespmem:s18+$0xE0] =	vst v21  }
0x1a0: {  	v21 =	vld [tilespmem:s19+$0x4270];
	_ =	sdelay $0x4  }
0x1a1: {  	v21 =	vadd.f32 v21, v52;
	_ =	sdelay $0x1  }
0x1a2: {  	s21 =	simm.s32 $0x200;
	s19 =	rddreg [dreg:$0xd];
	[tilespmem:s18+$0xF0] =	vst v21  }
0x1a3: {  	[spmem:s19] =	stream.linear.scatter [tilespmem:s21], [sflag:$0x9], $0x4000, $0x38;
	[tilespmem:$0x1C800] =	vst v63  }
0x1a4: {  	_ =	swait.ge [sflag:s23], $0x4000  }
0x1a5: {  	[sflag:s23] =	ssyncset.done $0x0  }
0x1a6: {  	[sflag:s23] =	ssyncadd.s32 $0xFFFFC000  }
0x1a7: {  	[bflag:$0x0] =	sbarrier.arrive $0xFFFF  }
0x1a8: {  	s19 =	simm.s32 $0x0;
	s23 =	rddreg [dreg:$0xe]  }
0x1a9: {  	[tilespmem:s19], [sflag:$0x4] =	stream.linear.gather [hbm4b:s23+s19], $0x80, $0x38;
	[tilespmem:$0x1C800] =	vst v63  }
0x1aa: {  	s25 =	simm.s32 $0x100;
	s24 =	rddreg [dreg:$0xf]  }
0x1ab: {  	[tilespmem:s25], [sflag:$0x4] =	stream.linear.gather [hbm4b:s24+s19], $0x80, $0x38;
	[tilespmem:$0x1C800] =	vst v63  }
0x1ac: {  	s30 =	simm.s32 $0x180;
	s29 =	rddreg [dreg:$0x10]  }
0x1ad: {  	[tilespmem:s30], [sflag:$0x4] =	stream.linear.gather [hbm4b:s29+s19], $0x80, $0x38;
	[tilespmem:$0x1C800] =	vst v63  }
0x1ae: {  	_ =	swait.ge [sflag:s12], $0x80  }
0x1af: {  	[sflag:s12] =	ssyncset.done $0x0  }
0x1b0: {  	[sflag:s12] =	ssyncadd.s32 $0xFFFFFF80  }
0x1b1: {  	_ =	swait.ge [sflag:s12], $0x80  }
0x1b2: {  	[sflag:s12] =	ssyncset.done $0x0  }
0x1b3: {  	[sflag:s12] =	ssyncadd.s32 $0xFFFFFF80  }
0x1b4: {  	_ =	swait.ge [sflag:s12], $0x80  }
0x1b5: {  	[sflag:s12] =	ssyncset.done $0x0  }
0x1b6: {  	[sflag:s12] =	ssyncadd.s32 $0xFFFFFF80  }
0x1b7: {  	v21 =	vld [tilespmem:$0x100]  }
0x1b8: {  	v22 =	vld [tilespmem:$0x180]  }
0x1b9: {  	v23 =	vld [tilespmem:$0x110]  }
0x1ba: {  	v42 =	vld [tilespmem:$0x190]  }
0x1bb: {  	v43 =	vld [tilespmem:$0x120]  }
0x1bc: {  	v44 =	vld [tilespmem:$0x1A0]  }
0x1bd: {  	v45 =	vld [tilespmem:$0x130]  }
0x1be: {  	v46 =	vld [tilespmem:$0x1B0]  }
0x1bf: {  	v47 =	vld [tilespmem:$0x140]  }
0x1c0: {  	v48 =	vld [tilespmem:$0x1C0]  }
0x1c1: {  	v49 =	vld [tilespmem:$0x150]  }
0x1c2: {  	v57 =	vor.u32 $0xC0, v0;
	v61 =	vor.u32 $0x100, v0;
	v51 =	vld [tilespmem:$0x160];
	v21 =	vshll.u32 v21, $0x1  }
0x1c3: {  	v62 =	vor.u32 $0x140, v0;
	v21 =	vadd.s32 v22, v21;
	v22 =	vshll.u32 v23, $0x1;
	v23 =	vld [tilespmem:$0x1D0]  }
0x1c4: {  	v53 =	vor.u32 $0x80, v0;
	v52 =	vor.u32 $0x40, v0;
	v54 =	vld [tilespmem:$0x1E0];
	v50 =	vshll.u32 v43, $0x1  }
0x1c5: {  	v56 =	vld [tilespmem:$0x170];
	v55 =	vshll.u32 v45, $0x1;
	v24 =	vadd.s32 v44, v50;
	v21 =	vadd.s32 v0, v21  }
0x1c6: {  	v59 =	vld [tilespmem:$0x1F0];
	v58 =	vshll.u32 v47, $0x1;
	v22 =	vadd.s32 v42, v22;
	v24 =	vadd.s32 v53, v24;
	[tilespmem:$0x80] =	vst v21  }
0x1c7: {  	v60 =	vshll.u32 v49, $0x1;
	v22 =	vadd.s32 v52, v22;
	v21 =	vadd.s32 v46, v55;
	[tilespmem:$0xA0] =	vst v24  }
0x1c8: {  	[tilespmem:$0x90] =	vst v22;
	v21 =	vadd.s32 v57, v21;
	v22 =	vadd.s32 v48, v58;
	v23 =	vadd.s32 v23, v60  }
0x1c9: {  	[tilespmem:$0xB0] =	vst v21;
	v21 =	vadd.s32 v61, v22;
	v22 =	vadd.s32 v62, v23;
	v23 =	vshll.u32 v51, $0x1  }
0x1ca: {  	v63 =	vshll.u32 v56, $0x1;
	[tilespmem:$0xC0] =	vst v21;
	v21 =	vadd.s32 v54, v23;
	v23 =	vor.u32 $0x180, v0  }
0x1cb: {  	[tilespmem:$0xD0] =	vst v22;
	v22 =	vadd.s32 v59, v63;
	v21 =	vadd.s32 v23, v21;
	v23 =	vor.u32 $0x1C0, v0  }
0x1cc: {  	[tilespmem:$0xE0] =	vst v21;
	v21 =	vadd.s32 v23, v22  }
0x1cd: {  	[tilespmem:$0xF0] =	vst v21  }
0x1ce: {  	[tilespmem:s21], [sflag:$0x1] =	stream.indirect.gather [hbm4b:s3+s5], $0x80, s19, s5, $0xb8;
	[tilespmem:$0x1C800] =	vst v63  }
0x1cf: {  	s21 =	simm.s32 $0x4200  }
0x1d0: {  	[tilespmem:s21], [sflag:$0x2] =	stream.indirect.gather [spmem:s10], $0x80, s5, s5, $0xb8;
	[tilespmem:$0x1C800] =	vst v63  }
0x1d1: {  	s23 =	rddreg [dreg:$0x11]  }
0x1d2: {  	[tilespmem:s6], [sflag:$0x8] =	stream.linear.gather [hbm4b:s23+s19], $0x80, $0x38;
	[tilespmem:$0x1C800] =	vst v63  }
0x1d3: {  	s25 =	simm.s32 $0xC300;
	s24 =	rddreg [dreg:$0x12]  }
0x1d4: {  	[tilespmem:s25], [sflag:$0x8] =	stream.linear.gather [hbm4b:s24+s19], $0x80, $0x38;
	[tilespmem:$0x1C800] =	vst v63  }
0x1d5: {  	s30 =	simm.s32 $0xC380;
	s29 =	rddreg [dreg:$0x13]  }
0x1d6: {  	[tilespmem:s30], [sflag:$0x8] =	stream.linear.gather [hbm4b:s29+s19], $0x80, $0x38;
	[tilespmem:$0x1C800] =	vst v63  }
.LBB2_4:
0x1d7: {  	_ =	swait.ge [sflag:s20], $0x80  }
0x1d8: {  	[sflag:s20] =	ssyncset.done $0x0  }
0x1d9: {  	[sflag:s20] =	ssyncadd.s32 $0xFFFFFF80  }
0x1da: {  	_ =	swait.ge [sflag:s20], $0x80  }
0x1db: {  	[sflag:s20] =	ssyncset.done $0x0  }
0x1dc: {  	[sflag:s20] =	ssyncadd.s32 $0xFFFFFF80  }
0x1dd: {  	_ =	swait.ge [sflag:s20], $0x80  }
0x1de: {  	[sflag:s20] =	ssyncset.done $0x0  }
0x1df: {  	[sflag:s20] =	ssyncadd.s32 $0xFFFFFF80  }
0x1e0: {  	v21 =	vld [tilespmem:$0xC300]  }
0x1e1: {  	v22 =	vld [tilespmem:$0xC380]  }
0x1e2: {  	v23 =	vld [tilespmem:$0xC310]  }
0x1e3: {  	v24 =	vld [tilespmem:$0xC390]  }
0x1e4: {  	v25 =	vld [tilespmem:$0xC320]  }
0x1e5: {  	v26 =	vld [tilespmem:$0xC3A0]  }
0x1e6: {  	v27 =	vld [tilespmem:$0xC330]  }
0x1e7: {  	s18 =	sshll.u32 s19, $0xA;
	v28 =	vld [tilespmem:$0xC3B0]  }
0x1e8: {  	s24 =	sand.u32 $0x400, s18;
	v29 =	vld [tilespmem:$0xC340]  }
0x1e9: {  	s18 =	sor.u32 $0x200, s24;
	v30 =	vld [tilespmem:$0xC3C0];
	v21 =	vshll.u32 v21, $0x1  }
0x1ea: {  	s23 =	sor.u32 $0x240, s24;
	v31 =	vld [tilespmem:$0xC350];
	v23 =	vshll.u32 v23, $0x1;
	v21 =	vadd.s32 s18, v21  }
0x1eb: {  	v21 =	vadd.s32 v22, v21;
	v22 =	vadd.s32 s23, v23;
	v23 =	vld [tilespmem:$0xC3D0]  }
0x1ec: {  	s25 =	sor.u32 $0x280, s24;
	v27 =	vshll.u32 v27, $0x1;
	v22 =	vadd.s32 v24, v22;
	v24 =	vshll.u32 v25, $0x1;
	v25 =	vld [tilespmem:$0xC360]  }
0x1ed: {  	s30 =	sor.u32 $0x2C0, s24;
	v32 =	vld [tilespmem:$0xC370];
	v21 =	vadd.s32 v0, v21;
	v22 =	vadd.s32 v0, v22;
	v24 =	vadd.s32 s25, v24  }
0x1ee: {  	s21 =	sor.u32 $0x300, s24;
	v24 =	vadd.s32 v26, v24;
	v26 =	vadd.s32 s30, v27;
	v27 =	vshll.u32 v29, $0x1;
	v29 =	vld [tilespmem:$0xC3E0]  }
0x1ef: {  	s23 =	sor.u32 $0x340, s24;
	[tilespmem:$0xC280] =	vst v21;
	v21 =	vadd.s32 v28, v26;
	v26 =	vadd.s32 s21, v27;
	v27 =	vshll.u32 v31, $0x1;
	v28 =	vld [tilespmem:$0xC3F0]  }
0x1f0: {  	[tilespmem:$0xC290] =	vst v22;
	v24 =	vadd.s32 v0, v24;
	v22 =	vadd.s32 v30, v26;
	v26 =	vadd.s32 s23, v27  }
0x1f1: {  	s25 =	sor.u32 $0x380, s24;
	[tilespmem:$0xC2A0] =	vst v24;
	v21 =	vadd.s32 v0, v21;
	v23 =	vadd.s32 v23, v26;
	v24 =	vshll.u32 v25, $0x1  }
0x1f2: {  	s30 =	sor.u32 $0x3C0, s24;
	[tilespmem:$0xC2B0] =	vst v21;
	v21 =	vadd.s32 v0, v22;
	v22 =	vadd.s32 s25, v24;
	v24 =	vshll.u32 v32, $0x1  }
0x1f3: {  	[tilespmem:$0xC2C0] =	vst v21;
	v21 =	vadd.s32 v29, v22;
	v22 =	vadd.s32 v0, v23;
	v23 =	vadd.s32 s30, v24  }
0x1f4: {  	[tilespmem:$0xC2D0] =	vst v22;
	v22 =	vadd.s32 v28, v23;
	v21 =	vadd.s32 v0, v21  }
0x1f5: {  	p0 =	seq.s32 s19, $0x3F;
	s23 =	sshll.u32 s19, $0x1;
	[tilespmem:$0xC2E0] =	vst v21;
	v21 =	vadd.s32 v0, v22  }
0x1f6: {  	s18 =	sadd.s32 @!p0 $0x2, s23;
	[tilespmem:$0xC2F0] =	vst v21  }
0x1f7: {  	[tilespmem:s22], [sflag:$0x5] =	stream.indirect.gather [hbm4b:s3+s5], $0x80, s6, s5, $0xb8;
	[tilespmem:$0x1C800] =	vst v63  }
0x1f8: {  	s21 =	sshrl.u32 @!p0 s18, $0x2  }
0x1f9: {  	[tilespmem:s28], [sflag:$0x6] =	stream.indirect.gather [spmem:s10], $0x80, s26, s5, $0xb8;
	[tilespmem:$0x1C800] =	vst v63  }
0x1fa: {  	s25 =	sshll.u32 @!p0 s18, $0x7;
	s18 =	sshll.u32 @!p0 s18, $0x2;
	_ =	swait.ge [sflag:s31], $0x4000  }
0x1fb: {  	s21 =	sadd.s32 @!p0 s13, s21;
	s25 =	sand.u32 @!p0 $0x100, s25;
	[sflag:s31] =	ssyncset.done $0x0  }
0x1fc: {  	s18 =	sand.u32 @!p0 $0x70, s18;
	s21 =	sshll.u32 @!p0 s21, $0x6;
	[sflag:s31] =	ssyncadd.s32 $0xFFFFC000  }
0x1fd: {  	s18 =	sor.u32 @!p0 s25, s18;
	s21 =	sand.u32 @!p0 $0xFFFFE00, s21;
	_ =	swait.ge [sflag:s4], $0x4000  }
0x1fe: {  	s18 =	sor.u32 @!p0 s21, s18;
	[sflag:s4] =	ssyncset.done $0x0  }
0x1ff: {  	s25 =	simm.s32 @!p0 $0x0;
	s21 =	sadd.s32 @!p0 s0, s18;
	[sflag:s4] =	ssyncadd.s32 $0xFFFFC000  }
0x200: {  	[tilespmem:s25], [sflag:$0x4] =	stream.linear.gather @!p0 [hbm4b:s21+s25], $0x80, $0x38;
	[tilespmem:$0x1C800] =	vst v63  }
0x201: {  	s29 =	simm.s32 @!p0 $0x100;
	p1 =	seq.s32 @!p0 s19, $0x0;
	s21 =	sadd.s32 @!p0 s1, s18  }
0x202: {  	[tilespmem:s29], [sflag:$0x4] =	stream.linear.gather @!p0 [hbm4b:s21+s25], $0x80, $0x38;
	[tilespmem:$0x1C800] =	vst v63  }
0x203: {  	p1 =	por p0, !p1;
	s18 =	sadd.s32 @!p0 s2, s18;
	s21 =	simm.s32 @!p0 $0x180  }
0x204: {  	[tilespmem:s21], [sflag:$0x4] =	stream.linear.gather @!p0 [hbm4b:s18+s25], $0x80, $0x38;
	[tilespmem:$0x1C800] =	vst v63  }
0x205: {  	_ =	swait.ge @p1 [sflag:s16], $0x4000  }
0x206: {  	[sflag:s16] =	ssyncset.done @p1 $0x0  }
0x207: {  	s18 =	simm.s32 $0x0;
	[sflag:s16] =	ssyncadd.s32 @p1 $0xFFFFC000  }
0x208: {  	v21 =	vld [tilespmem:s18+$0x4210]  }
0x209: {  	v22 =	vld [tilespmem:s18+$0x4220]  }
0x20a: {  	v23 =	vld [tilespmem:s18+$0x4200]  }
0x20b: {  	v24 =	vld [tilespmem:s18+$0x200]  }
0x20c: {  	v25 =	vld [tilespmem:s18+$0x210]  }
0x20d: {  	v27 =	vld [tilespmem:s18+$0x220]  }
0x20e: {  	v28 =	vld [tilespmem:s18+$0x4230]  }
0x20f: {  	v30 =	vld [tilespmem:s18+$0x230]  }
0x210: {  	v31 =	vld [tilespmem:s18+$0x240]  }
0x211: {  	v55 =	vld [tilespmem:s18+$0x4240];
	v29 =	vadd.f32 v23, v24;
	v26 =	vadd.f32 v21, v25  }
0x212: {  	v21 =	vld [tilespmem:s18+$0x250];
	v33 =	vadd.f32 v22, v27  }
0x213: {  	v22 =	vld [tilespmem:s18+$0x4250];
	v23 =	vmul.f32 v26, v26;
	v24 =	vmul.f32 v29, v29;
	v25 =	vadd.f32 v26, v29  }
0x214: {  	v27 =	vld [tilespmem:s18+$0x260];
	v28 =	vadd.f32 v28, v30  }
0x215: {  	v30 =	vld [tilespmem:s18+$0x4260];
	v34 =	vmul.f32 v33, v33;
	v23 =	vadd.f32 v23, v24;
	v24 =	vadd.f32 v33, v25  }
0x216: {  	v56 =	vld [tilespmem:s18+$0x270];
	v31 =	vadd.f32 v55, v31  }
0x217: {  	v35 =	vmul.f32 v28, v28;
	v25 =	vld [tilespmem:s18+$0x4270];
	v23 =	vadd.f32 v34, v23;
	v24 =	vadd.f32 v28, v24  }
0x218: {  	v34 =	vadd.f32 v22, v21  }
0x219: {  	v21 =	vmul.f32 v31, v31;
	v22 =	vadd.f32 v35, v23;
	v23 =	vadd.f32 v31, v24  }
0x21a: {  	v30 =	vadd.f32 v30, v27  }
0x21b: {  	v24 =	vmul.f32 v34, v34;
	v21 =	vadd.f32 v21, v22;
	v22 =	vadd.f32 v34, v23  }
0x21c: {  	v32 =	vadd.f32 v25, v56  }
0x21d: {  	v23 =	vmul.f32 v30, v30;
	v21 =	vadd.f32 v24, v21;
	v22 =	vadd.f32 v30, v22;
	_ =	sdelay $0x1  }
0x21e: {  	v24 =	vmul.f32 v32, v32;
	v21 =	vadd.f32 v23, v21;
	v22 =	vadd.f32 v32, v22  }
0x21f: {  	s25 =	simm.s32 $0x80  }
0x220: {  	v36 =	vld [tilespmem:s25+$0x210];
	v21 =	vadd.f32 v24, v21;
	v23 =	vperm.xlane v22, v1  }
0x221: {  	v37 =	vld [tilespmem:s25+$0x220]  }
0x222: {  	v27 =	vld [tilespmem:s25+$0x4200];
	v22 =	vadd.f32 v22, v23;
	v23 =	vperm.xlane v21, v1  }
0x223: {  	v24 =	vld [tilespmem:s25+$0x4210]  }
0x224: {  	v57 =	vperm.xlane v22, v2;
	v21 =	vadd.f32 v23, v21;
	v23 =	vld [tilespmem:s25+$0x200]  }
0x225: {  	v25 =	vld [tilespmem:s25+$0x4220]  }
0x226: {  	v38 =	vld [tilespmem:s25+$0x4230];
	v22 =	vadd.f32 v22, v57;
	v58 =	vperm.xlane v21, v2  }
0x227: {  	v40 =	vld [tilespmem:s25+$0x230]  }
0x228: {  	v41 =	vld [tilespmem:s25+$0x240];
	v39 =	vperm.xlane v22, v3;
	v35 =	vadd.f32 v58, v21  }
0x229: {  	v42 =	vld [tilespmem:s25+$0x4240];
	v21 =	vadd.f32 v24, v36;
	v23 =	vadd.f32 v27, v23  }
0x22a: {  	v59 =	vld [tilespmem:s25+$0x4250];
	v43 =	vadd.f32 v25, v37;
	v39 =	vadd.f32 v22, v39;
	v22 =	vperm.xlane v35, v3  }
0x22b: {  	v27 =	vld [tilespmem:s25+$0x250];
	v36 =	vmul.f32 v21, v21;
	v60 =	vmul.f32 v23, v23;
	v44 =	vadd.f32 v21, v23  }
0x22c: {  	v45 =	vld [tilespmem:s25+$0x260];
	v24 =	vperm.xlane v39, v4;
	v25 =	vadd.f32 v22, v35;
	v22 =	vadd.f32 v38, v40  }
0x22d: {  	v63 =	vld [tilespmem:s25+$0x4260];
	v46 =	vmul.f32 v43, v43;
	v36 =	vadd.f32 v36, v60;
	v48 =	vadd.f32 v43, v44  }
0x22e: {  	v49 =	vld [tilespmem:s25+$0x4270];
	v61 =	vadd.f32 v39, v24;
	v62 =	vperm.xlane v25, v4;
	v24 =	vadd.f32 v42, v41  }
0x22f: {  	v50 =	vld [tilespmem:s25+$0x270];
	v51 =	vmul.f32 v22, v22;
	v36 =	vadd.f32 v46, v36;
	v37 =	vadd.f32 v22, v48  }
0x230: {  	v44 =	vadd.f32 v59, v27;
	v38 =	vmul.f32 $7.812500000e-03, v61;
	v25 =	vadd.f32 v62, v25  }
0x231: {  	v53 =	vmul.f32 v24, v24;
	v36 =	vadd.f32 v51, v36;
	v37 =	vadd.f32 v24, v37  }
0x232: {  	s21 =	simm.s32 $0x100;
	v27 =	vadd.f32 v63, v45;
	v52 =	vmul.f32 v38, v38;
	v25 =	vmul.f32 $7.812500000e-03, v25  }
0x233: {  	v47 =	vld [tilespmem:s21+$0x4230];
	v54 =	vmul.f32 v44, v44;
	v36 =	vadd.f32 v53, v36;
	v37 =	vadd.f32 v44, v37  }
0x234: {  	v40 =	vld [tilespmem:s21+$0x4200];
	v35 =	vsub.f32 v25, v52;
	v25 =	vadd.f32 v49, v50  }
0x235: {  	v41 =	vld [tilespmem:s21+$0x260];
	v55 =	vmul.f32 v27, v27;
	v36 =	vadd.f32 v54, v36;
	v37 =	vadd.f32 v27, v37  }
0x236: {  	v42 =	vld [tilespmem:s21+$0x240];
	v35 =	vadd.f32 $9.999999960e-13, v35  }
0x237: {  	v45 =	vld [tilespmem:s21+$0x4240];
	v56 =	vmul.f32 v25, v25;
	v36 =	vadd.f32 v55, v36;
	v37 =	vadd.f32 v25, v37  }
0x238: {  	v48 =	vld [tilespmem:s21+$0x250];
	v33 =	vsub.f32 v33, v38;
	v57 =	vshra.s32 v35, $0x1;
	v35 =	vmul.f32 $-5.000000000e-01, v35  }
0x239: {  	v49 =	vld [tilespmem:s21+$0x4250];
	v58 =	vsub.s32 $0x5F3759DF, v57;
	v36 =	vadd.f32 v56, v36;
	v59 =	vperm.xlane v37, v1  }
0x23a: {  	v46 =	vld [tilespmem:s21+$0x4260];
	v51 =	vsub.f32 v34, v38;
	v30 =	vsub.f32 v30, v38;
	v35 =	vmul.f32 v58, v35  }
0x23b: {  	v62 =	vld [tilespmem:s21+$0x230];
	v39 =	vsub.f32 v26, v38;
	v37 =	vadd.f32 v37, v59;
	v60 =	vperm.xlane v36, v1  }
0x23c: {  	v34 =	vsub.f32 v28, v38;
	v50 =	vld [tilespmem:s21+$0x4210];
	v55 =	vsub.f32 v29, v38;
	v35 =	vmul.f32 v58, v35  }
0x23d: {  	v52 =	vld [tilespmem:s21+$0x4220];
	v29 =	vsub.f32 v31, v38;
	v53 =	vperm.xlane v37, v2;
	v36 =	vadd.f32 v60, v36  }
0x23e: {  	v54 =	vld [tilespmem:s21+$0x200];
	v28 =	vadd.f32 v49, v48;
	v61 =	vadd.f32 $1.500000000e+00, v35  }
0x23f: {  	v56 =	vld [tilespmem:s21+$0x220];
	v53 =	vadd.f32 v37, v53;
	v26 =	vperm.xlane v36, v2;
	v37 =	vsub.f32 v32, v38  }
0x240: {  	v57 =	vld [tilespmem:s21+$0x210];
	v32 =	vadd.f32 v45, v42;
	v38 =	vadd.f32 v46, v41;
	v46 =	vmul.f32 v28, v28  }
0x241: {  	v31 =	vmul.f32 v58, v61;
	v61 =	vld [tilespmem:s21+$0x4270];
	v63 =	vperm.xlane v53, v3  }
0x242: {  	v60 =	vadd.f32 v26, v36;
	v26 =	vadd.f32 v47, v62;
	v62 =	vld [tilespmem:s21+$0x270];
	v47 =	vmul.f32 v32, v32  }
0x243: {  	v45 =	vmul.f32 v38, v38;
	v33 =	vmul.f32 v31, v33  }
0x244: {  	v36 =	vadd.f32 v40, v54;
	v49 =	vmul.f32 v31, v29;
	v51 =	vmul.f32 v31, v51  }
0x245: {  	v29 =	vadd.f32 v52, v56;
	v53 =	vadd.f32 v53, v63;
	v59 =	vperm.xlane v60, v3  }
0x246: {  	v54 =	vmul.f32 v26, v26;
	v58 =	vmul.f32 v33, v7;
	v33 =	vadd.f32 v50, v57  }
0x247: {  	v63 =	vperm.xlane v53, v4;
	v50 =	vadd.f32 v59, v60;
	v35 =	vadd.f32 v61, v62  }
0x248: {  	v42 =	vmul.f32 v33, v33;
	v61 =	vmul.f32 v36, v36;
	v62 =	vadd.f32 v33, v36  }
0x249: {  	v52 =	vmul.f32 v29, v29;
	v60 =	vadd.f32 v53, v63;
	v63 =	vperm.xlane v50, v4  }
0x24a: {  	v48 =	vmul.f32 v35, v35;
	v41 =	vadd.f32 v42, v61;
	v53 =	vadd.f32 v29, v62  }
0x24b: {  	v61 =	vmul.f32 v49, v9;
	v40 =	vmul.f32 $7.812500000e-03, v60;
	v60 =	vadd.f32 v58, v15  }
0x24c: {  	v49 =	vmul.f32 v51, v10;
	v56 =	vadd.f32 v63, v50;
	v62 =	vadd.f32 v52, v41  }
0x24d: {  	v63 =	vadd.f32 v26, v53;
	v50 =	vmul.f32 v40, v40;
	v42 =	vsub.f32 v43, v40  }
0x24e: {  	v52 =	vmul.f32 $7.812500000e-03, v56;
	v41 =	vsub.f32 v44, v40;
	v44 =	vadd.f32 v61, v17  }
0x24f: {  	s29 =	simm.s32 $0x600;
	v51 =	vmul.f32 v31, v55;
	[tilespmem:s18+$0x8220] =	vst v60;
	v53 =	vadd.f32 v54, v62;
	v54 =	vadd.f32 v32, v63  }
.LBB2_5:
0x250: {  	s30 =	sshra.s32 s29, $0x2;
	p2 =	sne.s32 s29, $0xFE00;
	s29 =	sadd.s32 $0x200, s29;
	v50 =	vsub.f32 v52, v50;
	v52 =	vmul.f32 v31, v39;
	v39 =	vadd.f32 v49, v18;
	v43 =	vmovc v44  }
0x251: {  	v44 =	vld [tilespmem:s30+$0x260];
	v47 =	vadd.f32 v47, v53;
	v49 =	vadd.f32 v28, v54;
	v51 =	vmul.f32 v51, v5  }
0x252: {  	v53 =	vld [tilespmem:s30+$0x240];
	v50 =	vadd.f32 $9.999999960e-13, v50;
	[tilespmem:s18+$0x8250] =	vst v39;
	v39 =	vmul.f32 v31, v30;
	v30 =	vsub.f32 v27, v40;
	v27 =	vmovc v38  }
0x253: {  	v37 =	vmul.f32 v31, v37;
	v38 =	vld [tilespmem:s30+$0x4240];
	v46 =	vadd.f32 v46, v47;
	v47 =	vadd.f32 v27, v49  }
0x254: {  	v51 =	vadd.f32 v51, v13;
	v49 =	vld [tilespmem:s30+$0x4230];
	v54 =	vshra.s32 v50, $0x1;
	v50 =	vmul.f32 $-5.000000000e-01, v50  }
0x255: {  	v55 =	vld [tilespmem:s30+$0x4260];
	v45 =	vadd.f32 v45, v46;
	v46 =	vadd.f32 v35, v47;
	v47 =	vsub.s32 $0x5F3759DF, v54  }
0x256: {  	v56 =	vsub.f32 v23, v40;
	v58 =	vmul.f32 v39, v11;
	v54 =	vld [tilespmem:s30+$0x250];
	v50 =	vmul.f32 v47, v50;
	[tilespmem:s18+$0x8200] =	vst v51  }
0x257: {  	v51 =	vld [tilespmem:s30+$0x4250];
	v45 =	vadd.f32 v48, v45;
	v39 =	vperm.xlane v46, v1;
	v48 =	vsub.f32 v24, v40;
	v24 =	vmovc v32  }
0x258: {  	v23 =	vmovc v36;
	v37 =	vmul.f32 v37, v12;
	v57 =	vld [tilespmem:s30+$0x4210];
	v32 =	vmul.f32 v47, v50;
	v50 =	vadd.f32 v58, v19  }
0x259: {  	v36 =	vld [tilespmem:s30+$0x4220];
	v46 =	vadd.f32 v46, v39;
	v58 =	vperm.xlane v45, v1;
	v39 =	vsub.f32 v21, v40;
	v21 =	vmovc v33  }
0x25a: {  	v59 =	vmul.f32 v31, v34;
	v33 =	vld [tilespmem:s30+$0x230];
	v32 =	vadd.f32 $1.500000000e+00, v32;
	[tilespmem:s18+$0x8260] =	vst v50;
	v50 =	vadd.f32 v37, v20  }
0x25b: {  	v37 =	vsub.f32 v25, v40;
	v25 =	vmovc v35;
	v60 =	vld [tilespmem:s30+$0x4200];
	v61 =	vperm.xlane v46, v2;
	v45 =	vadd.f32 v58, v45  }
0x25c: {  	v34 =	vsub.f32 v22, v40;
	v35 =	vld [tilespmem:s30+$0x200];
	v31 =	vmul.f32 v47, v32;
	v32 =	vmul.f32 v59, v8;
	[tilespmem:s18+$0x8270] =	vst v50  }
0x25d: {  	v22 =	vmovc v26;
	v50 =	vmul.f32 v52, v6;
	v40 =	vld [tilespmem:s30+$0x210];
	v46 =	vadd.f32 v46, v61;
	v47 =	vperm.xlane v45, v2  }
0x25e: {  	v51 =	vadd.f32 v51, v54;
	v52 =	vld [tilespmem:s30+$0x220];
	v26 =	vmul.f32 v31, v42;
	v42 =	vadd.f32 v32, v16  }
0x25f: {  	v59 =	vmul.f32 v31, v48;
	v54 =	vperm.xlane v46, v3;
	v58 =	vadd.f32 v47, v45  }
0x260: {  	v32 =	vadd.f32 v38, v53;
	v41 =	vmul.f32 v31, v41;
	v48 =	vld [tilespmem:s30+$0x4270];
	v53 =	vmul.f32 v26, v7;
	[tilespmem:s18+$0x8230] =	vst v42  }
0x261: {  	v26 =	vadd.f32 v49, v33;
	v42 =	vld [tilespmem:s30+$0x270];
	v49 =	vadd.f32 v46, v54;
	v54 =	vperm.xlane v58, v3  }
0x262: {  	v38 =	vadd.f32 v55, v44;
	v44 =	vadd.f32 v50, v14;
	v47 =	vmul.f32 v32, v32  }
0x263: {  	v46 =	vmul.f32 v51, v51;
	v52 =	vadd.f32 v36, v52;
	v50 =	vperm.xlane v49, v4  }
0x264: {  	v45 =	vmul.f32 v38, v38;
	v33 =	vadd.f32 v57, v40;
	v36 =	vadd.f32 v60, v35;
	[tilespmem:s18+$0x8210] =	vst v44  }
0x265: {  	v55 =	vmul.f32 v26, v26;
	v54 =	vadd.f32 v54, v58;
	v44 =	vmul.f32 v52, v52  }
0x266: {  	v40 =	vadd.f32 v49, v50;
	v35 =	vadd.f32 v48, v42;
	v42 =	vmul.f32 v33, v33  }
0x267: {  	v49 =	vmul.f32 v36, v36;
	v50 =	vadd.f32 v33, v36;
	v57 =	vperm.xlane v54, v4  }
0x268: {  	v53 =	vadd.f32 v53, v15;
	v40 =	vmul.f32 $7.812500000e-03, v40;
	v48 =	vmul.f32 v35, v35  }
.Ltmp1:
0x269: {  	v59 =	vmul.f32 v59, v9;
	v58 =	vadd.f32 v52, v50;
	v49 =	vadd.f32 v42, v49;
	(pc) =	sbr.rel @p2 .LBB2_5-.Ltmp1, $4  }
0x26a: {  	v54 =	vadd.f32 v57, v54;
	v50 =	vmul.f32 v40, v40;
	v42 =	vsub.f32 v29, v40;
	[tilespmem:s25+$0x8220] =	vst v53  }
0x26b: {  	v57 =	vadd.f32 v26, v58;
	v29 =	vmovc v52;
	v53 =	vadd.f32 v44, v49;
	v49 =	vmul.f32 v41, v10  }
0x26c: {  	v52 =	vmul.f32 $7.812500000e-03, v54;
	v41 =	vsub.f32 v28, v40;
	v44 =	vadd.f32 v59, v17;
	v28 =	vmovc v51  }
0x26d: {  	v51 =	vmul.f32 v31, v56;
	v54 =	vadd.f32 v32, v57;
	v53 =	vadd.f32 v55, v53;
	[tilespmem:s18+$0x8240] =	vst v43;
	s18 =	smov.u32 s25;
	s25 =	smov.u32 s21;
	s21 =	smov.u32 s30  }
0x26e: {  	_ = 	snop  }
0x26f: {  	v43 =	vadd.f32 v47, v53;
	v60 =	vadd.f32 v28, v54;
	_ =	sdelay $0x1  }
0x270: {  	v43 =	vadd.f32 v46, v43;
	v61 =	vadd.f32 v38, v60;
	_ =	sdelay $0x1  }
0x271: {  	v43 =	vadd.f32 v45, v43;
	v62 =	vadd.f32 v35, v61;
	_ =	sdelay $0x1  }
0x272: {  	v43 =	vadd.f32 v48, v43;
	v46 =	vperm.xlane v62, v1;
	_ =	sdelay $0x1  }
0x273: {  	v45 =	vadd.f32 v62, v46;
	v63 =	vperm.xlane v43, v1;
	_ =	sdelay $0x1  }
0x274: {  	v48 =	vperm.xlane v45, v2;
	v43 =	vadd.f32 v63, v43;
	_ =	sdelay $0x1  }
0x275: {  	v45 =	vadd.f32 v45, v48;
	v46 =	vperm.xlane v43, v2;
	_ =	sdelay $0x1  }
0x276: {  	v53 =	vperm.xlane v45, v3;
	v43 =	vadd.f32 v46, v43  }
0x277: {  	v52 =	vsub.f32 v52, v50  }
0x278: {  	v45 =	vadd.f32 v45, v53;
	v55 =	vperm.xlane v43, v3  }
0x279: {  	v39 =	vmul.f32 v31, v39;
	v58 =	vadd.f32 v49, v18;
	v54 =	vadd.f32 $9.999999960e-13, v52  }
0x27a: {  	v27 =	vsub.f32 v27, v40;
	v57 =	vperm.xlane v45, v4;
	v43 =	vadd.f32 v55, v43  }
0x27b: {  	v30 =	vmul.f32 v31, v30;
	v56 =	vshra.s32 v54, $0x1;
	v46 =	vmul.f32 $-5.000000000e-01, v54  }
0x27c: {  	v48 =	vsub.s32 $0x5F3759DF, v56;
	v45 =	vadd.f32 v45, v57;
	v60 =	vperm.xlane v43, v4  }
0x27d: {  	v37 =	vmul.f32 v31, v37;
	v23 =	vsub.f32 v23, v40;
	v46 =	vmul.f32 v48, v46  }
0x27e: {  	v24 =	vsub.f32 v24, v40;
	v45 =	vmul.f32 $7.812500000e-03, v45;
	v43 =	vadd.f32 v60, v43  }
0x27f: {  	v21 =	vsub.f32 v21, v40;
	v25 =	vsub.f32 v25, v40;
	v46 =	vmul.f32 v48, v46  }
0x280: {  	v22 =	vsub.f32 v22, v40;
	v61 =	vmul.f32 v45, v45;
	v43 =	vmul.f32 $7.812500000e-03, v43  }
0x281: {  	v59 =	vmul.f32 v51, v5;
	v30 =	vmul.f32 v30, v11;
	v46 =	vadd.f32 $1.500000000e+00, v46  }
0x282: {  	v37 =	vmul.f32 v37, v12;
	v62 =	vmul.f32 v31, v34;
	v43 =	vsub.f32 v43, v61  }
0x283: {  	v39 =	vmul.f32 v39, v6;
	v49 =	vadd.f32 v59, v13;
	v63 =	vmul.f32 v48, v46  }
0x284: {  	v30 =	vadd.f32 v30, v19;
	v31 =	vmul.f32 v62, v8;
	v43 =	vadd.f32 $9.999999960e-13, v43  }
0x285: {  	v37 =	vadd.f32 v37, v20;
	v39 =	vadd.f32 v39, v14;
	v42 =	vmul.f32 v63, v42  }
0x286: {  	v31 =	vadd.f32 v31, v16;
	v48 =	vshra.s32 v43, $0x1;
	v43 =	vmul.f32 $-5.000000000e-01, v43  }
0x287: {  	v24 =	vmul.f32 v63, v24;
	v46 =	vmul.f32 v42, v7;
	v42 =	vsub.s32 $0x5F3759DF, v48  }
0x288: {  	[tilespmem:s18+$0x8250] =	vst v58;
	v41 =	vmul.f32 v63, v41;
	v29 =	vsub.f32 v29, v45;
	v43 =	vmul.f32 v42, v43  }
0x289: {  	[tilespmem:s18+$0x8200] =	vst v49;
	v49 =	vsub.f32 v28, v45;
	v23 =	vmul.f32 v63, v23;
	v21 =	vmul.f32 v63, v21  }
0x28a: {  	[tilespmem:s18+$0x8260] =	vst v30;
	v27 =	vmul.f32 v63, v27;
	v52 =	vsub.f32 v38, v45;
	v50 =	vmul.f32 v42, v43  }
0x28b: {  	[tilespmem:s18+$0x8270] =	vst v37;
	v25 =	vmul.f32 v63, v25;
	v22 =	vmul.f32 v63, v22;
	v53 =	vsub.f32 v36, v45  }
0x28c: {  	[tilespmem:s18+$0x8210] =	vst v39;
	v41 =	vmul.f32 v41, v10;
	v40 =	vadd.f32 v46, v15;
	v30 =	vadd.f32 $1.500000000e+00, v50  }
0x28d: {  	[tilespmem:s18+$0x8230] =	vst v31;
	v32 =	vsub.f32 v32, v45;
	v54 =	vsub.f32 v35, v45;
	v23 =	vmul.f32 v23, v5  }
0x28e: {  	v27 =	vmul.f32 v27, v11;
	v51 =	vadd.f32 v41, v18;
	[tilespmem:s25+$0x8220] =	vst v40;
	v30 =	vmul.f32 v42, v30  }
0x28f: {  	v26 =	vsub.f32 v26, v45;
	v25 =	vmul.f32 v25, v12;
	v23 =	vadd.f32 v23, v13;
	[tilespmem:s18+$0x8240] =	vst v44  }
0x290: {  	v22 =	vmul.f32 v22, v8;
	v27 =	vadd.f32 v27, v19;
	[tilespmem:s25+$0x8250] =	vst v51;
	v29 =	vmul.f32 v30, v29  }
0x291: {  	v58 =	vsub.f32 v33, v45;
	v21 =	vmul.f32 v21, v6;
	[tilespmem:s25+$0x8200] =	vst v23;
	v23 =	vadd.f32 v25, v20  }
0x292: {  	v22 =	vadd.f32 v22, v16;
	[tilespmem:s25+$0x8260] =	vst v27;
	v28 =	vmul.f32 v30, v49;
	v55 =	vmul.f32 v29, v7  }
0x293: {  	v24 =	vmul.f32 v24, v9;
	v21 =	vadd.f32 v21, v14;
	[tilespmem:s25+$0x8270] =	vst v23;
	v23 =	vmul.f32 v30, v53  }
0x294: {  	[tilespmem:s25+$0x8230] =	vst v22;
	v57 =	vmul.f32 v30, v52;
	v56 =	vmul.f32 v28, v10;
	v22 =	vadd.f32 v55, v15  }
0x295: {  	v24 =	vadd.f32 v24, v17;
	[tilespmem:s25+$0x8210] =	vst v21;
	v21 =	vmul.f32 v23, v5;
	v23 =	vmul.f32 v30, v54  }
0x296: {  	v26 =	vmul.f32 v30, v26;
	v59 =	vmul.f32 v57, v11;
	[tilespmem:s21+$0x8220] =	vst v22;
	v22 =	vadd.f32 v56, v18  }
0x297: {  	v60 =	vmul.f32 v30, v58;
	v21 =	vadd.f32 v21, v13;
	v23 =	vmul.f32 v23, v12;
	[tilespmem:s25+$0x8240] =	vst v24  }
0x298: {  	v61 =	vmul.f32 v30, v32;
	v62 =	vmul.f32 v26, v8;
	[tilespmem:s21+$0x8250] =	vst v22;
	v22 =	vadd.f32 v59, v19  }
0x299: {  	[tilespmem:s21+$0x8200] =	vst v21;
	v21 =	vadd.f32 v23, v20;
	v23 =	vmul.f32 v60, v6  }
0x29a: {  	v63 =	vmul.f32 v61, v9;
	[tilespmem:s21+$0x8260] =	vst v22;
	v22 =	vadd.f32 v62, v16  }
0x29b: {  	s29 =	sshll.u32 s19, $0xC;
	s25 =	sshrl.u32 s19, $0x1;
	[tilespmem:s21+$0x8270] =	vst v21;
	v21 =	vadd.f32 v23, v14  }
0x29c: {  	s29 =	sand.u32 $0x1000, s29;
	s18 =	sor.u32 s13, s25;
	v23 =	vadd.f32 v63, v17;
	[tilespmem:s21+$0x8230] =	vst v22  }
0x29d: {  	s30 =	sadd.s32 s9, s29;
	s25 =	sshll.u32 s18, $0xD;
	[tilespmem:s21+$0x8210] =	vst v21  }
0x29e: {  	s18 =	sadd.s32 s25, s30;
	[tilespmem:s21+$0x8240] =	vst v23  }
0x29f: {  	[hbm4b:s18+s11] =	stream.linear.scatter [tilespmem:s7], [sflag:$0x3], $0x4000, $0x38;
	[tilespmem:$0x1C800] =	vst v63  }
0x2a0: {  	s18 =	sor.u32 $0x1, s23  }
0x2a1: {  	p2 =	sgt.u32 s18, $0x7E  }
.Ltmp2:
0x2a2: {  	_ = 	snop;
	(pc) =	sbr.rel @p2 .LBB2_8-.Ltmp2, $1  }
0x2a3: {  	_ =	sdelay $0x3  }
0x2a4: {  	_ =	swait.ge [sflag:s12], $0x80  }
0x2a5: {  	[sflag:s12] =	ssyncset.done $0x0  }
0x2a6: {  	[sflag:s12] =	ssyncadd.s32 $0xFFFFFF80  }
0x2a7: {  	_ =	swait.ge [sflag:s12], $0x80  }
0x2a8: {  	[sflag:s12] =	ssyncset.done $0x0  }
0x2a9: {  	[sflag:s12] =	ssyncadd.s32 $0xFFFFFF80  }
0x2aa: {  	_ =	swait.ge [sflag:s12], $0x80  }
0x2ab: {  	[sflag:s12] =	ssyncset.done $0x0  }
0x2ac: {  	[sflag:s12] =	ssyncadd.s32 $0xFFFFFF80  }
0x2ad: {  	v21 =	vld [tilespmem:$0x100]  }
0x2ae: {  	v22 =	vld [tilespmem:$0x180]  }
0x2af: {  	v23 =	vld [tilespmem:$0x110]  }
0x2b0: {  	v25 =	vld [tilespmem:$0x120]  }
0x2b1: {  	v27 =	vld [tilespmem:$0x130]  }
0x2b2: {  	v29 =	vld [tilespmem:$0x140]  }
0x2b3: {  	v31 =	vld [tilespmem:$0x150]  }
0x2b4: {  	v54 =	vld [tilespmem:$0x160]  }
0x2b5: {  	v32 =	vld [tilespmem:$0x170]  }
0x2b6: {  	v24 =	vld [tilespmem:$0x190]  }
0x2b7: {  	v26 =	vld [tilespmem:$0x1A0];
	v21 =	vshll.u32 v21, $0x1;
	v23 =	vshll.u32 v23, $0x1  }
0x2b8: {  	s21 =	sxor.u32 $0x400, s24;
	v28 =	vld [tilespmem:$0x1B0];
	v53 =	vshll.u32 v25, $0x1;
	v27 =	vshll.u32 v27, $0x1;
	v56 =	vshll.u32 v29, $0x1  }
0x2b9: {  	s24 =	sor.u32 $0x40, s21;
	v30 =	vld [tilespmem:$0x1C0];
	v59 =	vshll.u32 v31, $0x1;
	v62 =	vshll.u32 v54, $0x1;
	v21 =	vadd.s32 s21, v21  }
0x2ba: {  	s30 =	sor.u32 $0x80, s21;
	v63 =	vshll.u32 v32, $0x1;
	v21 =	vadd.s32 v22, v21;
	v22 =	vadd.s32 s24, v23;
	v23 =	vld [tilespmem:$0x1D0]  }
0x2bb: {  	s29 =	sor.u32 $0xC0, s21;
	v57 =	vld [tilespmem:$0x1E0];
	v21 =	vadd.s32 v0, v21;
	v22 =	vadd.s32 v24, v22;
	v24 =	vadd.s32 s30, v53  }
0x2bc: {  	v60 =	vld [tilespmem:$0x1F0];
	v55 =	vadd.s32 s29, v27;
	s30 =	sor.u32 $0x100, s21;
	v22 =	vadd.s32 v0, v22;
	v24 =	vadd.s32 v26, v24;
	[tilespmem:$0x80] =	vst v21  }
0x2bd: {  	s29 =	sor.u32 $0x140, s21;
	v21 =	vadd.s32 v28, v55;
	v58 =	vadd.s32 s30, v56;
	[tilespmem:$0x90] =	vst v22;
	v24 =	vadd.s32 v0, v24  }
0x2be: {  	v61 =	vadd.s32 s29, v59;
	s30 =	sor.u32 $0x180, s21;
	v22 =	vadd.s32 v30, v58;
	v21 =	vadd.s32 v0, v21;
	[tilespmem:$0xA0] =	vst v24  }
0x2bf: {  	s21 =	sor.u32 $0x1C0, s21;
	[tilespmem:$0xB0] =	vst v21;
	v21 =	vadd.s32 v0, v22;
	v22 =	vadd.s32 s30, v62;
	v23 =	vadd.s32 v23, v61  }
0x2c0: {  	[tilespmem:$0xC0] =	vst v21;
	v21 =	vadd.s32 v57, v22;
	v22 =	vadd.s32 v0, v23;
	v23 =	vadd.s32 s21, v63  }
0x2c1: {  	v21 =	vadd.s32 v0, v21;
	[tilespmem:$0xD0] =	vst v22;
	v22 =	vadd.s32 v60, v23  }
0x2c2: {  	[tilespmem:$0xE0] =	vst v21;
	v21 =	vadd.s32 v0, v22  }
0x2c3: {  	s29 =	simm.s32 $0x200;
	[tilespmem:$0xF0] =	vst v21  }
0x2c4: {  	[tilespmem:s29], [sflag:$0x1] =	stream.indirect.gather [hbm4b:s3+s5], $0x80, s11, s5, $0xb8;
	[tilespmem:$0x1C800] =	vst v63  }
0x2c5: {  	s30 =	simm.s32 $0x4200  }
0x2c6: {  	[tilespmem:s30], [sflag:$0x2] =	stream.indirect.gather [spmem:s10], $0x80, s5, s5, $0xb8;
	[tilespmem:$0x1C800] =	vst v63  }
.LBB2_8:
0x2c7: {  	_ =	swait.ge [sflag:s8], $0x4000;
	s21 =	sadd.s32 @!p0 $0x3, s23  }
0x2c8: {  	[sflag:s8] =	ssyncset.done $0x0;
	s23 =	sshrl.u32 @!p0 s21, $0x2;
	s24 =	sshll.u32 @!p0 s21, $0x7  }
0x2c9: {  	s21 =	sshll.u32 @!p0 s21, $0x2;
	[sflag:s8] =	ssyncadd.s32 $0xFFFFC000;
	s23 =	sadd.s32 @!p0 s13, s23  }
0x2ca: {  	s24 =	sand.u32 @!p0 $0x180, s24;
	s21 =	sand.u32 @!p0 $0x70, s21;
	s23 =	sshll.u32 @!p0 s23, $0x6  }
0x2cb: {  	_ =	swait.ge [sflag:s14], $0x4000;
	s21 =	sor.u32 @!p0 s24, s21;
	s23 =	sand.u32 @!p0 $0xFFFFE00, s23  }
0x2cc: {  	s29 =	simm.s32 @!p0 $0xC200;
	[sflag:s14] =	ssyncset.done $0x0;
	s21 =	sor.u32 @!p0 s23, s21  }
0x2cd: {  	s24 =	simm.s32 @!p0 $0x0;
	[sflag:s14] =	ssyncadd.s32 $0xFFFFC000;
	s23 =	sadd.s32 @!p0 s0, s21  }
0x2ce: {  	[tilespmem:s29], [sflag:$0x8] =	stream.linear.gather @!p0 [hbm4b:s23+s24], $0x80, $0x38;
	[tilespmem:$0x1C800] =	vst v63  }
0x2cf: {  	s23 =	sadd.s32 @!p0 s1, s21;
	s29 =	simm.s32 @!p0 $0xC300  }
0x2d0: {  	[tilespmem:s29], [sflag:$0x8] =	stream.linear.gather @!p0 [hbm4b:s23+s24], $0x80, $0x38;
	[tilespmem:$0x1C800] =	vst v63  }
0x2d1: {  	s21 =	sadd.s32 @!p0 s2, s21;
	s23 =	simm.s32 @!p0 $0xC380  }
0x2d2: {  	[tilespmem:s23], [sflag:$0x8] =	stream.linear.gather @!p0 [hbm4b:s21+s24], $0x80, $0x38;
	[tilespmem:$0x1C800] =	vst v63  }
0x2d3: {  	_ =	swait.ge @p1 [sflag:s17], $0x4000  }
0x2d4: {  	[sflag:s17] =	ssyncset.done @p1 $0x0  }
0x2d5: {  	s23 =	simm.s32 $0x0;
	[sflag:s17] =	ssyncadd.s32 @p1 $0xFFFFC000  }
0x2d6: {  	v21 =	vld [tilespmem:s23+$0x10410]  }
0x2d7: {  	v22 =	vld [tilespmem:s23+$0x10420]  }
0x2d8: {  	v23 =	vld [tilespmem:s23+$0x10400]  }
0x2d9: {  	v24 =	vld [tilespmem:s23+$0xC400]  }
0x2da: {  	v25 =	vld [tilespmem:s23+$0xC410]  }
0x2db: {  	v27 =	vld [tilespmem:s23+$0xC420]  }
0x2dc: {  	v28 =	vld [tilespmem:s23+$0x10430]  }
0x2dd: {  	v30 =	vld [tilespmem:s23+$0xC430]  }
0x2de: {  	v31 =	vld [tilespmem:s23+$0xC440]  }
0x2df: {  	v32 =	vld [tilespmem:s23+$0x10440];
	v29 =	vadd.f32 v23, v24;
	v26 =	vadd.f32 v21, v25  }
0x2e0: {  	v21 =	vld [tilespmem:s23+$0xC450];
	v33 =	vadd.f32 v22, v27  }
0x2e1: {  	v22 =	vld [tilespmem:s23+$0x10450];
	v23 =	vmul.f32 v26, v26;
	v24 =	vmul.f32 v29, v29;
	v25 =	vadd.f32 v26, v29  }
0x2e2: {  	v27 =	vld [tilespmem:s23+$0xC460];
	v28 =	vadd.f32 v28, v30  }
0x2e3: {  	v30 =	vld [tilespmem:s23+$0x10460];
	v34 =	vmul.f32 v33, v33;
	v23 =	vadd.f32 v23, v24;
	v24 =	vadd.f32 v33, v25  }
0x2e4: {  	v56 =	vld [tilespmem:s23+$0xC470];
	v31 =	vadd.f32 v32, v31  }
0x2e5: {  	v35 =	vmul.f32 v28, v28;
	v25 =	vld [tilespmem:s23+$0x10470];
	v23 =	vadd.f32 v34, v23;
	v24 =	vadd.f32 v28, v24  }
0x2e6: {  	v34 =	vadd.f32 v22, v21  }
0x2e7: {  	v21 =	vmul.f32 v31, v31;
	v22 =	vadd.f32 v35, v23;
	v23 =	vadd.f32 v31, v24  }
0x2e8: {  	v30 =	vadd.f32 v30, v27  }
0x2e9: {  	v24 =	vmul.f32 v34, v34;
	v21 =	vadd.f32 v21, v22;
	v22 =	vadd.f32 v34, v23  }
0x2ea: {  	v32 =	vadd.f32 v25, v56  }
0x2eb: {  	v23 =	vmul.f32 v30, v30;
	v21 =	vadd.f32 v24, v21;
	v22 =	vadd.f32 v30, v22;
	_ =	sdelay $0x1  }
0x2ec: {  	v24 =	vmul.f32 v32, v32;
	v21 =	vadd.f32 v23, v21;
	v22 =	vadd.f32 v32, v22  }
0x2ed: {  	s24 =	simm.s32 $0x80  }
0x2ee: {  	v36 =	vld [tilespmem:s24+$0xC410];
	v21 =	vadd.f32 v24, v21;
	v23 =	vperm.xlane v22, v1  }
0x2ef: {  	v37 =	vld [tilespmem:s24+$0xC420]  }
0x2f0: {  	v27 =	vld [tilespmem:s24+$0x10400];
	v22 =	vadd.f32 v22, v23;
	v23 =	vperm.xlane v21, v1  }
0x2f1: {  	v24 =	vld [tilespmem:s24+$0x10410]  }
0x2f2: {  	v57 =	vperm.xlane v22, v2;
	v21 =	vadd.f32 v23, v21;
	v23 =	vld [tilespmem:s24+$0xC400]  }
0x2f3: {  	v25 =	vld [tilespmem:s24+$0x10420]  }
0x2f4: {  	v38 =	vld [tilespmem:s24+$0x10430];
	v22 =	vadd.f32 v22, v57;
	v58 =	vperm.xlane v21, v2  }
0x2f5: {  	v40 =	vld [tilespmem:s24+$0xC430]  }
0x2f6: {  	v41 =	vld [tilespmem:s24+$0xC440];
	v39 =	vperm.xlane v22, v3;
	v35 =	vadd.f32 v58, v21  }
0x2f7: {  	v42 =	vld [tilespmem:s24+$0x10440];
	v21 =	vadd.f32 v24, v36;
	v23 =	vadd.f32 v27, v23  }
0x2f8: {  	v59 =	vld [tilespmem:s24+$0x10450];
	v43 =	vadd.f32 v25, v37;
	v39 =	vadd.f32 v22, v39;
	v22 =	vperm.xlane v35, v3  }
0x2f9: {  	v27 =	vld [tilespmem:s24+$0xC450];
	v36 =	vmul.f32 v21, v21;
	v60 =	vmul.f32 v23, v23;
	v44 =	vadd.f32 v21, v23  }
0x2fa: {  	v45 =	vld [tilespmem:s24+$0xC460];
	v24 =	vperm.xlane v39, v4;
	v25 =	vadd.f32 v22, v35;
	v22 =	vadd.f32 v38, v40  }
0x2fb: {  	v63 =	vld [tilespmem:s24+$0x10460];
	v46 =	vmul.f32 v43, v43;
	v36 =	vadd.f32 v36, v60;
	v48 =	vadd.f32 v43, v44  }
0x2fc: {  	v49 =	vld [tilespmem:s24+$0x10470];
	v61 =	vadd.f32 v39, v24;
	v62 =	vperm.xlane v25, v4;
	v24 =	vadd.f32 v42, v41  }
0x2fd: {  	v50 =	vld [tilespmem:s24+$0xC470];
	v51 =	vmul.f32 v22, v22;
	v36 =	vadd.f32 v46, v36;
	v37 =	vadd.f32 v22, v48  }
0x2fe: {  	v44 =	vadd.f32 v59, v27;
	v38 =	vmul.f32 $7.812500000e-03, v61;
	v25 =	vadd.f32 v62, v25  }
0x2ff: {  	v53 =	vmul.f32 v24, v24;
	v36 =	vadd.f32 v51, v36;
	v37 =	vadd.f32 v24, v37  }
0x300: {  	s21 =	simm.s32 $0x100;
	v27 =	vadd.f32 v63, v45;
	v52 =	vmul.f32 v38, v38;
	v25 =	vmul.f32 $7.812500000e-03, v25  }
0x301: {  	v47 =	vld [tilespmem:s21+$0x10430];
	v54 =	vmul.f32 v44, v44;
	v36 =	vadd.f32 v53, v36;
	v37 =	vadd.f32 v44, v37  }
0x302: {  	v40 =	vld [tilespmem:s21+$0x10400];
	v35 =	vsub.f32 v25, v52;
	v25 =	vadd.f32 v49, v50  }
0x303: {  	v41 =	vld [tilespmem:s21+$0xC460];
	v55 =	vmul.f32 v27, v27;
	v36 =	vadd.f32 v54, v36;
	v37 =	vadd.f32 v27, v37  }
0x304: {  	v42 =	vld [tilespmem:s21+$0xC440];
	v35 =	vadd.f32 $9.999999960e-13, v35  }
0x305: {  	v45 =	vld [tilespmem:s21+$0x10440];
	v56 =	vmul.f32 v25, v25;
	v36 =	vadd.f32 v55, v36;
	v37 =	vadd.f32 v25, v37  }
0x306: {  	v48 =	vld [tilespmem:s21+$0xC450];
	v33 =	vsub.f32 v33, v38;
	v57 =	vshra.s32 v35, $0x1;
	v35 =	vmul.f32 $-5.000000000e-01, v35  }
0x307: {  	v49 =	vld [tilespmem:s21+$0x10450];
	v58 =	vsub.s32 $0x5F3759DF, v57;
	v36 =	vadd.f32 v56, v36;
	v59 =	vperm.xlane v37, v1  }
0x308: {  	v46 =	vld [tilespmem:s21+$0x10460];
	v51 =	vsub.f32 v34, v38;
	v30 =	vsub.f32 v30, v38;
	v35 =	vmul.f32 v58, v35  }
0x309: {  	v62 =	vld [tilespmem:s21+$0xC430];
	v39 =	vsub.f32 v26, v38;
	v37 =	vadd.f32 v37, v59;
	v60 =	vperm.xlane v36, v1  }
0x30a: {  	v34 =	vsub.f32 v28, v38;
	v50 =	vld [tilespmem:s21+$0x10410];
	v55 =	vsub.f32 v29, v38;
	v35 =	vmul.f32 v58, v35  }
0x30b: {  	v52 =	vld [tilespmem:s21+$0x10420];
	v29 =	vsub.f32 v31, v38;
	v53 =	vperm.xlane v37, v2;
	v36 =	vadd.f32 v60, v36  }
0x30c: {  	v54 =	vld [tilespmem:s21+$0xC400];
	v28 =	vadd.f32 v49, v48;
	v61 =	vadd.f32 $1.500000000e+00, v35  }
0x30d: {  	v56 =	vld [tilespmem:s21+$0xC420];
	v53 =	vadd.f32 v37, v53;
	v26 =	vperm.xlane v36, v2;
	v37 =	vsub.f32 v32, v38  }
0x30e: {  	v57 =	vld [tilespmem:s21+$0xC410];
	v32 =	vadd.f32 v45, v42;
	v38 =	vadd.f32 v46, v41;
	v46 =	vmul.f32 v28, v28  }
0x30f: {  	v31 =	vmul.f32 v58, v61;
	v61 =	vld [tilespmem:s21+$0x10470];
	v63 =	vperm.xlane v53, v3  }
0x310: {  	v60 =	vadd.f32 v26, v36;
	v26 =	vadd.f32 v47, v62;
	v62 =	vld [tilespmem:s21+$0xC470];
	v47 =	vmul.f32 v32, v32  }
0x311: {  	v45 =	vmul.f32 v38, v38;
	v33 =	vmul.f32 v31, v33  }
0x312: {  	v36 =	vadd.f32 v40, v54;
	v49 =	vmul.f32 v31, v29;
	v51 =	vmul.f32 v31, v51  }
0x313: {  	v29 =	vadd.f32 v52, v56;
	v53 =	vadd.f32 v53, v63;
	v59 =	vperm.xlane v60, v3  }
0x314: {  	v54 =	vmul.f32 v26, v26;
	v58 =	vmul.f32 v33, v7;
	v33 =	vadd.f32 v50, v57  }
0x315: {  	v63 =	vperm.xlane v53, v4;
	v50 =	vadd.f32 v59, v60;
	v35 =	vadd.f32 v61, v62  }
0x316: {  	v42 =	vmul.f32 v33, v33;
	v61 =	vmul.f32 v36, v36;
	v62 =	vadd.f32 v33, v36  }
0x317: {  	v52 =	vmul.f32 v29, v29;
	v60 =	vadd.f32 v53, v63;
	v63 =	vperm.xlane v50, v4  }
0x318: {  	v48 =	vmul.f32 v35, v35;
	v41 =	vadd.f32 v42, v61;
	v53 =	vadd.f32 v29, v62  }
0x319: {  	v61 =	vmul.f32 v49, v9;
	v40 =	vmul.f32 $7.812500000e-03, v60;
	v60 =	vadd.f32 v58, v15  }
0x31a: {  	v49 =	vmul.f32 v51, v10;
	v56 =	vadd.f32 v63, v50;
	v62 =	vadd.f32 v52, v41  }
0x31b: {  	v63 =	vadd.f32 v26, v53;
	v50 =	vmul.f32 v40, v40;
	v42 =	vsub.f32 v43, v40  }
0x31c: {  	v52 =	vmul.f32 $7.812500000e-03, v56;
	v41 =	vsub.f32 v44, v40;
	v44 =	vadd.f32 v61, v17  }
0x31d: {  	s29 =	simm.s32 $0x600;
	v51 =	vmul.f32 v31, v55;
	[tilespmem:s23+$0x14420] =	vst v60;
	v53 =	vadd.f32 v54, v62;
	v54 =	vadd.f32 v32, v63  }
.LBB2_9:
0x31e: {  	s30 =	sshra.s32 s29, $0x2;
	p0 =	sne.s32 s29, $0xFE00;
	s29 =	sadd.s32 $0x200, s29;
	v50 =	vsub.f32 v52, v50;
	v52 =	vmul.f32 v31, v39;
	v39 =	vadd.f32 v49, v18;
	v43 =	vmovc v44  }
0x31f: {  	v44 =	vld [tilespmem:s30+$0xC460];
	v47 =	vadd.f32 v47, v53;
	v49 =	vadd.f32 v28, v54;
	v51 =	vmul.f32 v51, v5  }
0x320: {  	v53 =	vld [tilespmem:s30+$0xC440];
	v50 =	vadd.f32 $9.999999960e-13, v50;
	[tilespmem:s23+$0x14450] =	vst v39;
	v39 =	vmul.f32 v31, v30;
	v30 =	vsub.f32 v27, v40;
	v27 =	vmovc v38  }
0x321: {  	v37 =	vmul.f32 v31, v37;
	v38 =	vld [tilespmem:s30+$0x10440];
	v46 =	vadd.f32 v46, v47;
	v47 =	vadd.f32 v27, v49  }
0x322: {  	v51 =	vadd.f32 v51, v13;
	v49 =	vld [tilespmem:s30+$0x10430];
	v54 =	vshra.s32 v50, $0x1;
	v50 =	vmul.f32 $-5.000000000e-01, v50  }
0x323: {  	v55 =	vld [tilespmem:s30+$0x10460];
	v45 =	vadd.f32 v45, v46;
	v46 =	vadd.f32 v35, v47;
	v47 =	vsub.s32 $0x5F3759DF, v54  }
0x324: {  	v56 =	vsub.f32 v23, v40;
	v58 =	vmul.f32 v39, v11;
	v54 =	vld [tilespmem:s30+$0xC450];
	v50 =	vmul.f32 v47, v50;
	[tilespmem:s23+$0x14400] =	vst v51  }
0x325: {  	v51 =	vld [tilespmem:s30+$0x10450];
	v45 =	vadd.f32 v48, v45;
	v39 =	vperm.xlane v46, v1;
	v48 =	vsub.f32 v24, v40;
	v24 =	vmovc v32  }
0x326: {  	v23 =	vmovc v36;
	v37 =	vmul.f32 v37, v12;
	v57 =	vld [tilespmem:s30+$0x10410];
	v32 =	vmul.f32 v47, v50;
	v50 =	vadd.f32 v58, v19  }
0x327: {  	v36 =	vld [tilespmem:s30+$0x10420];
	v46 =	vadd.f32 v46, v39;
	v58 =	vperm.xlane v45, v1;
	v39 =	vsub.f32 v21, v40;
	v21 =	vmovc v33  }
0x328: {  	v59 =	vmul.f32 v31, v34;
	v33 =	vld [tilespmem:s30+$0xC430];
	v32 =	vadd.f32 $1.500000000e+00, v32;
	[tilespmem:s23+$0x14460] =	vst v50;
	v50 =	vadd.f32 v37, v20  }
0x329: {  	v37 =	vsub.f32 v25, v40;
	v25 =	vmovc v35;
	v60 =	vld [tilespmem:s30+$0x10400];
	v61 =	vperm.xlane v46, v2;
	v45 =	vadd.f32 v58, v45  }
0x32a: {  	v34 =	vsub.f32 v22, v40;
	v35 =	vld [tilespmem:s30+$0xC400];
	v31 =	vmul.f32 v47, v32;
	v32 =	vmul.f32 v59, v8;
	[tilespmem:s23+$0x14470] =	vst v50  }
0x32b: {  	v22 =	vmovc v26;
	v50 =	vmul.f32 v52, v6;
	v40 =	vld [tilespmem:s30+$0xC410];
	v46 =	vadd.f32 v46, v61;
	v47 =	vperm.xlane v45, v2  }
0x32c: {  	v51 =	vadd.f32 v51, v54;
	v52 =	vld [tilespmem:s30+$0xC420];
	v26 =	vmul.f32 v31, v42;
	v42 =	vadd.f32 v32, v16  }
0x32d: {  	v59 =	vmul.f32 v31, v48;
	v54 =	vperm.xlane v46, v3;
	v58 =	vadd.f32 v47, v45  }
0x32e: {  	v32 =	vadd.f32 v38, v53;
	v41 =	vmul.f32 v31, v41;
	v48 =	vld [tilespmem:s30+$0x10470];
	v53 =	vmul.f32 v26, v7;
	[tilespmem:s23+$0x14430] =	vst v42  }
0x32f: {  	v26 =	vadd.f32 v49, v33;
	v42 =	vld [tilespmem:s30+$0xC470];
	v49 =	vadd.f32 v46, v54;
	v54 =	vperm.xlane v58, v3  }
0x330: {  	v38 =	vadd.f32 v55, v44;
	v44 =	vadd.f32 v50, v14;
	v47 =	vmul.f32 v32, v32  }
0x331: {  	v46 =	vmul.f32 v51, v51;
	v52 =	vadd.f32 v36, v52;
	v50 =	vperm.xlane v49, v4  }
0x332: {  	v45 =	vmul.f32 v38, v38;
	v33 =	vadd.f32 v57, v40;
	v36 =	vadd.f32 v60, v35;
	[tilespmem:s23+$0x14410] =	vst v44  }
0x333: {  	v55 =	vmul.f32 v26, v26;
	v54 =	vadd.f32 v54, v58;
	v44 =	vmul.f32 v52, v52  }
0x334: {  	v40 =	vadd.f32 v49, v50;
	v35 =	vadd.f32 v48, v42;
	v42 =	vmul.f32 v33, v33  }
0x335: {  	v49 =	vmul.f32 v36, v36;
	v50 =	vadd.f32 v33, v36;
	v57 =	vperm.xlane v54, v4  }
0x336: {  	v53 =	vadd.f32 v53, v15;
	v40 =	vmul.f32 $7.812500000e-03, v40;
	v48 =	vmul.f32 v35, v35  }
.Ltmp3:
0x337: {  	v59 =	vmul.f32 v59, v9;
	v58 =	vadd.f32 v52, v50;
	v49 =	vadd.f32 v42, v49;
	(pc) =	sbr.rel @p0 .LBB2_9-.Ltmp3, $4  }
0x338: {  	v54 =	vadd.f32 v57, v54;
	v50 =	vmul.f32 v40, v40;
	v42 =	vsub.f32 v29, v40;
	[tilespmem:s24+$0x14420] =	vst v53  }
0x339: {  	v57 =	vadd.f32 v26, v58;
	v29 =	vmovc v52;
	v53 =	vadd.f32 v44, v49;
	v49 =	vmul.f32 v41, v10  }
0x33a: {  	v52 =	vmul.f32 $7.812500000e-03, v54;
	v41 =	vsub.f32 v28, v40;
	v44 =	vadd.f32 v59, v17;
	v28 =	vmovc v51  }
0x33b: {  	v51 =	vmul.f32 v31, v56;
	v54 =	vadd.f32 v32, v57;
	v53 =	vadd.f32 v55, v53;
	[tilespmem:s23+$0x14440] =	vst v43;
	s23 =	smov.u32 s24;
	s24 =	smov.u32 s21;
	s21 =	smov.u32 s30  }
0x33c: {  	_ = 	snop  }
0x33d: {  	v43 =	vadd.f32 v47, v53;
	v60 =	vadd.f32 v28, v54;
	_ =	sdelay $0x1  }
0x33e: {  	v43 =	vadd.f32 v46, v43;
	v61 =	vadd.f32 v38, v60;
	_ =	sdelay $0x1  }
0x33f: {  	v43 =	vadd.f32 v45, v43;
	v62 =	vadd.f32 v35, v61;
	_ =	sdelay $0x1  }
0x340: {  	v43 =	vadd.f32 v48, v43;
	v46 =	vperm.xlane v62, v1;
	_ =	sdelay $0x1  }
0x341: {  	v45 =	vadd.f32 v62, v46;
	v63 =	vperm.xlane v43, v1;
	_ =	sdelay $0x1  }
0x342: {  	v48 =	vperm.xlane v45, v2;
	v43 =	vadd.f32 v63, v43;
	_ =	sdelay $0x1  }
0x343: {  	v45 =	vadd.f32 v45, v48;
	v46 =	vperm.xlane v43, v2;
	_ =	sdelay $0x1  }
0x344: {  	v53 =	vperm.xlane v45, v3;
	v43 =	vadd.f32 v46, v43  }
0x345: {  	v52 =	vsub.f32 v52, v50  }
0x346: {  	v45 =	vadd.f32 v45, v53;
	v55 =	vperm.xlane v43, v3  }
0x347: {  	v39 =	vmul.f32 v31, v39;
	v58 =	vadd.f32 v49, v18;
	v54 =	vadd.f32 $9.999999960e-13, v52  }
0x348: {  	v27 =	vsub.f32 v27, v40;
	v57 =	vperm.xlane v45, v4;
	v43 =	vadd.f32 v55, v43  }
0x349: {  	v30 =	vmul.f32 v31, v30;
	v56 =	vshra.s32 v54, $0x1;
	v46 =	vmul.f32 $-5.000000000e-01, v54  }
0x34a: {  	v48 =	vsub.s32 $0x5F3759DF, v56;
	v45 =	vadd.f32 v45, v57;
	v60 =	vperm.xlane v43, v4  }
0x34b: {  	v37 =	vmul.f32 v31, v37;
	v23 =	vsub.f32 v23, v40;
	v46 =	vmul.f32 v48, v46  }
0x34c: {  	v24 =	vsub.f32 v24, v40;
	v45 =	vmul.f32 $7.812500000e-03, v45;
	v43 =	vadd.f32 v60, v43  }
0x34d: {  	v21 =	vsub.f32 v21, v40;
	v25 =	vsub.f32 v25, v40;
	v46 =	vmul.f32 v48, v46  }
0x34e: {  	v22 =	vsub.f32 v22, v40;
	v61 =	vmul.f32 v45, v45;
	v43 =	vmul.f32 $7.812500000e-03, v43  }
0x34f: {  	v59 =	vmul.f32 v51, v5;
	v30 =	vmul.f32 v30, v11;
	v46 =	vadd.f32 $1.500000000e+00, v46  }
0x350: {  	v37 =	vmul.f32 v37, v12;
	v62 =	vmul.f32 v31, v34;
	v43 =	vsub.f32 v43, v61  }
0x351: {  	v39 =	vmul.f32 v39, v6;
	v49 =	vadd.f32 v59, v13;
	v63 =	vmul.f32 v48, v46  }
0x352: {  	v30 =	vadd.f32 v30, v19;
	v31 =	vmul.f32 v62, v8;
	v43 =	vadd.f32 $9.999999960e-13, v43  }
0x353: {  	v37 =	vadd.f32 v37, v20;
	v39 =	vadd.f32 v39, v14;
	v42 =	vmul.f32 v63, v42  }
0x354: {  	v31 =	vadd.f32 v31, v16;
	v48 =	vshra.s32 v43, $0x1;
	v43 =	vmul.f32 $-5.000000000e-01, v43  }
0x355: {  	v24 =	vmul.f32 v63, v24;
	v46 =	vmul.f32 v42, v7;
	v42 =	vsub.s32 $0x5F3759DF, v48  }
0x356: {  	[tilespmem:s23+$0x14450] =	vst v58;
	v41 =	vmul.f32 v63, v41;
	v29 =	vsub.f32 v29, v45;
	v43 =	vmul.f32 v42, v43  }
0x357: {  	[tilespmem:s23+$0x14400] =	vst v49;
	v49 =	vsub.f32 v28, v45;
	v23 =	vmul.f32 v63, v23;
	v21 =	vmul.f32 v63, v21  }
0x358: {  	[tilespmem:s23+$0x14460] =	vst v30;
	v27 =	vmul.f32 v63, v27;
	v52 =	vsub.f32 v38, v45;
	v50 =	vmul.f32 v42, v43  }
0x359: {  	[tilespmem:s23+$0x14470] =	vst v37;
	v25 =	vmul.f32 v63, v25;
	v22 =	vmul.f32 v63, v22;
	v53 =	vsub.f32 v36, v45  }
0x35a: {  	[tilespmem:s23+$0x14410] =	vst v39;
	v41 =	vmul.f32 v41, v10;
	v40 =	vadd.f32 v46, v15;
	v30 =	vadd.f32 $1.500000000e+00, v50  }
0x35b: {  	[tilespmem:s23+$0x14430] =	vst v31;
	v32 =	vsub.f32 v32, v45;
	v54 =	vsub.f32 v35, v45;
	v23 =	vmul.f32 v23, v5  }
0x35c: {  	v27 =	vmul.f32 v27, v11;
	v51 =	vadd.f32 v41, v18;
	[tilespmem:s24+$0x14420] =	vst v40;
	v30 =	vmul.f32 v42, v30  }
0x35d: {  	v26 =	vsub.f32 v26, v45;
	v25 =	vmul.f32 v25, v12;
	v23 =	vadd.f32 v23, v13;
	[tilespmem:s23+$0x14440] =	vst v44  }
0x35e: {  	v22 =	vmul.f32 v22, v8;
	v27 =	vadd.f32 v27, v19;
	[tilespmem:s24+$0x14450] =	vst v51;
	v29 =	vmul.f32 v30, v29  }
0x35f: {  	v58 =	vsub.f32 v33, v45;
	v21 =	vmul.f32 v21, v6;
	[tilespmem:s24+$0x14400] =	vst v23;
	v23 =	vadd.f32 v25, v20  }
0x360: {  	v22 =	vadd.f32 v22, v16;
	[tilespmem:s24+$0x14460] =	vst v27;
	v28 =	vmul.f32 v30, v49;
	v55 =	vmul.f32 v29, v7  }
0x361: {  	v24 =	vmul.f32 v24, v9;
	v21 =	vadd.f32 v21, v14;
	[tilespmem:s24+$0x14470] =	vst v23;
	v23 =	vmul.f32 v30, v53  }
0x362: {  	[tilespmem:s24+$0x14430] =	vst v22;
	v57 =	vmul.f32 v30, v52;
	v56 =	vmul.f32 v28, v10;
	v22 =	vadd.f32 v55, v15  }
0x363: {  	v24 =	vadd.f32 v24, v17;
	[tilespmem:s24+$0x14410] =	vst v21;
	v21 =	vmul.f32 v23, v5;
	v23 =	vmul.f32 v30, v54  }
0x364: {  	v26 =	vmul.f32 v30, v26;
	v59 =	vmul.f32 v57, v11;
	[tilespmem:s21+$0x14420] =	vst v22;
	v22 =	vadd.f32 v56, v18  }
0x365: {  	v60 =	vmul.f32 v30, v58;
	v21 =	vadd.f32 v21, v13;
	v23 =	vmul.f32 v23, v12;
	[tilespmem:s24+$0x14440] =	vst v24  }
0x366: {  	v61 =	vmul.f32 v30, v32;
	v62 =	vmul.f32 v26, v8;
	[tilespmem:s21+$0x14450] =	vst v22;
	v22 =	vadd.f32 v59, v19  }
0x367: {  	s19 =	sadd.s32 $0x1, s19;
	[tilespmem:s21+$0x14400] =	vst v21;
	v21 =	vadd.f32 v23, v20;
	v23 =	vmul.f32 v60, v6  }
0x368: {  	p0 =	sne.s32 s19, $0x40;
	v63 =	vmul.f32 v61, v9;
	[tilespmem:s21+$0x14460] =	vst v22;
	v22 =	vadd.f32 v62, v16  }
.Ltmp4:
0x369: {  	[tilespmem:s21+$0x14470] =	vst v21;
	v21 =	vadd.f32 v23, v14;
	(pc) =	sbr.rel @p0 .LBB2_4-.Ltmp4, $4  }
0x36a: {  	s18 =	sshll.u32 s18, $0xB;
	v23 =	vadd.f32 v63, v17;
	[tilespmem:s21+$0x14430] =	vst v22  }
0x36b: {  	s30 =	sadd.s32 s9, s25;
	s18 =	sand.u32 $0x1800, s18;
	[tilespmem:s21+$0x14410] =	vst v21  }
0x36c: {  	s18 =	sadd.s32 s18, s30;
	[tilespmem:s21+$0x14440] =	vst v23  }
0x36d: {  	[hbm4b:s18+s11] =	stream.linear.scatter [tilespmem:s15], [sflag:$0x7], $0x4000, $0x38;
	[tilespmem:$0x1C800] =	vst v63  }
0x36e: {  	_ =	swait.ge [sflag:s16], $0x4000  }
0x36f: {  	[sflag:s16] =	ssyncset.done $0x0  }
0x370: {  	[sflag:s16] =	ssyncadd.s32 $0xFFFFC000  }
0x371: {  	_ =	swait.ge [sflag:s17], $0x4000  }
0x372: {  	s19 =	rddreg [dreg:$0x15]  }
0x373: {  	s18 =	rddreg [dreg:$0x14];
	s19 =	sadd.s32 $0x1, s19  }
0x374: {  	p0 =	sne.s32 s19, s18  }
.Ltmp5:
0x375: {  	_ = 	snop;
	(pc) =	sbr.rel @p0 .LBB2_1-.Ltmp5, $3  }
0x376: {  	_ =	sdelay $0x1  }
0x377: {  	[sflag:s17] =	ssyncset.done $0x0  }
0x378: {  	s23 =	simm.s32 $0x9;
	[sflag:s17] =	ssyncadd.s32 $0xFFFFC000  }
0x379: {  	_ =	sfence.sel $0x180000  }
0x37a: {  	[bflag:$0x0] =	sbarrier.arrive $0xFFFF  }
0x37b: {  	_ =	strace $0x90000047  }
0x37c: {  	s0 =	stileid.u32;
	[bflag:$0x2] =	sbarrier.arrive $0xFFFF  }
0x37d: {  	p0 =	sne.s32 s0, $0x0;
	s0 =	rddreg [dreg:$0xb]  }
0x37e: {  	s0 =	sadd.s32 @!p0 $0x100000, s0  }
0x37f: {  	[sflag:s0] =	ssyncadd.tile.s32 @!p0 $0x1;
	_ =	shalt  }
.Lfunc_end2:
_tile_overlayer_lowered:
.L_overlay_start_2:
0x380: {  	(tag) =	ssettag $0x2  }
0x381: {  	s0 =	rddreg [dreg:$0x0];
	s2 =	stileid.u32  }
0x382: {  	s1 =	rddreg [dreg:$0x1];
	p0 =	sne.s32 s2, $0x0  }
0x383: {  	s3 =	rddreg [dreg:$0x2];
	[bflag:$0x3] =	sbarrier.arrive $0xFFFF;
	s2 =	simm.s32 @!p0 $0x1C09  }
0x384: {  	[timem:s3], [sflag:s2] =	dma.local @!p0 [hbm:s0], s1  }
0x385: {  	s0 =	simm.s32 @!p0 $0x9  }
0x386: {  	_ =	swait.ge @!p0 [sflag:s0], s1  }
0x387: {  	s1 =	ssub.s32 @!p0 $0x0, s1;
	[sflag:s0] =	ssyncset.done @!p0 $0x0  }
0x388: {  	[sflag:s0] =	ssyncadd.s32 @!p0 s1  }
0x389: {  	[bflag:$0x3] =	sbarrier.arrive $0xFFFF  }
0x38a: {  	_ =	shalt  }

</sc_bundles>
